<compile_context>
chip_gen: v7x
topology: tpu7x:2x2x1
jax: 0.10.2.dev20260603
libtpu: 0.0.44.dev20260713+nightly
codegen_flags: <defaults>
</compile_context>

<pallas_src>
import functools

import jax
import jax.numpy as jnp
import numpy as np
from jax import lax
from jax.experimental import pallas as pl
from jax.experimental.pallas import tpu as pltpu
from jax.experimental.pallas import tpu_sc as plsc

NUM_LEVELS = 8
BASE_RES = 16
MAX_RES = 1024
LOG2_T = 18
T = 2 ** LOG2_T
BOUND = 2.0
N_POINTS = 1048576
HIDDEN = 64
GROWTH = np.exp((np.log(MAX_RES) - np.log(BASE_RES)) / (NUM_LEVELS - 1))
RESOLUTIONS = [float(np.floor(BASE_RES * GROWTH ** l)) for l in range(NUM_LEVELS)]
P1_I32 = np.int32(np.uint32(2654435761).view(np.int32))
P2_I32 = np.int32(np.uint32(805459861).view(np.int32))

R = 1024
CB = 1024
SB = 8
NBLK = R // SB
PTS_PER_BLK = SB * CB
NIDX = NUM_LEVELS * 8 * N_POINTS

SC_WORKERS = 32
CHUNK = 16384
HALF_T = 4 * T
STAGE_W = HALF_T // 16

NSPLIT = 4
RSPLIT = R // NSPLIT


def _hash_body(xs_ref, ys_ref, zs_ref, idx_ref, sel_ref):
    x = xs_ref[...]
    y = ys_ref[...]
    z = zs_ref[...]
    inv = 1.0 / (2.0 * BOUND)
    px = (x + BOUND) * inv
    py = (y + BOUND) * inv
    pz = (z + BOUND) * inv
    sel = ((px >= 0.0) & (px <= 1.0) & (py >= 0.0) & (py <= 1.0)
           & (pz >= 0.0) & (pz <= 1.0))
    fsel = sel.astype(jnp.float32)
    px = px * fsel
    py = py * fsel
    pz = pz * fsel
    for l in range(NUM_LEVELS):
        res = np.float32(RESOLUTIONS[l])
        xi = jnp.floor(px * res).astype(jnp.int32)
        yi = jnp.floor(py * res).astype(jnp.int32)
        zi = jnp.floor(pz * res).astype(jnp.int32)
        hx = (xi, xi + 1)
        hy0 = yi * P1_I32
        hy = (hy0, hy0 + P1_I32)
        hz0 = zi * P2_I32
        hz = (hz0, hz0 + P2_I32)
        base = np.int32((l % 4) * T)
        for c in range(8):
            h = hx[c & 1] ^ hy[(c >> 1) & 1] ^ hz[(c >> 2) & 1]
            idx_ref[l * 8 + c] = (h & np.int32(T - 1)) | base
    sel_ref[...] = fsel


def _make_gather_body(per_w, nchunk):
    return functools.partial(_gather_kernel_body, per_w, nchunk)


def _gather_kernel_body(per_w, nchunk, pt_ref, idx_ref, g_ref, tab_sp,
                        idx_v0, idx_v1, g_v0, g_v1,
                        si0, si1, sg0, sg1, so0, so1):
    cid = lax.axis_index("c")
    sid = lax.axis_index("s")
    so = pl.multiple_of(sid * STAGE_W, 8)
    src = pl.multiple_of(cid * HALF_T + so, 8)
    pltpu.sync_copy(pt_ref.at[pl.ds(src, STAGE_W)], tab_sp.at[pl.ds(so, STAGE_W)])
    plsc.subcore_barrier()

    base = (cid * 16 + sid) * per_w
    npair = nchunk // 2

    def offs(jj):
        o0 = pl.multiple_of(base + (2 * jj) * CHUNK, 8)
        return o0, pl.multiple_of(base + (2 * jj + 1) * CHUNK, 8)

    o0, o1 = offs(0)
    pltpu.async_copy(idx_ref.at[pl.ds(o0, CHUNK)], idx_v0, si0)
    pltpu.async_copy(idx_ref.at[pl.ds(o1, CHUNK)], idx_v1, si1)

    @pl.loop(0, npair)
    def _pair(jj):
        o0, o1 = offs(jj)

        @pl.when(jj > 0)
        def _():
            pltpu.make_async_copy(g_v0, g_ref.at[pl.ds(o0, CHUNK)], so0).wait()
            pltpu.make_async_copy(g_v1, g_ref.at[pl.ds(o1, CHUNK)], so1).wait()

        pltpu.make_async_copy(idx_ref.at[pl.ds(o0, CHUNK)], idx_v0, si0).wait()
        pltpu.async_copy(tab_sp.at[idx_v0], g_v0, sg0)
        pltpu.make_async_copy(idx_ref.at[pl.ds(o1, CHUNK)], idx_v1, si1).wait()
        pltpu.async_copy(tab_sp.at[idx_v1], g_v1, sg1)

        pltpu.make_async_copy(tab_sp.at[idx_v0], g_v0, sg0).wait()
        pltpu.async_copy(g_v0, g_ref.at[pl.ds(o0, CHUNK)], so0)
        pltpu.make_async_copy(tab_sp.at[idx_v1], g_v1, sg1).wait()
        pltpu.async_copy(g_v1, g_ref.at[pl.ds(o1, CHUNK)], so1)

        @pl.when(jj < npair - 1)
        def _():
            n0 = pl.multiple_of(base + (2 * jj + 2) * CHUNK, 8)
            n1 = pl.multiple_of(base + (2 * jj + 3) * CHUNK, 8)
            pltpu.async_copy(idx_ref.at[pl.ds(n0, CHUNK)], idx_v0, si0)
            pltpu.async_copy(idx_ref.at[pl.ds(n1, CHUNK)], idx_v1, si1)

    oL0, oL1 = offs(npair - 1)
    pltpu.make_async_copy(g_v0, g_ref.at[pl.ds(oL0, CHUNK)], so0).wait()
    pltpu.make_async_copy(g_v1, g_ref.at[pl.ds(oL1, CHUNK)], so1).wait()


def _blend_body(xs_ref, ys_ref, zs_ref, g_ref, feats_ref):
    x = xs_ref[...]
    y = ys_ref[...]
    z = zs_ref[...]
    inv = 1.0 / (2.0 * BOUND)
    px = (x + BOUND) * inv
    py = (y + BOUND) * inv
    pz = (z + BOUND) * inv
    sel = ((px >= 0.0) & (px <= 1.0) & (py >= 0.0) & (py <= 1.0)
           & (pz >= 0.0) & (pz <= 1.0))
    fsel = sel.astype(jnp.float32)
    px = px * fsel
    py = py * fsel
    pz = pz * fsel
    for l in range(NUM_LEVELS):
        res = np.float32(RESOLUTIONS[l])
        fx = px * res
        fy = py * res
        fz = pz * res
        wx = fx - jnp.floor(fx)
        wy = fy - jnp.floor(fy)
        wz = fz - jnp.floor(fz)
        wxs = (1.0 - wx, wx)
        wys = (1.0 - wy, wy)
        wzs = (1.0 - wz, wz)
        f0 = jnp.zeros((SB, CB), jnp.float32)
        f1 = jnp.zeros((SB, CB), jnp.float32)
        for cz in range(2):
            for cy in range(2):
                wyz = wys[cy] * wzs[cz]
                for cx in range(2):
                    c = cx | (cy << 1) | (cz << 2)
                    g = g_ref[l * 8 + c]
                    a0 = lax.bitcast_convert_type(g << 16, jnp.float32)
                    a1 = lax.bitcast_convert_type(g & np.int32(-65536),
                                                  jnp.float32)
                    wc = wxs[cx] * wyz
                    f0 = f0 + wc * a0
                    f1 = f1 + wc * a1
        feats_ref[2 * l] = f0
        feats_ref[2 * l + 1] = f1


def _mlp_body(f_ref, sel_ref, w1t_ref, w2_ref, out_ref):
    fb = f_ref[...].astype(jnp.bfloat16)
    w1t = w1t_ref[...]
    h = lax.dot_general(w1t, fb, (((1,), (0,)), ((), ())),
                        preferred_element_type=jnp.float32)
    h = jnp.maximum(h, 0.0).astype(jnp.bfloat16)
    w2 = w2_ref[...]
    raw = lax.dot_general(w2, h, (((1,), (0,)), ((), ())),
                          preferred_element_type=jnp.float32)
    out_ref[...] = (jnp.exp(raw) * sel_ref[0])[None]


def _hash_call(xs, ys, zs):
    rows = xs.shape[0]
    nblk = rows // SB
    return pl.pallas_call(
        _hash_body,
        grid=(nblk,),
        in_specs=[
            pl.BlockSpec((SB, CB), lambda i: (i, 0)),
            pl.BlockSpec((SB, CB), lambda i: (i, 0)),
            pl.BlockSpec((SB, CB), lambda i: (i, 0)),
        ],
        out_specs=[
            pl.BlockSpec((NUM_LEVELS * 8, SB, CB), lambda i: (0, i, 0)),
            pl.BlockSpec((SB, CB), lambda i: (i, 0)),
        ],
        out_shape=[
            jax.ShapeDtypeStruct((NUM_LEVELS * 8, rows, CB), jnp.int32),
            jax.ShapeDtypeStruct((rows, CB), jnp.float32),
        ],
    )(xs, ys, zs)


def _gather_call(pt_flat, idx_flat):
    nidx = idx_flat.shape[0]
    per_w = nidx // SC_WORKERS
    nchunk = per_w // CHUNK
    mesh = plsc.VectorSubcoreMesh(core_axis_name="c", subcore_axis_name="s")
    kern = functools.partial(
        pl.kernel,
        out_type=jax.ShapeDtypeStruct((nidx,), jnp.int32),
        mesh=mesh,
        compiler_params=pltpu.CompilerParams(use_tc_tiling_on_sc=True),
        scratch_types=[
            pltpu.VMEM_SHARED((HALF_T,), jnp.int32),
            pltpu.VMEM((CHUNK,), jnp.int32),
            pltpu.VMEM((CHUNK,), jnp.int32),
            pltpu.VMEM((CHUNK,), jnp.int32),
            pltpu.VMEM((CHUNK,), jnp.int32),
            pltpu.SemaphoreType.DMA,
            pltpu.SemaphoreType.DMA,
            pltpu.SemaphoreType.DMA,
            pltpu.SemaphoreType.DMA,
            pltpu.SemaphoreType.DMA,
            pltpu.SemaphoreType.DMA,
        ],
    )(_make_gather_body(per_w, nchunk))
    return kern(pt_flat, idx_flat)


def _blend_call(xs, ys, zs, g):
    rows = xs.shape[0]
    nblk = rows // SB
    return pl.pallas_call(
        _blend_body,
        grid=(nblk,),
        in_specs=[
            pl.BlockSpec((SB, CB), lambda i: (i, 0)),
            pl.BlockSpec((SB, CB), lambda i: (i, 0)),
            pl.BlockSpec((SB, CB), lambda i: (i, 0)),
            pl.BlockSpec((NUM_LEVELS * 8, SB, CB), lambda i: (0, i, 0)),
        ],
        out_specs=pl.BlockSpec((2 * NUM_LEVELS, SB, CB), lambda i: (0, i, 0)),
        out_shape=jax.ShapeDtypeStruct((2 * NUM_LEVELS, rows, CB), jnp.float32),
    )(xs, ys, zs, g)


def _mlp_call(feats2d, sel2d, w1t, w2r):
    nblk = feats2d.shape[1] // PTS_PER_BLK
    return pl.pallas_call(
        _mlp_body,
        grid=(nblk,),
        in_specs=[
            pl.BlockSpec((2 * NUM_LEVELS, PTS_PER_BLK), lambda i: (0, i)),
            pl.BlockSpec((1, 1, PTS_PER_BLK), lambda i: (i, 0, 0)),
            pl.BlockSpec((HIDDEN, 2 * NUM_LEVELS), lambda i: (0, 0)),
            pl.BlockSpec((1, HIDDEN), lambda i: (0, 0)),
        ],
        out_specs=pl.BlockSpec((1, 1, PTS_PER_BLK), lambda i: (i, 0, 0)),
        out_shape=jax.ShapeDtypeStruct((nblk, 1, PTS_PER_BLK), jnp.float32),
    )(feats2d, sel2d, w1t, w2r)


def kernel(positions, viewdirs, embedded_appearance, embedded_transient,
           tables, W1, W2):
    pos_t = positions.T.reshape(3, R, CB)
    tb = lax.bitcast_convert_type(tables.astype(jnp.bfloat16), jnp.uint16)
    pt = (tb[..., 0].astype(jnp.uint32)
          | (tb[..., 1].astype(jnp.uint32) << 16))
    pt_flat = lax.bitcast_convert_type(pt, jnp.int32).reshape(NUM_LEVELS * T)
    w1t = W1.T.astype(jnp.bfloat16)
    w2r = W2.reshape(1, HIDDEN).astype(jnp.bfloat16)

    outs = []
    for s in range(NSPLIT):
        r0, r1 = s * RSPLIT, (s + 1) * RSPLIT
        xs, ys, zs = pos_t[0, r0:r1], pos_t[1, r0:r1], pos_t[2, r0:r1]
        npts = RSPLIT * CB
        nidx = NUM_LEVELS * 8 * npts
        idx, fsel = _hash_call(xs, ys, zs)
        g_flat = _gather_call(pt_flat, idx.reshape(nidx))
        g = g_flat.reshape(NUM_LEVELS * 8, RSPLIT, CB)
        feats = _blend_call(xs, ys, zs, g)
        feats2d = feats.reshape(2 * NUM_LEVELS, npts)
        sel2d = fsel.reshape(npts // PTS_PER_BLK, 1, PTS_PER_BLK)
        out = _mlp_call(feats2d, sel2d, w1t, w2r)
        outs.append(out.reshape(npts))
    return jnp.concatenate(outs).reshape(N_POINTS, 1)

# --- scband reference (transcript-rebuilt; emitter-appended) ---
"""Pipeline reference for scband-hash-mlpdensity-field-8263517078170 (READ-ONLY COPY).

The authoritative reference and input builder live on the scoring server;
editing this copy changes nothing except your own understanding.
"""

import jax, jax.numpy as jnp
import numpy as np

NUM_LEVELS = 8
BASE_RES = 16
MAX_RES = 1024
LOG2_T = 18
F_PER_LEVEL = 2
BOUND = 2.0
N_POINTS = 1048576
HIDDEN = 64
T = 2 ** LOG2_T
GROWTH = np.exp((np.log(MAX_RES) - np.log(BASE_RES)) / (NUM_LEVELS - 1))
RESOLUTIONS = [float(np.floor(BASE_RES * GROWTH ** l)) for l in range(NUM_LEVELS)]
PRIMES = (1, 2654435761, 805459861)


def hash_grid_encode(p, tables):
    # p: (n, 3) in [0, 1]; tables: (NUM_LEVELS, T, F_PER_LEVEL)
    feats = []
    for l in range(NUM_LEVELS):
        res = RESOLUTIONS[l]
        x = p * res
        x0 = jnp.floor(x)
        w = x - x0
        xi = x0.astype(jnp.uint32)
        f = jnp.zeros((p.shape[0], F_PER_LEVEL), dtype=tables.dtype)
        for c in range(8):
            offs = np.array([(c >> 0) & 1, (c >> 1) & 1, (c >> 2) & 1], dtype=np.uint32)
            ci = xi + jnp.asarray(offs)[None, :]
            h = (ci[:, 0] * np.uint32(PRIMES[0])) ^ (ci[:, 1] * np.uint32(PRIMES[1])) ^ (ci[:, 2] * np.uint32(PRIMES[2]))
            h = h & np.uint32(T - 1)
            cw = jnp.prod(jnp.where(jnp.asarray(offs.astype(bool))[None, :], w, 1.0 - w), axis=-1)
            f = f + tables[l][h] * cw[:, None]
        feats.append(f)
    return jnp.concatenate(feats, axis=-1)


def setup_inputs(seed: int = 0) -> dict:
    key = jax.random.key(seed)
    ks = jax.random.split(key, 6)
    positions = jax.random.normal(ks[0], (N_POINTS, 3), dtype=jnp.float32)
    viewdirs = jax.random.normal(ks[1], (N_POINTS, 3), dtype=jnp.float32)
    embedded_appearance = jnp.zeros((1, 1), dtype=jnp.float32)
    embedded_transient = jnp.zeros((1, 1), dtype=jnp.float32)
    tables = (jax.random.uniform(ks[2], (NUM_LEVELS, T, F_PER_LEVEL), dtype=jnp.float32) * 2.0 - 1.0) * 1e-4
    in_dim = NUM_LEVELS * F_PER_LEVEL
    b1 = float(np.sqrt(6.0 / in_dim))
    W1 = jax.random.uniform(ks[3], (in_dim, HIDDEN), minval=-b1, maxval=b1, dtype=jnp.float32)
    b2 = float(np.sqrt(6.0 / HIDDEN))
    W2 = jax.random.uniform(ks[4], (HIDDEN, 1), minval=-b2, maxval=b2, dtype=jnp.float32)
    return {"positions": positions, "viewdirs": viewdirs, "embedded_appearance": embedded_appearance, "embedded_transient": embedded_transient, "tables": tables, "W1": W1, "W2": W2}


def reference(positions, viewdirs, embedded_appearance, embedded_transient, tables, W1, W2):
    # normalize into [0, 1]^3 using scene bound
    p = (positions + BOUND) / (2.0 * BOUND)
    selector = jnp.all((p >= 0.0) & (p <= 1.0), axis=-1)
    p = p * selector[:, None]
    feats = hash_grid_encode(p, tables)
    h = jnp.maximum(feats @ W1, 0.0)
    raw = h @ W2
    # trunc_exp forward is plain exp
    density = jnp.exp(raw)
    density = density * selector[:, None].astype(density.dtype)
    return density

if __name__ == "__main__":
    import jax
    _d = setup_inputs()
    print(jax.jit(kernel)(*tuple(_d.values())))

</pallas_src>

<mosaic_0001>
#map = affine_map<(d0, d1) -> (0)>
module attributes {stable_mosaic.version = 14 : i64} {
  func.func @_gather_kernel_body(%arg0: i32, %arg1: i32, %arg2: memref<2097152xi32, #tpu.memory_space<hbm>>, %arg3: memref<16777216xi32, #tpu.memory_space<hbm>>, %arg4: memref<16777216xi32, #tpu.memory_space<hbm>>, %arg5: memref<1048576xi32, #tpu.memory_space<vmem_shared>>, %arg6: memref<16384xi32, #tpu.memory_space<vmem>>, %arg7: memref<16384xi32, #tpu.memory_space<vmem>>, %arg8: memref<16384xi32, #tpu.memory_space<vmem>>, %arg9: memref<16384xi32, #tpu.memory_space<vmem>>, %arg10: memref<!tpu.dma_semaphore, #tpu.memory_space<semaphore_mem>>, %arg11: memref<!tpu.dma_semaphore, #tpu.memory_space<semaphore_mem>>, %arg12: memref<!tpu.dma_semaphore, #tpu.memory_space<semaphore_mem>>, %arg13: memref<!tpu.dma_semaphore, #tpu.memory_space<semaphore_mem>>, %arg14: memref<!tpu.dma_semaphore, #tpu.memory_space<semaphore_mem>>, %arg15: memref<!tpu.dma_semaphore, #tpu.memory_space<semaphore_mem>>) attributes {dimension_semantics = [#tpu.dimension_semantics<core_parallel>, #tpu.dimension_semantics<subcore_parallel>], iteration_bounds = array<i64: 2, 16>, scalar_prefetch = 0 : i64, scratch_operands = 11 : i64, tpu.core_type = #tpu.core_type<sc_vector_subcore>, window_params = [{transform_indices = #map}, {transform_indices = #map}, {transform_indices = #map}]} {
    %mul3A = arith.constant 65536 : i32
    %mul3A_0 = arith.muli %arg1, %mul3A : i32
    %multiple_of3A = tpu.assume_multiple %mul3A_0, 8 : i32
    %mul3A_1 = arith.constant 1048576 : i32
    %mul3A_2 = arith.muli %arg0, %mul3A_1 : i32
    %add3A = arith.addi %mul3A_2, %multiple_of3A : i32
    %multiple_of3A_3 = tpu.assume_multiple %add3A, 8 : i32
    "tpu.region"() ({
      %run_scoped3A = tpu.sem_alloc : memref<!tpu.dma_semaphore, #tpu.memory_space<semaphore_mem>>
      %dma_start3A_31 = tpu.memref_slice %arg5[%multiple_of3A] : memref<1048576xi32, #tpu.memory_space<vmem_shared>> -> memref<65536xi32, #tpu.memory_space<vmem_shared>>
      %dma_start3A_32 = tpu.memref_slice %arg2[%multiple_of3A_3] : memref<2097152xi32, #tpu.memory_space<hbm>> -> memref<65536xi32, #tpu.memory_space<hbm>>
      tpu.enqueue_dma source(%dma_start3A_32 : memref<65536xi32, #tpu.memory_space<hbm>>) target(%dma_start3A_31 : memref<65536xi32, #tpu.memory_space<vmem_shared>>) target_semaphore(%run_scoped3A : memref<!tpu.dma_semaphore, #tpu.memory_space<semaphore_mem>>)
      %dma_wait3A_33 = tpu.memref_slice %arg5[%multiple_of3A] : memref<1048576xi32, #tpu.memory_space<vmem_shared>> -> memref<65536xi32, #tpu.memory_space<vmem_shared>>
      %dma_wait3A_34 = tpu.memref_slice %arg2[%multiple_of3A_3] : memref<2097152xi32, #tpu.memory_space<hbm>> -> memref<65536xi32, #tpu.memory_space<hbm>>
      tpu.wait_dma2 semaphore(%run_scoped3A : memref<!tpu.dma_semaphore, #tpu.memory_space<semaphore_mem>>) src(%dma_wait3A_34 : memref<65536xi32, #tpu.memory_space<hbm>>) dst(%dma_wait3A_33 : memref<65536xi32, #tpu.memory_space<vmem_shared>>)
      tpu.yield
    }) : () -> ()
    %barrier3A = arith.constant 0 : index
    tpu.barrier barrier_id(%barrier3A)
    %mul3A_4 = arith.constant 16 : i32
    %mul3A_5 = arith.muli %arg0, %mul3A_4 : i32
    %add3A_6 = arith.addi %mul3A_5, %arg1 : i32
    %mul3A_7 = arith.constant 524288 : i32
    %mul3A_8 = arith.muli %add3A_6, %mul3A_7 : i32
    %add3A_9 = arith.constant 0 : i32
    %add3A_10 = arith.addi %mul3A_8, %add3A_9 : i32
    %multiple_of3A_11 = tpu.assume_multiple %add3A_10, 8 : i32
    %add3A_12 = arith.constant 16384 : i32
    %add3A_13 = arith.addi %mul3A_8, %add3A_12 : i32
    %multiple_of3A_14 = tpu.assume_multiple %add3A_13, 8 : i32
    %dma_start3A = tpu.memref_slice %arg3[%multiple_of3A_11] : memref<16777216xi32, #tpu.memory_space<hbm>> -> memref<16384xi32, #tpu.memory_space<hbm>>
    %dma_start3A_15 = tpu.memref_slice %arg3[%multiple_of3A_11] : memref<16777216xi32, #tpu.memory_space<hbm>> -> memref<16384xi32, #tpu.memory_space<hbm>>
    tpu.enqueue_dma source(%dma_start3A_15 : memref<16384xi32, #tpu.memory_space<hbm>>) target(%arg6 : memref<16384xi32, #tpu.memory_space<vmem>>) target_semaphore(%arg10 : memref<!tpu.dma_semaphore, #tpu.memory_space<semaphore_mem>>)
    %dma_start3A_16 = tpu.memref_slice %arg3[%multiple_of3A_14] : memref<16777216xi32, #tpu.memory_space<hbm>> -> memref<16384xi32, #tpu.memory_space<hbm>>
    %dma_start3A_17 = tpu.memref_slice %arg3[%multiple_of3A_14] : memref<16777216xi32, #tpu.memory_space<hbm>> -> memref<16384xi32, #tpu.memory_space<hbm>>
    tpu.enqueue_dma source(%dma_start3A_17 : memref<16384xi32, #tpu.memory_space<hbm>>) target(%arg7 : memref<16384xi32, #tpu.memory_space<vmem>>) target_semaphore(%arg11 : memref<!tpu.dma_semaphore, #tpu.memory_space<semaphore_mem>>)
    %scan3A = arith.constant 0 : i32
    %scan3A_18 = arith.constant 16 : i32
    %scan3A_19 = arith.addi %scan3A, %scan3A_18 : i32
    %scan3A_20 = arith.constant 1 : i32
    scf.for %scan3A_31 = %scan3A to %scan3A_19 step %scan3A_20  : i32 {
      %mul3A_32 = arith.constant 1 : i32
      %mul3A_33 = arith.muli %scan3A_31, %mul3A_32 : i32
      %add3A_34 = arith.constant 0 : i32
      %add3A_35 = arith.addi %add3A_34, %mul3A_33 : i32
      %mul3A_36 = arith.constant 2 : i32
      %mul3A_37 = arith.muli %mul3A_36, %add3A_35 : i32
      %mul3A_38 = arith.constant 16384 : i32
      %mul3A_39 = arith.muli %mul3A_37, %mul3A_38 : i32
      %add3A_40 = arith.addi %mul3A_8, %mul3A_39 : i32
      %multiple_of3A_41 = tpu.assume_multiple %add3A_40, 8 : i32
      %mul3A_42 = arith.constant 2 : i32
      %mul3A_43 = arith.muli %mul3A_42, %add3A_35 : i32
      %add3A_44 = arith.constant 1 : i32
      %add3A_45 = arith.addi %mul3A_43, %add3A_44 : i32
      %mul3A_46 = arith.constant 16384 : i32
      %mul3A_47 = arith.muli %add3A_45, %mul3A_46 : i32
      %add3A_48 = arith.addi %mul3A_8, %mul3A_47 : i32
      %multiple_of3A_49 = tpu.assume_multiple %add3A_48, 8 : i32
      %gt3A = arith.constant 0 : i32
      %gt3A_50 = arith.cmpi sgt, %add3A_35, %gt3A : i32
      %convert_element_type3A = arith.extui %gt3A_50 : i1 to i32
      %cond3A = arith.constant 0 : i32
      %cond3A_51 = arith.cmpi ne, %convert_element_type3A, %cond3A : i32
      scf.if %cond3A_51 {
        %dma_wait3A_72 = tpu.memref_slice %arg4[%multiple_of3A_41] : memref<16777216xi32, #tpu.memory_space<hbm>> -> memref<16384xi32, #tpu.memory_space<hbm>>
        %dma_wait3A_73 = tpu.memref_slice %arg4[%multiple_of3A_41] : memref<16777216xi32, #tpu.memory_space<hbm>> -> memref<16384xi32, #tpu.memory_space<hbm>>
        tpu.wait_dma2 semaphore(%arg14 : memref<!tpu.dma_semaphore, #tpu.memory_space<semaphore_mem>>) src(%arg8 : memref<16384xi32, #tpu.memory_space<vmem>>) dst(%dma_wait3A_73 : memref<16384xi32, #tpu.memory_space<hbm>>)
        %dma_wait3A_74 = tpu.memref_slice %arg4[%multiple_of3A_49] : memref<16777216xi32, #tpu.memory_space<hbm>> -> memref<16384xi32, #tpu.memory_space<hbm>>
        %dma_wait3A_75 = tpu.memref_slice %arg4[%multiple_of3A_49] : memref<16777216xi32, #tpu.memory_space<hbm>> -> memref<16384xi32, #tpu.memory_space<hbm>>
        tpu.wait_dma2 semaphore(%arg15 : memref<!tpu.dma_semaphore, #tpu.memory_space<semaphore_mem>>) src(%arg9 : memref<16384xi32, #tpu.memory_space<vmem>>) dst(%dma_wait3A_75 : memref<16384xi32, #tpu.memory_space<hbm>>)
      } else {
      }
      %dma_wait3A_52 = tpu.memref_slice %arg3[%multiple_of3A_41] : memref<16777216xi32, #tpu.memory_space<hbm>> -> memref<16384xi32, #tpu.memory_space<hbm>>
      %dma_wait3A_53 = tpu.memref_slice %arg3[%multiple_of3A_41] : memref<16777216xi32, #tpu.memory_space<hbm>> -> memref<16384xi32, #tpu.memory_space<hbm>>
      tpu.wait_dma2 semaphore(%arg10 : memref<!tpu.dma_semaphore, #tpu.memory_space<semaphore_mem>>) src(%dma_wait3A_53 : memref<16384xi32, #tpu.memory_space<hbm>>) dst(%arg6 : memref<16384xi32, #tpu.memory_space<vmem>>)
      %dma_start3A_54 = arith.constant 0 : i32
      %dma_start3A_55 = tpu.memref_slice %arg5[%dma_start3A_54] : memref<1048576xi32, #tpu.memory_space<vmem_shared>> -> memref<1048576xi32, #tpu.memory_space<vmem_shared>>
      tpu.enqueue_indirect_dma source(%dma_start3A_55 : memref<1048576xi32, #tpu.memory_space<vmem_shared>>) target(%arg8 : memref<16384xi32, #tpu.memory_space<vmem>>) offsets(%arg6 : memref<16384xi32, #tpu.memory_space<vmem>>) semaphore(%arg12 : memref<!tpu.dma_semaphore, #tpu.memory_space<semaphore_mem>>)
      %dma_wait3A_56 = tpu.memref_slice %arg3[%multiple_of3A_49] : memref<16777216xi32, #tpu.memory_space<hbm>> -> memref<16384xi32, #tpu.memory_space<hbm>>
      %dma_wait3A_57 = tpu.memref_slice %arg3[%multiple_of3A_49] : memref<16777216xi32, #tpu.memory_space<hbm>> -> memref<16384xi32, #tpu.memory_space<hbm>>
      tpu.wait_dma2 semaphore(%arg11 : memref<!tpu.dma_semaphore, #tpu.memory_space<semaphore_mem>>) src(%dma_wait3A_57 : memref<16384xi32, #tpu.memory_space<hbm>>) dst(%arg7 : memref<16384xi32, #tpu.memory_space<vmem>>)
      %dma_start3A_58 = arith.constant 0 : i32
      %dma_start3A_59 = tpu.memref_slice %arg5[%dma_start3A_58] : memref<1048576xi32, #tpu.memory_space<vmem_shared>> -> memref<1048576xi32, #tpu.memory_space<vmem_shared>>
      tpu.enqueue_indirect_dma source(%dma_start3A_59 : memref<1048576xi32, #tpu.memory_space<vmem_shared>>) target(%arg9 : memref<16384xi32, #tpu.memory_space<vmem>>) offsets(%arg7 : memref<16384xi32, #tpu.memory_space<vmem>>) semaphore(%arg13 : memref<!tpu.dma_semaphore, #tpu.memory_space<semaphore_mem>>)
      %dma_wait3A_60 = arith.constant 0 : i32
      %dma_wait3A_61 = tpu.memref_slice %arg5[%dma_wait3A_60] : memref<1048576xi32, #tpu.memory_space<vmem_shared>> -> memref<1048576xi32, #tpu.memory_space<vmem_shared>>
      tpu.wait_indirect_dma semaphore(%arg12 : memref<!tpu.dma_semaphore, #tpu.memory_space<semaphore_mem>>) src(%dma_wait3A_61 : memref<1048576xi32, #tpu.memory_space<vmem_shared>>) dst(%arg8 : memref<16384xi32, #tpu.memory_space<vmem>>)
      %dma_start3A_62 = tpu.memref_slice %arg4[%multiple_of3A_41] : memref<16777216xi32, #tpu.memory_space<hbm>> -> memref<16384xi32, #tpu.memory_space<hbm>>
      %dma_start3A_63 = tpu.memref_slice %arg4[%multiple_of3A_41] : memref<16777216xi32, #tpu.memory_space<hbm>> -> memref<16384xi32, #tpu.memory_space<hbm>>
      tpu.enqueue_dma source(%arg8 : memref<16384xi32, #tpu.memory_space<vmem>>) target(%dma_start3A_63 : memref<16384xi32, #tpu.memory_space<hbm>>) target_semaphore(%arg14 : memref<!tpu.dma_semaphore, #tpu.memory_space<semaphore_mem>>)
      %dma_wait3A_64 = arith.constant 0 : i32
      %dma_wait3A_65 = tpu.memref_slice %arg5[%dma_wait3A_64] : memref<1048576xi32, #tpu.memory_space<vmem_shared>> -> memref<1048576xi32, #tpu.memory_space<vmem_shared>>
      tpu.wait_indirect_dma semaphore(%arg13 : memref<!tpu.dma_semaphore, #tpu.memory_space<semaphore_mem>>) src(%dma_wait3A_65 : memref<1048576xi32, #tpu.memory_space<vmem_shared>>) dst(%arg9 : memref<16384xi32, #tpu.memory_space<vmem>>)
      %dma_start3A_66 = tpu.memref_slice %arg4[%multiple_of3A_49] : memref<16777216xi32, #tpu.memory_space<hbm>> -> memref<16384xi32, #tpu.memory_space<hbm>>
      %dma_start3A_67 = tpu.memref_slice %arg4[%multiple_of3A_49] : memref<16777216xi32, #tpu.memory_space<hbm>> -> memref<16384xi32, #tpu.memory_space<hbm>>
      tpu.enqueue_dma source(%arg9 : memref<16384xi32, #tpu.memory_space<vmem>>) target(%dma_start3A_67 : memref<16384xi32, #tpu.memory_space<hbm>>) target_semaphore(%arg15 : memref<!tpu.dma_semaphore, #tpu.memory_space<semaphore_mem>>)
      %lt3A = arith.constant 15 : i32
      %lt3A_68 = arith.cmpi slt, %add3A_35, %lt3A : i32
      %convert_element_type3A_69 = arith.extui %lt3A_68 : i1 to i32
      %cond3A_70 = arith.constant 0 : i32
      %cond3A_71 = arith.cmpi ne, %convert_element_type3A_69, %cond3A_70 : i32
      scf.if %cond3A_71 {
        %mul3A_72 = arith.constant 2 : i32
        %mul3A_73 = arith.muli %mul3A_72, %add3A_35 : i32
        %add3A_74 = arith.constant 2 : i32
        %add3A_75 = arith.addi %mul3A_73, %add3A_74 : i32
        %mul3A_76 = arith.constant 16384 : i32
        %mul3A_77 = arith.muli %add3A_75, %mul3A_76 : i32
        %add3A_78 = arith.addi %mul3A_8, %mul3A_77 : i32
        %multiple_of3A_79 = tpu.assume_multiple %add3A_78, 8 : i32
        %mul3A_80 = arith.constant 2 : i32
        %mul3A_81 = arith.muli %mul3A_80, %add3A_35 : i32
        %add3A_82 = arith.constant 3 : i32
        %add3A_83 = arith.addi %mul3A_81, %add3A_82 : i32
        %mul3A_84 = arith.constant 16384 : i32
        %mul3A_85 = arith.muli %add3A_83, %mul3A_84 : i32
        %add3A_86 = arith.addi %mul3A_8, %mul3A_85 : i32
        %multiple_of3A_87 = tpu.assume_multiple %add3A_86, 8 : i32
        %dma_start3A_88 = tpu.memref_slice %arg3[%multiple_of3A_79] : memref<16777216xi32, #tpu.memory_space<hbm>> -> memref<16384xi32, #tpu.memory_space<hbm>>
        %dma_start3A_89 = tpu.memref_slice %arg3[%multiple_of3A_79] : memref<16777216xi32, #tpu.memory_space<hbm>> -> memref<16384xi32, #tpu.memory_space<hbm>>
        tpu.enqueue_dma source(%dma_start3A_89 : memref<16384xi32, #tpu.memory_space<hbm>>) target(%arg6 : memref<16384xi32, #tpu.memory_space<vmem>>) target_semaphore(%arg10 : memref<!tpu.dma_semaphore, #tpu.memory_space<semaphore_mem>>)
        %dma_start3A_90 = tpu.memref_slice %arg3[%multiple_of3A_87] : memref<16777216xi32, #tpu.memory_space<hbm>> -> memref<16384xi32, #tpu.memory_space<hbm>>
        %dma_start3A_91 = tpu.memref_slice %arg3[%multiple_of3A_87] : memref<16777216xi32, #tpu.memory_space<hbm>> -> memref<16384xi32, #tpu.memory_space<hbm>>
        tpu.enqueue_dma source(%dma_start3A_91 : memref<16384xi32, #tpu.memory_space<hbm>>) target(%arg7 : memref<16384xi32, #tpu.memory_space<vmem>>) target_semaphore(%arg11 : memref<!tpu.dma_semaphore, #tpu.memory_space<semaphore_mem>>)
      } else {
      }
    }
    %scan3A_21 = arith.constant 16 : i32
    %add3A_22 = arith.constant 491520 : i32
    %add3A_23 = arith.addi %mul3A_8, %add3A_22 : i32
    %multiple_of3A_24 = tpu.assume_multiple %add3A_23, 8 : i32
    %add3A_25 = arith.constant 507904 : i32
    %add3A_26 = arith.addi %mul3A_8, %add3A_25 : i32
    %multiple_of3A_27 = tpu.assume_multiple %add3A_26, 8 : i32
    %dma_wait3A = tpu.memref_slice %arg4[%multiple_of3A_24] : memref<16777216xi32, #tpu.memory_space<hbm>> -> memref<16384xi32, #tpu.memory_space<hbm>>
    %dma_wait3A_28 = tpu.memref_slice %arg4[%multiple_of3A_24] : memref<16777216xi32, #tpu.memory_space<hbm>> -> memref<16384xi32, #tpu.memory_space<hbm>>
    tpu.wait_dma2 semaphore(%arg14 : memref<!tpu.dma_semaphore, #tpu.memory_space<semaphore_mem>>) src(%arg8 : memref<16384xi32, #tpu.memory_space<vmem>>) dst(%dma_wait3A_28 : memref<16384xi32, #tpu.memory_space<hbm>>)
    %dma_wait3A_29 = tpu.memref_slice %arg4[%multiple_of3A_27] : memref<16777216xi32, #tpu.memory_space<hbm>> -> memref<16384xi32, #tpu.memory_space<hbm>>
    %dma_wait3A_30 = tpu.memref_slice %arg4[%multiple_of3A_27] : memref<16777216xi32, #tpu.memory_space<hbm>> -> memref<16384xi32, #tpu.memory_space<hbm>>
    tpu.wait_dma2 semaphore(%arg15 : memref<!tpu.dma_semaphore, #tpu.memory_space<semaphore_mem>>) src(%arg9 : memref<16384xi32, #tpu.memory_space<vmem>>) dst(%dma_wait3A_30 : memref<16384xi32, #tpu.memory_space<hbm>>)
    return
  }
}

#map = affine_map<(d0, d1) -> (0)>
module attributes {stable_mosaic.version = 14 : i64} {
  func.func @_gather_kernel_body(%arg0: i32, %arg1: i32, %arg2: memref<2097152xi32, #tpu.memory_space<hbm>>, %arg3: memref<16777216xi32, #tpu.memory_space<hbm>>, %arg4: memref<16777216xi32, #tpu.memory_space<hbm>>, %arg5: memref<1048576xi32, #tpu.memory_space<vmem_shared>>, %arg6: memref<16384xi32, #tpu.memory_space<vmem>>, %arg7: memref<16384xi32, #tpu.memory_space<vmem>>, %arg8: memref<16384xi32, #tpu.memory_space<vmem>>, %arg9: memref<16384xi32, #tpu.memory_space<vmem>>, %arg10: memref<!tpu.dma_semaphore, #tpu.memory_space<semaphore_mem>>, %arg11: memref<!tpu.dma_semaphore, #tpu.memory_space<semaphore_mem>>, %arg12: memref<!tpu.dma_semaphore, #tpu.memory_space<semaphore_mem>>, %arg13: memref<!tpu.dma_semaphore, #tpu.memory_space<semaphore_mem>>, %arg14: memref<!tpu.dma_semaphore, #tpu.memory_space<semaphore_mem>>, %arg15: memref<!tpu.dma_semaphore, #tpu.memory_space<semaphore_mem>>) attributes {dimension_semantics = [#tpu.dimension_semantics<core_parallel>, #tpu.dimension_semantics<subcore_parallel>], iteration_bounds = array<i64: 2, 16>, scalar_prefetch = 0 : i64, scratch_operands = 11 : i64, tpu.core_type = #tpu.core_type<sc_vector_subcore>, window_params = [{transform_indices = #map}, {transform_indices = #map}, {transform_indices = #map}]} {
    %mul3A = arith.constant 65536 : i32
    %mul3A_0 = arith.muli %arg1, %mul3A : i32
    %multiple_of3A = tpu.assume_multiple %mul3A_0, 8 : i32
    %mul3A_1 = arith.constant 1048576 : i32
    %mul3A_2 = arith.muli %arg0, %mul3A_1 : i32
    %add3A = arith.addi %mul3A_2, %multiple_of3A : i32
    %multiple_of3A_3 = tpu.assume_multiple %add3A, 8 : i32
    "tpu.region"() ({
      %run_scoped3A = tpu.sem_alloc : memref<!tpu.dma_semaphore, #tpu.memory_space<semaphore_mem>>
      %dma_start3A_31 = tpu.memref_slice %arg5[%multiple_of3A] : memref<1048576xi32, #tpu.memory_space<vmem_shared>> -> memref<65536xi32, #tpu.memory_space<vmem_shared>>
      %dma_start3A_32 = tpu.memref_slice %arg2[%multiple_of3A_3] : memref<2097152xi32, #tpu.memory_space<hbm>> -> memref<65536xi32, #tpu.memory_space<hbm>>
      tpu.enqueue_dma source(%dma_start3A_32 : memref<65536xi32, #tpu.memory_space<hbm>>) target(%dma_start3A_31 : memref<65536xi32, #tpu.memory_space<vmem_shared>>) target_semaphore(%run_scoped3A : memref<!tpu.dma_semaphore, #tpu.memory_space<semaphore_mem>>)
      %dma_wait3A_33 = tpu.memref_slice %arg5[%multiple_of3A] : memref<1048576xi32, #tpu.memory_space<vmem_shared>> -> memref<65536xi32, #tpu.memory_space<vmem_shared>>
      %dma_wait3A_34 = tpu.memref_slice %arg2[%multiple_of3A_3] : memref<2097152xi32, #tpu.memory_space<hbm>> -> memref<65536xi32, #tpu.memory_space<hbm>>
      tpu.wait_dma2 semaphore(%run_scoped3A : memref<!tpu.dma_semaphore, #tpu.memory_space<semaphore_mem>>) src(%dma_wait3A_34 : memref<65536xi32, #tpu.memory_space<hbm>>) dst(%dma_wait3A_33 : memref<65536xi32, #tpu.memory_space<vmem_shared>>)
      tpu.yield
    }) : () -> ()
    %barrier3A = arith.constant 0 : index
    tpu.barrier barrier_id(%barrier3A)
    %mul3A_4 = arith.constant 16 : i32
    %mul3A_5 = arith.muli %arg0, %mul3A_4 : i32
    %add3A_6 = arith.addi %mul3A_5, %arg1 : i32
    %mul3A_7 = arith.constant 524288 : i32
    %mul3A_8 = arith.muli %add3A_6, %mul3A_7 : i32
    %add3A_9 = arith.constant 0 : i32
    %add3A_10 = arith.addi %mul3A_8, %add3A_9 : i32
    %multiple_of3A_11 = tpu.assume_multiple %add3A_10, 8 : i32
    %add3A_12 = arith.constant 16384 : i32
    %add3A_13 = arith.addi %mul3A_8, %add3A_12 : i32
    %multiple_of3A_14 = tpu.assume_multiple %add3A_13, 8 : i32
    %dma_start3A = tpu.memref_slice %arg3[%multiple_of3A_11] : memref<16777216xi32, #tpu.memory_space<hbm>> -> memref<16384xi32, #tpu.memory_space<hbm>>
    %dma_start3A_15 = tpu.memref_slice %arg3[%multiple_of3A_11] : memref<16777216xi32, #tpu.memory_space<hbm>> -> memref<16384xi32, #tpu.memory_space<hbm>>
    tpu.enqueue_dma source(%dma_start3A_15 : memref<16384xi32, #tpu.memory_space<hbm>>) target(%arg6 : memref<16384xi32, #tpu.memory_space<vmem>>) target_semaphore(%arg10 : memref<!tpu.dma_semaphore, #tpu.memory_space<semaphore_mem>>)
    %dma_start3A_16 = tpu.memref_slice %arg3[%multiple_of3A_14] : memref<16777216xi32, #tpu.memory_space<hbm>> -> memref<16384xi32, #tpu.memory_space<hbm>>
    %dma_start3A_17 = tpu.memref_slice %arg3[%multiple_of3A_14] : memref<16777216xi32, #tpu.memory_space<hbm>> -> memref<16384xi32, #tpu.memory_space<hbm>>
    tpu.enqueue_dma source(%dma_start3A_17 : memref<16384xi32, #tpu.memory_space<hbm>>) target(%arg7 : memref<16384xi32, #tpu.memory_space<vmem>>) target_semaphore(%arg11 : memref<!tpu.dma_semaphore, #tpu.memory_space<semaphore_mem>>)
    %scan3A = arith.constant 0 : i32
    %scan3A_18 = arith.constant 16 : i32
    %scan3A_19 = arith.addi %scan3A, %scan3A_18 : i32
    %scan3A_20 = arith.constant 1 : i32
    scf.for %scan3A_31 = %scan3A to %scan3A_19 step %scan3A_20  : i32 {
      %mul3A_32 = arith.constant 1 : i32
      %mul3A_33 = arith.muli %scan3A_31, %mul3A_32 : i32
      %add3A_34 = arith.constant 0 : i32
      %add3A_35 = arith.addi %add3A_34, %mul3A_33 : i32
      %mul3A_36 = arith.constant 2 : i32
      %mul3A_37 = arith.muli %mul3A_36, %add3A_35 : i32
      %mul3A_38 = arith.constant 16384 : i32
      %mul3A_39 = arith.muli %mul3A_37, %mul3A_38 : i32
      %add3A_40 = arith.addi %mul3A_8, %mul3A_39 : i32
      %multiple_of3A_41 = tpu.assume_multiple %add3A_40, 8 : i32
      %mul3A_42 = arith.constant 2 : i32
      %mul3A_43 = arith.muli %mul3A_42, %add3A_35 : i32
      %add3A_44 = arith.constant 1 : i32
      %add3A_45 = arith.addi %mul3A_43, %add3A_44 : i32
      %mul3A_46 = arith.constant 16384 : i32
      %mul3A_47 = arith.muli %add3A_45, %mul3A_46 : i32
      %add3A_48 = arith.addi %mul3A_8, %mul3A_47 : i32
      %multiple_of3A_49 = tpu.assume_multiple %add3A_48, 8 : i32
      %gt3A = arith.constant 0 : i32
      %gt3A_50 = arith.cmpi sgt, %add3A_35, %gt3A : i32
      %convert_element_type3A = arith.extui %gt3A_50 : i1 to i32
      %cond3A = arith.constant 0 : i32
      %cond3A_51 = arith.cmpi ne, %convert_element_type3A, %cond3A : i32
      scf.if %cond3A_51 {
        %dma_wait3A_72 = tpu.memref_slice %arg4[%multiple_of3A_41] : memref<16777216xi32, #tpu.memory_space<hbm>> -> memref<16384xi32, #tpu.memory_space<hbm>>
        %dma_wait3A_73 = tpu.memref_slice %arg4[%multiple_of3A_41] : memref<16777216xi32, #tpu.memory_space<hbm>> -> memref<16384xi32, #tpu.memory_space<hbm>>
        tpu.wait_dma2 semaphore(%arg14 : memref<!tpu.dma_semaphore, #tpu.memory_space<semaphore_mem>>) src(%arg8 : memref<16384xi32, #tpu.memory_space<vmem>>) dst(%dma_wait3A_73 : memref<16384xi32, #tpu.memory_space<hbm>>)
        %dma_wait3A_74 = tpu.memref_slice %arg4[%multiple_of3A_49] : memref<16777216xi32, #tpu.memory_space<hbm>> -> memref<16384xi32, #tpu.memory_space<hbm>>
        %dma_wait3A_75 = tpu.memref_slice %arg4[%multiple_of3A_49] : memref<16777216xi32, #tpu.memory_space<hbm>> -> memref<16384xi32, #tpu.memory_space<hbm>>
        tpu.wait_dma2 semaphore(%arg15 : memref<!tpu.dma_semaphore, #tpu.memory_space<semaphore_mem>>) src(%arg9 : memref<16384xi32, #tpu.memory_space<vmem>>) dst(%dma_wait3A_75 : memref<16384xi32, #tpu.memory_space<hbm>>)
      } else {
      }
      %dma_wait3A_52 = tpu.memref_slice %arg3[%multiple_of3A_41] : memref<16777216xi32, #tpu.memory_space<hbm>> -> memref<16384xi32, #tpu.memory_space<hbm>>
      %dma_wait3A_53 = tpu.memref_slice %arg3[%multiple_of3A_41] : memref<16777216xi32, #tpu.memory_space<hbm>> -> memref<16384xi32, #tpu.memory_space<hbm>>
      tpu.wait_dma2 semaphore(%arg10 : memref<!tpu.dma_semaphore, #tpu.memory_space<semaphore_mem>>) src(%dma_wait3A_53 : memref<16384xi32, #tpu.memory_space<hbm>>) dst(%arg6 : memref<16384xi32, #tpu.memory_space<vmem>>)
      %dma_start3A_54 = arith.constant 0 : i32
      %dma_start3A_55 = tpu.memref_slice %arg5[%dma_start3A_54] : memref<1048576xi32, #tpu.memory_space<vmem_shared>> -> memref<1048576xi32, #tpu.memory_space<vmem_shared>>
      tpu.enqueue_indirect_dma source(%dma_start3A_55 : memref<1048576xi32, #tpu.memory_space<vmem_shared>>) target(%arg8 : memref<16384xi32, #tpu.memory_space<vmem>>) offsets(%arg6 : memref<16384xi32, #tpu.memory_space<vmem>>) semaphore(%arg12 : memref<!tpu.dma_semaphore, #tpu.memory_space<semaphore_mem>>)
      %dma_wait3A_56 = tpu.memref_slice %arg3[%multiple_of3A_49] : memref<16777216xi32, #tpu.memory_space<hbm>> -> memref<16384xi32, #tpu.memory_space<hbm>>
      %dma_wait3A_57 = tpu.memref_slice %arg3[%multiple_of3A_49] : memref<16777216xi32, #tpu.memory_space<hbm>> -> memref<16384xi32, #tpu.memory_space<hbm>>
      tpu.wait_dma2 semaphore(%arg11 : memref<!tpu.dma_semaphore, #tpu.memory_space<semaphore_mem>>) src(%dma_wait3A_57 : memref<16384xi32, #tpu.memory_space<hbm>>) dst(%arg7 : memref<16384xi32, #tpu.memory_space<vmem>>)
      %dma_start3A_58 = arith.constant 0 : i32
      %dma_start3A_59 = tpu.memref_slice %arg5[%dma_start3A_58] : memref<1048576xi32, #tpu.memory_space<vmem_shared>> -> memref<1048576xi32, #tpu.memory_space<vmem_shared>>
      tpu.enqueue_indirect_dma source(%dma_start3A_59 : memref<1048576xi32, #tpu.memory_space<vmem_shared>>) target(%arg9 : memref<16384xi32, #tpu.memory_space<vmem>>) offsets(%arg7 : memref<16384xi32, #tpu.memory_space<vmem>>) semaphore(%arg13 : memref<!tpu.dma_semaphore, #tpu.memory_space<semaphore_mem>>)
      %dma_wait3A_60 = arith.constant 0 : i32
      %dma_wait3A_61 = tpu.memref_slice %arg5[%dma_wait3A_60] : memref<1048576xi32, #tpu.memory_space<vmem_shared>> -> memref<1048576xi32, #tpu.memory_space<vmem_shared>>
      tpu.wait_indirect_dma semaphore(%arg12 : memref<!tpu.dma_semaphore, #tpu.memory_space<semaphore_mem>>) src(%dma_wait3A_61 : memref<1048576xi32, #tpu.memory_space<vmem_shared>>) dst(%arg8 : memref<16384xi32, #tpu.memory_space<vmem>>)
      %dma_start3A_62 = tpu.memref_slice %arg4[%multiple_of3A_41] : memref<16777216xi32, #tpu.memory_space<hbm>> -> memref<16384xi32, #tpu.memory_space<hbm>>
      %dma_start3A_63 = tpu.memref_slice %arg4[%multiple_of3A_41] : memref<16777216xi32, #tpu.memory_space<hbm>> -> memref<16384xi32, #tpu.memory_space<hbm>>
      tpu.enqueue_dma source(%arg8 : memref<16384xi32, #tpu.memory_space<vmem>>) target(%dma_start3A_63 : memref<16384xi32, #tpu.memory_space<hbm>>) target_semaphore(%arg14 : memref<!tpu.dma_semaphore, #tpu.memory_space<semaphore_mem>>)
      %dma_wait3A_64 = arith.constant 0 : i32
      %dma_wait3A_65 = tpu.memref_slice %arg5[%dma_wait3A_64] : memref<1048576xi32, #tpu.memory_space<vmem_shared>> -> memref<1048576xi32, #tpu.memory_space<vmem_shared>>
      tpu.wait_indirect_dma semaphore(%arg13 : memref<!tpu.dma_semaphore, #tpu.memory_space<semaphore_mem>>) src(%dma_wait3A_65 : memref<1048576xi32, #tpu.memory_space<vmem_shared>>) dst(%arg9 : memref<16384xi32, #tpu.memory_space<vmem>>)
      %dma_start3A_66 = tpu.memref_slice %arg4[%multiple_of3A_49] : memref<16777216xi32, #tpu.memory_space<hbm>> -> memref<16384xi32, #tpu.memory_space<hbm>>
      %dma_start3A_67 = tpu.memref_slice %arg4[%multiple_of3A_49] : memref<16777216xi32, #tpu.memory_space<hbm>> -> memref<16384xi32, #tpu.memory_space<hbm>>
      tpu.enqueue_dma source(%arg9 : memref<16384xi32, #tpu.memory_space<vmem>>) target(%dma_start3A_67 : memref<16384xi32, #tpu.memory_space<hbm>>) target_semaphore(%arg15 : memref<!tpu.dma_semaphore, #tpu.memory_space<semaphore_mem>>)
      %lt3A = arith.constant 15 : i32
      %lt3A_68 = arith.cmpi slt, %add3A_35, %lt3A : i32
      %convert_element_type3A_69 = arith.extui %lt3A_68 : i1 to i32
      %cond3A_70 = arith.constant 0 : i32
      %cond3A_71 = arith.cmpi ne, %convert_element_type3A_69, %cond3A_70 : i32
      scf.if %cond3A_71 {
        %mul3A_72 = arith.constant 2 : i32
        %mul3A_73 = arith.muli %mul3A_72, %add3A_35 : i32
        %add3A_74 = arith.constant 2 : i32
        %add3A_75 = arith.addi %mul3A_73, %add3A_74 : i32
        %mul3A_76 = arith.constant 16384 : i32
        %mul3A_77 = arith.muli %add3A_75, %mul3A_76 : i32
        %add3A_78 = arith.addi %mul3A_8, %mul3A_77 : i32
        %multiple_of3A_79 = tpu.assume_multiple %add3A_78, 8 : i32
        %mul3A_80 = arith.constant 2 : i32
        %mul3A_81 = arith.muli %mul3A_80, %add3A_35 : i32
        %add3A_82 = arith.constant 3 : i32
        %add3A_83 = arith.addi %mul3A_81, %add3A_82 : i32
        %mul3A_84 = arith.constant 16384 : i32
        %mul3A_85 = arith.muli %add3A_83, %mul3A_84 : i32
        %add3A_86 = arith.addi %mul3A_8, %mul3A_85 : i32
        %multiple_of3A_87 = tpu.assume_multiple %add3A_86, 8 : i32
        %dma_start3A_88 = tpu.memref_slice %arg3[%multiple_of3A_79] : memref<16777216xi32, #tpu.memory_space<hbm>> -> memref<16384xi32, #tpu.memory_space<hbm>>
        %dma_start3A_89 = tpu.memref_slice %arg3[%multiple_of3A_79] : memref<16777216xi32, #tpu.memory_space<hbm>> -> memref<16384xi32, #tpu.memory_space<hbm>>
        tpu.enqueue_dma source(%dma_start3A_89 : memref<16384xi32, #tpu.memory_space<hbm>>) target(%arg6 : memref<16384xi32, #tpu.memory_space<vmem>>) target_semaphore(%arg10 : memref<!tpu.dma_semaphore, #tpu.memory_space<semaphore_mem>>)
        %dma_start3A_90 = tpu.memref_slice %arg3[%multiple_of3A_87] : memref<16777216xi32, #tpu.memory_space<hbm>> -> memref<16384xi32, #tpu.memory_space<hbm>>
        %dma_start3A_91 = tpu.memref_slice %arg3[%multiple_of3A_87] : memref<16777216xi32, #tpu.memory_space<hbm>> -> memref<16384xi32, #tpu.memory_space<hbm>>
        tpu.enqueue_dma source(%dma_start3A_91 : memref<16384xi32, #tpu.memory_space<hbm>>) target(%arg7 : memref<16384xi32, #tpu.memory_space<vmem>>) target_semaphore(%arg11 : memref<!tpu.dma_semaphore, #tpu.memory_space<semaphore_mem>>)
      } else {
      }
    }
    %scan3A_21 = arith.constant 16 : i32
    %add3A_22 = arith.constant 491520 : i32
    %add3A_23 = arith.addi %mul3A_8, %add3A_22 : i32
    %multiple_of3A_24 = tpu.assume_multiple %add3A_23, 8 : i32
    %add3A_25 = arith.constant 507904 : i32
    %add3A_26 = arith.addi %mul3A_8, %add3A_25 : i32
    %multiple_of3A_27 = tpu.assume_multiple %add3A_26, 8 : i32
    %dma_wait3A = tpu.memref_slice %arg4[%multiple_of3A_24] : memref<16777216xi32, #tpu.memory_space<hbm>> -> memref<16384xi32, #tpu.memory_space<hbm>>
    %dma_wait3A_28 = tpu.memref_slice %arg4[%multiple_of3A_24] : memref<16777216xi32, #tpu.memory_space<hbm>> -> memref<16384xi32, #tpu.memory_space<hbm>>
    tpu.wait_dma2 semaphore(%arg14 : memref<!tpu.dma_semaphore, #tpu.memory_space<semaphore_mem>>) src(%arg8 : memref<16384xi32, #tpu.memory_space<vmem>>) dst(%dma_wait3A_28 : memref<16384xi32, #tpu.memory_space<hbm>>)
    %dma_wait3A_29 = tpu.memref_slice %arg4[%multiple_of3A_27] : memref<16777216xi32, #tpu.memory_space<hbm>> -> memref<16384xi32, #tpu.memory_space<hbm>>
    %dma_wait3A_30 = tpu.memref_slice %arg4[%multiple_of3A_27] : memref<16777216xi32, #tpu.memory_space<hbm>> -> memref<16384xi32, #tpu.memory_space<hbm>>
    tpu.wait_dma2 semaphore(%arg15 : memref<!tpu.dma_semaphore, #tpu.memory_space<semaphore_mem>>) src(%arg9 : memref<16384xi32, #tpu.memory_space<vmem>>) dst(%dma_wait3A_30 : memref<16384xi32, #tpu.memory_space<hbm>>)
    return
  }
}

#map = affine_map<(d0, d1) -> (0)>
module attributes {stable_mosaic.version = 14 : i64} {
  func.func @_gather_kernel_body(%arg0: i32, %arg1: i32, %arg2: memref<2097152xi32, #tpu.memory_space<hbm>>, %arg3: memref<16777216xi32, #tpu.memory_space<hbm>>, %arg4: memref<16777216xi32, #tpu.memory_space<hbm>>, %arg5: memref<1048576xi32, #tpu.memory_space<vmem_shared>>, %arg6: memref<16384xi32, #tpu.memory_space<vmem>>, %arg7: memref<16384xi32, #tpu.memory_space<vmem>>, %arg8: memref<16384xi32, #tpu.memory_space<vmem>>, %arg9: memref<16384xi32, #tpu.memory_space<vmem>>, %arg10: memref<!tpu.dma_semaphore, #tpu.memory_space<semaphore_mem>>, %arg11: memref<!tpu.dma_semaphore, #tpu.memory_space<semaphore_mem>>, %arg12: memref<!tpu.dma_semaphore, #tpu.memory_space<semaphore_mem>>, %arg13: memref<!tpu.dma_semaphore, #tpu.memory_space<semaphore_mem>>, %arg14: memref<!tpu.dma_semaphore, #tpu.memory_space<semaphore_mem>>, %arg15: memref<!tpu.dma_semaphore, #tpu.memory_space<semaphore_mem>>) attributes {dimension_semantics = [#tpu.dimension_semantics<core_parallel>, #tpu.dimension_semantics<subcore_parallel>], iteration_bounds = array<i64: 2, 16>, scalar_prefetch = 0 : i64, scratch_operands = 11 : i64, tpu.core_type = #tpu.core_type<sc_vector_subcore>, window_params = [{transform_indices = #map}, {transform_indices = #map}, {transform_indices = #map}]} {
    %mul3A = arith.constant 65536 : i32
    %mul3A_0 = arith.muli %arg1, %mul3A : i32
    %multiple_of3A = tpu.assume_multiple %mul3A_0, 8 : i32
    %mul3A_1 = arith.constant 1048576 : i32
    %mul3A_2 = arith.muli %arg0, %mul3A_1 : i32
    %add3A = arith.addi %mul3A_2, %multiple_of3A : i32
    %multiple_of3A_3 = tpu.assume_multiple %add3A, 8 : i32
    "tpu.region"() ({
      %run_scoped3A = tpu.sem_alloc : memref<!tpu.dma_semaphore, #tpu.memory_space<semaphore_mem>>
      %dma_start3A_31 = tpu.memref_slice %arg5[%multiple_of3A] : memref<1048576xi32, #tpu.memory_space<vmem_shared>> -> memref<65536xi32, #tpu.memory_space<vmem_shared>>
      %dma_start3A_32 = tpu.memref_slice %arg2[%multiple_of3A_3] : memref<2097152xi32, #tpu.memory_space<hbm>> -> memref<65536xi32, #tpu.memory_space<hbm>>
      tpu.enqueue_dma source(%dma_start3A_32 : memref<65536xi32, #tpu.memory_space<hbm>>) target(%dma_start3A_31 : memref<65536xi32, #tpu.memory_space<vmem_shared>>) target_semaphore(%run_scoped3A : memref<!tpu.dma_semaphore, #tpu.memory_space<semaphore_mem>>)
      %dma_wait3A_33 = tpu.memref_slice %arg5[%multiple_of3A] : memref<1048576xi32, #tpu.memory_space<vmem_shared>> -> memref<65536xi32, #tpu.memory_space<vmem_shared>>
      %dma_wait3A_34 = tpu.memref_slice %arg2[%multiple_of3A_3] : memref<2097152xi32, #tpu.memory_space<hbm>> -> memref<65536xi32, #tpu.memory_space<hbm>>
      tpu.wait_dma2 semaphore(%run_scoped3A : memref<!tpu.dma_semaphore, #tpu.memory_space<semaphore_mem>>) src(%dma_wait3A_34 : memref<65536xi32, #tpu.memory_space<hbm>>) dst(%dma_wait3A_33 : memref<65536xi32, #tpu.memory_space<vmem_shared>>)
      tpu.yield
    }) : () -> ()
    %barrier3A = arith.constant 0 : index
    tpu.barrier barrier_id(%barrier3A)
    %mul3A_4 = arith.constant 16 : i32
    %mul3A_5 = arith.muli %arg0, %mul3A_4 : i32
    %add3A_6 = arith.addi %mul3A_5, %arg1 : i32
    %mul3A_7 = arith.constant 524288 : i32
    %mul3A_8 = arith.muli %add3A_6, %mul3A_7 : i32
    %add3A_9 = arith.constant 0 : i32
    %add3A_10 = arith.addi %mul3A_8, %add3A_9 : i32
    %multiple_of3A_11 = tpu.assume_multiple %add3A_10, 8 : i32
    %add3A_12 = arith.constant 16384 : i32
    %add3A_13 = arith.addi %mul3A_8, %add3A_12 : i32
    %multiple_of3A_14 = tpu.assume_multiple %add3A_13, 8 : i32
    %dma_start3A = tpu.memref_slice %arg3[%multiple_of3A_11] : memref<16777216xi32, #tpu.memory_space<hbm>> -> memref<16384xi32, #tpu.memory_space<hbm>>
    %dma_start3A_15 = tpu.memref_slice %arg3[%multiple_of3A_11] : memref<16777216xi32, #tpu.memory_space<hbm>> -> memref<16384xi32, #tpu.memory_space<hbm>>
    tpu.enqueue_dma source(%dma_start3A_15 : memref<16384xi32, #tpu.memory_space<hbm>>) target(%arg6 : memref<16384xi32, #tpu.memory_space<vmem>>) target_semaphore(%arg10 : memref<!tpu.dma_semaphore, #tpu.memory_space<semaphore_mem>>)
    %dma_start3A_16 = tpu.memref_slice %arg3[%multiple_of3A_14] : memref<16777216xi32, #tpu.memory_space<hbm>> -> memref<16384xi32, #tpu.memory_space<hbm>>
    %dma_start3A_17 = tpu.memref_slice %arg3[%multiple_of3A_14] : memref<16777216xi32, #tpu.memory_space<hbm>> -> memref<16384xi32, #tpu.memory_space<hbm>>
    tpu.enqueue_dma source(%dma_start3A_17 : memref<16384xi32, #tpu.memory_space<hbm>>) target(%arg7 : memref<16384xi32, #tpu.memory_space<vmem>>) target_semaphore(%arg11 : memref<!tpu.dma_semaphore, #tpu.memory_space<semaphore_mem>>)
    %scan3A = arith.constant 0 : i32
    %scan3A_18 = arith.constant 16 : i32
    %scan3A_19 = arith.addi %scan3A, %scan3A_18 : i32
    %scan3A_20 = arith.constant 1 : i32
    scf.for %scan3A_31 = %scan3A to %scan3A_19 step %scan3A_20  : i32 {
      %mul3A_32 = arith.constant 1 : i32
      %mul3A_33 = arith.muli %scan3A_31, %mul3A_32 : i32
      %add3A_34 = arith.constant 0 : i32
      %add3A_35 = arith.addi %add3A_34, %mul3A_33 : i32
      %mul3A_36 = arith.constant 2 : i32
      %mul3A_37 = arith.muli %mul3A_36, %add3A_35 : i32
      %mul3A_38 = arith.constant 16384 : i32
      %mul3A_39 = arith.muli %mul3A_37, %mul3A_38 : i32
      %add3A_40 = arith.addi %mul3A_8, %mul3A_39 : i32
      %multiple_of3A_41 = tpu.assume_multiple %add3A_40, 8 : i32
      %mul3A_42 = arith.constant 2 : i32
      %mul3A_43 = arith.muli %mul3A_42, %add3A_35 : i32
      %add3A_44 = arith.constant 1 : i32
      %add3A_45 = arith.addi %mul3A_43, %add3A_44 : i32
      %mul3A_46 = arith.constant 16384 : i32
      %mul3A_47 = arith.muli %add3A_45, %mul3A_46 : i32
      %add3A_48 = arith.addi %mul3A_8, %mul3A_47 : i32
      %multiple_of3A_49 = tpu.assume_multiple %add3A_48, 8 : i32
      %gt3A = arith.constant 0 : i32
      %gt3A_50 = arith.cmpi sgt, %add3A_35, %gt3A : i32
      %convert_element_type3A = arith.extui %gt3A_50 : i1 to i32
      %cond3A = arith.constant 0 : i32
      %cond3A_51 = arith.cmpi ne, %convert_element_type3A, %cond3A : i32
      scf.if %cond3A_51 {
        %dma_wait3A_72 = tpu.memref_slice %arg4[%multiple_of3A_41] : memref<16777216xi32, #tpu.memory_space<hbm>> -> memref<16384xi32, #tpu.memory_space<hbm>>
        %dma_wait3A_73 = tpu.memref_slice %arg4[%multiple_of3A_41] : memref<16777216xi32, #tpu.memory_space<hbm>> -> memref<16384xi32, #tpu.memory_space<hbm>>
        tpu.wait_dma2 semaphore(%arg14 : memref<!tpu.dma_semaphore, #tpu.memory_space<semaphore_mem>>) src(%arg8 : memref<16384xi32, #tpu.memory_space<vmem>>) dst(%dma_wait3A_73 : memref<16384xi32, #tpu.memory_space<hbm>>)
        %dma_wait3A_74 = tpu.memref_slice %arg4[%multiple_of3A_49] : memref<16777216xi32, #tpu.memory_space<hbm>> -> memref<16384xi32, #tpu.memory_space<hbm>>
        %dma_wait3A_75 = tpu.memref_slice %arg4[%multiple_of3A_49] : memref<16777216xi32, #tpu.memory_space<hbm>> -> memref<16384xi32, #tpu.memory_space<hbm>>
        tpu.wait_dma2 semaphore(%arg15 : memref<!tpu.dma_semaphore, #tpu.memory_space<semaphore_mem>>) src(%arg9 : memref<16384xi32, #tpu.memory_space<vmem>>) dst(%dma_wait3A_75 : memref<16384xi32, #tpu.memory_space<hbm>>)
      } else {
      }
      %dma_wait3A_52 = tpu.memref_slice %arg3[%multiple_of3A_41] : memref<16777216xi32, #tpu.memory_space<hbm>> -> memref<16384xi32, #tpu.memory_space<hbm>>
      %dma_wait3A_53 = tpu.memref_slice %arg3[%multiple_of3A_41] : memref<16777216xi32, #tpu.memory_space<hbm>> -> memref<16384xi32, #tpu.memory_space<hbm>>
      tpu.wait_dma2 semaphore(%arg10 : memref<!tpu.dma_semaphore, #tpu.memory_space<semaphore_mem>>) src(%dma_wait3A_53 : memref<16384xi32, #tpu.memory_space<hbm>>) dst(%arg6 : memref<16384xi32, #tpu.memory_space<vmem>>)
      %dma_start3A_54 = arith.constant 0 : i32
      %dma_start3A_55 = tpu.memref_slice %arg5[%dma_start3A_54] : memref<1048576xi32, #tpu.memory_space<vmem_shared>> -> memref<1048576xi32, #tpu.memory_space<vmem_shared>>
      tpu.enqueue_indirect_dma source(%dma_start3A_55 : memref<1048576xi32, #tpu.memory_space<vmem_shared>>) target(%arg8 : memref<16384xi32, #tpu.memory_space<vmem>>) offsets(%arg6 : memref<16384xi32, #tpu.memory_space<vmem>>) semaphore(%arg12 : memref<!tpu.dma_semaphore, #tpu.memory_space<semaphore_mem>>)
      %dma_wait3A_56 = tpu.memref_slice %arg3[%multiple_of3A_49] : memref<16777216xi32, #tpu.memory_space<hbm>> -> memref<16384xi32, #tpu.memory_space<hbm>>
      %dma_wait3A_57 = tpu.memref_slice %arg3[%multiple_of3A_49] : memref<16777216xi32, #tpu.memory_space<hbm>> -> memref<16384xi32, #tpu.memory_space<hbm>>
      tpu.wait_dma2 semaphore(%arg11 : memref<!tpu.dma_semaphore, #tpu.memory_space<semaphore_mem>>) src(%dma_wait3A_57 : memref<16384xi32, #tpu.memory_space<hbm>>) dst(%arg7 : memref<16384xi32, #tpu.memory_space<vmem>>)
      %dma_start3A_58 = arith.constant 0 : i32
      %dma_start3A_59 = tpu.memref_slice %arg5[%dma_start3A_58] : memref<1048576xi32, #tpu.memory_space<vmem_shared>> -> memref<1048576xi32, #tpu.memory_space<vmem_shared>>
      tpu.enqueue_indirect_dma source(%dma_start3A_59 : memref<1048576xi32, #tpu.memory_space<vmem_shared>>) target(%arg9 : memref<16384xi32, #tpu.memory_space<vmem>>) offsets(%arg7 : memref<16384xi32, #tpu.memory_space<vmem>>) semaphore(%arg13 : memref<!tpu.dma_semaphore, #tpu.memory_space<semaphore_mem>>)
      %dma_wait3A_60 = arith.constant 0 : i32
      %dma_wait3A_61 = tpu.memref_slice %arg5[%dma_wait3A_60] : memref<1048576xi32, #tpu.memory_space<vmem_shared>> -> memref<1048576xi32, #tpu.memory_space<vmem_shared>>
      tpu.wait_indirect_dma semaphore(%arg12 : memref<!tpu.dma_semaphore, #tpu.memory_space<semaphore_mem>>) src(%dma_wait3A_61 : memref<1048576xi32, #tpu.memory_space<vmem_shared>>) dst(%arg8 : memref<16384xi32, #tpu.memory_space<vmem>>)
      %dma_start3A_62 = tpu.memref_slice %arg4[%multiple_of3A_41] : memref<16777216xi32, #tpu.memory_space<hbm>> -> memref<16384xi32, #tpu.memory_space<hbm>>
      %dma_start3A_63 = tpu.memref_slice %arg4[%multiple_of3A_41] : memref<16777216xi32, #tpu.memory_space<hbm>> -> memref<16384xi32, #tpu.memory_space<hbm>>
      tpu.enqueue_dma source(%arg8 : memref<16384xi32, #tpu.memory_space<vmem>>) target(%dma_start3A_63 : memref<16384xi32, #tpu.memory_space<hbm>>) target_semaphore(%arg14 : memref<!tpu.dma_semaphore, #tpu.memory_space<semaphore_mem>>)
      %dma_wait3A_64 = arith.constant 0 : i32
      %dma_wait3A_65 = tpu.memref_slice %arg5[%dma_wait3A_64] : memref<1048576xi32, #tpu.memory_space<vmem_shared>> -> memref<1048576xi32, #tpu.memory_space<vmem_shared>>
      tpu.wait_indirect_dma semaphore(%arg13 : memref<!tpu.dma_semaphore, #tpu.memory_space<semaphore_mem>>) src(%dma_wait3A_65 : memref<1048576xi32, #tpu.memory_space<vmem_shared>>) dst(%arg9 : memref<16384xi32, #tpu.memory_space<vmem>>)
      %dma_start3A_66 = tpu.memref_slice %arg4[%multiple_of3A_49] : memref<16777216xi32, #tpu.memory_space<hbm>> -> memref<16384xi32, #tpu.memory_space<hbm>>
      %dma_start3A_67 = tpu.memref_slice %arg4[%multiple_of3A_49] : memref<16777216xi32, #tpu.memory_space<hbm>> -> memref<16384xi32, #tpu.memory_space<hbm>>
      tpu.enqueue_dma source(%arg9 : memref<16384xi32, #tpu.memory_space<vmem>>) target(%dma_start3A_67 : memref<16384xi32, #tpu.memory_space<hbm>>) target_semaphore(%arg15 : memref<!tpu.dma_semaphore, #tpu.memory_space<semaphore_mem>>)
      %lt3A = arith.constant 15 : i32
      %lt3A_68 = arith.cmpi slt, %add3A_35, %lt3A : i32
      %convert_element_type3A_69 = arith.extui %lt3A_68 : i1 to i32
      %cond3A_70 = arith.constant 0 : i32
      %cond3A_71 = arith.cmpi ne, %convert_element_type3A_69, %cond3A_70 : i32
      scf.if %cond3A_71 {
        %mul3A_72 = arith.constant 2 : i32
        %mul3A_73 = arith.muli %mul3A_72, %add3A_35 : i32
        %add3A_74 = arith.constant 2 : i32
        %add3A_75 = arith.addi %mul3A_73, %add3A_74 : i32
        %mul3A_76 = arith.constant 16384 : i32
        %mul3A_77 = arith.muli %add3A_75, %mul3A_76 : i32
        %add3A_78 = arith.addi %mul3A_8, %mul3A_77 : i32
        %multiple_of3A_79 = tpu.assume_multiple %add3A_78, 8 : i32
        %mul3A_80 = arith.constant 2 : i32
        %mul3A_81 = arith.muli %mul3A_80, %add3A_35 : i32
        %add3A_82 = arith.constant 3 : i32
        %add3A_83 = arith.addi %mul3A_81, %add3A_82 : i32
        %mul3A_84 = arith.constant 16384 : i32
        %mul3A_85 = arith.muli %add3A_83, %mul3A_84 : i32
        %add3A_86 = arith.addi %mul3A_8, %mul3A_85 : i32
        %multiple_of3A_87 = tpu.assume_multiple %add3A_86, 8 : i32
        %dma_start3A_88 = tpu.memref_slice %arg3[%multiple_of3A_79] : memref<16777216xi32, #tpu.memory_space<hbm>> -> memref<16384xi32, #tpu.memory_space<hbm>>
        %dma_start3A_89 = tpu.memref_slice %arg3[%multiple_of3A_79] : memref<16777216xi32, #tpu.memory_space<hbm>> -> memref<16384xi32, #tpu.memory_space<hbm>>
        tpu.enqueue_dma source(%dma_start3A_89 : memref<16384xi32, #tpu.memory_space<hbm>>) target(%arg6 : memref<16384xi32, #tpu.memory_space<vmem>>) target_semaphore(%arg10 : memref<!tpu.dma_semaphore, #tpu.memory_space<semaphore_mem>>)
        %dma_start3A_90 = tpu.memref_slice %arg3[%multiple_of3A_87] : memref<16777216xi32, #tpu.memory_space<hbm>> -> memref<16384xi32, #tpu.memory_space<hbm>>
        %dma_start3A_91 = tpu.memref_slice %arg3[%multiple_of3A_87] : memref<16777216xi32, #tpu.memory_space<hbm>> -> memref<16384xi32, #tpu.memory_space<hbm>>
        tpu.enqueue_dma source(%dma_start3A_91 : memref<16384xi32, #tpu.memory_space<hbm>>) target(%arg7 : memref<16384xi32, #tpu.memory_space<vmem>>) target_semaphore(%arg11 : memref<!tpu.dma_semaphore, #tpu.memory_space<semaphore_mem>>)
      } else {
      }
    }
    %scan3A_21 = arith.constant 16 : i32
    %add3A_22 = arith.constant 491520 : i32
    %add3A_23 = arith.addi %mul3A_8, %add3A_22 : i32
    %multiple_of3A_24 = tpu.assume_multiple %add3A_23, 8 : i32
    %add3A_25 = arith.constant 507904 : i32
    %add3A_26 = arith.addi %mul3A_8, %add3A_25 : i32
    %multiple_of3A_27 = tpu.assume_multiple %add3A_26, 8 : i32
    %dma_wait3A = tpu.memref_slice %arg4[%multiple_of3A_24] : memref<16777216xi32, #tpu.memory_space<hbm>> -> memref<16384xi32, #tpu.memory_space<hbm>>
    %dma_wait3A_28 = tpu.memref_slice %arg4[%multiple_of3A_24] : memref<16777216xi32, #tpu.memory_space<hbm>> -> memref<16384xi32, #tpu.memory_space<hbm>>
    tpu.wait_dma2 semaphore(%arg14 : memref<!tpu.dma_semaphore, #tpu.memory_space<semaphore_mem>>) src(%arg8 : memref<16384xi32, #tpu.memory_space<vmem>>) dst(%dma_wait3A_28 : memref<16384xi32, #tpu.memory_space<hbm>>)
    %dma_wait3A_29 = tpu.memref_slice %arg4[%multiple_of3A_27] : memref<16777216xi32, #tpu.memory_space<hbm>> -> memref<16384xi32, #tpu.memory_space<hbm>>
    %dma_wait3A_30 = tpu.memref_slice %arg4[%multiple_of3A_27] : memref<16777216xi32, #tpu.memory_space<hbm>> -> memref<16384xi32, #tpu.memory_space<hbm>>
    tpu.wait_dma2 semaphore(%arg15 : memref<!tpu.dma_semaphore, #tpu.memory_space<semaphore_mem>>) src(%arg9 : memref<16384xi32, #tpu.memory_space<vmem>>) dst(%dma_wait3A_30 : memref<16384xi32, #tpu.memory_space<hbm>>)
    return
  }
}

#map = affine_map<(d0, d1) -> (0)>
module attributes {stable_mosaic.version = 14 : i64} {
  func.func @_gather_kernel_body(%arg0: i32, %arg1: i32, %arg2: memref<2097152xi32, #tpu.memory_space<hbm>>, %arg3: memref<16777216xi32, #tpu.memory_space<hbm>>, %arg4: memref<16777216xi32, #tpu.memory_space<hbm>>, %arg5: memref<1048576xi32, #tpu.memory_space<vmem_shared>>, %arg6: memref<16384xi32, #tpu.memory_space<vmem>>, %arg7: memref<16384xi32, #tpu.memory_space<vmem>>, %arg8: memref<16384xi32, #tpu.memory_space<vmem>>, %arg9: memref<16384xi32, #tpu.memory_space<vmem>>, %arg10: memref<!tpu.dma_semaphore, #tpu.memory_space<semaphore_mem>>, %arg11: memref<!tpu.dma_semaphore, #tpu.memory_space<semaphore_mem>>, %arg12: memref<!tpu.dma_semaphore, #tpu.memory_space<semaphore_mem>>, %arg13: memref<!tpu.dma_semaphore, #tpu.memory_space<semaphore_mem>>, %arg14: memref<!tpu.dma_semaphore, #tpu.memory_space<semaphore_mem>>, %arg15: memref<!tpu.dma_semaphore, #tpu.memory_space<semaphore_mem>>) attributes {dimension_semantics = [#tpu.dimension_semantics<core_parallel>, #tpu.dimension_semantics<subcore_parallel>], iteration_bounds = array<i64: 2, 16>, scalar_prefetch = 0 : i64, scratch_operands = 11 : i64, tpu.core_type = #tpu.core_type<sc_vector_subcore>, window_params = [{transform_indices = #map}, {transform_indices = #map}, {transform_indices = #map}]} {
    %mul3A = arith.constant 65536 : i32
    %mul3A_0 = arith.muli %arg1, %mul3A : i32
    %multiple_of3A = tpu.assume_multiple %mul3A_0, 8 : i32
    %mul3A_1 = arith.constant 1048576 : i32
    %mul3A_2 = arith.muli %arg0, %mul3A_1 : i32
    %add3A = arith.addi %mul3A_2, %multiple_of3A : i32
    %multiple_of3A_3 = tpu.assume_multiple %add3A, 8 : i32
    "tpu.region"() ({
      %run_scoped3A = tpu.sem_alloc : memref<!tpu.dma_semaphore, #tpu.memory_space<semaphore_mem>>
      %dma_start3A_31 = tpu.memref_slice %arg5[%multiple_of3A] : memref<1048576xi32, #tpu.memory_space<vmem_shared>> -> memref<65536xi32, #tpu.memory_space<vmem_shared>>
      %dma_start3A_32 = tpu.memref_slice %arg2[%multiple_of3A_3] : memref<2097152xi32, #tpu.memory_space<hbm>> -> memref<65536xi32, #tpu.memory_space<hbm>>
      tpu.enqueue_dma source(%dma_start3A_32 : memref<65536xi32, #tpu.memory_space<hbm>>) target(%dma_start3A_31 : memref<65536xi32, #tpu.memory_space<vmem_shared>>) target_semaphore(%run_scoped3A : memref<!tpu.dma_semaphore, #tpu.memory_space<semaphore_mem>>)
      %dma_wait3A_33 = tpu.memref_slice %arg5[%multiple_of3A] : memref<1048576xi32, #tpu.memory_space<vmem_shared>> -> memref<65536xi32, #tpu.memory_space<vmem_shared>>
      %dma_wait3A_34 = tpu.memref_slice %arg2[%multiple_of3A_3] : memref<2097152xi32, #tpu.memory_space<hbm>> -> memref<65536xi32, #tpu.memory_space<hbm>>
      tpu.wait_dma2 semaphore(%run_scoped3A : memref<!tpu.dma_semaphore, #tpu.memory_space<semaphore_mem>>) src(%dma_wait3A_34 : memref<65536xi32, #tpu.memory_space<hbm>>) dst(%dma_wait3A_33 : memref<65536xi32, #tpu.memory_space<vmem_shared>>)
      tpu.yield
    }) : () -> ()
    %barrier3A = arith.constant 0 : index
    tpu.barrier barrier_id(%barrier3A)
    %mul3A_4 = arith.constant 16 : i32
    %mul3A_5 = arith.muli %arg0, %mul3A_4 : i32
    %add3A_6 = arith.addi %mul3A_5, %arg1 : i32
    %mul3A_7 = arith.constant 524288 : i32
    %mul3A_8 = arith.muli %add3A_6, %mul3A_7 : i32
    %add3A_9 = arith.constant 0 : i32
    %add3A_10 = arith.addi %mul3A_8, %add3A_9 : i32
    %multiple_of3A_11 = tpu.assume_multiple %add3A_10, 8 : i32
    %add3A_12 = arith.constant 16384 : i32
    %add3A_13 = arith.addi %mul3A_8, %add3A_12 : i32
    %multiple_of3A_14 = tpu.assume_multiple %add3A_13, 8 : i32
    %dma_start3A = tpu.memref_slice %arg3[%multiple_of3A_11] : memref<16777216xi32, #tpu.memory_space<hbm>> -> memref<16384xi32, #tpu.memory_space<hbm>>
    %dma_start3A_15 = tpu.memref_slice %arg3[%multiple_of3A_11] : memref<16777216xi32, #tpu.memory_space<hbm>> -> memref<16384xi32, #tpu.memory_space<hbm>>
    tpu.enqueue_dma source(%dma_start3A_15 : memref<16384xi32, #tpu.memory_space<hbm>>) target(%arg6 : memref<16384xi32, #tpu.memory_space<vmem>>) target_semaphore(%arg10 : memref<!tpu.dma_semaphore, #tpu.memory_space<semaphore_mem>>)
    %dma_start3A_16 = tpu.memref_slice %arg3[%multiple_of3A_14] : memref<16777216xi32, #tpu.memory_space<hbm>> -> memref<16384xi32, #tpu.memory_space<hbm>>
    %dma_start3A_17 = tpu.memref_slice %arg3[%multiple_of3A_14] : memref<16777216xi32, #tpu.memory_space<hbm>> -> memref<16384xi32, #tpu.memory_space<hbm>>
    tpu.enqueue_dma source(%dma_start3A_17 : memref<16384xi32, #tpu.memory_space<hbm>>) target(%arg7 : memref<16384xi32, #tpu.memory_space<vmem>>) target_semaphore(%arg11 : memref<!tpu.dma_semaphore, #tpu.memory_space<semaphore_mem>>)
    %scan3A = arith.constant 0 : i32
    %scan3A_18 = arith.constant 16 : i32
    %scan3A_19 = arith.addi %scan3A, %scan3A_18 : i32
    %scan3A_20 = arith.constant 1 : i32
    scf.for %scan3A_31 = %scan3A to %scan3A_19 step %scan3A_20  : i32 {
      %mul3A_32 = arith.constant 1 : i32
      %mul3A_33 = arith.muli %scan3A_31, %mul3A_32 : i32
      %add3A_34 = arith.constant 0 : i32
      %add3A_35 = arith.addi %add3A_34, %mul3A_33 : i32
      %mul3A_36 = arith.constant 2 : i32
      %mul3A_37 = arith.muli %mul3A_36, %add3A_35 : i32
      %mul3A_38 = arith.constant 16384 : i32
      %mul3A_39 = arith.muli %mul3A_37, %mul3A_38 : i32
      %add3A_40 = arith.addi %mul3A_8, %mul3A_39 : i32
      %multiple_of3A_41 = tpu.assume_multiple %add3A_40, 8 : i32
      %mul3A_42 = arith.constant 2 : i32
      %mul3A_43 = arith.muli %mul3A_42, %add3A_35 : i32
      %add3A_44 = arith.constant 1 : i32
      %add3A_45 = arith.addi %mul3A_43, %add3A_44 : i32
      %mul3A_46 = arith.constant 16384 : i32
      %mul3A_47 = arith.muli %add3A_45, %mul3A_46 : i32
      %add3A_48 = arith.addi %mul3A_8, %mul3A_47 : i32
      %multiple_of3A_49 = tpu.assume_multiple %add3A_48, 8 : i32
      %gt3A = arith.constant 0 : i32
      %gt3A_50 = arith.cmpi sgt, %add3A_35, %gt3A : i32
      %convert_element_type3A = arith.extui %gt3A_50 : i1 to i32
      %cond3A = arith.constant 0 : i32
      %cond3A_51 = arith.cmpi ne, %convert_element_type3A, %cond3A : i32
      scf.if %cond3A_51 {
        %dma_wait3A_72 = tpu.memref_slice %arg4[%multiple_of3A_41] : memref<16777216xi32, #tpu.memory_space<hbm>> -> memref<16384xi32, #tpu.memory_space<hbm>>
        %dma_wait3A_73 = tpu.memref_slice %arg4[%multiple_of3A_41] : memref<16777216xi32, #tpu.memory_space<hbm>> -> memref<16384xi32, #tpu.memory_space<hbm>>
        tpu.wait_dma2 semaphore(%arg14 : memref<!tpu.dma_semaphore, #tpu.memory_space<semaphore_mem>>) src(%arg8 : memref<16384xi32, #tpu.memory_space<vmem>>) dst(%dma_wait3A_73 : memref<16384xi32, #tpu.memory_space<hbm>>)
        %dma_wait3A_74 = tpu.memref_slice %arg4[%multiple_of3A_49] : memref<16777216xi32, #tpu.memory_space<hbm>> -> memref<16384xi32, #tpu.memory_space<hbm>>
        %dma_wait3A_75 = tpu.memref_slice %arg4[%multiple_of3A_49] : memref<16777216xi32, #tpu.memory_space<hbm>> -> memref<16384xi32, #tpu.memory_space<hbm>>
        tpu.wait_dma2 semaphore(%arg15 : memref<!tpu.dma_semaphore, #tpu.memory_space<semaphore_mem>>) src(%arg9 : memref<16384xi32, #tpu.memory_space<vmem>>) dst(%dma_wait3A_75 : memref<16384xi32, #tpu.memory_space<hbm>>)
      } else {
      }
      %dma_wait3A_52 = tpu.memref_slice %arg3[%multiple_of3A_41] : memref<16777216xi32, #tpu.memory_space<hbm>> -> memref<16384xi32, #tpu.memory_space<hbm>>
      %dma_wait3A_53 = tpu.memref_slice %arg3[%multiple_of3A_41] : memref<16777216xi32, #tpu.memory_space<hbm>> -> memref<16384xi32, #tpu.memory_space<hbm>>
      tpu.wait_dma2 semaphore(%arg10 : memref<!tpu.dma_semaphore, #tpu.memory_space<semaphore_mem>>) src(%dma_wait3A_53 : memref<16384xi32, #tpu.memory_space<hbm>>) dst(%arg6 : memref<16384xi32, #tpu.memory_space<vmem>>)
      %dma_start3A_54 = arith.constant 0 : i32
      %dma_start3A_55 = tpu.memref_slice %arg5[%dma_start3A_54] : memref<1048576xi32, #tpu.memory_space<vmem_shared>> -> memref<1048576xi32, #tpu.memory_space<vmem_shared>>
      tpu.enqueue_indirect_dma source(%dma_start3A_55 : memref<1048576xi32, #tpu.memory_space<vmem_shared>>) target(%arg8 : memref<16384xi32, #tpu.memory_space<vmem>>) offsets(%arg6 : memref<16384xi32, #tpu.memory_space<vmem>>) semaphore(%arg12 : memref<!tpu.dma_semaphore, #tpu.memory_space<semaphore_mem>>)
      %dma_wait3A_56 = tpu.memref_slice %arg3[%multiple_of3A_49] : memref<16777216xi32, #tpu.memory_space<hbm>> -> memref<16384xi32, #tpu.memory_space<hbm>>
      %dma_wait3A_57 = tpu.memref_slice %arg3[%multiple_of3A_49] : memref<16777216xi32, #tpu.memory_space<hbm>> -> memref<16384xi32, #tpu.memory_space<hbm>>
      tpu.wait_dma2 semaphore(%arg11 : memref<!tpu.dma_semaphore, #tpu.memory_space<semaphore_mem>>) src(%dma_wait3A_57 : memref<16384xi32, #tpu.memory_space<hbm>>) dst(%arg7 : memref<16384xi32, #tpu.memory_space<vmem>>)
      %dma_start3A_58 = arith.constant 0 : i32
      %dma_start3A_59 = tpu.memref_slice %arg5[%dma_start3A_58] : memref<1048576xi32, #tpu.memory_space<vmem_shared>> -> memref<1048576xi32, #tpu.memory_space<vmem_shared>>
      tpu.enqueue_indirect_dma source(%dma_start3A_59 : memref<1048576xi32, #tpu.memory_space<vmem_shared>>) target(%arg9 : memref<16384xi32, #tpu.memory_space<vmem>>) offsets(%arg7 : memref<16384xi32, #tpu.memory_space<vmem>>) semaphore(%arg13 : memref<!tpu.dma_semaphore, #tpu.memory_space<semaphore_mem>>)
      %dma_wait3A_60 = arith.constant 0 : i32
      %dma_wait3A_61 = tpu.memref_slice %arg5[%dma_wait3A_60] : memref<1048576xi32, #tpu.memory_space<vmem_shared>> -> memref<1048576xi32, #tpu.memory_space<vmem_shared>>
      tpu.wait_indirect_dma semaphore(%arg12 : memref<!tpu.dma_semaphore, #tpu.memory_space<semaphore_mem>>) src(%dma_wait3A_61 : memref<1048576xi32, #tpu.memory_space<vmem_shared>>) dst(%arg8 : memref<16384xi32, #tpu.memory_space<vmem>>)
      %dma_start3A_62 = tpu.memref_slice %arg4[%multiple_of3A_41] : memref<16777216xi32, #tpu.memory_space<hbm>> -> memref<16384xi32, #tpu.memory_space<hbm>>
      %dma_start3A_63 = tpu.memref_slice %arg4[%multiple_of3A_41] : memref<16777216xi32, #tpu.memory_space<hbm>> -> memref<16384xi32, #tpu.memory_space<hbm>>
      tpu.enqueue_dma source(%arg8 : memref<16384xi32, #tpu.memory_space<vmem>>) target(%dma_start3A_63 : memref<16384xi32, #tpu.memory_space<hbm>>) target_semaphore(%arg14 : memref<!tpu.dma_semaphore, #tpu.memory_space<semaphore_mem>>)
      %dma_wait3A_64 = arith.constant 0 : i32
      %dma_wait3A_65 = tpu.memref_slice %arg5[%dma_wait3A_64] : memref<1048576xi32, #tpu.memory_space<vmem_shared>> -> memref<1048576xi32, #tpu.memory_space<vmem_shared>>
      tpu.wait_indirect_dma semaphore(%arg13 : memref<!tpu.dma_semaphore, #tpu.memory_space<semaphore_mem>>) src(%dma_wait3A_65 : memref<1048576xi32, #tpu.memory_space<vmem_shared>>) dst(%arg9 : memref<16384xi32, #tpu.memory_space<vmem>>)
      %dma_start3A_66 = tpu.memref_slice %arg4[%multiple_of3A_49] : memref<16777216xi32, #tpu.memory_space<hbm>> -> memref<16384xi32, #tpu.memory_space<hbm>>
      %dma_start3A_67 = tpu.memref_slice %arg4[%multiple_of3A_49] : memref<16777216xi32, #tpu.memory_space<hbm>> -> memref<16384xi32, #tpu.memory_space<hbm>>
      tpu.enqueue_dma source(%arg9 : memref<16384xi32, #tpu.memory_space<vmem>>) target(%dma_start3A_67 : memref<16384xi32, #tpu.memory_space<hbm>>) target_semaphore(%arg15 : memref<!tpu.dma_semaphore, #tpu.memory_space<semaphore_mem>>)
      %lt3A = arith.constant 15 : i32
      %lt3A_68 = arith.cmpi slt, %add3A_35, %lt3A : i32
      %convert_element_type3A_69 = arith.extui %lt3A_68 : i1 to i32
      %cond3A_70 = arith.constant 0 : i32
      %cond3A_71 = arith.cmpi ne, %convert_element_type3A_69, %cond3A_70 : i32
      scf.if %cond3A_71 {
        %mul3A_72 = arith.constant 2 : i32
        %mul3A_73 = arith.muli %mul3A_72, %add3A_35 : i32
        %add3A_74 = arith.constant 2 : i32
        %add3A_75 = arith.addi %mul3A_73, %add3A_74 : i32
        %mul3A_76 = arith.constant 16384 : i32
        %mul3A_77 = arith.muli %add3A_75, %mul3A_76 : i32
        %add3A_78 = arith.addi %mul3A_8, %mul3A_77 : i32
        %multiple_of3A_79 = tpu.assume_multiple %add3A_78, 8 : i32
        %mul3A_80 = arith.constant 2 : i32
        %mul3A_81 = arith.muli %mul3A_80, %add3A_35 : i32
        %add3A_82 = arith.constant 3 : i32
        %add3A_83 = arith.addi %mul3A_81, %add3A_82 : i32
        %mul3A_84 = arith.constant 16384 : i32
        %mul3A_85 = arith.muli %add3A_83, %mul3A_84 : i32
        %add3A_86 = arith.addi %mul3A_8, %mul3A_85 : i32
        %multiple_of3A_87 = tpu.assume_multiple %add3A_86, 8 : i32
        %dma_start3A_88 = tpu.memref_slice %arg3[%multiple_of3A_79] : memref<16777216xi32, #tpu.memory_space<hbm>> -> memref<16384xi32, #tpu.memory_space<hbm>>
        %dma_start3A_89 = tpu.memref_slice %arg3[%multiple_of3A_79] : memref<16777216xi32, #tpu.memory_space<hbm>> -> memref<16384xi32, #tpu.memory_space<hbm>>
        tpu.enqueue_dma source(%dma_start3A_89 : memref<16384xi32, #tpu.memory_space<hbm>>) target(%arg6 : memref<16384xi32, #tpu.memory_space<vmem>>) target_semaphore(%arg10 : memref<!tpu.dma_semaphore, #tpu.memory_space<semaphore_mem>>)
        %dma_start3A_90 = tpu.memref_slice %arg3[%multiple_of3A_87] : memref<16777216xi32, #tpu.memory_space<hbm>> -> memref<16384xi32, #tpu.memory_space<hbm>>
        %dma_start3A_91 = tpu.memref_slice %arg3[%multiple_of3A_87] : memref<16777216xi32, #tpu.memory_space<hbm>> -> memref<16384xi32, #tpu.memory_space<hbm>>
        tpu.enqueue_dma source(%dma_start3A_91 : memref<16384xi32, #tpu.memory_space<hbm>>) target(%arg7 : memref<16384xi32, #tpu.memory_space<vmem>>) target_semaphore(%arg11 : memref<!tpu.dma_semaphore, #tpu.memory_space<semaphore_mem>>)
      } else {
      }
    }
    %scan3A_21 = arith.constant 16 : i32
    %add3A_22 = arith.constant 491520 : i32
    %add3A_23 = arith.addi %mul3A_8, %add3A_22 : i32
    %multiple_of3A_24 = tpu.assume_multiple %add3A_23, 8 : i32
    %add3A_25 = arith.constant 507904 : i32
    %add3A_26 = arith.addi %mul3A_8, %add3A_25 : i32
    %multiple_of3A_27 = tpu.assume_multiple %add3A_26, 8 : i32
    %dma_wait3A = tpu.memref_slice %arg4[%multiple_of3A_24] : memref<16777216xi32, #tpu.memory_space<hbm>> -> memref<16384xi32, #tpu.memory_space<hbm>>
    %dma_wait3A_28 = tpu.memref_slice %arg4[%multiple_of3A_24] : memref<16777216xi32, #tpu.memory_space<hbm>> -> memref<16384xi32, #tpu.memory_space<hbm>>
    tpu.wait_dma2 semaphore(%arg14 : memref<!tpu.dma_semaphore, #tpu.memory_space<semaphore_mem>>) src(%arg8 : memref<16384xi32, #tpu.memory_space<vmem>>) dst(%dma_wait3A_28 : memref<16384xi32, #tpu.memory_space<hbm>>)
    %dma_wait3A_29 = tpu.memref_slice %arg4[%multiple_of3A_27] : memref<16777216xi32, #tpu.memory_space<hbm>> -> memref<16384xi32, #tpu.memory_space<hbm>>
    %dma_wait3A_30 = tpu.memref_slice %arg4[%multiple_of3A_27] : memref<16777216xi32, #tpu.memory_space<hbm>> -> memref<16384xi32, #tpu.memory_space<hbm>>
    tpu.wait_dma2 semaphore(%arg15 : memref<!tpu.dma_semaphore, #tpu.memory_space<semaphore_mem>>) src(%arg9 : memref<16384xi32, #tpu.memory_space<vmem>>) dst(%dma_wait3A_30 : memref<16384xi32, #tpu.memory_space<hbm>>)
    return
  }
}

module attributes {stable_mosaic.version = 14 : i64} {
  func.func @_hash_body(%arg0: i32, %arg1: memref<8x1024xf32, #tpu.memory_space<vmem>>, %arg2: memref<8x1024xf32, #tpu.memory_space<vmem>>, %arg3: memref<8x1024xf32, #tpu.memory_space<vmem>>, %arg4: memref<64x8x1024xi32, #tpu.memory_space<vmem>>, %arg5: memref<8x1024xf32, #tpu.memory_space<vmem>>) attributes {dimension_semantics = [#tpu.dimension_semantics<arbitrary>], iteration_bounds = array<i64: 32>, scalar_prefetch = 0 : i64, scratch_operands = 0 : i64, tpu.core_type = #tpu.core_type<tc>, window_params = [{transform_indices = @transform_0, window_bounds = array<i64: 8, 1024>}, {transform_indices = @transform_1, window_bounds = array<i64: 8, 1024>}, {transform_indices = @transform_2, window_bounds = array<i64: 8, 1024>}, {transform_indices = @transform_3, window_bounds = array<i64: 64, 8, 1024>}, {transform_indices = @transform_4, window_bounds = array<i64: 8, 1024>}]} {
    %get3A = arith.constant 0 : index
    %get3A_0 = arith.constant 0 : index
    %get3A_1 = vector.load %arg1[%get3A, %get3A_0] : memref<8x1024xf32, #tpu.memory_space<vmem>>, vector<8x1024xf32>
    %get3A_2 = arith.constant 0 : index
    %get3A_3 = arith.constant 0 : index
    %get3A_4 = vector.load %arg2[%get3A_2, %get3A_3] : memref<8x1024xf32, #tpu.memory_space<vmem>>, vector<8x1024xf32>
    %get3A_5 = arith.constant 0 : index
    %get3A_6 = arith.constant 0 : index
    %get3A_7 = vector.load %arg3[%get3A_5, %get3A_6] : memref<8x1024xf32, #tpu.memory_space<vmem>>, vector<8x1024xf32>
    %add3A = arith.constant 2.000000e+00 : f32
    %add3A_8 = vector.broadcast %add3A : f32 to vector<8x1024xf32>
    %add3A_9 = arith.addf %get3A_1, %add3A_8 : vector<8x1024xf32>
    %mul3A = arith.constant 2.500000e-01 : f32
    %mul3A_10 = vector.broadcast %mul3A : f32 to vector<8x1024xf32>
    %mul3A_11 = arith.mulf %add3A_9, %mul3A_10 : vector<8x1024xf32>
    %add3A_12 = arith.constant 2.000000e+00 : f32
    %add3A_13 = vector.broadcast %add3A_12 : f32 to vector<8x1024xf32>
    %add3A_14 = arith.addf %get3A_4, %add3A_13 : vector<8x1024xf32>
    %mul3A_15 = arith.constant 2.500000e-01 : f32
    %mul3A_16 = vector.broadcast %mul3A_15 : f32 to vector<8x1024xf32>
    %mul3A_17 = arith.mulf %add3A_14, %mul3A_16 : vector<8x1024xf32>
    %add3A_18 = arith.constant 2.000000e+00 : f32
    %add3A_19 = vector.broadcast %add3A_18 : f32 to vector<8x1024xf32>
    %add3A_20 = arith.addf %get3A_7, %add3A_19 : vector<8x1024xf32>
    %mul3A_21 = arith.constant 2.500000e-01 : f32
    %mul3A_22 = vector.broadcast %mul3A_21 : f32 to vector<8x1024xf32>
    %mul3A_23 = arith.mulf %add3A_20, %mul3A_22 : vector<8x1024xf32>
    %ge3A = arith.constant 0.000000e+00 : f32
    %ge3A_24 = vector.broadcast %ge3A : f32 to vector<8x1024xf32>
    %ge3A_25 = arith.cmpf oge, %mul3A_11, %ge3A_24 : vector<8x1024xf32>
    %le3A = arith.constant 1.000000e+00 : f32
    %le3A_26 = vector.broadcast %le3A : f32 to vector<8x1024xf32>
    %le3A_27 = arith.cmpf ole, %mul3A_11, %le3A_26 : vector<8x1024xf32>
    %and3A = arith.andi %ge3A_25, %le3A_27 : vector<8x1024xi1>
    %ge3A_28 = arith.constant 0.000000e+00 : f32
    %ge3A_29 = vector.broadcast %ge3A_28 : f32 to vector<8x1024xf32>
    %ge3A_30 = arith.cmpf oge, %mul3A_17, %ge3A_29 : vector<8x1024xf32>
    %and3A_31 = arith.andi %and3A, %ge3A_30 : vector<8x1024xi1>
    %le3A_32 = arith.constant 1.000000e+00 : f32
    %le3A_33 = vector.broadcast %le3A_32 : f32 to vector<8x1024xf32>
    %le3A_34 = arith.cmpf ole, %mul3A_17, %le3A_33 : vector<8x1024xf32>
    %and3A_35 = arith.andi %and3A_31, %le3A_34 : vector<8x1024xi1>
    %ge3A_36 = arith.constant 0.000000e+00 : f32
    %ge3A_37 = vector.broadcast %ge3A_36 : f32 to vector<8x1024xf32>
    %ge3A_38 = arith.cmpf oge, %mul3A_23, %ge3A_37 : vector<8x1024xf32>
    %and3A_39 = arith.andi %and3A_35, %ge3A_38 : vector<8x1024xi1>
    %le3A_40 = arith.constant 1.000000e+00 : f32
    %le3A_41 = vector.broadcast %le3A_40 : f32 to vector<8x1024xf32>
    %le3A_42 = arith.cmpf ole, %mul3A_23, %le3A_41 : vector<8x1024xf32>
    %and3A_43 = arith.andi %and3A_39, %le3A_42 : vector<8x1024xi1>
    %convert_element_type3A = arith.extui %and3A_43 : vector<8x1024xi1> to vector<8x1024xi32>
    %convert_element_type3A_44 = arith.sitofp %convert_element_type3A : vector<8x1024xi32> to vector<8x1024xf32>
    %mul3A_45 = arith.mulf %mul3A_11, %convert_element_type3A_44 : vector<8x1024xf32>
    %mul3A_46 = arith.mulf %mul3A_17, %convert_element_type3A_44 : vector<8x1024xf32>
    %mul3A_47 = arith.mulf %mul3A_23, %convert_element_type3A_44 : vector<8x1024xf32>
    %mul3A_48 = arith.constant 1.600000e+01 : f32
    %mul3A_49 = vector.broadcast %mul3A_48 : f32 to vector<8x1024xf32>
    %mul3A_50 = arith.mulf %mul3A_45, %mul3A_49 : vector<8x1024xf32>
    %floor3A = math.floor %mul3A_50 : vector<8x1024xf32>
    %convert_element_type3A_51 = arith.fptosi %floor3A : vector<8x1024xf32> to vector<8x1024xi32>
    %mul3A_52 = arith.constant 1.600000e+01 : f32
    %mul3A_53 = vector.broadcast %mul3A_52 : f32 to vector<8x1024xf32>
    %mul3A_54 = arith.mulf %mul3A_46, %mul3A_53 : vector<8x1024xf32>
    %floor3A_55 = math.floor %mul3A_54 : vector<8x1024xf32>
    %convert_element_type3A_56 = arith.fptosi %floor3A_55 : vector<8x1024xf32> to vector<8x1024xi32>
    %mul3A_57 = arith.constant 1.600000e+01 : f32
    %mul3A_58 = vector.broadcast %mul3A_57 : f32 to vector<8x1024xf32>
    %mul3A_59 = arith.mulf %mul3A_47, %mul3A_58 : vector<8x1024xf32>
    %floor3A_60 = math.floor %mul3A_59 : vector<8x1024xf32>
    %convert_element_type3A_61 = arith.fptosi %floor3A_60 : vector<8x1024xf32> to vector<8x1024xi32>
    %add3A_62 = arith.constant 1 : i32
    %add3A_63 = vector.broadcast %add3A_62 : i32 to vector<8x1024xi32>
    %add3A_64 = arith.addi %convert_element_type3A_51, %add3A_63 : vector<8x1024xi32>
    %mul3A_65 = arith.constant -1640531535 : i32
    %mul3A_66 = vector.broadcast %mul3A_65 : i32 to vector<8x1024xi32>
    %mul3A_67 = arith.muli %convert_element_type3A_56, %mul3A_66 : vector<8x1024xi32>
    %add3A_68 = arith.constant -1640531535 : i32
    %add3A_69 = vector.broadcast %add3A_68 : i32 to vector<8x1024xi32>
    %add3A_70 = arith.addi %mul3A_67, %add3A_69 : vector<8x1024xi32>
    %mul3A_71 = arith.constant 805459861 : i32
    %mul3A_72 = vector.broadcast %mul3A_71 : i32 to vector<8x1024xi32>
    %mul3A_73 = arith.muli %convert_element_type3A_61, %mul3A_72 : vector<8x1024xi32>
    %add3A_74 = arith.constant 805459861 : i32
    %add3A_75 = vector.broadcast %add3A_74 : i32 to vector<8x1024xi32>
    %add3A_76 = arith.addi %mul3A_73, %add3A_75 : vector<8x1024xi32>
    %xor3A = arith.xori %convert_element_type3A_51, %mul3A_67 : vector<8x1024xi32>
    %xor3A_77 = arith.xori %xor3A, %mul3A_73 : vector<8x1024xi32>
    %and3A_78 = arith.constant 262143 : i32
    %and3A_79 = vector.broadcast %and3A_78 : i32 to vector<8x1024xi32>
    %and3A_80 = arith.andi %xor3A_77, %and3A_79 : vector<8x1024xi32>
    %or3A = arith.constant 0 : i32
    %or3A_81 = vector.broadcast %or3A : i32 to vector<8x1024xi32>
    %or3A_82 = arith.ori %and3A_80, %or3A_81 : vector<8x1024xi32>
    %swap3A = arith.constant 0 : index
    %swap3A_83 = arith.constant 0 : index
    %swap3A_84 = arith.constant 0 : index
    %swap3A_85 = vector.load %arg4[%swap3A, %swap3A_83, %swap3A_84] : memref<64x8x1024xi32, #tpu.memory_space<vmem>>, vector<1x8x1024xi32>
    %swap3A_86 = vector.shape_cast %swap3A_85 : vector<1x8x1024xi32> to vector<8x1024xi32>
    %swap3A_87 = vector.shape_cast %or3A_82 : vector<8x1024xi32> to vector<1x8x1024xi32>
    tpu.vector_store %arg4[%swap3A, %swap3A_83, %swap3A_84], %swap3A_87 {strides = array<i32>} : memref<64x8x1024xi32, #tpu.memory_space<vmem>>, vector<1x8x1024xi32>,
    %xor3A_88 = arith.xori %add3A_64, %mul3A_67 : vector<8x1024xi32>
    %xor3A_89 = arith.xori %xor3A_88, %mul3A_73 : vector<8x1024xi32>
    %and3A_90 = arith.constant 262143 : i32
    %and3A_91 = vector.broadcast %and3A_90 : i32 to vector<8x1024xi32>
    %and3A_92 = arith.andi %xor3A_89, %and3A_91 : vector<8x1024xi32>
    %or3A_93 = arith.constant 0 : i32
    %or3A_94 = vector.broadcast %or3A_93 : i32 to vector<8x1024xi32>
    %or3A_95 = arith.ori %and3A_92, %or3A_94 : vector<8x1024xi32>
    %swap3A_96 = arith.constant 1 : index
    %swap3A_97 = arith.constant 0 : index
    %swap3A_98 = arith.constant 0 : index
    %swap3A_99 = vector.load %arg4[%swap3A_96, %swap3A_97, %swap3A_98] : memref<64x8x1024xi32, #tpu.memory_space<vmem>>, vector<1x8x1024xi32>
    %swap3A_100 = vector.shape_cast %swap3A_99 : vector<1x8x1024xi32> to vector<8x1024xi32>
    %swap3A_101 = vector.shape_cast %or3A_95 : vector<8x1024xi32> to vector<1x8x1024xi32>
    tpu.vector_store %arg4[%swap3A_96, %swap3A_97, %swap3A_98], %swap3A_101 {strides = array<i32>} : memref<64x8x1024xi32, #tpu.memory_space<vmem>>, vector<1x8x1024xi32>,
    %xor3A_102 = arith.xori %convert_element_type3A_51, %add3A_70 : vector<8x1024xi32>
    %xor3A_103 = arith.xori %xor3A_102, %mul3A_73 : vector<8x1024xi32>
    %and3A_104 = arith.constant 262143 : i32
    %and3A_105 = vector.broadcast %and3A_104 : i32 to vector<8x1024xi32>
    %and3A_106 = arith.andi %xor3A_103, %and3A_105 : vector<8x1024xi32>
    %or3A_107 = arith.constant 0 : i32
    %or3A_108 = vector.broadcast %or3A_107 : i32 to vector<8x1024xi32>
    %or3A_109 = arith.ori %and3A_106, %or3A_108 : vector<8x1024xi32>
    %swap3A_110 = arith.constant 2 : index
    %swap3A_111 = arith.constant 0 : index
    %swap3A_112 = arith.constant 0 : index
    %swap3A_113 = vector.load %arg4[%swap3A_110, %swap3A_111, %swap3A_112] : memref<64x8x1024xi32, #tpu.memory_space<vmem>>, vector<1x8x1024xi32>
    %swap3A_114 = vector.shape_cast %swap3A_113 : vector<1x8x1024xi32> to vector<8x1024xi32>
    %swap3A_115 = vector.shape_cast %or3A_109 : vector<8x1024xi32> to vector<1x8x1024xi32>
    tpu.vector_store %arg4[%swap3A_110, %swap3A_111, %swap3A_112], %swap3A_115 {strides = array<i32>} : memref<64x8x1024xi32, #tpu.memory_space<vmem>>, vector<1x8x1024xi32>,
    %xor3A_116 = arith.xori %add3A_64, %add3A_70 : vector<8x1024xi32>
    %xor3A_117 = arith.xori %xor3A_116, %mul3A_73 : vector<8x1024xi32>
    %and3A_118 = arith.constant 262143 : i32
    %and3A_119 = vector.broadcast %and3A_118 : i32 to vector<8x1024xi32>
    %and3A_120 = arith.andi %xor3A_117, %and3A_119 : vector<8x1024xi32>
    %or3A_121 = arith.constant 0 : i32
    %or3A_122 = vector.broadcast %or3A_121 : i32 to vector<8x1024xi32>
    %or3A_123 = arith.ori %and3A_120, %or3A_122 : vector<8x1024xi32>
    %swap3A_124 = arith.constant 3 : index
    %swap3A_125 = arith.constant 0 : index
    %swap3A_126 = arith.constant 0 : index
    %swap3A_127 = vector.load %arg4[%swap3A_124, %swap3A_125, %swap3A_126] : memref<64x8x1024xi32, #tpu.memory_space<vmem>>, vector<1x8x1024xi32>
    %swap3A_128 = vector.shape_cast %swap3A_127 : vector<1x8x1024xi32> to vector<8x1024xi32>
    %swap3A_129 = vector.shape_cast %or3A_123 : vector<8x1024xi32> to vector<1x8x1024xi32>
    tpu.vector_store %arg4[%swap3A_124, %swap3A_125, %swap3A_126], %swap3A_129 {strides = array<i32>} : memref<64x8x1024xi32, #tpu.memory_space<vmem>>, vector<1x8x1024xi32>,
    %xor3A_130 = arith.xori %convert_element_type3A_51, %mul3A_67 : vector<8x1024xi32>
    %xor3A_131 = arith.xori %xor3A_130, %add3A_76 : vector<8x1024xi32>
    %and3A_132 = arith.constant 262143 : i32
    %and3A_133 = vector.broadcast %and3A_132 : i32 to vector<8x1024xi32>
    %and3A_134 = arith.andi %xor3A_131, %and3A_133 : vector<8x1024xi32>
    %or3A_135 = arith.constant 0 : i32
    %or3A_136 = vector.broadcast %or3A_135 : i32 to vector<8x1024xi32>
    %or3A_137 = arith.ori %and3A_134, %or3A_136 : vector<8x1024xi32>
    %swap3A_138 = arith.constant 4 : index
    %swap3A_139 = arith.constant 0 : index
    %swap3A_140 = arith.constant 0 : index
    %swap3A_141 = vector.load %arg4[%swap3A_138, %swap3A_139, %swap3A_140] : memref<64x8x1024xi32, #tpu.memory_space<vmem>>, vector<1x8x1024xi32>
    %swap3A_142 = vector.shape_cast %swap3A_141 : vector<1x8x1024xi32> to vector<8x1024xi32>
    %swap3A_143 = vector.shape_cast %or3A_137 : vector<8x1024xi32> to vector<1x8x1024xi32>
    tpu.vector_store %arg4[%swap3A_138, %swap3A_139, %swap3A_140], %swap3A_143 {strides = array<i32>} : memref<64x8x1024xi32, #tpu.memory_space<vmem>>, vector<1x8x1024xi32>,
    %xor3A_144 = arith.xori %add3A_64, %mul3A_67 : vector<8x1024xi32>
    %xor3A_145 = arith.xori %xor3A_144, %add3A_76 : vector<8x1024xi32>
    %and3A_146 = arith.constant 262143 : i32
    %and3A_147 = vector.broadcast %and3A_146 : i32 to vector<8x1024xi32>
    %and3A_148 = arith.andi %xor3A_145, %and3A_147 : vector<8x1024xi32>
    %or3A_149 = arith.constant 0 : i32
    %or3A_150 = vector.broadcast %or3A_149 : i32 to vector<8x1024xi32>
    %or3A_151 = arith.ori %and3A_148, %or3A_150 : vector<8x1024xi32>
    %swap3A_152 = arith.constant 5 : index
    %swap3A_153 = arith.constant 0 : index
    %swap3A_154 = arith.constant 0 : index
    %swap3A_155 = vector.load %arg4[%swap3A_152, %swap3A_153, %swap3A_154] : memref<64x8x1024xi32, #tpu.memory_space<vmem>>, vector<1x8x1024xi32>
    %swap3A_156 = vector.shape_cast %swap3A_155 : vector<1x8x1024xi32> to vector<8x1024xi32>
    %swap3A_157 = vector.shape_cast %or3A_151 : vector<8x1024xi32> to vector<1x8x1024xi32>
    tpu.vector_store %arg4[%swap3A_152, %swap3A_153, %swap3A_154], %swap3A_157 {strides = array<i32>} : memref<64x8x1024xi32, #tpu.memory_space<vmem>>, vector<1x8x1024xi32>,
    %xor3A_158 = arith.xori %convert_element_type3A_51, %add3A_70 : vector<8x1024xi32>
    %xor3A_159 = arith.xori %xor3A_158, %add3A_76 : vector<8x1024xi32>
    %and3A_160 = arith.constant 262143 : i32
    %and3A_161 = vector.broadcast %and3A_160 : i32 to vector<8x1024xi32>
    %and3A_162 = arith.andi %xor3A_159, %and3A_161 : vector<8x1024xi32>
    %or3A_163 = arith.constant 0 : i32
    %or3A_164 = vector.broadcast %or3A_163 : i32 to vector<8x1024xi32>
    %or3A_165 = arith.ori %and3A_162, %or3A_164 : vector<8x1024xi32>
    %swap3A_166 = arith.constant 6 : index
    %swap3A_167 = arith.constant 0 : index
    %swap3A_168 = arith.constant 0 : index
    %swap3A_169 = vector.load %arg4[%swap3A_166, %swap3A_167, %swap3A_168] : memref<64x8x1024xi32, #tpu.memory_space<vmem>>, vector<1x8x1024xi32>
    %swap3A_170 = vector.shape_cast %swap3A_169 : vector<1x8x1024xi32> to vector<8x1024xi32>
    %swap3A_171 = vector.shape_cast %or3A_165 : vector<8x1024xi32> to vector<1x8x1024xi32>
    tpu.vector_store %arg4[%swap3A_166, %swap3A_167, %swap3A_168], %swap3A_171 {strides = array<i32>} : memref<64x8x1024xi32, #tpu.memory_space<vmem>>, vector<1x8x1024xi32>,
    %xor3A_172 = arith.xori %add3A_64, %add3A_70 : vector<8x1024xi32>
    %xor3A_173 = arith.xori %xor3A_172, %add3A_76 : vector<8x1024xi32>
    %and3A_174 = arith.constant 262143 : i32
    %and3A_175 = vector.broadcast %and3A_174 : i32 to vector<8x1024xi32>
    %and3A_176 = arith.andi %xor3A_173, %and3A_175 : vector<8x1024xi32>
    %or3A_177 = arith.constant 0 : i32
    %or3A_178 = vector.broadcast %or3A_177 : i32 to vector<8x1024xi32>
    %or3A_179 = arith.ori %and3A_176, %or3A_178 : vector<8x1024xi32>
    %swap3A_180 = arith.constant 7 : index
    %swap3A_181 = arith.constant 0 : index
    %swap3A_182 = arith.constant 0 : index
    %swap3A_183 = vector.load %arg4[%swap3A_180, %swap3A_181, %swap3A_182] : memref<64x8x1024xi32, #tpu.memory_space<vmem>>, vector<1x8x1024xi32>
    %swap3A_184 = vector.shape_cast %swap3A_183 : vector<1x8x1024xi32> to vector<8x1024xi32>
    %swap3A_185 = vector.shape_cast %or3A_179 : vector<8x1024xi32> to vector<1x8x1024xi32>
    tpu.vector_store %arg4[%swap3A_180, %swap3A_181, %swap3A_182], %swap3A_185 {strides = array<i32>} : memref<64x8x1024xi32, #tpu.memory_space<vmem>>, vector<1x8x1024xi32>,
    %mul3A_186 = arith.constant 2.800000e+01 : f32
    %mul3A_187 = vector.broadcast %mul3A_186 : f32 to vector<8x1024xf32>
    %mul3A_188 = arith.mulf %mul3A_45, %mul3A_187 : vector<8x1024xf32>
    %floor3A_189 = math.floor %mul3A_188 : vector<8x1024xf32>
    %convert_element_type3A_190 = arith.fptosi %floor3A_189 : vector<8x1024xf32> to vector<8x1024xi32>
    %mul3A_191 = arith.constant 2.800000e+01 : f32
    %mul3A_192 = vector.broadcast %mul3A_191 : f32 to vector<8x1024xf32>
    %mul3A_193 = arith.mulf %mul3A_46, %mul3A_192 : vector<8x1024xf32>
    %floor3A_194 = math.floor %mul3A_193 : vector<8x1024xf32>
    %convert_element_type3A_195 = arith.fptosi %floor3A_194 : vector<8x1024xf32> to vector<8x1024xi32>
    %mul3A_196 = arith.constant 2.800000e+01 : f32
    %mul3A_197 = vector.broadcast %mul3A_196 : f32 to vector<8x1024xf32>
    %mul3A_198 = arith.mulf %mul3A_47, %mul3A_197 : vector<8x1024xf32>
    %floor3A_199 = math.floor %mul3A_198 : vector<8x1024xf32>
    %convert_element_type3A_200 = arith.fptosi %floor3A_199 : vector<8x1024xf32> to vector<8x1024xi32>
    %add3A_201 = arith.constant 1 : i32
    %add3A_202 = vector.broadcast %add3A_201 : i32 to vector<8x1024xi32>
    %add3A_203 = arith.addi %convert_element_type3A_190, %add3A_202 : vector<8x1024xi32>
    %mul3A_204 = arith.constant -1640531535 : i32
    %mul3A_205 = vector.broadcast %mul3A_204 : i32 to vector<8x1024xi32>
    %mul3A_206 = arith.muli %convert_element_type3A_195, %mul3A_205 : vector<8x1024xi32>
    %add3A_207 = arith.constant -1640531535 : i32
    %add3A_208 = vector.broadcast %add3A_207 : i32 to vector<8x1024xi32>
    %add3A_209 = arith.addi %mul3A_206, %add3A_208 : vector<8x1024xi32>
    %mul3A_210 = arith.constant 805459861 : i32
    %mul3A_211 = vector.broadcast %mul3A_210 : i32 to vector<8x1024xi32>
    %mul3A_212 = arith.muli %convert_element_type3A_200, %mul3A_211 : vector<8x1024xi32>
    %add3A_213 = arith.constant 805459861 : i32
    %add3A_214 = vector.broadcast %add3A_213 : i32 to vector<8x1024xi32>
    %add3A_215 = arith.addi %mul3A_212, %add3A_214 : vector<8x1024xi32>
    %xor3A_216 = arith.xori %convert_element_type3A_190, %mul3A_206 : vector<8x1024xi32>
    %xor3A_217 = arith.xori %xor3A_216, %mul3A_212 : vector<8x1024xi32>
    %and3A_218 = arith.constant 262143 : i32
    %and3A_219 = vector.broadcast %and3A_218 : i32 to vector<8x1024xi32>
    %and3A_220 = arith.andi %xor3A_217, %and3A_219 : vector<8x1024xi32>
    %or3A_221 = arith.constant 262144 : i32
    %or3A_222 = vector.broadcast %or3A_221 : i32 to vector<8x1024xi32>
    %or3A_223 = arith.ori %and3A_220, %or3A_222 : vector<8x1024xi32>
    %swap3A_224 = arith.constant 8 : index
    %swap3A_225 = arith.constant 0 : index
    %swap3A_226 = arith.constant 0 : index
    %swap3A_227 = vector.load %arg4[%swap3A_224, %swap3A_225, %swap3A_226] : memref<64x8x1024xi32, #tpu.memory_space<vmem>>, vector<1x8x1024xi32>
    %swap3A_228 = vector.shape_cast %swap3A_227 : vector<1x8x1024xi32> to vector<8x1024xi32>
    %swap3A_229 = vector.shape_cast %or3A_223 : vector<8x1024xi32> to vector<1x8x1024xi32>
    tpu.vector_store %arg4[%swap3A_224, %swap3A_225, %swap3A_226], %swap3A_229 {strides = array<i32>} : memref<64x8x1024xi32, #tpu.memory_space<vmem>>, vector<1x8x1024xi32>,
    %xor3A_230 = arith.xori %add3A_203, %mul3A_206 : vector<8x1024xi32>
    %xor3A_231 = arith.xori %xor3A_230, %mul3A_212 : vector<8x1024xi32>
    %and3A_232 = arith.constant 262143 : i32
    %and3A_233 = vector.broadcast %and3A_232 : i32 to vector<8x1024xi32>
    %and3A_234 = arith.andi %xor3A_231, %and3A_233 : vector<8x1024xi32>
    %or3A_235 = arith.constant 262144 : i32
    %or3A_236 = vector.broadcast %or3A_235 : i32 to vector<8x1024xi32>
    %or3A_237 = arith.ori %and3A_234, %or3A_236 : vector<8x1024xi32>
    %swap3A_238 = arith.constant 9 : index
    %swap3A_239 = arith.constant 0 : index
    %swap3A_240 = arith.constant 0 : index
    %swap3A_241 = vector.load %arg4[%swap3A_238, %swap3A_239, %swap3A_240] : memref<64x8x1024xi32, #tpu.memory_space<vmem>>, vector<1x8x1024xi32>
    %swap3A_242 = vector.shape_cast %swap3A_241 : vector<1x8x1024xi32> to vector<8x1024xi32>
    %swap3A_243 = vector.shape_cast %or3A_237 : vector<8x1024xi32> to vector<1x8x1024xi32>
    tpu.vector_store %arg4[%swap3A_238, %swap3A_239, %swap3A_240], %swap3A_243 {strides = array<i32>} : memref<64x8x1024xi32, #tpu.memory_space<vmem>>, vector<1x8x1024xi32>,
    %xor3A_244 = arith.xori %convert_element_type3A_190, %add3A_209 : vector<8x1024xi32>
    %xor3A_245 = arith.xori %xor3A_244, %mul3A_212 : vector<8x1024xi32>
    %and3A_246 = arith.constant 262143 : i32
    %and3A_247 = vector.broadcast %and3A_246 : i32 to vector<8x1024xi32>
    %and3A_248 = arith.andi %xor3A_245, %and3A_247 : vector<8x1024xi32>
    %or3A_249 = arith.constant 262144 : i32
    %or3A_250 = vector.broadcast %or3A_249 : i32 to vector<8x1024xi32>
    %or3A_251 = arith.ori %and3A_248, %or3A_250 : vector<8x1024xi32>
    %swap3A_252 = arith.constant 10 : index
    %swap3A_253 = arith.constant 0 : index
    %swap3A_254 = arith.constant 0 : index
    %swap3A_255 = vector.load %arg4[%swap3A_252, %swap3A_253, %swap3A_254] : memref<64x8x1024xi32, #tpu.memory_space<vmem>>, vector<1x8x1024xi32>
    %swap3A_256 = vector.shape_cast %swap3A_255 : vector<1x8x1024xi32> to vector<8x1024xi32>
    %swap3A_257 = vector.shape_cast %or3A_251 : vector<8x1024xi32> to vector<1x8x1024xi32>
    tpu.vector_store %arg4[%swap3A_252, %swap3A_253, %swap3A_254], %swap3A_257 {strides = array<i32>} : memref<64x8x1024xi32, #tpu.memory_space<vmem>>, vector<1x8x1024xi32>,
    %xor3A_258 = arith.xori %add3A_203, %add3A_209 : vector<8x1024xi32>
    %xor3A_259 = arith.xori %xor3A_258, %mul3A_212 : vector<8x1024xi32>
    %and3A_260 = arith.constant 262143 : i32
    %and3A_261 = vector.broadcast %and3A_260 : i32 to vector<8x1024xi32>
    %and3A_262 = arith.andi %xor3A_259, %and3A_261 : vector<8x1024xi32>
    %or3A_263 = arith.constant 262144 : i32
    %or3A_264 = vector.broadcast %or3A_263 : i32 to vector<8x1024xi32>
    %or3A_265 = arith.ori %and3A_262, %or3A_264 : vector<8x1024xi32>
    %swap3A_266 = arith.constant 11 : index
    %swap3A_267 = arith.constant 0 : index
    %swap3A_268 = arith.constant 0 : index
    %swap3A_269 = vector.load %arg4[%swap3A_266, %swap3A_267, %swap3A_268] : memref<64x8x1024xi32, #tpu.memory_space<vmem>>, vector<1x8x1024xi32>
    %swap3A_270 = vector.shape_cast %swap3A_269 : vector<1x8x1024xi32> to vector<8x1024xi32>
    %swap3A_271 = vector.shape_cast %or3A_265 : vector<8x1024xi32> to vector<1x8x1024xi32>
    tpu.vector_store %arg4[%swap3A_266, %swap3A_267, %swap3A_268], %swap3A_271 {strides = array<i32>} : memref<64x8x1024xi32, #tpu.memory_space<vmem>>, vector<1x8x1024xi32>,
    %xor3A_272 = arith.xori %convert_element_type3A_190, %mul3A_206 : vector<8x1024xi32>
    %xor3A_273 = arith.xori %xor3A_272, %add3A_215 : vector<8x1024xi32>
    %and3A_274 = arith.constant 262143 : i32
    %and3A_275 = vector.broadcast %and3A_274 : i32 to vector<8x1024xi32>
    %and3A_276 = arith.andi %xor3A_273, %and3A_275 : vector<8x1024xi32>
    %or3A_277 = arith.constant 262144 : i32
    %or3A_278 = vector.broadcast %or3A_277 : i32 to vector<8x1024xi32>
    %or3A_279 = arith.ori %and3A_276, %or3A_278 : vector<8x1024xi32>
    %swap3A_280 = arith.constant 12 : index
    %swap3A_281 = arith.constant 0 : index
    %swap3A_282 = arith.constant 0 : index
    %swap3A_283 = vector.load %arg4[%swap3A_280, %swap3A_281, %swap3A_282] : memref<64x8x1024xi32, #tpu.memory_space<vmem>>, vector<1x8x1024xi32>
    %swap3A_284 = vector.shape_cast %swap3A_283 : vector<1x8x1024xi32> to vector<8x1024xi32>
    %swap3A_285 = vector.shape_cast %or3A_279 : vector<8x1024xi32> to vector<1x8x1024xi32>
    tpu.vector_store %arg4[%swap3A_280, %swap3A_281, %swap3A_282], %swap3A_285 {strides = array<i32>} : memref<64x8x1024xi32, #tpu.memory_space<vmem>>, vector<1x8x1024xi32>,
    %xor3A_286 = arith.xori %add3A_203, %mul3A_206 : vector<8x1024xi32>
    %xor3A_287 = arith.xori %xor3A_286, %add3A_215 : vector<8x1024xi32>
    %and3A_288 = arith.constant 262143 : i32
    %and3A_289 = vector.broadcast %and3A_288 : i32 to vector<8x1024xi32>
    %and3A_290 = arith.andi %xor3A_287, %and3A_289 : vector<8x1024xi32>
    %or3A_291 = arith.constant 262144 : i32
    %or3A_292 = vector.broadcast %or3A_291 : i32 to vector<8x1024xi32>
    %or3A_293 = arith.ori %and3A_290, %or3A_292 : vector<8x1024xi32>
    %swap3A_294 = arith.constant 13 : index
    %swap3A_295 = arith.constant 0 : index
    %swap3A_296 = arith.constant 0 : index
    %swap3A_297 = vector.load %arg4[%swap3A_294, %swap3A_295, %swap3A_296] : memref<64x8x1024xi32, #tpu.memory_space<vmem>>, vector<1x8x1024xi32>
    %swap3A_298 = vector.shape_cast %swap3A_297 : vector<1x8x1024xi32> to vector<8x1024xi32>
    %swap3A_299 = vector.shape_cast %or3A_293 : vector<8x1024xi32> to vector<1x8x1024xi32>
    tpu.vector_store %arg4[%swap3A_294, %swap3A_295, %swap3A_296], %swap3A_299 {strides = array<i32>} : memref<64x8x1024xi32, #tpu.memory_space<vmem>>, vector<1x8x1024xi32>,
    %xor3A_300 = arith.xori %convert_element_type3A_190, %add3A_209 : vector<8x1024xi32>
    %xor3A_301 = arith.xori %xor3A_300, %add3A_215 : vector<8x1024xi32>
    %and3A_302 = arith.constant 262143 : i32
    %and3A_303 = vector.broadcast %and3A_302 : i32 to vector<8x1024xi32>
    %and3A_304 = arith.andi %xor3A_301, %and3A_303 : vector<8x1024xi32>
    %or3A_305 = arith.constant 262144 : i32
    %or3A_306 = vector.broadcast %or3A_305 : i32 to vector<8x1024xi32>
    %or3A_307 = arith.ori %and3A_304, %or3A_306 : vector<8x1024xi32>
    %swap3A_308 = arith.constant 14 : index
    %swap3A_309 = arith.constant 0 : index
    %swap3A_310 = arith.constant 0 : index
    %swap3A_311 = vector.load %arg4[%swap3A_308, %swap3A_309, %swap3A_310] : memref<64x8x1024xi32, #tpu.memory_space<vmem>>, vector<1x8x1024xi32>
    %swap3A_312 = vector.shape_cast %swap3A_311 : vector<1x8x1024xi32> to vector<8x1024xi32>
    %swap3A_313 = vector.shape_cast %or3A_307 : vector<8x1024xi32> to vector<1x8x1024xi32>
    tpu.vector_store %arg4[%swap3A_308, %swap3A_309, %swap3A_310], %swap3A_313 {strides = array<i32>} : memref<64x8x1024xi32, #tpu.memory_space<vmem>>, vector<1x8x1024xi32>,
    %xor3A_314 = arith.xori %add3A_203, %add3A_209 : vector<8x1024xi32>
    %xor3A_315 = arith.xori %xor3A_314, %add3A_215 : vector<8x1024xi32>
    %and3A_316 = arith.constant 262143 : i32
    %and3A_317 = vector.broadcast %and3A_316 : i32 to vector<8x1024xi32>
    %and3A_318 = arith.andi %xor3A_315, %and3A_317 : vector<8x1024xi32>
    %or3A_319 = arith.constant 262144 : i32
    %or3A_320 = vector.broadcast %or3A_319 : i32 to vector<8x1024xi32>
    %or3A_321 = arith.ori %and3A_318, %or3A_320 : vector<8x1024xi32>
    %swap3A_322 = arith.constant 15 : index
    %swap3A_323 = arith.constant 0 : index
    %swap3A_324 = arith.constant 0 : index
    %swap3A_325 = vector.load %arg4[%swap3A_322, %swap3A_323, %swap3A_324] : memref<64x8x1024xi32, #tpu.memory_space<vmem>>, vector<1x8x1024xi32>
    %swap3A_326 = vector.shape_cast %swap3A_325 : vector<1x8x1024xi32> to vector<8x1024xi32>
    %swap3A_327 = vector.shape_cast %or3A_321 : vector<8x1024xi32> to vector<1x8x1024xi32>
    tpu.vector_store %arg4[%swap3A_322, %swap3A_323, %swap3A_324], %swap3A_327 {strides = array<i32>} : memref<64x8x1024xi32, #tpu.memory_space<vmem>>, vector<1x8x1024xi32>,
    %mul3A_328 = arith.constant 5.200000e+01 : f32
    %mul3A_329 = vector.broadcast %mul3A_328 : f32 to vector<8x1024xf32>
    %mul3A_330 = arith.mulf %mul3A_45, %mul3A_329 : vector<8x1024xf32>
    %floor3A_331 = math.floor %mul3A_330 : vector<8x1024xf32>
    %convert_element_type3A_332 = arith.fptosi %floor3A_331 : vector<8x1024xf32> to vector<8x1024xi32>
    %mul3A_333 = arith.constant 5.200000e+01 : f32
    %mul3A_334 = vector.broadcast %mul3A_333 : f32 to vector<8x1024xf32>
    %mul3A_335 = arith.mulf %mul3A_46, %mul3A_334 : vector<8x1024xf32>
    %floor3A_336 = math.floor %mul3A_335 : vector<8x1024xf32>
    %convert_element_type3A_337 = arith.fptosi %floor3A_336 : vector<8x1024xf32> to vector<8x1024xi32>
    %mul3A_338 = arith.constant 5.200000e+01 : f32
    %mul3A_339 = vector.broadcast %mul3A_338 : f32 to vector<8x1024xf32>
    %mul3A_340 = arith.mulf %mul3A_47, %mul3A_339 : vector<8x1024xf32>
    %floor3A_341 = math.floor %mul3A_340 : vector<8x1024xf32>
    %convert_element_type3A_342 = arith.fptosi %floor3A_341 : vector<8x1024xf32> to vector<8x1024xi32>
    %add3A_343 = arith.constant 1 : i32
    %add3A_344 = vector.broadcast %add3A_343 : i32 to vector<8x1024xi32>
    %add3A_345 = arith.addi %convert_element_type3A_332, %add3A_344 : vector<8x1024xi32>
    %mul3A_346 = arith.constant -1640531535 : i32
    %mul3A_347 = vector.broadcast %mul3A_346 : i32 to vector<8x1024xi32>
    %mul3A_348 = arith.muli %convert_element_type3A_337, %mul3A_347 : vector<8x1024xi32>
    %add3A_349 = arith.constant -1640531535 : i32
    %add3A_350 = vector.broadcast %add3A_349 : i32 to vector<8x1024xi32>
    %add3A_351 = arith.addi %mul3A_348, %add3A_350 : vector<8x1024xi32>
    %mul3A_352 = arith.constant 805459861 : i32
    %mul3A_353 = vector.broadcast %mul3A_352 : i32 to vector<8x1024xi32>
    %mul3A_354 = arith.muli %convert_element_type3A_342, %mul3A_353 : vector<8x1024xi32>
    %add3A_355 = arith.constant 805459861 : i32
    %add3A_356 = vector.broadcast %add3A_355 : i32 to vector<8x1024xi32>
    %add3A_357 = arith.addi %mul3A_354, %add3A_356 : vector<8x1024xi32>
    %xor3A_358 = arith.xori %convert_element_type3A_332, %mul3A_348 : vector<8x1024xi32>
    %xor3A_359 = arith.xori %xor3A_358, %mul3A_354 : vector<8x1024xi32>
    %and3A_360 = arith.constant 262143 : i32
    %and3A_361 = vector.broadcast %and3A_360 : i32 to vector<8x1024xi32>
    %and3A_362 = arith.andi %xor3A_359, %and3A_361 : vector<8x1024xi32>
    %or3A_363 = arith.constant 524288 : i32
    %or3A_364 = vector.broadcast %or3A_363 : i32 to vector<8x1024xi32>
    %or3A_365 = arith.ori %and3A_362, %or3A_364 : vector<8x1024xi32>
    %swap3A_366 = arith.constant 16 : index
    %swap3A_367 = arith.constant 0 : index
    %swap3A_368 = arith.constant 0 : index
    %swap3A_369 = vector.load %arg4[%swap3A_366, %swap3A_367, %swap3A_368] : memref<64x8x1024xi32, #tpu.memory_space<vmem>>, vector<1x8x1024xi32>
    %swap3A_370 = vector.shape_cast %swap3A_369 : vector<1x8x1024xi32> to vector<8x1024xi32>
    %swap3A_371 = vector.shape_cast %or3A_365 : vector<8x1024xi32> to vector<1x8x1024xi32>
    tpu.vector_store %arg4[%swap3A_366, %swap3A_367, %swap3A_368], %swap3A_371 {strides = array<i32>} : memref<64x8x1024xi32, #tpu.memory_space<vmem>>, vector<1x8x1024xi32>,
    %xor3A_372 = arith.xori %add3A_345, %mul3A_348 : vector<8x1024xi32>
    %xor3A_373 = arith.xori %xor3A_372, %mul3A_354 : vector<8x1024xi32>
    %and3A_374 = arith.constant 262143 : i32
    %and3A_375 = vector.broadcast %and3A_374 : i32 to vector<8x1024xi32>
    %and3A_376 = arith.andi %xor3A_373, %and3A_375 : vector<8x1024xi32>
    %or3A_377 = arith.constant 524288 : i32
    %or3A_378 = vector.broadcast %or3A_377 : i32 to vector<8x1024xi32>
    %or3A_379 = arith.ori %and3A_376, %or3A_378 : vector<8x1024xi32>
    %swap3A_380 = arith.constant 17 : index
    %swap3A_381 = arith.constant 0 : index
    %swap3A_382 = arith.constant 0 : index
    %swap3A_383 = vector.load %arg4[%swap3A_380, %swap3A_381, %swap3A_382] : memref<64x8x1024xi32, #tpu.memory_space<vmem>>, vector<1x8x1024xi32>
    %swap3A_384 = vector.shape_cast %swap3A_383 : vector<1x8x1024xi32> to vector<8x1024xi32>
    %swap3A_385 = vector.shape_cast %or3A_379 : vector<8x1024xi32> to vector<1x8x1024xi32>
    tpu.vector_store %arg4[%swap3A_380, %swap3A_381, %swap3A_382], %swap3A_385 {strides = array<i32>} : memref<64x8x1024xi32, #tpu.memory_space<vmem>>, vector<1x8x1024xi32>,
    %xor3A_386 = arith.xori %convert_element_type3A_332, %add3A_351 : vector<8x1024xi32>
    %xor3A_387 = arith.xori %xor3A_386, %mul3A_354 : vector<8x1024xi32>
    %and3A_388 = arith.constant 262143 : i32
    %and3A_389 = vector.broadcast %and3A_388 : i32 to vector<8x1024xi32>
    %and3A_390 = arith.andi %xor3A_387, %and3A_389 : vector<8x1024xi32>
    %or3A_391 = arith.constant 524288 : i32
    %or3A_392 = vector.broadcast %or3A_391 : i32 to vector<8x1024xi32>
    %or3A_393 = arith.ori %and3A_390, %or3A_392 : vector<8x1024xi32>
    %swap3A_394 = arith.constant 18 : index
    %swap3A_395 = arith.constant 0 : index
    %swap3A_396 = arith.constant 0 : index
    %swap3A_397 = vector.load %arg4[%swap3A_394, %swap3A_395, %swap3A_396] : memref<64x8x1024xi32, #tpu.memory_space<vmem>>, vector<1x8x1024xi32>
    %swap3A_398 = vector.shape_cast %swap3A_397 : vector<1x8x1024xi32> to vector<8x1024xi32>
    %swap3A_399 = vector.shape_cast %or3A_393 : vector<8x1024xi32> to vector<1x8x1024xi32>
    tpu.vector_store %arg4[%swap3A_394, %swap3A_395, %swap3A_396], %swap3A_399 {strides = array<i32>} : memref<64x8x1024xi32, #tpu.memory_space<vmem>>, vector<1x8x1024xi32>,
    %xor3A_400 = arith.xori %add3A_345, %add3A_351 : vector<8x1024xi32>
    %xor3A_401 = arith.xori %xor3A_400, %mul3A_354 : vector<8x1024xi32>
    %and3A_402 = arith.constant 262143 : i32
    %and3A_403 = vector.broadcast %and3A_402 : i32 to vector<8x1024xi32>
    %and3A_404 = arith.andi %xor3A_401, %and3A_403 : vector<8x1024xi32>
    %or3A_405 = arith.constant 524288 : i32
    %or3A_406 = vector.broadcast %or3A_405 : i32 to vector<8x1024xi32>
    %or3A_407 = arith.ori %and3A_404, %or3A_406 : vector<8x1024xi32>
    %swap3A_408 = arith.constant 19 : index
    %swap3A_409 = arith.constant 0 : index
    %swap3A_410 = arith.constant 0 : index
    %swap3A_411 = vector.load %arg4[%swap3A_408, %swap3A_409, %swap3A_410] : memref<64x8x1024xi32, #tpu.memory_space<vmem>>, vector<1x8x1024xi32>
    %swap3A_412 = vector.shape_cast %swap3A_411 : vector<1x8x1024xi32> to vector<8x1024xi32>
    %swap3A_413 = vector.shape_cast %or3A_407 : vector<8x1024xi32> to vector<1x8x1024xi32>
    tpu.vector_store %arg4[%swap3A_408, %swap3A_409, %swap3A_410], %swap3A_413 {strides = array<i32>} : memref<64x8x1024xi32, #tpu.memory_space<vmem>>, vector<1x8x1024xi32>,
    %xor3A_414 = arith.xori %convert_element_type3A_332, %mul3A_348 : vector<8x1024xi32>
    %xor3A_415 = arith.xori %xor3A_414, %add3A_357 : vector<8x1024xi32>
    %and3A_416 = arith.constant 262143 : i32
    %and3A_417 = vector.broadcast %and3A_416 : i32 to vector<8x1024xi32>
    %and3A_418 = arith.andi %xor3A_415, %and3A_417 : vector<8x1024xi32>
    %or3A_419 = arith.constant 524288 : i32
    %or3A_420 = vector.broadcast %or3A_419 : i32 to vector<8x1024xi32>
    %or3A_421 = arith.ori %and3A_418, %or3A_420 : vector<8x1024xi32>
    %swap3A_422 = arith.constant 20 : index
    %swap3A_423 = arith.constant 0 : index
    %swap3A_424 = arith.constant 0 : index
    %swap3A_425 = vector.load %arg4[%swap3A_422, %swap3A_423, %swap3A_424] : memref<64x8x1024xi32, #tpu.memory_space<vmem>>, vector<1x8x1024xi32>
    %swap3A_426 = vector.shape_cast %swap3A_425 : vector<1x8x1024xi32> to vector<8x1024xi32>
    %swap3A_427 = vector.shape_cast %or3A_421 : vector<8x1024xi32> to vector<1x8x1024xi32>
    tpu.vector_store %arg4[%swap3A_422, %swap3A_423, %swap3A_424], %swap3A_427 {strides = array<i32>} : memref<64x8x1024xi32, #tpu.memory_space<vmem>>, vector<1x8x1024xi32>,
    %xor3A_428 = arith.xori %add3A_345, %mul3A_348 : vector<8x1024xi32>
    %xor3A_429 = arith.xori %xor3A_428, %add3A_357 : vector<8x1024xi32>
    %and3A_430 = arith.constant 262143 : i32
    %and3A_431 = vector.broadcast %and3A_430 : i32 to vector<8x1024xi32>
    %and3A_432 = arith.andi %xor3A_429, %and3A_431 : vector<8x1024xi32>
    %or3A_433 = arith.constant 524288 : i32
    %or3A_434 = vector.broadcast %or3A_433 : i32 to vector<8x1024xi32>
    %or3A_435 = arith.ori %and3A_432, %or3A_434 : vector<8x1024xi32>
    %swap3A_436 = arith.constant 21 : index
    %swap3A_437 = arith.constant 0 : index
    %swap3A_438 = arith.constant 0 : index
    %swap3A_439 = vector.load %arg4[%swap3A_436, %swap3A_437, %swap3A_438] : memref<64x8x1024xi32, #tpu.memory_space<vmem>>, vector<1x8x1024xi32>
    %swap3A_440 = vector.shape_cast %swap3A_439 : vector<1x8x1024xi32> to vector<8x1024xi32>
    %swap3A_441 = vector.shape_cast %or3A_435 : vector<8x1024xi32> to vector<1x8x1024xi32>
    tpu.vector_store %arg4[%swap3A_436, %swap3A_437, %swap3A_438], %swap3A_441 {strides = array<i32>} : memref<64x8x1024xi32, #tpu.memory_space<vmem>>, vector<1x8x1024xi32>,
    %xor3A_442 = arith.xori %convert_element_type3A_332, %add3A_351 : vector<8x1024xi32>
    %xor3A_443 = arith.xori %xor3A_442, %add3A_357 : vector<8x1024xi32>
    %and3A_444 = arith.constant 262143 : i32
    %and3A_445 = vector.broadcast %and3A_444 : i32 to vector<8x1024xi32>
    %and3A_446 = arith.andi %xor3A_443, %and3A_445 : vector<8x1024xi32>
    %or3A_447 = arith.constant 524288 : i32
    %or3A_448 = vector.broadcast %or3A_447 : i32 to vector<8x1024xi32>
    %or3A_449 = arith.ori %and3A_446, %or3A_448 : vector<8x1024xi32>
    %swap3A_450 = arith.constant 22 : index
    %swap3A_451 = arith.constant 0 : index
    %swap3A_452 = arith.constant 0 : index
    %swap3A_453 = vector.load %arg4[%swap3A_450, %swap3A_451, %swap3A_452] : memref<64x8x1024xi32, #tpu.memory_space<vmem>>, vector<1x8x1024xi32>
    %swap3A_454 = vector.shape_cast %swap3A_453 : vector<1x8x1024xi32> to vector<8x1024xi32>
    %swap3A_455 = vector.shape_cast %or3A_449 : vector<8x1024xi32> to vector<1x8x1024xi32>
    tpu.vector_store %arg4[%swap3A_450, %swap3A_451, %swap3A_452], %swap3A_455 {strides = array<i32>} : memref<64x8x1024xi32, #tpu.memory_space<vmem>>, vector<1x8x1024xi32>,
    %xor3A_456 = arith.xori %add3A_345, %add3A_351 : vector<8x1024xi32>
    %xor3A_457 = arith.xori %xor3A_456, %add3A_357 : vector<8x1024xi32>
    %and3A_458 = arith.constant 262143 : i32
    %and3A_459 = vector.broadcast %and3A_458 : i32 to vector<8x1024xi32>
    %and3A_460 = arith.andi %xor3A_457, %and3A_459 : vector<8x1024xi32>
    %or3A_461 = arith.constant 524288 : i32
    %or3A_462 = vector.broadcast %or3A_461 : i32 to vector<8x1024xi32>
    %or3A_463 = arith.ori %and3A_460, %or3A_462 : vector<8x1024xi32>
    %swap3A_464 = arith.constant 23 : index
    %swap3A_465 = arith.constant 0 : index
    %swap3A_466 = arith.constant 0 : index
    %swap3A_467 = vector.load %arg4[%swap3A_464, %swap3A_465, %swap3A_466] : memref<64x8x1024xi32, #tpu.memory_space<vmem>>, vector<1x8x1024xi32>
    %swap3A_468 = vector.shape_cast %swap3A_467 : vector<1x8x1024xi32> to vector<8x1024xi32>
    %swap3A_469 = vector.shape_cast %or3A_463 : vector<8x1024xi32> to vector<1x8x1024xi32>
    tpu.vector_store %arg4[%swap3A_464, %swap3A_465, %swap3A_466], %swap3A_469 {strides = array<i32>} : memref<64x8x1024xi32, #tpu.memory_space<vmem>>, vector<1x8x1024xi32>,
    %mul3A_470 = arith.constant 9.500000e+01 : f32
    %mul3A_471 = vector.broadcast %mul3A_470 : f32 to vector<8x1024xf32>
    %mul3A_472 = arith.mulf %mul3A_45, %mul3A_471 : vector<8x1024xf32>
    %floor3A_473 = math.floor %mul3A_472 : vector<8x1024xf32>
    %convert_element_type3A_474 = arith.fptosi %floor3A_473 : vector<8x1024xf32> to vector<8x1024xi32>
    %mul3A_475 = arith.constant 9.500000e+01 : f32
    %mul3A_476 = vector.broadcast %mul3A_475 : f32 to vector<8x1024xf32>
    %mul3A_477 = arith.mulf %mul3A_46, %mul3A_476 : vector<8x1024xf32>
    %floor3A_478 = math.floor %mul3A_477 : vector<8x1024xf32>
    %convert_element_type3A_479 = arith.fptosi %floor3A_478 : vector<8x1024xf32> to vector<8x1024xi32>
    %mul3A_480 = arith.constant 9.500000e+01 : f32
    %mul3A_481 = vector.broadcast %mul3A_480 : f32 to vector<8x1024xf32>
    %mul3A_482 = arith.mulf %mul3A_47, %mul3A_481 : vector<8x1024xf32>
    %floor3A_483 = math.floor %mul3A_482 : vector<8x1024xf32>
    %convert_element_type3A_484 = arith.fptosi %floor3A_483 : vector<8x1024xf32> to vector<8x1024xi32>
    %add3A_485 = arith.constant 1 : i32
    %add3A_486 = vector.broadcast %add3A_485 : i32 to vector<8x1024xi32>
    %add3A_487 = arith.addi %convert_element_type3A_474, %add3A_486 : vector<8x1024xi32>
    %mul3A_488 = arith.constant -1640531535 : i32
    %mul3A_489 = vector.broadcast %mul3A_488 : i32 to vector<8x1024xi32>
    %mul3A_490 = arith.muli %convert_element_type3A_479, %mul3A_489 : vector<8x1024xi32>
    %add3A_491 = arith.constant -1640531535 : i32
    %add3A_492 = vector.broadcast %add3A_491 : i32 to vector<8x1024xi32>
    %add3A_493 = arith.addi %mul3A_490, %add3A_492 : vector<8x1024xi32>
    %mul3A_494 = arith.constant 805459861 : i32
    %mul3A_495 = vector.broadcast %mul3A_494 : i32 to vector<8x1024xi32>
    %mul3A_496 = arith.muli %convert_element_type3A_484, %mul3A_495 : vector<8x1024xi32>
    %add3A_497 = arith.constant 805459861 : i32
    %add3A_498 = vector.broadcast %add3A_497 : i32 to vector<8x1024xi32>
    %add3A_499 = arith.addi %mul3A_496, %add3A_498 : vector<8x1024xi32>
    %xor3A_500 = arith.xori %convert_element_type3A_474, %mul3A_490 : vector<8x1024xi32>
    %xor3A_501 = arith.xori %xor3A_500, %mul3A_496 : vector<8x1024xi32>
    %and3A_502 = arith.constant 262143 : i32
    %and3A_503 = vector.broadcast %and3A_502 : i32 to vector<8x1024xi32>
    %and3A_504 = arith.andi %xor3A_501, %and3A_503 : vector<8x1024xi32>
    %or3A_505 = arith.constant 786432 : i32
    %or3A_506 = vector.broadcast %or3A_505 : i32 to vector<8x1024xi32>
    %or3A_507 = arith.ori %and3A_504, %or3A_506 : vector<8x1024xi32>
    %swap3A_508 = arith.constant 24 : index
    %swap3A_509 = arith.constant 0 : index
    %swap3A_510 = arith.constant 0 : index
    %swap3A_511 = vector.load %arg4[%swap3A_508, %swap3A_509, %swap3A_510] : memref<64x8x1024xi32, #tpu.memory_space<vmem>>, vector<1x8x1024xi32>
    %swap3A_512 = vector.shape_cast %swap3A_511 : vector<1x8x1024xi32> to vector<8x1024xi32>
    %swap3A_513 = vector.shape_cast %or3A_507 : vector<8x1024xi32> to vector<1x8x1024xi32>
    tpu.vector_store %arg4[%swap3A_508, %swap3A_509, %swap3A_510], %swap3A_513 {strides = array<i32>} : memref<64x8x1024xi32, #tpu.memory_space<vmem>>, vector<1x8x1024xi32>,
    %xor3A_514 = arith.xori %add3A_487, %mul3A_490 : vector<8x1024xi32>
    %xor3A_515 = arith.xori %xor3A_514, %mul3A_496 : vector<8x1024xi32>
    %and3A_516 = arith.constant 262143 : i32
    %and3A_517 = vector.broadcast %and3A_516 : i32 to vector<8x1024xi32>
    %and3A_518 = arith.andi %xor3A_515, %and3A_517 : vector<8x1024xi32>
    %or3A_519 = arith.constant 786432 : i32
    %or3A_520 = vector.broadcast %or3A_519 : i32 to vector<8x1024xi32>
    %or3A_521 = arith.ori %and3A_518, %or3A_520 : vector<8x1024xi32>
    %swap3A_522 = arith.constant 25 : index
    %swap3A_523 = arith.constant 0 : index
    %swap3A_524 = arith.constant 0 : index
    %swap3A_525 = vector.load %arg4[%swap3A_522, %swap3A_523, %swap3A_524] : memref<64x8x1024xi32, #tpu.memory_space<vmem>>, vector<1x8x1024xi32>
    %swap3A_526 = vector.shape_cast %swap3A_525 : vector<1x8x1024xi32> to vector<8x1024xi32>
    %swap3A_527 = vector.shape_cast %or3A_521 : vector<8x1024xi32> to vector<1x8x1024xi32>
    tpu.vector_store %arg4[%swap3A_522, %swap3A_523, %swap3A_524], %swap3A_527 {strides = array<i32>} : memref<64x8x1024xi32, #tpu.memory_space<vmem>>, vector<1x8x1024xi32>,
    %xor3A_528 = arith.xori %convert_element_type3A_474, %add3A_493 : vector<8x1024xi32>
    %xor3A_529 = arith.xori %xor3A_528, %mul3A_496 : vector<8x1024xi32>
    %and3A_530 = arith.constant 262143 : i32
    %and3A_531 = vector.broadcast %and3A_530 : i32 to vector<8x1024xi32>
    %and3A_532 = arith.andi %xor3A_529, %and3A_531 : vector<8x1024xi32>
    %or3A_533 = arith.constant 786432 : i32
    %or3A_534 = vector.broadcast %or3A_533 : i32 to vector<8x1024xi32>
    %or3A_535 = arith.ori %and3A_532, %or3A_534 : vector<8x1024xi32>
    %swap3A_536 = arith.constant 26 : index
    %swap3A_537 = arith.constant 0 : index
    %swap3A_538 = arith.constant 0 : index
    %swap3A_539 = vector.load %arg4[%swap3A_536, %swap3A_537, %swap3A_538] : memref<64x8x1024xi32, #tpu.memory_space<vmem>>, vector<1x8x1024xi32>
    %swap3A_540 = vector.shape_cast %swap3A_539 : vector<1x8x1024xi32> to vector<8x1024xi32>
    %swap3A_541 = vector.shape_cast %or3A_535 : vector<8x1024xi32> to vector<1x8x1024xi32>
    tpu.vector_store %arg4[%swap3A_536, %swap3A_537, %swap3A_538], %swap3A_541 {strides = array<i32>} : memref<64x8x1024xi32, #tpu.memory_space<vmem>>, vector<1x8x1024xi32>,
    %xor3A_542 = arith.xori %add3A_487, %add3A_493 : vector<8x1024xi32>
    %xor3A_543 = arith.xori %xor3A_542, %mul3A_496 : vector<8x1024xi32>
    %and3A_544 = arith.constant 262143 : i32
    %and3A_545 = vector.broadcast %and3A_544 : i32 to vector<8x1024xi32>
    %and3A_546 = arith.andi %xor3A_543, %and3A_545 : vector<8x1024xi32>
    %or3A_547 = arith.constant 786432 : i32
    %or3A_548 = vector.broadcast %or3A_547 : i32 to vector<8x1024xi32>
    %or3A_549 = arith.ori %and3A_546, %or3A_548 : vector<8x1024xi32>
    %swap3A_550 = arith.constant 27 : index
    %swap3A_551 = arith.constant 0 : index
    %swap3A_552 = arith.constant 0 : index
    %swap3A_553 = vector.load %arg4[%swap3A_550, %swap3A_551, %swap3A_552] : memref<64x8x1024xi32, #tpu.memory_space<vmem>>, vector<1x8x1024xi32>
    %swap3A_554 = vector.shape_cast %swap3A_553 : vector<1x8x1024xi32> to vector<8x1024xi32>
    %swap3A_555 = vector.shape_cast %or3A_549 : vector<8x1024xi32> to vector<1x8x1024xi32>
    tpu.vector_store %arg4[%swap3A_550, %swap3A_551, %swap3A_552], %swap3A_555 {strides = array<i32>} : memref<64x8x1024xi32, #tpu.memory_space<vmem>>, vector<1x8x1024xi32>,
    %xor3A_556 = arith.xori %convert_element_type3A_474, %mul3A_490 : vector<8x1024xi32>
    %xor3A_557 = arith.xori %xor3A_556, %add3A_499 : vector<8x1024xi32>
    %and3A_558 = arith.constant 262143 : i32
    %and3A_559 = vector.broadcast %and3A_558 : i32 to vector<8x1024xi32>
    %and3A_560 = arith.andi %xor3A_557, %and3A_559 : vector<8x1024xi32>
    %or3A_561 = arith.constant 786432 : i32
    %or3A_562 = vector.broadcast %or3A_561 : i32 to vector<8x1024xi32>
    %or3A_563 = arith.ori %and3A_560, %or3A_562 : vector<8x1024xi32>
    %swap3A_564 = arith.constant 28 : index
    %swap3A_565 = arith.constant 0 : index
    %swap3A_566 = arith.constant 0 : index
    %swap3A_567 = vector.load %arg4[%swap3A_564, %swap3A_565, %swap3A_566] : memref<64x8x1024xi32, #tpu.memory_space<vmem>>, vector<1x8x1024xi32>
    %swap3A_568 = vector.shape_cast %swap3A_567 : vector<1x8x1024xi32> to vector<8x1024xi32>
    %swap3A_569 = vector.shape_cast %or3A_563 : vector<8x1024xi32> to vector<1x8x1024xi32>
    tpu.vector_store %arg4[%swap3A_564, %swap3A_565, %swap3A_566], %swap3A_569 {strides = array<i32>} : memref<64x8x1024xi32, #tpu.memory_space<vmem>>, vector<1x8x1024xi32>,
    %xor3A_570 = arith.xori %add3A_487, %mul3A_490 : vector<8x1024xi32>
    %xor3A_571 = arith.xori %xor3A_570, %add3A_499 : vector<8x1024xi32>
    %and3A_572 = arith.constant 262143 : i32
    %and3A_573 = vector.broadcast %and3A_572 : i32 to vector<8x1024xi32>
    %and3A_574 = arith.andi %xor3A_571, %and3A_573 : vector<8x1024xi32>
    %or3A_575 = arith.constant 786432 : i32
    %or3A_576 = vector.broadcast %or3A_575 : i32 to vector<8x1024xi32>
    %or3A_577 = arith.ori %and3A_574, %or3A_576 : vector<8x1024xi32>
    %swap3A_578 = arith.constant 29 : index
    %swap3A_579 = arith.constant 0 : index
    %swap3A_580 = arith.constant 0 : index
    %swap3A_581 = vector.load %arg4[%swap3A_578, %swap3A_579, %swap3A_580] : memref<64x8x1024xi32, #tpu.memory_space<vmem>>, vector<1x8x1024xi32>
    %swap3A_582 = vector.shape_cast %swap3A_581 : vector<1x8x1024xi32> to vector<8x1024xi32>
    %swap3A_583 = vector.shape_cast %or3A_577 : vector<8x1024xi32> to vector<1x8x1024xi32>
    tpu.vector_store %arg4[%swap3A_578, %swap3A_579, %swap3A_580], %swap3A_583 {strides = array<i32>} : memref<64x8x1024xi32, #tpu.memory_space<vmem>>, vector<1x8x1024xi32>,
    %xor3A_584 = arith.xori %convert_element_type3A_474, %add3A_493 : vector<8x1024xi32>
    %xor3A_585 = arith.xori %xor3A_584, %add3A_499 : vector<8x1024xi32>
    %and3A_586 = arith.constant 262143 : i32
    %and3A_587 = vector.broadcast %and3A_586 : i32 to vector<8x1024xi32>
    %and3A_588 = arith.andi %xor3A_585, %and3A_587 : vector<8x1024xi32>
    %or3A_589 = arith.constant 786432 : i32
    %or3A_590 = vector.broadcast %or3A_589 : i32 to vector<8x1024xi32>
    %or3A_591 = arith.ori %and3A_588, %or3A_590 : vector<8x1024xi32>
    %swap3A_592 = arith.constant 30 : index
    %swap3A_593 = arith.constant 0 : index
    %swap3A_594 = arith.constant 0 : index
    %swap3A_595 = vector.load %arg4[%swap3A_592, %swap3A_593, %swap3A_594] : memref<64x8x1024xi32, #tpu.memory_space<vmem>>, vector<1x8x1024xi32>
    %swap3A_596 = vector.shape_cast %swap3A_595 : vector<1x8x1024xi32> to vector<8x1024xi32>
    %swap3A_597 = vector.shape_cast %or3A_591 : vector<8x1024xi32> to vector<1x8x1024xi32>
    tpu.vector_store %arg4[%swap3A_592, %swap3A_593, %swap3A_594], %swap3A_597 {strides = array<i32>} : memref<64x8x1024xi32, #tpu.memory_space<vmem>>, vector<1x8x1024xi32>,
    %xor3A_598 = arith.xori %add3A_487, %add3A_493 : vector<8x1024xi32>
    %xor3A_599 = arith.xori %xor3A_598, %add3A_499 : vector<8x1024xi32>
    %and3A_600 = arith.constant 262143 : i32
    %and3A_601 = vector.broadcast %and3A_600 : i32 to vector<8x1024xi32>
    %and3A_602 = arith.andi %xor3A_599, %and3A_601 : vector<8x1024xi32>
    %or3A_603 = arith.constant 786432 : i32
    %or3A_604 = vector.broadcast %or3A_603 : i32 to vector<8x1024xi32>
    %or3A_605 = arith.ori %and3A_602, %or3A_604 : vector<8x1024xi32>
    %swap3A_606 = arith.constant 31 : index
    %swap3A_607 = arith.constant 0 : index
    %swap3A_608 = arith.constant 0 : index
    %swap3A_609 = vector.load %arg4[%swap3A_606, %swap3A_607, %swap3A_608] : memref<64x8x1024xi32, #tpu.memory_space<vmem>>, vector<1x8x1024xi32>
    %swap3A_610 = vector.shape_cast %swap3A_609 : vector<1x8x1024xi32> to vector<8x1024xi32>
    %swap3A_611 = vector.shape_cast %or3A_605 : vector<8x1024xi32> to vector<1x8x1024xi32>
    tpu.vector_store %arg4[%swap3A_606, %swap3A_607, %swap3A_608], %swap3A_611 {strides = array<i32>} : memref<64x8x1024xi32, #tpu.memory_space<vmem>>, vector<1x8x1024xi32>,
    %mul3A_612 = arith.constant 1.720000e+02 : f32
    %mul3A_613 = vector.broadcast %mul3A_612 : f32 to vector<8x1024xf32>
    %mul3A_614 = arith.mulf %mul3A_45, %mul3A_613 : vector<8x1024xf32>
    %floor3A_615 = math.floor %mul3A_614 : vector<8x1024xf32>
    %convert_element_type3A_616 = arith.fptosi %floor3A_615 : vector<8x1024xf32> to vector<8x1024xi32>
    %mul3A_617 = arith.constant 1.720000e+02 : f32
    %mul3A_618 = vector.broadcast %mul3A_617 : f32 to vector<8x1024xf32>
    %mul3A_619 = arith.mulf %mul3A_46, %mul3A_618 : vector<8x1024xf32>
    %floor3A_620 = math.floor %mul3A_619 : vector<8x1024xf32>
    %convert_element_type3A_621 = arith.fptosi %floor3A_620 : vector<8x1024xf32> to vector<8x1024xi32>
    %mul3A_622 = arith.constant 1.720000e+02 : f32
    %mul3A_623 = vector.broadcast %mul3A_622 : f32 to vector<8x1024xf32>
    %mul3A_624 = arith.mulf %mul3A_47, %mul3A_623 : vector<8x1024xf32>
    %floor3A_625 = math.floor %mul3A_624 : vector<8x1024xf32>
    %convert_element_type3A_626 = arith.fptosi %floor3A_625 : vector<8x1024xf32> to vector<8x1024xi32>
    %add3A_627 = arith.constant 1 : i32
    %add3A_628 = vector.broadcast %add3A_627 : i32 to vector<8x1024xi32>
    %add3A_629 = arith.addi %convert_element_type3A_616, %add3A_628 : vector<8x1024xi32>
    %mul3A_630 = arith.constant -1640531535 : i32
    %mul3A_631 = vector.broadcast %mul3A_630 : i32 to vector<8x1024xi32>
    %mul3A_632 = arith.muli %convert_element_type3A_621, %mul3A_631 : vector<8x1024xi32>
    %add3A_633 = arith.constant -1640531535 : i32
    %add3A_634 = vector.broadcast %add3A_633 : i32 to vector<8x1024xi32>
    %add3A_635 = arith.addi %mul3A_632, %add3A_634 : vector<8x1024xi32>
    %mul3A_636 = arith.constant 805459861 : i32
    %mul3A_637 = vector.broadcast %mul3A_636 : i32 to vector<8x1024xi32>
    %mul3A_638 = arith.muli %convert_element_type3A_626, %mul3A_637 : vector<8x1024xi32>
    %add3A_639 = arith.constant 805459861 : i32
    %add3A_640 = vector.broadcast %add3A_639 : i32 to vector<8x1024xi32>
    %add3A_641 = arith.addi %mul3A_638, %add3A_640 : vector<8x1024xi32>
    %xor3A_642 = arith.xori %convert_element_type3A_616, %mul3A_632 : vector<8x1024xi32>
    %xor3A_643 = arith.xori %xor3A_642, %mul3A_638 : vector<8x1024xi32>
    %and3A_644 = arith.constant 262143 : i32
    %and3A_645 = vector.broadcast %and3A_644 : i32 to vector<8x1024xi32>
    %and3A_646 = arith.andi %xor3A_643, %and3A_645 : vector<8x1024xi32>
    %or3A_647 = arith.constant 0 : i32
    %or3A_648 = vector.broadcast %or3A_647 : i32 to vector<8x1024xi32>
    %or3A_649 = arith.ori %and3A_646, %or3A_648 : vector<8x1024xi32>
    %swap3A_650 = arith.constant 32 : index
    %swap3A_651 = arith.constant 0 : index
    %swap3A_652 = arith.constant 0 : index
    %swap3A_653 = vector.load %arg4[%swap3A_650, %swap3A_651, %swap3A_652] : memref<64x8x1024xi32, #tpu.memory_space<vmem>>, vector<1x8x1024xi32>
    %swap3A_654 = vector.shape_cast %swap3A_653 : vector<1x8x1024xi32> to vector<8x1024xi32>
    %swap3A_655 = vector.shape_cast %or3A_649 : vector<8x1024xi32> to vector<1x8x1024xi32>
    tpu.vector_store %arg4[%swap3A_650, %swap3A_651, %swap3A_652], %swap3A_655 {strides = array<i32>} : memref<64x8x1024xi32, #tpu.memory_space<vmem>>, vector<1x8x1024xi32>,
    %xor3A_656 = arith.xori %add3A_629, %mul3A_632 : vector<8x1024xi32>
    %xor3A_657 = arith.xori %xor3A_656, %mul3A_638 : vector<8x1024xi32>
    %and3A_658 = arith.constant 262143 : i32
    %and3A_659 = vector.broadcast %and3A_658 : i32 to vector<8x1024xi32>
    %and3A_660 = arith.andi %xor3A_657, %and3A_659 : vector<8x1024xi32>
    %or3A_661 = arith.constant 0 : i32
    %or3A_662 = vector.broadcast %or3A_661 : i32 to vector<8x1024xi32>
    %or3A_663 = arith.ori %and3A_660, %or3A_662 : vector<8x1024xi32>
    %swap3A_664 = arith.constant 33 : index
    %swap3A_665 = arith.constant 0 : index
    %swap3A_666 = arith.constant 0 : index
    %swap3A_667 = vector.load %arg4[%swap3A_664, %swap3A_665, %swap3A_666] : memref<64x8x1024xi32, #tpu.memory_space<vmem>>, vector<1x8x1024xi32>
    %swap3A_668 = vector.shape_cast %swap3A_667 : vector<1x8x1024xi32> to vector<8x1024xi32>
    %swap3A_669 = vector.shape_cast %or3A_663 : vector<8x1024xi32> to vector<1x8x1024xi32>
    tpu.vector_store %arg4[%swap3A_664, %swap3A_665, %swap3A_666], %swap3A_669 {strides = array<i32>} : memref<64x8x1024xi32, #tpu.memory_space<vmem>>, vector<1x8x1024xi32>,
    %xor3A_670 = arith.xori %convert_element_type3A_616, %add3A_635 : vector<8x1024xi32>
    %xor3A_671 = arith.xori %xor3A_670, %mul3A_638 : vector<8x1024xi32>
    %and3A_672 = arith.constant 262143 : i32
    %and3A_673 = vector.broadcast %and3A_672 : i32 to vector<8x1024xi32>
    %and3A_674 = arith.andi %xor3A_671, %and3A_673 : vector<8x1024xi32>
    %or3A_675 = arith.constant 0 : i32
    %or3A_676 = vector.broadcast %or3A_675 : i32 to vector<8x1024xi32>
    %or3A_677 = arith.ori %and3A_674, %or3A_676 : vector<8x1024xi32>
    %swap3A_678 = arith.constant 34 : index
    %swap3A_679 = arith.constant 0 : index
    %swap3A_680 = arith.constant 0 : index
    %swap3A_681 = vector.load %arg4[%swap3A_678, %swap3A_679, %swap3A_680] : memref<64x8x1024xi32, #tpu.memory_space<vmem>>, vector<1x8x1024xi32>
    %swap3A_682 = vector.shape_cast %swap3A_681 : vector<1x8x1024xi32> to vector<8x1024xi32>
    %swap3A_683 = vector.shape_cast %or3A_677 : vector<8x1024xi32> to vector<1x8x1024xi32>
    tpu.vector_store %arg4[%swap3A_678, %swap3A_679, %swap3A_680], %swap3A_683 {strides = array<i32>} : memref<64x8x1024xi32, #tpu.memory_space<vmem>>, vector<1x8x1024xi32>,
    %xor3A_684 = arith.xori %add3A_629, %add3A_635 : vector<8x1024xi32>
    %xor3A_685 = arith.xori %xor3A_684, %mul3A_638 : vector<8x1024xi32>
    %and3A_686 = arith.constant 262143 : i32
    %and3A_687 = vector.broadcast %and3A_686 : i32 to vector<8x1024xi32>
    %and3A_688 = arith.andi %xor3A_685, %and3A_687 : vector<8x1024xi32>
    %or3A_689 = arith.constant 0 : i32
    %or3A_690 = vector.broadcast %or3A_689 : i32 to vector<8x1024xi32>
    %or3A_691 = arith.ori %and3A_688, %or3A_690 : vector<8x1024xi32>
    %swap3A_692 = arith.constant 35 : index
    %swap3A_693 = arith.constant 0 : index
    %swap3A_694 = arith.constant 0 : index
    %swap3A_695 = vector.load %arg4[%swap3A_692, %swap3A_693, %swap3A_694] : memref<64x8x1024xi32, #tpu.memory_space<vmem>>, vector<1x8x1024xi32>
    %swap3A_696 = vector.shape_cast %swap3A_695 : vector<1x8x1024xi32> to vector<8x1024xi32>
    %swap3A_697 = vector.shape_cast %or3A_691 : vector<8x1024xi32> to vector<1x8x1024xi32>
    tpu.vector_store %arg4[%swap3A_692, %swap3A_693, %swap3A_694], %swap3A_697 {strides = array<i32>} : memref<64x8x1024xi32, #tpu.memory_space<vmem>>, vector<1x8x1024xi32>,
    %xor3A_698 = arith.xori %convert_element_type3A_616, %mul3A_632 : vector<8x1024xi32>
    %xor3A_699 = arith.xori %xor3A_698, %add3A_641 : vector<8x1024xi32>
    %and3A_700 = arith.constant 262143 : i32
    %and3A_701 = vector.broadcast %and3A_700 : i32 to vector<8x1024xi32>
    %and3A_702 = arith.andi %xor3A_699, %and3A_701 : vector<8x1024xi32>
    %or3A_703 = arith.constant 0 : i32
    %or3A_704 = vector.broadcast %or3A_703 : i32 to vector<8x1024xi32>
    %or3A_705 = arith.ori %and3A_702, %or3A_704 : vector<8x1024xi32>
    %swap3A_706 = arith.constant 36 : index
    %swap3A_707 = arith.constant 0 : index
    %swap3A_708 = arith.constant 0 : index
    %swap3A_709 = vector.load %arg4[%swap3A_706, %swap3A_707, %swap3A_708] : memref<64x8x1024xi32, #tpu.memory_space<vmem>>, vector<1x8x1024xi32>
    %swap3A_710 = vector.shape_cast %swap3A_709 : vector<1x8x1024xi32> to vector<8x1024xi32>
    %swap3A_711 = vector.shape_cast %or3A_705 : vector<8x1024xi32> to vector<1x8x1024xi32>
    tpu.vector_store %arg4[%swap3A_706, %swap3A_707, %swap3A_708], %swap3A_711 {strides = array<i32>} : memref<64x8x1024xi32, #tpu.memory_space<vmem>>, vector<1x8x1024xi32>,
    %xor3A_712 = arith.xori %add3A_629, %mul3A_632 : vector<8x1024xi32>
    %xor3A_713 = arith.xori %xor3A_712, %add3A_641 : vector<8x1024xi32>
    %and3A_714 = arith.constant 262143 : i32
    %and3A_715 = vector.broadcast %and3A_714 : i32 to vector<8x1024xi32>
    %and3A_716 = arith.andi %xor3A_713, %and3A_715 : vector<8x1024xi32>
    %or3A_717 = arith.constant 0 : i32
    %or3A_718 = vector.broadcast %or3A_717 : i32 to vector<8x1024xi32>
    %or3A_719 = arith.ori %and3A_716, %or3A_718 : vector<8x1024xi32>
    %swap3A_720 = arith.constant 37 : index
    %swap3A_721 = arith.constant 0 : index
    %swap3A_722 = arith.constant 0 : index
    %swap3A_723 = vector.load %arg4[%swap3A_720, %swap3A_721, %swap3A_722] : memref<64x8x1024xi32, #tpu.memory_space<vmem>>, vector<1x8x1024xi32>
    %swap3A_724 = vector.shape_cast %swap3A_723 : vector<1x8x1024xi32> to vector<8x1024xi32>
    %swap3A_725 = vector.shape_cast %or3A_719 : vector<8x1024xi32> to vector<1x8x1024xi32>
    tpu.vector_store %arg4[%swap3A_720, %swap3A_721, %swap3A_722], %swap3A_725 {strides = array<i32>} : memref<64x8x1024xi32, #tpu.memory_space<vmem>>, vector<1x8x1024xi32>,
    %xor3A_726 = arith.xori %convert_element_type3A_616, %add3A_635 : vector<8x1024xi32>
    %xor3A_727 = arith.xori %xor3A_726, %add3A_641 : vector<8x1024xi32>
    %and3A_728 = arith.constant 262143 : i32
    %and3A_729 = vector.broadcast %and3A_728 : i32 to vector<8x1024xi32>
    %and3A_730 = arith.andi %xor3A_727, %and3A_729 : vector<8x1024xi32>
    %or3A_731 = arith.constant 0 : i32
    %or3A_732 = vector.broadcast %or3A_731 : i32 to vector<8x1024xi32>
    %or3A_733 = arith.ori %and3A_730, %or3A_732 : vector<8x1024xi32>
    %swap3A_734 = arith.constant 38 : index
    %swap3A_735 = arith.constant 0 : index
    %swap3A_736 = arith.constant 0 : index
    %swap3A_737 = vector.load %arg4[%swap3A_734, %swap3A_735, %swap3A_736] : memref<64x8x1024xi32, #tpu.memory_space<vmem>>, vector<1x8x1024xi32>
    %swap3A_738 = vector.shape_cast %swap3A_737 : vector<1x8x1024xi32> to vector<8x1024xi32>
    %swap3A_739 = vector.shape_cast %or3A_733 : vector<8x1024xi32> to vector<1x8x1024xi32>
    tpu.vector_store %arg4[%swap3A_734, %swap3A_735, %swap3A_736], %swap3A_739 {strides = array<i32>} : memref<64x8x1024xi32, #tpu.memory_space<vmem>>, vector<1x8x1024xi32>,
    %xor3A_740 = arith.xori %add3A_629, %add3A_635 : vector<8x1024xi32>
    %xor3A_741 = arith.xori %xor3A_740, %add3A_641 : vector<8x1024xi32>
    %and3A_742 = arith.constant 262143 : i32
    %and3A_743 = vector.broadcast %and3A_742 : i32 to vector<8x1024xi32>
    %and3A_744 = arith.andi %xor3A_741, %and3A_743 : vector<8x1024xi32>
    %or3A_745 = arith.constant 0 : i32
    %or3A_746 = vector.broadcast %or3A_745 : i32 to vector<8x1024xi32>
    %or3A_747 = arith.ori %and3A_744, %or3A_746 : vector<8x1024xi32>
    %swap3A_748 = arith.constant 39 : index
    %swap3A_749 = arith.constant 0 : index
    %swap3A_750 = arith.constant 0 : index
    %swap3A_751 = vector.load %arg4[%swap3A_748, %swap3A_749, %swap3A_750] : memref<64x8x1024xi32, #tpu.memory_space<vmem>>, vector<1x8x1024xi32>
    %swap3A_752 = vector.shape_cast %swap3A_751 : vector<1x8x1024xi32> to vector<8x1024xi32>
    %swap3A_753 = vector.shape_cast %or3A_747 : vector<8x1024xi32> to vector<1x8x1024xi32>
    tpu.vector_store %arg4[%swap3A_748, %swap3A_749, %swap3A_750], %swap3A_753 {strides = array<i32>} : memref<64x8x1024xi32, #tpu.memory_space<vmem>>, vector<1x8x1024xi32>,
    %mul3A_754 = arith.constant 3.120000e+02 : f32
    %mul3A_755 = vector.broadcast %mul3A_754 : f32 to vector<8x1024xf32>
    %mul3A_756 = arith.mulf %mul3A_45, %mul3A_755 : vector<8x1024xf32>
    %floor3A_757 = math.floor %mul3A_756 : vector<8x1024xf32>
    %convert_element_type3A_758 = arith.fptosi %floor3A_757 : vector<8x1024xf32> to vector<8x1024xi32>
    %mul3A_759 = arith.constant 3.120000e+02 : f32
    %mul3A_760 = vector.broadcast %mul3A_759 : f32 to vector<8x1024xf32>
    %mul3A_761 = arith.mulf %mul3A_46, %mul3A_760 : vector<8x1024xf32>
    %floor3A_762 = math.floor %mul3A_761 : vector<8x1024xf32>
    %convert_element_type3A_763 = arith.fptosi %floor3A_762 : vector<8x1024xf32> to vector<8x1024xi32>
    %mul3A_764 = arith.constant 3.120000e+02 : f32
    %mul3A_765 = vector.broadcast %mul3A_764 : f32 to vector<8x1024xf32>
    %mul3A_766 = arith.mulf %mul3A_47, %mul3A_765 : vector<8x1024xf32>
    %floor3A_767 = math.floor %mul3A_766 : vector<8x1024xf32>
    %convert_element_type3A_768 = arith.fptosi %floor3A_767 : vector<8x1024xf32> to vector<8x1024xi32>
    %add3A_769 = arith.constant 1 : i32
    %add3A_770 = vector.broadcast %add3A_769 : i32 to vector<8x1024xi32>
    %add3A_771 = arith.addi %convert_element_type3A_758, %add3A_770 : vector<8x1024xi32>
    %mul3A_772 = arith.constant -1640531535 : i32
    %mul3A_773 = vector.broadcast %mul3A_772 : i32 to vector<8x1024xi32>
    %mul3A_774 = arith.muli %convert_element_type3A_763, %mul3A_773 : vector<8x1024xi32>
    %add3A_775 = arith.constant -1640531535 : i32
    %add3A_776 = vector.broadcast %add3A_775 : i32 to vector<8x1024xi32>
    %add3A_777 = arith.addi %mul3A_774, %add3A_776 : vector<8x1024xi32>
    %mul3A_778 = arith.constant 805459861 : i32
    %mul3A_779 = vector.broadcast %mul3A_778 : i32 to vector<8x1024xi32>
    %mul3A_780 = arith.muli %convert_element_type3A_768, %mul3A_779 : vector<8x1024xi32>
    %add3A_781 = arith.constant 805459861 : i32
    %add3A_782 = vector.broadcast %add3A_781 : i32 to vector<8x1024xi32>
    %add3A_783 = arith.addi %mul3A_780, %add3A_782 : vector<8x1024xi32>
    %xor3A_784 = arith.xori %convert_element_type3A_758, %mul3A_774 : vector<8x1024xi32>
    %xor3A_785 = arith.xori %xor3A_784, %mul3A_780 : vector<8x1024xi32>
    %and3A_786 = arith.constant 262143 : i32
    %and3A_787 = vector.broadcast %and3A_786 : i32 to vector<8x1024xi32>
    %and3A_788 = arith.andi %xor3A_785, %and3A_787 : vector<8x1024xi32>
    %or3A_789 = arith.constant 262144 : i32
    %or3A_790 = vector.broadcast %or3A_789 : i32 to vector<8x1024xi32>
    %or3A_791 = arith.ori %and3A_788, %or3A_790 : vector<8x1024xi32>
    %swap3A_792 = arith.constant 40 : index
    %swap3A_793 = arith.constant 0 : index
    %swap3A_794 = arith.constant 0 : index
    %swap3A_795 = vector.load %arg4[%swap3A_792, %swap3A_793, %swap3A_794] : memref<64x8x1024xi32, #tpu.memory_space<vmem>>, vector<1x8x1024xi32>
    %swap3A_796 = vector.shape_cast %swap3A_795 : vector<1x8x1024xi32> to vector<8x1024xi32>
    %swap3A_797 = vector.shape_cast %or3A_791 : vector<8x1024xi32> to vector<1x8x1024xi32>
    tpu.vector_store %arg4[%swap3A_792, %swap3A_793, %swap3A_794], %swap3A_797 {strides = array<i32>} : memref<64x8x1024xi32, #tpu.memory_space<vmem>>, vector<1x8x1024xi32>,
    %xor3A_798 = arith.xori %add3A_771, %mul3A_774 : vector<8x1024xi32>
    %xor3A_799 = arith.xori %xor3A_798, %mul3A_780 : vector<8x1024xi32>
    %and3A_800 = arith.constant 262143 : i32
    %and3A_801 = vector.broadcast %and3A_800 : i32 to vector<8x1024xi32>
    %and3A_802 = arith.andi %xor3A_799, %and3A_801 : vector<8x1024xi32>
    %or3A_803 = arith.constant 262144 : i32
    %or3A_804 = vector.broadcast %or3A_803 : i32 to vector<8x1024xi32>
    %or3A_805 = arith.ori %and3A_802, %or3A_804 : vector<8x1024xi32>
    %swap3A_806 = arith.constant 41 : index
    %swap3A_807 = arith.constant 0 : index
    %swap3A_808 = arith.constant 0 : index
    %swap3A_809 = vector.load %arg4[%swap3A_806, %swap3A_807, %swap3A_808] : memref<64x8x1024xi32, #tpu.memory_space<vmem>>, vector<1x8x1024xi32>
    %swap3A_810 = vector.shape_cast %swap3A_809 : vector<1x8x1024xi32> to vector<8x1024xi32>
    %swap3A_811 = vector.shape_cast %or3A_805 : vector<8x1024xi32> to vector<1x8x1024xi32>
    tpu.vector_store %arg4[%swap3A_806, %swap3A_807, %swap3A_808], %swap3A_811 {strides = array<i32>} : memref<64x8x1024xi32, #tpu.memory_space<vmem>>, vector<1x8x1024xi32>,
    %xor3A_812 = arith.xori %convert_element_type3A_758, %add3A_777 : vector<8x1024xi32>
    %xor3A_813 = arith.xori %xor3A_812, %mul3A_780 : vector<8x1024xi32>
    %and3A_814 = arith.constant 262143 : i32
    %and3A_815 = vector.broadcast %and3A_814 : i32 to vector<8x1024xi32>
    %and3A_816 = arith.andi %xor3A_813, %and3A_815 : vector<8x1024xi32>
    %or3A_817 = arith.constant 262144 : i32
    %or3A_818 = vector.broadcast %or3A_817 : i32 to vector<8x1024xi32>
    %or3A_819 = arith.ori %and3A_816, %or3A_818 : vector<8x1024xi32>
    %swap3A_820 = arith.constant 42 : index
    %swap3A_821 = arith.constant 0 : index
    %swap3A_822 = arith.constant 0 : index
    %swap3A_823 = vector.load %arg4[%swap3A_820, %swap3A_821, %swap3A_822] : memref<64x8x1024xi32, #tpu.memory_space<vmem>>, vector<1x8x1024xi32>
    %swap3A_824 = vector.shape_cast %swap3A_823 : vector<1x8x1024xi32> to vector<8x1024xi32>
    %swap3A_825 = vector.shape_cast %or3A_819 : vector<8x1024xi32> to vector<1x8x1024xi32>
    tpu.vector_store %arg4[%swap3A_820, %swap3A_821, %swap3A_822], %swap3A_825 {strides = array<i32>} : memref<64x8x1024xi32, #tpu.memory_space<vmem>>, vector<1x8x1024xi32>,
    %xor3A_826 = arith.xori %add3A_771, %add3A_777 : vector<8x1024xi32>
    %xor3A_827 = arith.xori %xor3A_826, %mul3A_780 : vector<8x1024xi32>
    %and3A_828 = arith.constant 262143 : i32
    %and3A_829 = vector.broadcast %and3A_828 : i32 to vector<8x1024xi32>
    %and3A_830 = arith.andi %xor3A_827, %and3A_829 : vector<8x1024xi32>
    %or3A_831 = arith.constant 262144 : i32
    %or3A_832 = vector.broadcast %or3A_831 : i32 to vector<8x1024xi32>
    %or3A_833 = arith.ori %and3A_830, %or3A_832 : vector<8x1024xi32>
    %swap3A_834 = arith.constant 43 : index
    %swap3A_835 = arith.constant 0 : index
    %swap3A_836 = arith.constant 0 : index
    %swap3A_837 = vector.load %arg4[%swap3A_834, %swap3A_835, %swap3A_836] : memref<64x8x1024xi32, #tpu.memory_space<vmem>>, vector<1x8x1024xi32>
    %swap3A_838 = vector.shape_cast %swap3A_837 : vector<1x8x1024xi32> to vector<8x1024xi32>
    %swap3A_839 = vector.shape_cast %or3A_833 : vector<8x1024xi32> to vector<1x8x1024xi32>
    tpu.vector_store %arg4[%swap3A_834, %swap3A_835, %swap3A_836], %swap3A_839 {strides = array<i32>} : memref<64x8x1024xi32, #tpu.memory_space<vmem>>, vector<1x8x1024xi32>,
    %xor3A_840 = arith.xori %convert_element_type3A_758, %mul3A_774 : vector<8x1024xi32>
    %xor3A_841 = arith.xori %xor3A_840, %add3A_783 : vector<8x1024xi32>
    %and3A_842 = arith.constant 262143 : i32
    %and3A_843 = vector.broadcast %and3A_842 : i32 to vector<8x1024xi32>
    %and3A_844 = arith.andi %xor3A_841, %and3A_843 : vector<8x1024xi32>
    %or3A_845 = arith.constant 262144 : i32
    %or3A_846 = vector.broadcast %or3A_845 : i32 to vector<8x1024xi32>
    %or3A_847 = arith.ori %and3A_844, %or3A_846 : vector<8x1024xi32>
    %swap3A_848 = arith.constant 44 : index
    %swap3A_849 = arith.constant 0 : index
    %swap3A_850 = arith.constant 0 : index
    %swap3A_851 = vector.load %arg4[%swap3A_848, %swap3A_849, %swap3A_850] : memref<64x8x1024xi32, #tpu.memory_space<vmem>>, vector<1x8x1024xi32>
    %swap3A_852 = vector.shape_cast %swap3A_851 : vector<1x8x1024xi32> to vector<8x1024xi32>
    %swap3A_853 = vector.shape_cast %or3A_847 : vector<8x1024xi32> to vector<1x8x1024xi32>
    tpu.vector_store %arg4[%swap3A_848, %swap3A_849, %swap3A_850], %swap3A_853 {strides = array<i32>} : memref<64x8x1024xi32, #tpu.memory_space<vmem>>, vector<1x8x1024xi32>,
    %xor3A_854 = arith.xori %add3A_771, %mul3A_774 : vector<8x1024xi32>
    %xor3A_855 = arith.xori %xor3A_854, %add3A_783 : vector<8x1024xi32>
    %and3A_856 = arith.constant 262143 : i32
    %and3A_857 = vector.broadcast %and3A_856 : i32 to vector<8x1024xi32>
    %and3A_858 = arith.andi %xor3A_855, %and3A_857 : vector<8x1024xi32>
    %or3A_859 = arith.constant 262144 : i32
    %or3A_860 = vector.broadcast %or3A_859 : i32 to vector<8x1024xi32>
    %or3A_861 = arith.ori %and3A_858, %or3A_860 : vector<8x1024xi32>
    %swap3A_862 = arith.constant 45 : index
    %swap3A_863 = arith.constant 0 : index
    %swap3A_864 = arith.constant 0 : index
    %swap3A_865 = vector.load %arg4[%swap3A_862, %swap3A_863, %swap3A_864] : memref<64x8x1024xi32, #tpu.memory_space<vmem>>, vector<1x8x1024xi32>
    %swap3A_866 = vector.shape_cast %swap3A_865 : vector<1x8x1024xi32> to vector<8x1024xi32>
    %swap3A_867 = vector.shape_cast %or3A_861 : vector<8x1024xi32> to vector<1x8x1024xi32>
    tpu.vector_store %arg4[%swap3A_862, %swap3A_863, %swap3A_864], %swap3A_867 {strides = array<i32>} : memref<64x8x1024xi32, #tpu.memory_space<vmem>>, vector<1x8x1024xi32>,
    %xor3A_868 = arith.xori %convert_element_type3A_758, %add3A_777 : vector<8x1024xi32>
    %xor3A_869 = arith.xori %xor3A_868, %add3A_783 : vector<8x1024xi32>
    %and3A_870 = arith.constant 262143 : i32
    %and3A_871 = vector.broadcast %and3A_870 : i32 to vector<8x1024xi32>
    %and3A_872 = arith.andi %xor3A_869, %and3A_871 : vector<8x1024xi32>
    %or3A_873 = arith.constant 262144 : i32
    %or3A_874 = vector.broadcast %or3A_873 : i32 to vector<8x1024xi32>
    %or3A_875 = arith.ori %and3A_872, %or3A_874 : vector<8x1024xi32>
    %swap3A_876 = arith.constant 46 : index
    %swap3A_877 = arith.constant 0 : index
    %swap3A_878 = arith.constant 0 : index
    %swap3A_879 = vector.load %arg4[%swap3A_876, %swap3A_877, %swap3A_878] : memref<64x8x1024xi32, #tpu.memory_space<vmem>>, vector<1x8x1024xi32>
    %swap3A_880 = vector.shape_cast %swap3A_879 : vector<1x8x1024xi32> to vector<8x1024xi32>
    %swap3A_881 = vector.shape_cast %or3A_875 : vector<8x1024xi32> to vector<1x8x1024xi32>
    tpu.vector_store %arg4[%swap3A_876, %swap3A_877, %swap3A_878], %swap3A_881 {strides = array<i32>} : memref<64x8x1024xi32, #tpu.memory_space<vmem>>, vector<1x8x1024xi32>,
    %xor3A_882 = arith.xori %add3A_771, %add3A_777 : vector<8x1024xi32>
    %xor3A_883 = arith.xori %xor3A_882, %add3A_783 : vector<8x1024xi32>
    %and3A_884 = arith.constant 262143 : i32
    %and3A_885 = vector.broadcast %and3A_884 : i32 to vector<8x1024xi32>
    %and3A_886 = arith.andi %xor3A_883, %and3A_885 : vector<8x1024xi32>
    %or3A_887 = arith.constant 262144 : i32
    %or3A_888 = vector.broadcast %or3A_887 : i32 to vector<8x1024xi32>
    %or3A_889 = arith.ori %and3A_886, %or3A_888 : vector<8x1024xi32>
    %swap3A_890 = arith.constant 47 : index
    %swap3A_891 = arith.constant 0 : index
    %swap3A_892 = arith.constant 0 : index
    %swap3A_893 = vector.load %arg4[%swap3A_890, %swap3A_891, %swap3A_892] : memref<64x8x1024xi32, #tpu.memory_space<vmem>>, vector<1x8x1024xi32>
    %swap3A_894 = vector.shape_cast %swap3A_893 : vector<1x8x1024xi32> to vector<8x1024xi32>
    %swap3A_895 = vector.shape_cast %or3A_889 : vector<8x1024xi32> to vector<1x8x1024xi32>
    tpu.vector_store %arg4[%swap3A_890, %swap3A_891, %swap3A_892], %swap3A_895 {strides = array<i32>} : memref<64x8x1024xi32, #tpu.memory_space<vmem>>, vector<1x8x1024xi32>,
    %mul3A_896 = arith.constant 5.650000e+02 : f32
    %mul3A_897 = vector.broadcast %mul3A_896 : f32 to vector<8x1024xf32>
    %mul3A_898 = arith.mulf %mul3A_45, %mul3A_897 : vector<8x1024xf32>
    %floor3A_899 = math.floor %mul3A_898 : vector<8x1024xf32>
    %convert_element_type3A_900 = arith.fptosi %floor3A_899 : vector<8x1024xf32> to vector<8x1024xi32>
    %mul3A_901 = arith.constant 5.650000e+02 : f32
    %mul3A_902 = vector.broadcast %mul3A_901 : f32 to vector<8x1024xf32>
    %mul3A_903 = arith.mulf %mul3A_46, %mul3A_902 : vector<8x1024xf32>
    %floor3A_904 = math.floor %mul3A_903 : vector<8x1024xf32>
    %convert_element_type3A_905 = arith.fptosi %floor3A_904 : vector<8x1024xf32> to vector<8x1024xi32>
    %mul3A_906 = arith.constant 5.650000e+02 : f32
    %mul3A_907 = vector.broadcast %mul3A_906 : f32 to vector<8x1024xf32>
    %mul3A_908 = arith.mulf %mul3A_47, %mul3A_907 : vector<8x1024xf32>
    %floor3A_909 = math.floor %mul3A_908 : vector<8x1024xf32>
    %convert_element_type3A_910 = arith.fptosi %floor3A_909 : vector<8x1024xf32> to vector<8x1024xi32>
    %add3A_911 = arith.constant 1 : i32
    %add3A_912 = vector.broadcast %add3A_911 : i32 to vector<8x1024xi32>
    %add3A_913 = arith.addi %convert_element_type3A_900, %add3A_912 : vector<8x1024xi32>
    %mul3A_914 = arith.constant -1640531535 : i32
    %mul3A_915 = vector.broadcast %mul3A_914 : i32 to vector<8x1024xi32>
    %mul3A_916 = arith.muli %convert_element_type3A_905, %mul3A_915 : vector<8x1024xi32>
    %add3A_917 = arith.constant -1640531535 : i32
    %add3A_918 = vector.broadcast %add3A_917 : i32 to vector<8x1024xi32>
    %add3A_919 = arith.addi %mul3A_916, %add3A_918 : vector<8x1024xi32>
    %mul3A_920 = arith.constant 805459861 : i32
    %mul3A_921 = vector.broadcast %mul3A_920 : i32 to vector<8x1024xi32>
    %mul3A_922 = arith.muli %convert_element_type3A_910, %mul3A_921 : vector<8x1024xi32>
    %add3A_923 = arith.constant 805459861 : i32
    %add3A_924 = vector.broadcast %add3A_923 : i32 to vector<8x1024xi32>
    %add3A_925 = arith.addi %mul3A_922, %add3A_924 : vector<8x1024xi32>
    %xor3A_926 = arith.xori %convert_element_type3A_900, %mul3A_916 : vector<8x1024xi32>
    %xor3A_927 = arith.xori %xor3A_926, %mul3A_922 : vector<8x1024xi32>
    %and3A_928 = arith.constant 262143 : i32
    %and3A_929 = vector.broadcast %and3A_928 : i32 to vector<8x1024xi32>
    %and3A_930 = arith.andi %xor3A_927, %and3A_929 : vector<8x1024xi32>
    %or3A_931 = arith.constant 524288 : i32
    %or3A_932 = vector.broadcast %or3A_931 : i32 to vector<8x1024xi32>
    %or3A_933 = arith.ori %and3A_930, %or3A_932 : vector<8x1024xi32>
    %swap3A_934 = arith.constant 48 : index
    %swap3A_935 = arith.constant 0 : index
    %swap3A_936 = arith.constant 0 : index
    %swap3A_937 = vector.load %arg4[%swap3A_934, %swap3A_935, %swap3A_936] : memref<64x8x1024xi32, #tpu.memory_space<vmem>>, vector<1x8x1024xi32>
    %swap3A_938 = vector.shape_cast %swap3A_937 : vector<1x8x1024xi32> to vector<8x1024xi32>
    %swap3A_939 = vector.shape_cast %or3A_933 : vector<8x1024xi32> to vector<1x8x1024xi32>
    tpu.vector_store %arg4[%swap3A_934, %swap3A_935, %swap3A_936], %swap3A_939 {strides = array<i32>} : memref<64x8x1024xi32, #tpu.memory_space<vmem>>, vector<1x8x1024xi32>,
    %xor3A_940 = arith.xori %add3A_913, %mul3A_916 : vector<8x1024xi32>
    %xor3A_941 = arith.xori %xor3A_940, %mul3A_922 : vector<8x1024xi32>
    %and3A_942 = arith.constant 262143 : i32
    %and3A_943 = vector.broadcast %and3A_942 : i32 to vector<8x1024xi32>
    %and3A_944 = arith.andi %xor3A_941, %and3A_943 : vector<8x1024xi32>
    %or3A_945 = arith.constant 524288 : i32
    %or3A_946 = vector.broadcast %or3A_945 : i32 to vector<8x1024xi32>
    %or3A_947 = arith.ori %and3A_944, %or3A_946 : vector<8x1024xi32>
    %swap3A_948 = arith.constant 49 : index
    %swap3A_949 = arith.constant 0 : index
    %swap3A_950 = arith.constant 0 : index
    %swap3A_951 = vector.load %arg4[%swap3A_948, %swap3A_949, %swap3A_950] : memref<64x8x1024xi32, #tpu.memory_space<vmem>>, vector<1x8x1024xi32>
    %swap3A_952 = vector.shape_cast %swap3A_951 : vector<1x8x1024xi32> to vector<8x1024xi32>
    %swap3A_953 = vector.shape_cast %or3A_947 : vector<8x1024xi32> to vector<1x8x1024xi32>
    tpu.vector_store %arg4[%swap3A_948, %swap3A_949, %swap3A_950], %swap3A_953 {strides = array<i32>} : memref<64x8x1024xi32, #tpu.memory_space<vmem>>, vector<1x8x1024xi32>,
    %xor3A_954 = arith.xori %convert_element_type3A_900, %add3A_919 : vector<8x1024xi32>
    %xor3A_955 = arith.xori %xor3A_954, %mul3A_922 : vector<8x1024xi32>
    %and3A_956 = arith.constant 262143 : i32
    %and3A_957 = vector.broadcast %and3A_956 : i32 to vector<8x1024xi32>
    %and3A_958 = arith.andi %xor3A_955, %and3A_957 : vector<8x1024xi32>
    %or3A_959 = arith.constant 524288 : i32
    %or3A_960 = vector.broadcast %or3A_959 : i32 to vector<8x1024xi32>
    %or3A_961 = arith.ori %and3A_958, %or3A_960 : vector<8x1024xi32>
    %swap3A_962 = arith.constant 50 : index
    %swap3A_963 = arith.constant 0 : index
    %swap3A_964 = arith.constant 0 : index
    %swap3A_965 = vector.load %arg4[%swap3A_962, %swap3A_963, %swap3A_964] : memref<64x8x1024xi32, #tpu.memory_space<vmem>>, vector<1x8x1024xi32>
    %swap3A_966 = vector.shape_cast %swap3A_965 : vector<1x8x1024xi32> to vector<8x1024xi32>
    %swap3A_967 = vector.shape_cast %or3A_961 : vector<8x1024xi32> to vector<1x8x1024xi32>
    tpu.vector_store %arg4[%swap3A_962, %swap3A_963, %swap3A_964], %swap3A_967 {strides = array<i32>} : memref<64x8x1024xi32, #tpu.memory_space<vmem>>, vector<1x8x1024xi32>,
    %xor3A_968 = arith.xori %add3A_913, %add3A_919 : vector<8x1024xi32>
    %xor3A_969 = arith.xori %xor3A_968, %mul3A_922 : vector<8x1024xi32>
    %and3A_970 = arith.constant 262143 : i32
    %and3A_971 = vector.broadcast %and3A_970 : i32 to vector<8x1024xi32>
    %and3A_972 = arith.andi %xor3A_969, %and3A_971 : vector<8x1024xi32>
    %or3A_973 = arith.constant 524288 : i32
    %or3A_974 = vector.broadcast %or3A_973 : i32 to vector<8x1024xi32>
    %or3A_975 = arith.ori %and3A_972, %or3A_974 : vector<8x1024xi32>
    %swap3A_976 = arith.constant 51 : index
    %swap3A_977 = arith.constant 0 : index
    %swap3A_978 = arith.constant 0 : index
    %swap3A_979 = vector.load %arg4[%swap3A_976, %swap3A_977, %swap3A_978] : memref<64x8x1024xi32, #tpu.memory_space<vmem>>, vector<1x8x1024xi32>
    %swap3A_980 = vector.shape_cast %swap3A_979 : vector<1x8x1024xi32> to vector<8x1024xi32>
    %swap3A_981 = vector.shape_cast %or3A_975 : vector<8x1024xi32> to vector<1x8x1024xi32>
    tpu.vector_store %arg4[%swap3A_976, %swap3A_977, %swap3A_978], %swap3A_981 {strides = array<i32>} : memref<64x8x1024xi32, #tpu.memory_space<vmem>>, vector<1x8x1024xi32>,
    %xor3A_982 = arith.xori %convert_element_type3A_900, %mul3A_916 : vector<8x1024xi32>
    %xor3A_983 = arith.xori %xor3A_982, %add3A_925 : vector<8x1024xi32>
    %and3A_984 = arith.constant 262143 : i32
    %and3A_985 = vector.broadcast %and3A_984 : i32 to vector<8x1024xi32>
    %and3A_986 = arith.andi %xor3A_983, %and3A_985 : vector<8x1024xi32>
    %or3A_987 = arith.constant 524288 : i32
    %or3A_988 = vector.broadcast %or3A_987 : i32 to vector<8x1024xi32>
    %or3A_989 = arith.ori %and3A_986, %or3A_988 : vector<8x1024xi32>
    %swap3A_990 = arith.constant 52 : index
    %swap3A_991 = arith.constant 0 : index
    %swap3A_992 = arith.constant 0 : index
    %swap3A_993 = vector.load %arg4[%swap3A_990, %swap3A_991, %swap3A_992] : memref<64x8x1024xi32, #tpu.memory_space<vmem>>, vector<1x8x1024xi32>
    %swap3A_994 = vector.shape_cast %swap3A_993 : vector<1x8x1024xi32> to vector<8x1024xi32>
    %swap3A_995 = vector.shape_cast %or3A_989 : vector<8x1024xi32> to vector<1x8x1024xi32>
    tpu.vector_store %arg4[%swap3A_990, %swap3A_991, %swap3A_992], %swap3A_995 {strides = array<i32>} : memref<64x8x1024xi32, #tpu.memory_space<vmem>>, vector<1x8x1024xi32>,
    %xor3A_996 = arith.xori %add3A_913, %mul3A_916 : vector<8x1024xi32>
    %xor3A_997 = arith.xori %xor3A_996, %add3A_925 : vector<8x1024xi32>
    %and3A_998 = arith.constant 262143 : i32
    %and3A_999 = vector.broadcast %and3A_998 : i32 to vector<8x1024xi32>
    %and3A_1000 = arith.andi %xor3A_997, %and3A_999 : vector<8x1024xi32>
    %or3A_1001 = arith.constant 524288 : i32
    %or3A_1002 = vector.broadcast %or3A_1001 : i32 to vector<8x1024xi32>
    %or3A_1003 = arith.ori %and3A_1000, %or3A_1002 : vector<8x1024xi32>
    %swap3A_1004 = arith.constant 53 : index
    %swap3A_1005 = arith.constant 0 : index
    %swap3A_1006 = arith.constant 0 : index
    %swap3A_1007 = vector.load %arg4[%swap3A_1004, %swap3A_1005, %swap3A_1006] : memref<64x8x1024xi32, #tpu.memory_space<vmem>>, vector<1x8x1024xi32>
    %swap3A_1008 = vector.shape_cast %swap3A_1007 : vector<1x8x1024xi32> to vector<8x1024xi32>
    %swap3A_1009 = vector.shape_cast %or3A_1003 : vector<8x1024xi32> to vector<1x8x1024xi32>
    tpu.vector_store %arg4[%swap3A_1004, %swap3A_1005, %swap3A_1006], %swap3A_1009 {strides = array<i32>} : memref<64x8x1024xi32, #tpu.memory_space<vmem>>, vector<1x8x1024xi32>,
    %xor3A_1010 = arith.xori %convert_element_type3A_900, %add3A_919 : vector<8x1024xi32>
    %xor3A_1011 = arith.xori %xor3A_1010, %add3A_925 : vector<8x1024xi32>
    %and3A_1012 = arith.constant 262143 : i32
    %and3A_1013 = vector.broadcast %and3A_1012 : i32 to vector<8x1024xi32>
    %and3A_1014 = arith.andi %xor3A_1011, %and3A_1013 : vector<8x1024xi32>
    %or3A_1015 = arith.constant 524288 : i32
    %or3A_1016 = vector.broadcast %or3A_1015 : i32 to vector<8x1024xi32>
    %or3A_1017 = arith.ori %and3A_1014, %or3A_1016 : vector<8x1024xi32>
    %swap3A_1018 = arith.constant 54 : index
    %swap3A_1019 = arith.constant 0 : index
    %swap3A_1020 = arith.constant 0 : index
    %swap3A_1021 = vector.load %arg4[%swap3A_1018, %swap3A_1019, %swap3A_1020] : memref<64x8x1024xi32, #tpu.memory_space<vmem>>, vector<1x8x1024xi32>
    %swap3A_1022 = vector.shape_cast %swap3A_1021 : vector<1x8x1024xi32> to vector<8x1024xi32>
    %swap3A_1023 = vector.shape_cast %or3A_1017 : vector<8x1024xi32> to vector<1x8x1024xi32>
    tpu.vector_store %arg4[%swap3A_1018, %swap3A_1019, %swap3A_1020], %swap3A_1023 {strides = array<i32>} : memref<64x8x1024xi32, #tpu.memory_space<vmem>>, vector<1x8x1024xi32>,
    %xor3A_1024 = arith.xori %add3A_913, %add3A_919 : vector<8x1024xi32>
    %xor3A_1025 = arith.xori %xor3A_1024, %add3A_925 : vector<8x1024xi32>
    %and3A_1026 = arith.constant 262143 : i32
    %and3A_1027 = vector.broadcast %and3A_1026 : i32 to vector<8x1024xi32>
    %and3A_1028 = arith.andi %xor3A_1025, %and3A_1027 : vector<8x1024xi32>
    %or3A_1029 = arith.constant 524288 : i32
    %or3A_1030 = vector.broadcast %or3A_1029 : i32 to vector<8x1024xi32>
    %or3A_1031 = arith.ori %and3A_1028, %or3A_1030 : vector<8x1024xi32>
    %swap3A_1032 = arith.constant 55 : index
    %swap3A_1033 = arith.constant 0 : index
    %swap3A_1034 = arith.constant 0 : index
    %swap3A_1035 = vector.load %arg4[%swap3A_1032, %swap3A_1033, %swap3A_1034] : memref<64x8x1024xi32, #tpu.memory_space<vmem>>, vector<1x8x1024xi32>
    %swap3A_1036 = vector.shape_cast %swap3A_1035 : vector<1x8x1024xi32> to vector<8x1024xi32>
    %swap3A_1037 = vector.shape_cast %or3A_1031 : vector<8x1024xi32> to vector<1x8x1024xi32>
    tpu.vector_store %arg4[%swap3A_1032, %swap3A_1033, %swap3A_1034], %swap3A_1037 {strides = array<i32>} : memref<64x8x1024xi32, #tpu.memory_space<vmem>>, vector<1x8x1024xi32>,
    %mul3A_1038 = arith.constant 1.024000e+03 : f32
    %mul3A_1039 = vector.broadcast %mul3A_1038 : f32 to vector<8x1024xf32>
    %mul3A_1040 = arith.mulf %mul3A_45, %mul3A_1039 : vector<8x1024xf32>
    %floor3A_1041 = math.floor %mul3A_1040 : vector<8x1024xf32>
    %convert_element_type3A_1042 = arith.fptosi %floor3A_1041 : vector<8x1024xf32> to vector<8x1024xi32>
    %mul3A_1043 = arith.constant 1.024000e+03 : f32
    %mul3A_1044 = vector.broadcast %mul3A_1043 : f32 to vector<8x1024xf32>
    %mul3A_1045 = arith.mulf %mul3A_46, %mul3A_1044 : vector<8x1024xf32>
    %floor3A_1046 = math.floor %mul3A_1045 : vector<8x1024xf32>
    %convert_element_type3A_1047 = arith.fptosi %floor3A_1046 : vector<8x1024xf32> to vector<8x1024xi32>
    %mul3A_1048 = arith.constant 1.024000e+03 : f32
    %mul3A_1049 = vector.broadcast %mul3A_1048 : f32 to vector<8x1024xf32>
    %mul3A_1050 = arith.mulf %mul3A_47, %mul3A_1049 : vector<8x1024xf32>
    %floor3A_1051 = math.floor %mul3A_1050 : vector<8x1024xf32>
    %convert_element_type3A_1052 = arith.fptosi %floor3A_1051 : vector<8x1024xf32> to vector<8x1024xi32>
    %add3A_1053 = arith.constant 1 : i32
    %add3A_1054 = vector.broadcast %add3A_1053 : i32 to vector<8x1024xi32>
    %add3A_1055 = arith.addi %convert_element_type3A_1042, %add3A_1054 : vector<8x1024xi32>
    %mul3A_1056 = arith.constant -1640531535 : i32
    %mul3A_1057 = vector.broadcast %mul3A_1056 : i32 to vector<8x1024xi32>
    %mul3A_1058 = arith.muli %convert_element_type3A_1047, %mul3A_1057 : vector<8x1024xi32>
    %add3A_1059 = arith.constant -1640531535 : i32
    %add3A_1060 = vector.broadcast %add3A_1059 : i32 to vector<8x1024xi32>
    %add3A_1061 = arith.addi %mul3A_1058, %add3A_1060 : vector<8x1024xi32>
    %mul3A_1062 = arith.constant 805459861 : i32
    %mul3A_1063 = vector.broadcast %mul3A_1062 : i32 to vector<8x1024xi32>
    %mul3A_1064 = arith.muli %convert_element_type3A_1052, %mul3A_1063 : vector<8x1024xi32>
    %add3A_1065 = arith.constant 805459861 : i32
    %add3A_1066 = vector.broadcast %add3A_1065 : i32 to vector<8x1024xi32>
    %add3A_1067 = arith.addi %mul3A_1064, %add3A_1066 : vector<8x1024xi32>
    %xor3A_1068 = arith.xori %convert_element_type3A_1042, %mul3A_1058 : vector<8x1024xi32>
    %xor3A_1069 = arith.xori %xor3A_1068, %mul3A_1064 : vector<8x1024xi32>
    %and3A_1070 = arith.constant 262143 : i32
    %and3A_1071 = vector.broadcast %and3A_1070 : i32 to vector<8x1024xi32>
    %and3A_1072 = arith.andi %xor3A_1069, %and3A_1071 : vector<8x1024xi32>
    %or3A_1073 = arith.constant 786432 : i32
    %or3A_1074 = vector.broadcast %or3A_1073 : i32 to vector<8x1024xi32>
    %or3A_1075 = arith.ori %and3A_1072, %or3A_1074 : vector<8x1024xi32>
    %swap3A_1076 = arith.constant 56 : index
    %swap3A_1077 = arith.constant 0 : index
    %swap3A_1078 = arith.constant 0 : index
    %swap3A_1079 = vector.load %arg4[%swap3A_1076, %swap3A_1077, %swap3A_1078] : memref<64x8x1024xi32, #tpu.memory_space<vmem>>, vector<1x8x1024xi32>
    %swap3A_1080 = vector.shape_cast %swap3A_1079 : vector<1x8x1024xi32> to vector<8x1024xi32>
    %swap3A_1081 = vector.shape_cast %or3A_1075 : vector<8x1024xi32> to vector<1x8x1024xi32>
    tpu.vector_store %arg4[%swap3A_1076, %swap3A_1077, %swap3A_1078], %swap3A_1081 {strides = array<i32>} : memref<64x8x1024xi32, #tpu.memory_space<vmem>>, vector<1x8x1024xi32>,
    %xor3A_1082 = arith.xori %add3A_1055, %mul3A_1058 : vector<8x1024xi32>
    %xor3A_1083 = arith.xori %xor3A_1082, %mul3A_1064 : vector<8x1024xi32>
    %and3A_1084 = arith.constant 262143 : i32
    %and3A_1085 = vector.broadcast %and3A_1084 : i32 to vector<8x1024xi32>
    %and3A_1086 = arith.andi %xor3A_1083, %and3A_1085 : vector<8x1024xi32>
    %or3A_1087 = arith.constant 786432 : i32
    %or3A_1088 = vector.broadcast %or3A_1087 : i32 to vector<8x1024xi32>
    %or3A_1089 = arith.ori %and3A_1086, %or3A_1088 : vector<8x1024xi32>
    %swap3A_1090 = arith.constant 57 : index
    %swap3A_1091 = arith.constant 0 : index
    %swap3A_1092 = arith.constant 0 : index
    %swap3A_1093 = vector.load %arg4[%swap3A_1090, %swap3A_1091, %swap3A_1092] : memref<64x8x1024xi32, #tpu.memory_space<vmem>>, vector<1x8x1024xi32>
    %swap3A_1094 = vector.shape_cast %swap3A_1093 : vector<1x8x1024xi32> to vector<8x1024xi32>
    %swap3A_1095 = vector.shape_cast %or3A_1089 : vector<8x1024xi32> to vector<1x8x1024xi32>
    tpu.vector_store %arg4[%swap3A_1090, %swap3A_1091, %swap3A_1092], %swap3A_1095 {strides = array<i32>} : memref<64x8x1024xi32, #tpu.memory_space<vmem>>, vector<1x8x1024xi32>,
    %xor3A_1096 = arith.xori %convert_element_type3A_1042, %add3A_1061 : vector<8x1024xi32>
    %xor3A_1097 = arith.xori %xor3A_1096, %mul3A_1064 : vector<8x1024xi32>
    %and3A_1098 = arith.constant 262143 : i32
    %and3A_1099 = vector.broadcast %and3A_1098 : i32 to vector<8x1024xi32>
    %and3A_1100 = arith.andi %xor3A_1097, %and3A_1099 : vector<8x1024xi32>
    %or3A_1101 = arith.constant 786432 : i32
    %or3A_1102 = vector.broadcast %or3A_1101 : i32 to vector<8x1024xi32>
    %or3A_1103 = arith.ori %and3A_1100, %or3A_1102 : vector<8x1024xi32>
    %swap3A_1104 = arith.constant 58 : index
    %swap3A_1105 = arith.constant 0 : index
    %swap3A_1106 = arith.constant 0 : index
    %swap3A_1107 = vector.load %arg4[%swap3A_1104, %swap3A_1105, %swap3A_1106] : memref<64x8x1024xi32, #tpu.memory_space<vmem>>, vector<1x8x1024xi32>
    %swap3A_1108 = vector.shape_cast %swap3A_1107 : vector<1x8x1024xi32> to vector<8x1024xi32>
    %swap3A_1109 = vector.shape_cast %or3A_1103 : vector<8x1024xi32> to vector<1x8x1024xi32>
    tpu.vector_store %arg4[%swap3A_1104, %swap3A_1105, %swap3A_1106], %swap3A_1109 {strides = array<i32>} : memref<64x8x1024xi32, #tpu.memory_space<vmem>>, vector<1x8x1024xi32>,
    %xor3A_1110 = arith.xori %add3A_1055, %add3A_1061 : vector<8x1024xi32>
    %xor3A_1111 = arith.xori %xor3A_1110, %mul3A_1064 : vector<8x1024xi32>
    %and3A_1112 = arith.constant 262143 : i32
    %and3A_1113 = vector.broadcast %and3A_1112 : i32 to vector<8x1024xi32>
    %and3A_1114 = arith.andi %xor3A_1111, %and3A_1113 : vector<8x1024xi32>
    %or3A_1115 = arith.constant 786432 : i32
    %or3A_1116 = vector.broadcast %or3A_1115 : i32 to vector<8x1024xi32>
    %or3A_1117 = arith.ori %and3A_1114, %or3A_1116 : vector<8x1024xi32>
    %swap3A_1118 = arith.constant 59 : index
    %swap3A_1119 = arith.constant 0 : index
    %swap3A_1120 = arith.constant 0 : index
    %swap3A_1121 = vector.load %arg4[%swap3A_1118, %swap3A_1119, %swap3A_1120] : memref<64x8x1024xi32, #tpu.memory_space<vmem>>, vector<1x8x1024xi32>
    %swap3A_1122 = vector.shape_cast %swap3A_1121 : vector<1x8x1024xi32> to vector<8x1024xi32>
    %swap3A_1123 = vector.shape_cast %or3A_1117 : vector<8x1024xi32> to vector<1x8x1024xi32>
    tpu.vector_store %arg4[%swap3A_1118, %swap3A_1119, %swap3A_1120], %swap3A_1123 {strides = array<i32>} : memref<64x8x1024xi32, #tpu.memory_space<vmem>>, vector<1x8x1024xi32>,
    %xor3A_1124 = arith.xori %convert_element_type3A_1042, %mul3A_1058 : vector<8x1024xi32>
    %xor3A_1125 = arith.xori %xor3A_1124, %add3A_1067 : vector<8x1024xi32>
    %and3A_1126 = arith.constant 262143 : i32
    %and3A_1127 = vector.broadcast %and3A_1126 : i32 to vector<8x1024xi32>
    %and3A_1128 = arith.andi %xor3A_1125, %and3A_1127 : vector<8x1024xi32>
    %or3A_1129 = arith.constant 786432 : i32
    %or3A_1130 = vector.broadcast %or3A_1129 : i32 to vector<8x1024xi32>
    %or3A_1131 = arith.ori %and3A_1128, %or3A_1130 : vector<8x1024xi32>
    %swap3A_1132 = arith.constant 60 : index
    %swap3A_1133 = arith.constant 0 : index
    %swap3A_1134 = arith.constant 0 : index
    %swap3A_1135 = vector.load %arg4[%swap3A_1132, %swap3A_1133, %swap3A_1134] : memref<64x8x1024xi32, #tpu.memory_space<vmem>>, vector<1x8x1024xi32>
    %swap3A_1136 = vector.shape_cast %swap3A_1135 : vector<1x8x1024xi32> to vector<8x1024xi32>
    %swap3A_1137 = vector.shape_cast %or3A_1131 : vector<8x1024xi32> to vector<1x8x1024xi32>
    tpu.vector_store %arg4[%swap3A_1132, %swap3A_1133, %swap3A_1134], %swap3A_1137 {strides = array<i32>} : memref<64x8x1024xi32, #tpu.memory_space<vmem>>, vector<1x8x1024xi32>,
    %xor3A_1138 = arith.xori %add3A_1055, %mul3A_1058 : vector<8x1024xi32>
    %xor3A_1139 = arith.xori %xor3A_1138, %add3A_1067 : vector<8x1024xi32>
    %and3A_1140 = arith.constant 262143 : i32
    %and3A_1141 = vector.broadcast %and3A_1140 : i32 to vector<8x1024xi32>
    %and3A_1142 = arith.andi %xor3A_1139, %and3A_1141 : vector<8x1024xi32>
    %or3A_1143 = arith.constant 786432 : i32
    %or3A_1144 = vector.broadcast %or3A_1143 : i32 to vector<8x1024xi32>
    %or3A_1145 = arith.ori %and3A_1142, %or3A_1144 : vector<8x1024xi32>
    %swap3A_1146 = arith.constant 61 : index
    %swap3A_1147 = arith.constant 0 : index
    %swap3A_1148 = arith.constant 0 : index
    %swap3A_1149 = vector.load %arg4[%swap3A_1146, %swap3A_1147, %swap3A_1148] : memref<64x8x1024xi32, #tpu.memory_space<vmem>>, vector<1x8x1024xi32>
    %swap3A_1150 = vector.shape_cast %swap3A_1149 : vector<1x8x1024xi32> to vector<8x1024xi32>
    %swap3A_1151 = vector.shape_cast %or3A_1145 : vector<8x1024xi32> to vector<1x8x1024xi32>
    tpu.vector_store %arg4[%swap3A_1146, %swap3A_1147, %swap3A_1148], %swap3A_1151 {strides = array<i32>} : memref<64x8x1024xi32, #tpu.memory_space<vmem>>, vector<1x8x1024xi32>,
    %xor3A_1152 = arith.xori %convert_element_type3A_1042, %add3A_1061 : vector<8x1024xi32>
    %xor3A_1153 = arith.xori %xor3A_1152, %add3A_1067 : vector<8x1024xi32>
    %and3A_1154 = arith.constant 262143 : i32
    %and3A_1155 = vector.broadcast %and3A_1154 : i32 to vector<8x1024xi32>
    %and3A_1156 = arith.andi %xor3A_1153, %and3A_1155 : vector<8x1024xi32>
    %or3A_1157 = arith.constant 786432 : i32
    %or3A_1158 = vector.broadcast %or3A_1157 : i32 to vector<8x1024xi32>
    %or3A_1159 = arith.ori %and3A_1156, %or3A_1158 : vector<8x1024xi32>
    %swap3A_1160 = arith.constant 62 : index
    %swap3A_1161 = arith.constant 0 : index
    %swap3A_1162 = arith.constant 0 : index
    %swap3A_1163 = vector.load %arg4[%swap3A_1160, %swap3A_1161, %swap3A_1162] : memref<64x8x1024xi32, #tpu.memory_space<vmem>>, vector<1x8x1024xi32>
    %swap3A_1164 = vector.shape_cast %swap3A_1163 : vector<1x8x1024xi32> to vector<8x1024xi32>
    %swap3A_1165 = vector.shape_cast %or3A_1159 : vector<8x1024xi32> to vector<1x8x1024xi32>
    tpu.vector_store %arg4[%swap3A_1160, %swap3A_1161, %swap3A_1162], %swap3A_1165 {strides = array<i32>} : memref<64x8x1024xi32, #tpu.memory_space<vmem>>, vector<1x8x1024xi32>,
    %xor3A_1166 = arith.xori %add3A_1055, %add3A_1061 : vector<8x1024xi32>
    %xor3A_1167 = arith.xori %xor3A_1166, %add3A_1067 : vector<8x1024xi32>
    %and3A_1168 = arith.constant 262143 : i32
    %and3A_1169 = vector.broadcast %and3A_1168 : i32 to vector<8x1024xi32>
    %and3A_1170 = arith.andi %xor3A_1167, %and3A_1169 : vector<8x1024xi32>
    %or3A_1171 = arith.constant 786432 : i32
    %or3A_1172 = vector.broadcast %or3A_1171 : i32 to vector<8x1024xi32>
    %or3A_1173 = arith.ori %and3A_1170, %or3A_1172 : vector<8x1024xi32>
    %swap3A_1174 = arith.constant 63 : index
    %swap3A_1175 = arith.constant 0 : index
    %swap3A_1176 = arith.constant 0 : index
    %swap3A_1177 = vector.load %arg4[%swap3A_1174, %swap3A_1175, %swap3A_1176] : memref<64x8x1024xi32, #tpu.memory_space<vmem>>, vector<1x8x1024xi32>
    %swap3A_1178 = vector.shape_cast %swap3A_1177 : vector<1x8x1024xi32> to vector<8x1024xi32>
    %swap3A_1179 = vector.shape_cast %or3A_1173 : vector<8x1024xi32> to vector<1x8x1024xi32>
    tpu.vector_store %arg4[%swap3A_1174, %swap3A_1175, %swap3A_1176], %swap3A_1179 {strides = array<i32>} : memref<64x8x1024xi32, #tpu.memory_space<vmem>>, vector<1x8x1024xi32>,
    %swap3A_1180 = arith.constant 0 : index
    %swap3A_1181 = arith.constant 0 : index
    %swap3A_1182 = vector.load %arg5[%swap3A_1180, %swap3A_1181] : memref<8x1024xf32, #tpu.memory_space<vmem>>, vector<8x1024xf32>
    tpu.vector_store %arg5[%swap3A_1180, %swap3A_1181], %convert_element_type3A_44 {strides = array<i32>} : memref<8x1024xf32, #tpu.memory_space<vmem>>, vector<8x1024xf32>,
    return
  }
  func.func @transform_0(%arg0: i32) -> (i32, i32) {
    %c0_i32 = arith.constant 0 : i32
    %c0_i32_0 = arith.constant 0 : i32
    return %arg0, %c0_i32 : i32, i32
  }
  func.func @transform_1(%arg0: i32) -> (i32, i32) {
    %c0_i32 = arith.constant 0 : i32
    %c0_i32_0 = arith.constant 0 : i32
    return %arg0, %c0_i32 : i32, i32
  }
  func.func @transform_2(%arg0: i32) -> (i32, i32) {
    %c0_i32 = arith.constant 0 : i32
    %c0_i32_0 = arith.constant 0 : i32
    return %arg0, %c0_i32 : i32, i32
  }
  func.func @transform_3(%arg0: i32) -> (i32, i32, i32) {
    %c0_i32 = arith.constant 0 : i32
    %c0_i32_0 = arith.constant 0 : i32
    %c0_i32_1 = arith.constant 0 : i32
    return %c0_i32, %arg0, %c0_i32_0 : i32, i32, i32
  }
  func.func @transform_4(%arg0: i32) -> (i32, i32) {
    %c0_i32 = arith.constant 0 : i32
    %c0_i32_0 = arith.constant 0 : i32
    return %arg0, %c0_i32 : i32, i32
  }
}

module attributes {stable_mosaic.version = 14 : i64} {
  func.func @_blend_body(%arg0: i32, %arg1: memref<8x1024xf32, #tpu.memory_space<vmem>>, %arg2: memref<8x1024xf32, #tpu.memory_space<vmem>>, %arg3: memref<8x1024xf32, #tpu.memory_space<vmem>>, %arg4: memref<64x8x1024xi32, #tpu.memory_space<vmem>>, %arg5: memref<16x8x1024xf32, #tpu.memory_space<vmem>>) attributes {dimension_semantics = [#tpu.dimension_semantics<arbitrary>], iteration_bounds = array<i64: 32>, scalar_prefetch = 0 : i64, scratch_operands = 0 : i64, tpu.core_type = #tpu.core_type<tc>, window_params = [{transform_indices = @transform_0, window_bounds = array<i64: 8, 1024>}, {transform_indices = @transform_1, window_bounds = array<i64: 8, 1024>}, {transform_indices = @transform_2, window_bounds = array<i64: 8, 1024>}, {transform_indices = @transform_3, window_bounds = array<i64: 64, 8, 1024>}, {transform_indices = @transform_4, window_bounds = array<i64: 16, 8, 1024>}]} {
    %get3A = arith.constant 0 : index
    %get3A_0 = arith.constant 0 : index
    %get3A_1 = vector.load %arg1[%get3A, %get3A_0] : memref<8x1024xf32, #tpu.memory_space<vmem>>, vector<8x1024xf32>
    %get3A_2 = arith.constant 0 : index
    %get3A_3 = arith.constant 0 : index
    %get3A_4 = vector.load %arg2[%get3A_2, %get3A_3] : memref<8x1024xf32, #tpu.memory_space<vmem>>, vector<8x1024xf32>
    %get3A_5 = arith.constant 0 : index
    %get3A_6 = arith.constant 0 : index
    %get3A_7 = vector.load %arg3[%get3A_5, %get3A_6] : memref<8x1024xf32, #tpu.memory_space<vmem>>, vector<8x1024xf32>
    %add3A = arith.constant 2.000000e+00 : f32
    %add3A_8 = vector.broadcast %add3A : f32 to vector<8x1024xf32>
    %add3A_9 = arith.addf %get3A_1, %add3A_8 : vector<8x1024xf32>
    %mul3A = arith.constant 2.500000e-01 : f32
    %mul3A_10 = vector.broadcast %mul3A : f32 to vector<8x1024xf32>
    %mul3A_11 = arith.mulf %add3A_9, %mul3A_10 : vector<8x1024xf32>
    %add3A_12 = arith.constant 2.000000e+00 : f32
    %add3A_13 = vector.broadcast %add3A_12 : f32 to vector<8x1024xf32>
    %add3A_14 = arith.addf %get3A_4, %add3A_13 : vector<8x1024xf32>
    %mul3A_15 = arith.constant 2.500000e-01 : f32
    %mul3A_16 = vector.broadcast %mul3A_15 : f32 to vector<8x1024xf32>
    %mul3A_17 = arith.mulf %add3A_14, %mul3A_16 : vector<8x1024xf32>
    %add3A_18 = arith.constant 2.000000e+00 : f32
    %add3A_19 = vector.broadcast %add3A_18 : f32 to vector<8x1024xf32>
    %add3A_20 = arith.addf %get3A_7, %add3A_19 : vector<8x1024xf32>
    %mul3A_21 = arith.constant 2.500000e-01 : f32
    %mul3A_22 = vector.broadcast %mul3A_21 : f32 to vector<8x1024xf32>
    %mul3A_23 = arith.mulf %add3A_20, %mul3A_22 : vector<8x1024xf32>
    %ge3A = arith.constant 0.000000e+00 : f32
    %ge3A_24 = vector.broadcast %ge3A : f32 to vector<8x1024xf32>
    %ge3A_25 = arith.cmpf oge, %mul3A_11, %ge3A_24 : vector<8x1024xf32>
    %le3A = arith.constant 1.000000e+00 : f32
    %le3A_26 = vector.broadcast %le3A : f32 to vector<8x1024xf32>
    %le3A_27 = arith.cmpf ole, %mul3A_11, %le3A_26 : vector<8x1024xf32>
    %and3A = arith.andi %ge3A_25, %le3A_27 : vector<8x1024xi1>
    %ge3A_28 = arith.constant 0.000000e+00 : f32
    %ge3A_29 = vector.broadcast %ge3A_28 : f32 to vector<8x1024xf32>
    %ge3A_30 = arith.cmpf oge, %mul3A_17, %ge3A_29 : vector<8x1024xf32>
    %and3A_31 = arith.andi %and3A, %ge3A_30 : vector<8x1024xi1>
    %le3A_32 = arith.constant 1.000000e+00 : f32
    %le3A_33 = vector.broadcast %le3A_32 : f32 to vector<8x1024xf32>
    %le3A_34 = arith.cmpf ole, %mul3A_17, %le3A_33 : vector<8x1024xf32>
    %and3A_35 = arith.andi %and3A_31, %le3A_34 : vector<8x1024xi1>
    %ge3A_36 = arith.constant 0.000000e+00 : f32
    %ge3A_37 = vector.broadcast %ge3A_36 : f32 to vector<8x1024xf32>
    %ge3A_38 = arith.cmpf oge, %mul3A_23, %ge3A_37 : vector<8x1024xf32>
    %and3A_39 = arith.andi %and3A_35, %ge3A_38 : vector<8x1024xi1>
    %le3A_40 = arith.constant 1.000000e+00 : f32
    %le3A_41 = vector.broadcast %le3A_40 : f32 to vector<8x1024xf32>
    %le3A_42 = arith.cmpf ole, %mul3A_23, %le3A_41 : vector<8x1024xf32>
    %and3A_43 = arith.andi %and3A_39, %le3A_42 : vector<8x1024xi1>
    %convert_element_type3A = arith.extui %and3A_43 : vector<8x1024xi1> to vector<8x1024xi32>
    %convert_element_type3A_44 = arith.sitofp %convert_element_type3A : vector<8x1024xi32> to vector<8x1024xf32>
    %mul3A_45 = arith.mulf %mul3A_11, %convert_element_type3A_44 : vector<8x1024xf32>
    %mul3A_46 = arith.mulf %mul3A_17, %convert_element_type3A_44 : vector<8x1024xf32>
    %mul3A_47 = arith.mulf %mul3A_23, %convert_element_type3A_44 : vector<8x1024xf32>
    %mul3A_48 = arith.constant 1.600000e+01 : f32
    %mul3A_49 = vector.broadcast %mul3A_48 : f32 to vector<8x1024xf32>
    %mul3A_50 = arith.mulf %mul3A_45, %mul3A_49 : vector<8x1024xf32>
    %mul3A_51 = arith.constant 1.600000e+01 : f32
    %mul3A_52 = vector.broadcast %mul3A_51 : f32 to vector<8x1024xf32>
    %mul3A_53 = arith.mulf %mul3A_46, %mul3A_52 : vector<8x1024xf32>
    %mul3A_54 = arith.constant 1.600000e+01 : f32
    %mul3A_55 = vector.broadcast %mul3A_54 : f32 to vector<8x1024xf32>
    %mul3A_56 = arith.mulf %mul3A_47, %mul3A_55 : vector<8x1024xf32>
    %floor3A = math.floor %mul3A_50 : vector<8x1024xf32>
    %sub3A = arith.subf %mul3A_50, %floor3A : vector<8x1024xf32>
    %floor3A_57 = math.floor %mul3A_53 : vector<8x1024xf32>
    %sub3A_58 = arith.subf %mul3A_53, %floor3A_57 : vector<8x1024xf32>
    %floor3A_59 = math.floor %mul3A_56 : vector<8x1024xf32>
    %sub3A_60 = arith.subf %mul3A_56, %floor3A_59 : vector<8x1024xf32>
    %sub3A_61 = arith.constant 1.000000e+00 : f32
    %sub3A_62 = vector.broadcast %sub3A_61 : f32 to vector<8x1024xf32>
    %sub3A_63 = arith.subf %sub3A_62, %sub3A : vector<8x1024xf32>
    %sub3A_64 = arith.constant 1.000000e+00 : f32
    %sub3A_65 = vector.broadcast %sub3A_64 : f32 to vector<8x1024xf32>
    %sub3A_66 = arith.subf %sub3A_65, %sub3A_58 : vector<8x1024xf32>
    %sub3A_67 = arith.constant 1.000000e+00 : f32
    %sub3A_68 = vector.broadcast %sub3A_67 : f32 to vector<8x1024xf32>
    %sub3A_69 = arith.subf %sub3A_68, %sub3A_60 : vector<8x1024xf32>
    %broadcast_in_dim3A = arith.constant 0.000000e+00 : f32
    %broadcast_in_dim3A_70 = vector.broadcast %broadcast_in_dim3A : f32 to vector<8x1024xf32>
    %broadcast_in_dim3A_71 = arith.constant 0.000000e+00 : f32
    %broadcast_in_dim3A_72 = vector.broadcast %broadcast_in_dim3A_71 : f32 to vector<8x1024xf32>
    %mul3A_73 = arith.mulf %sub3A_66, %sub3A_69 : vector<8x1024xf32>
    %get3A_74 = arith.constant 0 : index
    %get3A_75 = arith.constant 0 : index
    %get3A_76 = arith.constant 0 : index
    %get3A_77 = vector.load %arg4[%get3A_74, %get3A_75, %get3A_76] : memref<64x8x1024xi32, #tpu.memory_space<vmem>>, vector<1x8x1024xi32>
    %get3A_78 = vector.shape_cast %get3A_77 : vector<1x8x1024xi32> to vector<8x1024xi32>
    %shift_left3A = arith.constant 16 : i32
    %shift_left3A_79 = vector.broadcast %shift_left3A : i32 to vector<8x1024xi32>
    %shift_left3A_80 = arith.shli %get3A_78, %shift_left3A_79 : vector<8x1024xi32>
    %bitcast_convert_type3A = tpu.bitcast %shift_left3A_80 : vector<8x1024xi32> -> vector<8x1024xf32>
    %and3A_81 = arith.constant -65536 : i32
    %and3A_82 = vector.broadcast %and3A_81 : i32 to vector<8x1024xi32>
    %and3A_83 = arith.andi %get3A_78, %and3A_82 : vector<8x1024xi32>
    %bitcast_convert_type3A_84 = tpu.bitcast %and3A_83 : vector<8x1024xi32> -> vector<8x1024xf32>
    %mul3A_85 = arith.mulf %sub3A_63, %mul3A_73 : vector<8x1024xf32>
    %mul3A_86 = arith.mulf %mul3A_85, %bitcast_convert_type3A : vector<8x1024xf32>
    %add3A_87 = arith.addf %broadcast_in_dim3A_70, %mul3A_86 : vector<8x1024xf32>
    %mul3A_88 = arith.mulf %mul3A_85, %bitcast_convert_type3A_84 : vector<8x1024xf32>
    %add3A_89 = arith.addf %broadcast_in_dim3A_72, %mul3A_88 : vector<8x1024xf32>
    %get3A_90 = arith.constant 1 : index
    %get3A_91 = arith.constant 0 : index
    %get3A_92 = arith.constant 0 : index
    %get3A_93 = vector.load %arg4[%get3A_90, %get3A_91, %get3A_92] : memref<64x8x1024xi32, #tpu.memory_space<vmem>>, vector<1x8x1024xi32>
    %get3A_94 = vector.shape_cast %get3A_93 : vector<1x8x1024xi32> to vector<8x1024xi32>
    %shift_left3A_95 = arith.constant 16 : i32
    %shift_left3A_96 = vector.broadcast %shift_left3A_95 : i32 to vector<8x1024xi32>
    %shift_left3A_97 = arith.shli %get3A_94, %shift_left3A_96 : vector<8x1024xi32>
    %bitcast_convert_type3A_98 = tpu.bitcast %shift_left3A_97 : vector<8x1024xi32> -> vector<8x1024xf32>
    %and3A_99 = arith.constant -65536 : i32
    %and3A_100 = vector.broadcast %and3A_99 : i32 to vector<8x1024xi32>
    %and3A_101 = arith.andi %get3A_94, %and3A_100 : vector<8x1024xi32>
    %bitcast_convert_type3A_102 = tpu.bitcast %and3A_101 : vector<8x1024xi32> -> vector<8x1024xf32>
    %mul3A_103 = arith.mulf %sub3A, %mul3A_73 : vector<8x1024xf32>
    %mul3A_104 = arith.mulf %mul3A_103, %bitcast_convert_type3A_98 : vector<8x1024xf32>
    %add3A_105 = arith.addf %add3A_87, %mul3A_104 : vector<8x1024xf32>
    %mul3A_106 = arith.mulf %mul3A_103, %bitcast_convert_type3A_102 : vector<8x1024xf32>
    %add3A_107 = arith.addf %add3A_89, %mul3A_106 : vector<8x1024xf32>
    %mul3A_108 = arith.mulf %sub3A_58, %sub3A_69 : vector<8x1024xf32>
    %get3A_109 = arith.constant 2 : index
    %get3A_110 = arith.constant 0 : index
    %get3A_111 = arith.constant 0 : index
    %get3A_112 = vector.load %arg4[%get3A_109, %get3A_110, %get3A_111] : memref<64x8x1024xi32, #tpu.memory_space<vmem>>, vector<1x8x1024xi32>
    %get3A_113 = vector.shape_cast %get3A_112 : vector<1x8x1024xi32> to vector<8x1024xi32>
    %shift_left3A_114 = arith.constant 16 : i32
    %shift_left3A_115 = vector.broadcast %shift_left3A_114 : i32 to vector<8x1024xi32>
    %shift_left3A_116 = arith.shli %get3A_113, %shift_left3A_115 : vector<8x1024xi32>
    %bitcast_convert_type3A_117 = tpu.bitcast %shift_left3A_116 : vector<8x1024xi32> -> vector<8x1024xf32>
    %and3A_118 = arith.constant -65536 : i32
    %and3A_119 = vector.broadcast %and3A_118 : i32 to vector<8x1024xi32>
    %and3A_120 = arith.andi %get3A_113, %and3A_119 : vector<8x1024xi32>
    %bitcast_convert_type3A_121 = tpu.bitcast %and3A_120 : vector<8x1024xi32> -> vector<8x1024xf32>
    %mul3A_122 = arith.mulf %sub3A_63, %mul3A_108 : vector<8x1024xf32>
    %mul3A_123 = arith.mulf %mul3A_122, %bitcast_convert_type3A_117 : vector<8x1024xf32>
    %add3A_124 = arith.addf %add3A_105, %mul3A_123 : vector<8x1024xf32>
    %mul3A_125 = arith.mulf %mul3A_122, %bitcast_convert_type3A_121 : vector<8x1024xf32>
    %add3A_126 = arith.addf %add3A_107, %mul3A_125 : vector<8x1024xf32>
    %get3A_127 = arith.constant 3 : index
    %get3A_128 = arith.constant 0 : index
    %get3A_129 = arith.constant 0 : index
    %get3A_130 = vector.load %arg4[%get3A_127, %get3A_128, %get3A_129] : memref<64x8x1024xi32, #tpu.memory_space<vmem>>, vector<1x8x1024xi32>
    %get3A_131 = vector.shape_cast %get3A_130 : vector<1x8x1024xi32> to vector<8x1024xi32>
    %shift_left3A_132 = arith.constant 16 : i32
    %shift_left3A_133 = vector.broadcast %shift_left3A_132 : i32 to vector<8x1024xi32>
    %shift_left3A_134 = arith.shli %get3A_131, %shift_left3A_133 : vector<8x1024xi32>
    %bitcast_convert_type3A_135 = tpu.bitcast %shift_left3A_134 : vector<8x1024xi32> -> vector<8x1024xf32>
    %and3A_136 = arith.constant -65536 : i32
    %and3A_137 = vector.broadcast %and3A_136 : i32 to vector<8x1024xi32>
    %and3A_138 = arith.andi %get3A_131, %and3A_137 : vector<8x1024xi32>
    %bitcast_convert_type3A_139 = tpu.bitcast %and3A_138 : vector<8x1024xi32> -> vector<8x1024xf32>
    %mul3A_140 = arith.mulf %sub3A, %mul3A_108 : vector<8x1024xf32>
    %mul3A_141 = arith.mulf %mul3A_140, %bitcast_convert_type3A_135 : vector<8x1024xf32>
    %add3A_142 = arith.addf %add3A_124, %mul3A_141 : vector<8x1024xf32>
    %mul3A_143 = arith.mulf %mul3A_140, %bitcast_convert_type3A_139 : vector<8x1024xf32>
    %add3A_144 = arith.addf %add3A_126, %mul3A_143 : vector<8x1024xf32>
    %mul3A_145 = arith.mulf %sub3A_66, %sub3A_60 : vector<8x1024xf32>
    %get3A_146 = arith.constant 4 : index
    %get3A_147 = arith.constant 0 : index
    %get3A_148 = arith.constant 0 : index
    %get3A_149 = vector.load %arg4[%get3A_146, %get3A_147, %get3A_148] : memref<64x8x1024xi32, #tpu.memory_space<vmem>>, vector<1x8x1024xi32>
    %get3A_150 = vector.shape_cast %get3A_149 : vector<1x8x1024xi32> to vector<8x1024xi32>
    %shift_left3A_151 = arith.constant 16 : i32
    %shift_left3A_152 = vector.broadcast %shift_left3A_151 : i32 to vector<8x1024xi32>
    %shift_left3A_153 = arith.shli %get3A_150, %shift_left3A_152 : vector<8x1024xi32>
    %bitcast_convert_type3A_154 = tpu.bitcast %shift_left3A_153 : vector<8x1024xi32> -> vector<8x1024xf32>
    %and3A_155 = arith.constant -65536 : i32
    %and3A_156 = vector.broadcast %and3A_155 : i32 to vector<8x1024xi32>
    %and3A_157 = arith.andi %get3A_150, %and3A_156 : vector<8x1024xi32>
    %bitcast_convert_type3A_158 = tpu.bitcast %and3A_157 : vector<8x1024xi32> -> vector<8x1024xf32>
    %mul3A_159 = arith.mulf %sub3A_63, %mul3A_145 : vector<8x1024xf32>
    %mul3A_160 = arith.mulf %mul3A_159, %bitcast_convert_type3A_154 : vector<8x1024xf32>
    %add3A_161 = arith.addf %add3A_142, %mul3A_160 : vector<8x1024xf32>
    %mul3A_162 = arith.mulf %mul3A_159, %bitcast_convert_type3A_158 : vector<8x1024xf32>
    %add3A_163 = arith.addf %add3A_144, %mul3A_162 : vector<8x1024xf32>
    %get3A_164 = arith.constant 5 : index
    %get3A_165 = arith.constant 0 : index
    %get3A_166 = arith.constant 0 : index
    %get3A_167 = vector.load %arg4[%get3A_164, %get3A_165, %get3A_166] : memref<64x8x1024xi32, #tpu.memory_space<vmem>>, vector<1x8x1024xi32>
    %get3A_168 = vector.shape_cast %get3A_167 : vector<1x8x1024xi32> to vector<8x1024xi32>
    %shift_left3A_169 = arith.constant 16 : i32
    %shift_left3A_170 = vector.broadcast %shift_left3A_169 : i32 to vector<8x1024xi32>
    %shift_left3A_171 = arith.shli %get3A_168, %shift_left3A_170 : vector<8x1024xi32>
    %bitcast_convert_type3A_172 = tpu.bitcast %shift_left3A_171 : vector<8x1024xi32> -> vector<8x1024xf32>
    %and3A_173 = arith.constant -65536 : i32
    %and3A_174 = vector.broadcast %and3A_173 : i32 to vector<8x1024xi32>
    %and3A_175 = arith.andi %get3A_168, %and3A_174 : vector<8x1024xi32>
    %bitcast_convert_type3A_176 = tpu.bitcast %and3A_175 : vector<8x1024xi32> -> vector<8x1024xf32>
    %mul3A_177 = arith.mulf %sub3A, %mul3A_145 : vector<8x1024xf32>
    %mul3A_178 = arith.mulf %mul3A_177, %bitcast_convert_type3A_172 : vector<8x1024xf32>
    %add3A_179 = arith.addf %add3A_161, %mul3A_178 : vector<8x1024xf32>
    %mul3A_180 = arith.mulf %mul3A_177, %bitcast_convert_type3A_176 : vector<8x1024xf32>
    %add3A_181 = arith.addf %add3A_163, %mul3A_180 : vector<8x1024xf32>
    %mul3A_182 = arith.mulf %sub3A_58, %sub3A_60 : vector<8x1024xf32>
    %get3A_183 = arith.constant 6 : index
    %get3A_184 = arith.constant 0 : index
    %get3A_185 = arith.constant 0 : index
    %get3A_186 = vector.load %arg4[%get3A_183, %get3A_184, %get3A_185] : memref<64x8x1024xi32, #tpu.memory_space<vmem>>, vector<1x8x1024xi32>
    %get3A_187 = vector.shape_cast %get3A_186 : vector<1x8x1024xi32> to vector<8x1024xi32>
    %shift_left3A_188 = arith.constant 16 : i32
    %shift_left3A_189 = vector.broadcast %shift_left3A_188 : i32 to vector<8x1024xi32>
    %shift_left3A_190 = arith.shli %get3A_187, %shift_left3A_189 : vector<8x1024xi32>
    %bitcast_convert_type3A_191 = tpu.bitcast %shift_left3A_190 : vector<8x1024xi32> -> vector<8x1024xf32>
    %and3A_192 = arith.constant -65536 : i32
    %and3A_193 = vector.broadcast %and3A_192 : i32 to vector<8x1024xi32>
    %and3A_194 = arith.andi %get3A_187, %and3A_193 : vector<8x1024xi32>
    %bitcast_convert_type3A_195 = tpu.bitcast %and3A_194 : vector<8x1024xi32> -> vector<8x1024xf32>
    %mul3A_196 = arith.mulf %sub3A_63, %mul3A_182 : vector<8x1024xf32>
    %mul3A_197 = arith.mulf %mul3A_196, %bitcast_convert_type3A_191 : vector<8x1024xf32>
    %add3A_198 = arith.addf %add3A_179, %mul3A_197 : vector<8x1024xf32>
    %mul3A_199 = arith.mulf %mul3A_196, %bitcast_convert_type3A_195 : vector<8x1024xf32>
    %add3A_200 = arith.addf %add3A_181, %mul3A_199 : vector<8x1024xf32>
    %get3A_201 = arith.constant 7 : index
    %get3A_202 = arith.constant 0 : index
    %get3A_203 = arith.constant 0 : index
    %get3A_204 = vector.load %arg4[%get3A_201, %get3A_202, %get3A_203] : memref<64x8x1024xi32, #tpu.memory_space<vmem>>, vector<1x8x1024xi32>
    %get3A_205 = vector.shape_cast %get3A_204 : vector<1x8x1024xi32> to vector<8x1024xi32>
    %shift_left3A_206 = arith.constant 16 : i32
    %shift_left3A_207 = vector.broadcast %shift_left3A_206 : i32 to vector<8x1024xi32>
    %shift_left3A_208 = arith.shli %get3A_205, %shift_left3A_207 : vector<8x1024xi32>
    %bitcast_convert_type3A_209 = tpu.bitcast %shift_left3A_208 : vector<8x1024xi32> -> vector<8x1024xf32>
    %and3A_210 = arith.constant -65536 : i32
    %and3A_211 = vector.broadcast %and3A_210 : i32 to vector<8x1024xi32>
    %and3A_212 = arith.andi %get3A_205, %and3A_211 : vector<8x1024xi32>
    %bitcast_convert_type3A_213 = tpu.bitcast %and3A_212 : vector<8x1024xi32> -> vector<8x1024xf32>
    %mul3A_214 = arith.mulf %sub3A, %mul3A_182 : vector<8x1024xf32>
    %mul3A_215 = arith.mulf %mul3A_214, %bitcast_convert_type3A_209 : vector<8x1024xf32>
    %add3A_216 = arith.addf %add3A_198, %mul3A_215 : vector<8x1024xf32>
    %mul3A_217 = arith.mulf %mul3A_214, %bitcast_convert_type3A_213 : vector<8x1024xf32>
    %add3A_218 = arith.addf %add3A_200, %mul3A_217 : vector<8x1024xf32>
    %swap3A = arith.constant 0 : index
    %swap3A_219 = arith.constant 0 : index
    %swap3A_220 = arith.constant 0 : index
    %swap3A_221 = vector.load %arg5[%swap3A, %swap3A_219, %swap3A_220] : memref<16x8x1024xf32, #tpu.memory_space<vmem>>, vector<1x8x1024xf32>
    %swap3A_222 = vector.shape_cast %swap3A_221 : vector<1x8x1024xf32> to vector<8x1024xf32>
    %swap3A_223 = vector.shape_cast %add3A_216 : vector<8x1024xf32> to vector<1x8x1024xf32>
    tpu.vector_store %arg5[%swap3A, %swap3A_219, %swap3A_220], %swap3A_223 {strides = array<i32>} : memref<16x8x1024xf32, #tpu.memory_space<vmem>>, vector<1x8x1024xf32>,
    %swap3A_224 = arith.constant 1 : index
    %swap3A_225 = arith.constant 0 : index
    %swap3A_226 = arith.constant 0 : index
    %swap3A_227 = vector.load %arg5[%swap3A_224, %swap3A_225, %swap3A_226] : memref<16x8x1024xf32, #tpu.memory_space<vmem>>, vector<1x8x1024xf32>
    %swap3A_228 = vector.shape_cast %swap3A_227 : vector<1x8x1024xf32> to vector<8x1024xf32>
    %swap3A_229 = vector.shape_cast %add3A_218 : vector<8x1024xf32> to vector<1x8x1024xf32>
    tpu.vector_store %arg5[%swap3A_224, %swap3A_225, %swap3A_226], %swap3A_229 {strides = array<i32>} : memref<16x8x1024xf32, #tpu.memory_space<vmem>>, vector<1x8x1024xf32>,
    %mul3A_230 = arith.constant 2.800000e+01 : f32
    %mul3A_231 = vector.broadcast %mul3A_230 : f32 to vector<8x1024xf32>
    %mul3A_232 = arith.mulf %mul3A_45, %mul3A_231 : vector<8x1024xf32>
    %mul3A_233 = arith.constant 2.800000e+01 : f32
    %mul3A_234 = vector.broadcast %mul3A_233 : f32 to vector<8x1024xf32>
    %mul3A_235 = arith.mulf %mul3A_46, %mul3A_234 : vector<8x1024xf32>
    %mul3A_236 = arith.constant 2.800000e+01 : f32
    %mul3A_237 = vector.broadcast %mul3A_236 : f32 to vector<8x1024xf32>
    %mul3A_238 = arith.mulf %mul3A_47, %mul3A_237 : vector<8x1024xf32>
    %floor3A_239 = math.floor %mul3A_232 : vector<8x1024xf32>
    %sub3A_240 = arith.subf %mul3A_232, %floor3A_239 : vector<8x1024xf32>
    %floor3A_241 = math.floor %mul3A_235 : vector<8x1024xf32>
    %sub3A_242 = arith.subf %mul3A_235, %floor3A_241 : vector<8x1024xf32>
    %floor3A_243 = math.floor %mul3A_238 : vector<8x1024xf32>
    %sub3A_244 = arith.subf %mul3A_238, %floor3A_243 : vector<8x1024xf32>
    %sub3A_245 = arith.constant 1.000000e+00 : f32
    %sub3A_246 = vector.broadcast %sub3A_245 : f32 to vector<8x1024xf32>
    %sub3A_247 = arith.subf %sub3A_246, %sub3A_240 : vector<8x1024xf32>
    %sub3A_248 = arith.constant 1.000000e+00 : f32
    %sub3A_249 = vector.broadcast %sub3A_248 : f32 to vector<8x1024xf32>
    %sub3A_250 = arith.subf %sub3A_249, %sub3A_242 : vector<8x1024xf32>
    %sub3A_251 = arith.constant 1.000000e+00 : f32
    %sub3A_252 = vector.broadcast %sub3A_251 : f32 to vector<8x1024xf32>
    %sub3A_253 = arith.subf %sub3A_252, %sub3A_244 : vector<8x1024xf32>
    %broadcast_in_dim3A_254 = arith.constant 0.000000e+00 : f32
    %broadcast_in_dim3A_255 = vector.broadcast %broadcast_in_dim3A_254 : f32 to vector<8x1024xf32>
    %broadcast_in_dim3A_256 = arith.constant 0.000000e+00 : f32
    %broadcast_in_dim3A_257 = vector.broadcast %broadcast_in_dim3A_256 : f32 to vector<8x1024xf32>
    %mul3A_258 = arith.mulf %sub3A_250, %sub3A_253 : vector<8x1024xf32>
    %get3A_259 = arith.constant 8 : index
    %get3A_260 = arith.constant 0 : index
    %get3A_261 = arith.constant 0 : index
    %get3A_262 = vector.load %arg4[%get3A_259, %get3A_260, %get3A_261] : memref<64x8x1024xi32, #tpu.memory_space<vmem>>, vector<1x8x1024xi32>
    %get3A_263 = vector.shape_cast %get3A_262 : vector<1x8x1024xi32> to vector<8x1024xi32>
    %shift_left3A_264 = arith.constant 16 : i32
    %shift_left3A_265 = vector.broadcast %shift_left3A_264 : i32 to vector<8x1024xi32>
    %shift_left3A_266 = arith.shli %get3A_263, %shift_left3A_265 : vector<8x1024xi32>
    %bitcast_convert_type3A_267 = tpu.bitcast %shift_left3A_266 : vector<8x1024xi32> -> vector<8x1024xf32>
    %and3A_268 = arith.constant -65536 : i32
    %and3A_269 = vector.broadcast %and3A_268 : i32 to vector<8x1024xi32>
    %and3A_270 = arith.andi %get3A_263, %and3A_269 : vector<8x1024xi32>
    %bitcast_convert_type3A_271 = tpu.bitcast %and3A_270 : vector<8x1024xi32> -> vector<8x1024xf32>
    %mul3A_272 = arith.mulf %sub3A_247, %mul3A_258 : vector<8x1024xf32>
    %mul3A_273 = arith.mulf %mul3A_272, %bitcast_convert_type3A_267 : vector<8x1024xf32>
    %add3A_274 = arith.addf %broadcast_in_dim3A_255, %mul3A_273 : vector<8x1024xf32>
    %mul3A_275 = arith.mulf %mul3A_272, %bitcast_convert_type3A_271 : vector<8x1024xf32>
    %add3A_276 = arith.addf %broadcast_in_dim3A_257, %mul3A_275 : vector<8x1024xf32>
    %get3A_277 = arith.constant 9 : index
    %get3A_278 = arith.constant 0 : index
    %get3A_279 = arith.constant 0 : index
    %get3A_280 = vector.load %arg4[%get3A_277, %get3A_278, %get3A_279] : memref<64x8x1024xi32, #tpu.memory_space<vmem>>, vector<1x8x1024xi32>
    %get3A_281 = vector.shape_cast %get3A_280 : vector<1x8x1024xi32> to vector<8x1024xi32>
    %shift_left3A_282 = arith.constant 16 : i32
    %shift_left3A_283 = vector.broadcast %shift_left3A_282 : i32 to vector<8x1024xi32>
    %shift_left3A_284 = arith.shli %get3A_281, %shift_left3A_283 : vector<8x1024xi32>
    %bitcast_convert_type3A_285 = tpu.bitcast %shift_left3A_284 : vector<8x1024xi32> -> vector<8x1024xf32>
    %and3A_286 = arith.constant -65536 : i32
    %and3A_287 = vector.broadcast %and3A_286 : i32 to vector<8x1024xi32>
    %and3A_288 = arith.andi %get3A_281, %and3A_287 : vector<8x1024xi32>
    %bitcast_convert_type3A_289 = tpu.bitcast %and3A_288 : vector<8x1024xi32> -> vector<8x1024xf32>
    %mul3A_290 = arith.mulf %sub3A_240, %mul3A_258 : vector<8x1024xf32>
    %mul3A_291 = arith.mulf %mul3A_290, %bitcast_convert_type3A_285 : vector<8x1024xf32>
    %add3A_292 = arith.addf %add3A_274, %mul3A_291 : vector<8x1024xf32>
    %mul3A_293 = arith.mulf %mul3A_290, %bitcast_convert_type3A_289 : vector<8x1024xf32>
    %add3A_294 = arith.addf %add3A_276, %mul3A_293 : vector<8x1024xf32>
    %mul3A_295 = arith.mulf %sub3A_242, %sub3A_253 : vector<8x1024xf32>
    %get3A_296 = arith.constant 10 : index
    %get3A_297 = arith.constant 0 : index
    %get3A_298 = arith.constant 0 : index
    %get3A_299 = vector.load %arg4[%get3A_296, %get3A_297, %get3A_298] : memref<64x8x1024xi32, #tpu.memory_space<vmem>>, vector<1x8x1024xi32>
    %get3A_300 = vector.shape_cast %get3A_299 : vector<1x8x1024xi32> to vector<8x1024xi32>
    %shift_left3A_301 = arith.constant 16 : i32
    %shift_left3A_302 = vector.broadcast %shift_left3A_301 : i32 to vector<8x1024xi32>
    %shift_left3A_303 = arith.shli %get3A_300, %shift_left3A_302 : vector<8x1024xi32>
    %bitcast_convert_type3A_304 = tpu.bitcast %shift_left3A_303 : vector<8x1024xi32> -> vector<8x1024xf32>
    %and3A_305 = arith.constant -65536 : i32
    %and3A_306 = vector.broadcast %and3A_305 : i32 to vector<8x1024xi32>
    %and3A_307 = arith.andi %get3A_300, %and3A_306 : vector<8x1024xi32>
    %bitcast_convert_type3A_308 = tpu.bitcast %and3A_307 : vector<8x1024xi32> -> vector<8x1024xf32>
    %mul3A_309 = arith.mulf %sub3A_247, %mul3A_295 : vector<8x1024xf32>
    %mul3A_310 = arith.mulf %mul3A_309, %bitcast_convert_type3A_304 : vector<8x1024xf32>
    %add3A_311 = arith.addf %add3A_292, %mul3A_310 : vector<8x1024xf32>
    %mul3A_312 = arith.mulf %mul3A_309, %bitcast_convert_type3A_308 : vector<8x1024xf32>
    %add3A_313 = arith.addf %add3A_294, %mul3A_312 : vector<8x1024xf32>
    %get3A_314 = arith.constant 11 : index
    %get3A_315 = arith.constant 0 : index
    %get3A_316 = arith.constant 0 : index
    %get3A_317 = vector.load %arg4[%get3A_314, %get3A_315, %get3A_316] : memref<64x8x1024xi32, #tpu.memory_space<vmem>>, vector<1x8x1024xi32>
    %get3A_318 = vector.shape_cast %get3A_317 : vector<1x8x1024xi32> to vector<8x1024xi32>
    %shift_left3A_319 = arith.constant 16 : i32
    %shift_left3A_320 = vector.broadcast %shift_left3A_319 : i32 to vector<8x1024xi32>
    %shift_left3A_321 = arith.shli %get3A_318, %shift_left3A_320 : vector<8x1024xi32>
    %bitcast_convert_type3A_322 = tpu.bitcast %shift_left3A_321 : vector<8x1024xi32> -> vector<8x1024xf32>
    %and3A_323 = arith.constant -65536 : i32
    %and3A_324 = vector.broadcast %and3A_323 : i32 to vector<8x1024xi32>
    %and3A_325 = arith.andi %get3A_318, %and3A_324 : vector<8x1024xi32>
    %bitcast_convert_type3A_326 = tpu.bitcast %and3A_325 : vector<8x1024xi32> -> vector<8x1024xf32>
    %mul3A_327 = arith.mulf %sub3A_240, %mul3A_295 : vector<8x1024xf32>
    %mul3A_328 = arith.mulf %mul3A_327, %bitcast_convert_type3A_322 : vector<8x1024xf32>
    %add3A_329 = arith.addf %add3A_311, %mul3A_328 : vector<8x1024xf32>
    %mul3A_330 = arith.mulf %mul3A_327, %bitcast_convert_type3A_326 : vector<8x1024xf32>
    %add3A_331 = arith.addf %add3A_313, %mul3A_330 : vector<8x1024xf32>
    %mul3A_332 = arith.mulf %sub3A_250, %sub3A_244 : vector<8x1024xf32>
    %get3A_333 = arith.constant 12 : index
    %get3A_334 = arith.constant 0 : index
    %get3A_335 = arith.constant 0 : index
    %get3A_336 = vector.load %arg4[%get3A_333, %get3A_334, %get3A_335] : memref<64x8x1024xi32, #tpu.memory_space<vmem>>, vector<1x8x1024xi32>
    %get3A_337 = vector.shape_cast %get3A_336 : vector<1x8x1024xi32> to vector<8x1024xi32>
    %shift_left3A_338 = arith.constant 16 : i32
    %shift_left3A_339 = vector.broadcast %shift_left3A_338 : i32 to vector<8x1024xi32>
    %shift_left3A_340 = arith.shli %get3A_337, %shift_left3A_339 : vector<8x1024xi32>
    %bitcast_convert_type3A_341 = tpu.bitcast %shift_left3A_340 : vector<8x1024xi32> -> vector<8x1024xf32>
    %and3A_342 = arith.constant -65536 : i32
    %and3A_343 = vector.broadcast %and3A_342 : i32 to vector<8x1024xi32>
    %and3A_344 = arith.andi %get3A_337, %and3A_343 : vector<8x1024xi32>
    %bitcast_convert_type3A_345 = tpu.bitcast %and3A_344 : vector<8x1024xi32> -> vector<8x1024xf32>
    %mul3A_346 = arith.mulf %sub3A_247, %mul3A_332 : vector<8x1024xf32>
    %mul3A_347 = arith.mulf %mul3A_346, %bitcast_convert_type3A_341 : vector<8x1024xf32>
    %add3A_348 = arith.addf %add3A_329, %mul3A_347 : vector<8x1024xf32>
    %mul3A_349 = arith.mulf %mul3A_346, %bitcast_convert_type3A_345 : vector<8x1024xf32>
    %add3A_350 = arith.addf %add3A_331, %mul3A_349 : vector<8x1024xf32>
    %get3A_351 = arith.constant 13 : index
    %get3A_352 = arith.constant 0 : index
    %get3A_353 = arith.constant 0 : index
    %get3A_354 = vector.load %arg4[%get3A_351, %get3A_352, %get3A_353] : memref<64x8x1024xi32, #tpu.memory_space<vmem>>, vector<1x8x1024xi32>
    %get3A_355 = vector.shape_cast %get3A_354 : vector<1x8x1024xi32> to vector<8x1024xi32>
    %shift_left3A_356 = arith.constant 16 : i32
    %shift_left3A_357 = vector.broadcast %shift_left3A_356 : i32 to vector<8x1024xi32>
    %shift_left3A_358 = arith.shli %get3A_355, %shift_left3A_357 : vector<8x1024xi32>
    %bitcast_convert_type3A_359 = tpu.bitcast %shift_left3A_358 : vector<8x1024xi32> -> vector<8x1024xf32>
    %and3A_360 = arith.constant -65536 : i32
    %and3A_361 = vector.broadcast %and3A_360 : i32 to vector<8x1024xi32>
    %and3A_362 = arith.andi %get3A_355, %and3A_361 : vector<8x1024xi32>
    %bitcast_convert_type3A_363 = tpu.bitcast %and3A_362 : vector<8x1024xi32> -> vector<8x1024xf32>
    %mul3A_364 = arith.mulf %sub3A_240, %mul3A_332 : vector<8x1024xf32>
    %mul3A_365 = arith.mulf %mul3A_364, %bitcast_convert_type3A_359 : vector<8x1024xf32>
    %add3A_366 = arith.addf %add3A_348, %mul3A_365 : vector<8x1024xf32>
    %mul3A_367 = arith.mulf %mul3A_364, %bitcast_convert_type3A_363 : vector<8x1024xf32>
    %add3A_368 = arith.addf %add3A_350, %mul3A_367 : vector<8x1024xf32>
    %mul3A_369 = arith.mulf %sub3A_242, %sub3A_244 : vector<8x1024xf32>
    %get3A_370 = arith.constant 14 : index
    %get3A_371 = arith.constant 0 : index
    %get3A_372 = arith.constant 0 : index
    %get3A_373 = vector.load %arg4[%get3A_370, %get3A_371, %get3A_372] : memref<64x8x1024xi32, #tpu.memory_space<vmem>>, vector<1x8x1024xi32>
    %get3A_374 = vector.shape_cast %get3A_373 : vector<1x8x1024xi32> to vector<8x1024xi32>
    %shift_left3A_375 = arith.constant 16 : i32
    %shift_left3A_376 = vector.broadcast %shift_left3A_375 : i32 to vector<8x1024xi32>
    %shift_left3A_377 = arith.shli %get3A_374, %shift_left3A_376 : vector<8x1024xi32>
    %bitcast_convert_type3A_378 = tpu.bitcast %shift_left3A_377 : vector<8x1024xi32> -> vector<8x1024xf32>
    %and3A_379 = arith.constant -65536 : i32
    %and3A_380 = vector.broadcast %and3A_379 : i32 to vector<8x1024xi32>
    %and3A_381 = arith.andi %get3A_374, %and3A_380 : vector<8x1024xi32>
    %bitcast_convert_type3A_382 = tpu.bitcast %and3A_381 : vector<8x1024xi32> -> vector<8x1024xf32>
    %mul3A_383 = arith.mulf %sub3A_247, %mul3A_369 : vector<8x1024xf32>
    %mul3A_384 = arith.mulf %mul3A_383, %bitcast_convert_type3A_378 : vector<8x1024xf32>
    %add3A_385 = arith.addf %add3A_366, %mul3A_384 : vector<8x1024xf32>
    %mul3A_386 = arith.mulf %mul3A_383, %bitcast_convert_type3A_382 : vector<8x1024xf32>
    %add3A_387 = arith.addf %add3A_368, %mul3A_386 : vector<8x1024xf32>
    %get3A_388 = arith.constant 15 : index
    %get3A_389 = arith.constant 0 : index
    %get3A_390 = arith.constant 0 : index
    %get3A_391 = vector.load %arg4[%get3A_388, %get3A_389, %get3A_390] : memref<64x8x1024xi32, #tpu.memory_space<vmem>>, vector<1x8x1024xi32>
    %get3A_392 = vector.shape_cast %get3A_391 : vector<1x8x1024xi32> to vector<8x1024xi32>
    %shift_left3A_393 = arith.constant 16 : i32
    %shift_left3A_394 = vector.broadcast %shift_left3A_393 : i32 to vector<8x1024xi32>
    %shift_left3A_395 = arith.shli %get3A_392, %shift_left3A_394 : vector<8x1024xi32>
    %bitcast_convert_type3A_396 = tpu.bitcast %shift_left3A_395 : vector<8x1024xi32> -> vector<8x1024xf32>
    %and3A_397 = arith.constant -65536 : i32
    %and3A_398 = vector.broadcast %and3A_397 : i32 to vector<8x1024xi32>
    %and3A_399 = arith.andi %get3A_392, %and3A_398 : vector<8x1024xi32>
    %bitcast_convert_type3A_400 = tpu.bitcast %and3A_399 : vector<8x1024xi32> -> vector<8x1024xf32>
    %mul3A_401 = arith.mulf %sub3A_240, %mul3A_369 : vector<8x1024xf32>
    %mul3A_402 = arith.mulf %mul3A_401, %bitcast_convert_type3A_396 : vector<8x1024xf32>
    %add3A_403 = arith.addf %add3A_385, %mul3A_402 : vector<8x1024xf32>
    %mul3A_404 = arith.mulf %mul3A_401, %bitcast_convert_type3A_400 : vector<8x1024xf32>
    %add3A_405 = arith.addf %add3A_387, %mul3A_404 : vector<8x1024xf32>
    %swap3A_406 = arith.constant 2 : index
    %swap3A_407 = arith.constant 0 : index
    %swap3A_408 = arith.constant 0 : index
    %swap3A_409 = vector.load %arg5[%swap3A_406, %swap3A_407, %swap3A_408] : memref<16x8x1024xf32, #tpu.memory_space<vmem>>, vector<1x8x1024xf32>
    %swap3A_410 = vector.shape_cast %swap3A_409 : vector<1x8x1024xf32> to vector<8x1024xf32>
    %swap3A_411 = vector.shape_cast %add3A_403 : vector<8x1024xf32> to vector<1x8x1024xf32>
    tpu.vector_store %arg5[%swap3A_406, %swap3A_407, %swap3A_408], %swap3A_411 {strides = array<i32>} : memref<16x8x1024xf32, #tpu.memory_space<vmem>>, vector<1x8x1024xf32>,
    %swap3A_412 = arith.constant 3 : index
    %swap3A_413 = arith.constant 0 : index
    %swap3A_414 = arith.constant 0 : index
    %swap3A_415 = vector.load %arg5[%swap3A_412, %swap3A_413, %swap3A_414] : memref<16x8x1024xf32, #tpu.memory_space<vmem>>, vector<1x8x1024xf32>
    %swap3A_416 = vector.shape_cast %swap3A_415 : vector<1x8x1024xf32> to vector<8x1024xf32>
    %swap3A_417 = vector.shape_cast %add3A_405 : vector<8x1024xf32> to vector<1x8x1024xf32>
    tpu.vector_store %arg5[%swap3A_412, %swap3A_413, %swap3A_414], %swap3A_417 {strides = array<i32>} : memref<16x8x1024xf32, #tpu.memory_space<vmem>>, vector<1x8x1024xf32>,
    %mul3A_418 = arith.constant 5.200000e+01 : f32
    %mul3A_419 = vector.broadcast %mul3A_418 : f32 to vector<8x1024xf32>
    %mul3A_420 = arith.mulf %mul3A_45, %mul3A_419 : vector<8x1024xf32>
    %mul3A_421 = arith.constant 5.200000e+01 : f32
    %mul3A_422 = vector.broadcast %mul3A_421 : f32 to vector<8x1024xf32>
    %mul3A_423 = arith.mulf %mul3A_46, %mul3A_422 : vector<8x1024xf32>
    %mul3A_424 = arith.constant 5.200000e+01 : f32
    %mul3A_425 = vector.broadcast %mul3A_424 : f32 to vector<8x1024xf32>
    %mul3A_426 = arith.mulf %mul3A_47, %mul3A_425 : vector<8x1024xf32>
    %floor3A_427 = math.floor %mul3A_420 : vector<8x1024xf32>
    %sub3A_428 = arith.subf %mul3A_420, %floor3A_427 : vector<8x1024xf32>
    %floor3A_429 = math.floor %mul3A_423 : vector<8x1024xf32>
    %sub3A_430 = arith.subf %mul3A_423, %floor3A_429 : vector<8x1024xf32>
    %floor3A_431 = math.floor %mul3A_426 : vector<8x1024xf32>
    %sub3A_432 = arith.subf %mul3A_426, %floor3A_431 : vector<8x1024xf32>
    %sub3A_433 = arith.constant 1.000000e+00 : f32
    %sub3A_434 = vector.broadcast %sub3A_433 : f32 to vector<8x1024xf32>
    %sub3A_435 = arith.subf %sub3A_434, %sub3A_428 : vector<8x1024xf32>
    %sub3A_436 = arith.constant 1.000000e+00 : f32
    %sub3A_437 = vector.broadcast %sub3A_436 : f32 to vector<8x1024xf32>
    %sub3A_438 = arith.subf %sub3A_437, %sub3A_430 : vector<8x1024xf32>
    %sub3A_439 = arith.constant 1.000000e+00 : f32
    %sub3A_440 = vector.broadcast %sub3A_439 : f32 to vector<8x1024xf32>
    %sub3A_441 = arith.subf %sub3A_440, %sub3A_432 : vector<8x1024xf32>
    %broadcast_in_dim3A_442 = arith.constant 0.000000e+00 : f32
    %broadcast_in_dim3A_443 = vector.broadcast %broadcast_in_dim3A_442 : f32 to vector<8x1024xf32>
    %broadcast_in_dim3A_444 = arith.constant 0.000000e+00 : f32
    %broadcast_in_dim3A_445 = vector.broadcast %broadcast_in_dim3A_444 : f32 to vector<8x1024xf32>
    %mul3A_446 = arith.mulf %sub3A_438, %sub3A_441 : vector<8x1024xf32>
    %get3A_447 = arith.constant 16 : index
    %get3A_448 = arith.constant 0 : index
    %get3A_449 = arith.constant 0 : index
    %get3A_450 = vector.load %arg4[%get3A_447, %get3A_448, %get3A_449] : memref<64x8x1024xi32, #tpu.memory_space<vmem>>, vector<1x8x1024xi32>
    %get3A_451 = vector.shape_cast %get3A_450 : vector<1x8x1024xi32> to vector<8x1024xi32>
    %shift_left3A_452 = arith.constant 16 : i32
    %shift_left3A_453 = vector.broadcast %shift_left3A_452 : i32 to vector<8x1024xi32>
    %shift_left3A_454 = arith.shli %get3A_451, %shift_left3A_453 : vector<8x1024xi32>
    %bitcast_convert_type3A_455 = tpu.bitcast %shift_left3A_454 : vector<8x1024xi32> -> vector<8x1024xf32>
    %and3A_456 = arith.constant -65536 : i32
    %and3A_457 = vector.broadcast %and3A_456 : i32 to vector<8x1024xi32>
    %and3A_458 = arith.andi %get3A_451, %and3A_457 : vector<8x1024xi32>
    %bitcast_convert_type3A_459 = tpu.bitcast %and3A_458 : vector<8x1024xi32> -> vector<8x1024xf32>
    %mul3A_460 = arith.mulf %sub3A_435, %mul3A_446 : vector<8x1024xf32>
    %mul3A_461 = arith.mulf %mul3A_460, %bitcast_convert_type3A_455 : vector<8x1024xf32>
    %add3A_462 = arith.addf %broadcast_in_dim3A_443, %mul3A_461 : vector<8x1024xf32>
    %mul3A_463 = arith.mulf %mul3A_460, %bitcast_convert_type3A_459 : vector<8x1024xf32>
    %add3A_464 = arith.addf %broadcast_in_dim3A_445, %mul3A_463 : vector<8x1024xf32>
    %get3A_465 = arith.constant 17 : index
    %get3A_466 = arith.constant 0 : index
    %get3A_467 = arith.constant 0 : index
    %get3A_468 = vector.load %arg4[%get3A_465, %get3A_466, %get3A_467] : memref<64x8x1024xi32, #tpu.memory_space<vmem>>, vector<1x8x1024xi32>
    %get3A_469 = vector.shape_cast %get3A_468 : vector<1x8x1024xi32> to vector<8x1024xi32>
    %shift_left3A_470 = arith.constant 16 : i32
    %shift_left3A_471 = vector.broadcast %shift_left3A_470 : i32 to vector<8x1024xi32>
    %shift_left3A_472 = arith.shli %get3A_469, %shift_left3A_471 : vector<8x1024xi32>
    %bitcast_convert_type3A_473 = tpu.bitcast %shift_left3A_472 : vector<8x1024xi32> -> vector<8x1024xf32>
    %and3A_474 = arith.constant -65536 : i32
    %and3A_475 = vector.broadcast %and3A_474 : i32 to vector<8x1024xi32>
    %and3A_476 = arith.andi %get3A_469, %and3A_475 : vector<8x1024xi32>
    %bitcast_convert_type3A_477 = tpu.bitcast %and3A_476 : vector<8x1024xi32> -> vector<8x1024xf32>
    %mul3A_478 = arith.mulf %sub3A_428, %mul3A_446 : vector<8x1024xf32>
    %mul3A_479 = arith.mulf %mul3A_478, %bitcast_convert_type3A_473 : vector<8x1024xf32>
    %add3A_480 = arith.addf %add3A_462, %mul3A_479 : vector<8x1024xf32>
    %mul3A_481 = arith.mulf %mul3A_478, %bitcast_convert_type3A_477 : vector<8x1024xf32>
    %add3A_482 = arith.addf %add3A_464, %mul3A_481 : vector<8x1024xf32>
    %mul3A_483 = arith.mulf %sub3A_430, %sub3A_441 : vector<8x1024xf32>
    %get3A_484 = arith.constant 18 : index
    %get3A_485 = arith.constant 0 : index
    %get3A_486 = arith.constant 0 : index
    %get3A_487 = vector.load %arg4[%get3A_484, %get3A_485, %get3A_486] : memref<64x8x1024xi32, #tpu.memory_space<vmem>>, vector<1x8x1024xi32>
    %get3A_488 = vector.shape_cast %get3A_487 : vector<1x8x1024xi32> to vector<8x1024xi32>
    %shift_left3A_489 = arith.constant 16 : i32
    %shift_left3A_490 = vector.broadcast %shift_left3A_489 : i32 to vector<8x1024xi32>
    %shift_left3A_491 = arith.shli %get3A_488, %shift_left3A_490 : vector<8x1024xi32>
    %bitcast_convert_type3A_492 = tpu.bitcast %shift_left3A_491 : vector<8x1024xi32> -> vector<8x1024xf32>
    %and3A_493 = arith.constant -65536 : i32
    %and3A_494 = vector.broadcast %and3A_493 : i32 to vector<8x1024xi32>
    %and3A_495 = arith.andi %get3A_488, %and3A_494 : vector<8x1024xi32>
    %bitcast_convert_type3A_496 = tpu.bitcast %and3A_495 : vector<8x1024xi32> -> vector<8x1024xf32>
    %mul3A_497 = arith.mulf %sub3A_435, %mul3A_483 : vector<8x1024xf32>
    %mul3A_498 = arith.mulf %mul3A_497, %bitcast_convert_type3A_492 : vector<8x1024xf32>
    %add3A_499 = arith.addf %add3A_480, %mul3A_498 : vector<8x1024xf32>
    %mul3A_500 = arith.mulf %mul3A_497, %bitcast_convert_type3A_496 : vector<8x1024xf32>
    %add3A_501 = arith.addf %add3A_482, %mul3A_500 : vector<8x1024xf32>
    %get3A_502 = arith.constant 19 : index
    %get3A_503 = arith.constant 0 : index
    %get3A_504 = arith.constant 0 : index
    %get3A_505 = vector.load %arg4[%get3A_502, %get3A_503, %get3A_504] : memref<64x8x1024xi32, #tpu.memory_space<vmem>>, vector<1x8x1024xi32>
    %get3A_506 = vector.shape_cast %get3A_505 : vector<1x8x1024xi32> to vector<8x1024xi32>
    %shift_left3A_507 = arith.constant 16 : i32
    %shift_left3A_508 = vector.broadcast %shift_left3A_507 : i32 to vector<8x1024xi32>
    %shift_left3A_509 = arith.shli %get3A_506, %shift_left3A_508 : vector<8x1024xi32>
    %bitcast_convert_type3A_510 = tpu.bitcast %shift_left3A_509 : vector<8x1024xi32> -> vector<8x1024xf32>
    %and3A_511 = arith.constant -65536 : i32
    %and3A_512 = vector.broadcast %and3A_511 : i32 to vector<8x1024xi32>
    %and3A_513 = arith.andi %get3A_506, %and3A_512 : vector<8x1024xi32>
    %bitcast_convert_type3A_514 = tpu.bitcast %and3A_513 : vector<8x1024xi32> -> vector<8x1024xf32>
    %mul3A_515 = arith.mulf %sub3A_428, %mul3A_483 : vector<8x1024xf32>
    %mul3A_516 = arith.mulf %mul3A_515, %bitcast_convert_type3A_510 : vector<8x1024xf32>
    %add3A_517 = arith.addf %add3A_499, %mul3A_516 : vector<8x1024xf32>
    %mul3A_518 = arith.mulf %mul3A_515, %bitcast_convert_type3A_514 : vector<8x1024xf32>
    %add3A_519 = arith.addf %add3A_501, %mul3A_518 : vector<8x1024xf32>
    %mul3A_520 = arith.mulf %sub3A_438, %sub3A_432 : vector<8x1024xf32>
    %get3A_521 = arith.constant 20 : index
    %get3A_522 = arith.constant 0 : index
    %get3A_523 = arith.constant 0 : index
    %get3A_524 = vector.load %arg4[%get3A_521, %get3A_522, %get3A_523] : memref<64x8x1024xi32, #tpu.memory_space<vmem>>, vector<1x8x1024xi32>
    %get3A_525 = vector.shape_cast %get3A_524 : vector<1x8x1024xi32> to vector<8x1024xi32>
    %shift_left3A_526 = arith.constant 16 : i32
    %shift_left3A_527 = vector.broadcast %shift_left3A_526 : i32 to vector<8x1024xi32>
    %shift_left3A_528 = arith.shli %get3A_525, %shift_left3A_527 : vector<8x1024xi32>
    %bitcast_convert_type3A_529 = tpu.bitcast %shift_left3A_528 : vector<8x1024xi32> -> vector<8x1024xf32>
    %and3A_530 = arith.constant -65536 : i32
    %and3A_531 = vector.broadcast %and3A_530 : i32 to vector<8x1024xi32>
    %and3A_532 = arith.andi %get3A_525, %and3A_531 : vector<8x1024xi32>
    %bitcast_convert_type3A_533 = tpu.bitcast %and3A_532 : vector<8x1024xi32> -> vector<8x1024xf32>
    %mul3A_534 = arith.mulf %sub3A_435, %mul3A_520 : vector<8x1024xf32>
    %mul3A_535 = arith.mulf %mul3A_534, %bitcast_convert_type3A_529 : vector<8x1024xf32>
    %add3A_536 = arith.addf %add3A_517, %mul3A_535 : vector<8x1024xf32>
    %mul3A_537 = arith.mulf %mul3A_534, %bitcast_convert_type3A_533 : vector<8x1024xf32>
    %add3A_538 = arith.addf %add3A_519, %mul3A_537 : vector<8x1024xf32>
    %get3A_539 = arith.constant 21 : index
    %get3A_540 = arith.constant 0 : index
    %get3A_541 = arith.constant 0 : index
    %get3A_542 = vector.load %arg4[%get3A_539, %get3A_540, %get3A_541] : memref<64x8x1024xi32, #tpu.memory_space<vmem>>, vector<1x8x1024xi32>
    %get3A_543 = vector.shape_cast %get3A_542 : vector<1x8x1024xi32> to vector<8x1024xi32>
    %shift_left3A_544 = arith.constant 16 : i32
    %shift_left3A_545 = vector.broadcast %shift_left3A_544 : i32 to vector<8x1024xi32>
    %shift_left3A_546 = arith.shli %get3A_543, %shift_left3A_545 : vector<8x1024xi32>
    %bitcast_convert_type3A_547 = tpu.bitcast %shift_left3A_546 : vector<8x1024xi32> -> vector<8x1024xf32>
    %and3A_548 = arith.constant -65536 : i32
    %and3A_549 = vector.broadcast %and3A_548 : i32 to vector<8x1024xi32>
    %and3A_550 = arith.andi %get3A_543, %and3A_549 : vector<8x1024xi32>
    %bitcast_convert_type3A_551 = tpu.bitcast %and3A_550 : vector<8x1024xi32> -> vector<8x1024xf32>
    %mul3A_552 = arith.mulf %sub3A_428, %mul3A_520 : vector<8x1024xf32>
    %mul3A_553 = arith.mulf %mul3A_552, %bitcast_convert_type3A_547 : vector<8x1024xf32>
    %add3A_554 = arith.addf %add3A_536, %mul3A_553 : vector<8x1024xf32>
    %mul3A_555 = arith.mulf %mul3A_552, %bitcast_convert_type3A_551 : vector<8x1024xf32>
    %add3A_556 = arith.addf %add3A_538, %mul3A_555 : vector<8x1024xf32>
    %mul3A_557 = arith.mulf %sub3A_430, %sub3A_432 : vector<8x1024xf32>
    %get3A_558 = arith.constant 22 : index
    %get3A_559 = arith.constant 0 : index
    %get3A_560 = arith.constant 0 : index
    %get3A_561 = vector.load %arg4[%get3A_558, %get3A_559, %get3A_560] : memref<64x8x1024xi32, #tpu.memory_space<vmem>>, vector<1x8x1024xi32>
    %get3A_562 = vector.shape_cast %get3A_561 : vector<1x8x1024xi32> to vector<8x1024xi32>
    %shift_left3A_563 = arith.constant 16 : i32
    %shift_left3A_564 = vector.broadcast %shift_left3A_563 : i32 to vector<8x1024xi32>
    %shift_left3A_565 = arith.shli %get3A_562, %shift_left3A_564 : vector<8x1024xi32>
    %bitcast_convert_type3A_566 = tpu.bitcast %shift_left3A_565 : vector<8x1024xi32> -> vector<8x1024xf32>
    %and3A_567 = arith.constant -65536 : i32
    %and3A_568 = vector.broadcast %and3A_567 : i32 to vector<8x1024xi32>
    %and3A_569 = arith.andi %get3A_562, %and3A_568 : vector<8x1024xi32>
    %bitcast_convert_type3A_570 = tpu.bitcast %and3A_569 : vector<8x1024xi32> -> vector<8x1024xf32>
    %mul3A_571 = arith.mulf %sub3A_435, %mul3A_557 : vector<8x1024xf32>
    %mul3A_572 = arith.mulf %mul3A_571, %bitcast_convert_type3A_566 : vector<8x1024xf32>
    %add3A_573 = arith.addf %add3A_554, %mul3A_572 : vector<8x1024xf32>
    %mul3A_574 = arith.mulf %mul3A_571, %bitcast_convert_type3A_570 : vector<8x1024xf32>
    %add3A_575 = arith.addf %add3A_556, %mul3A_574 : vector<8x1024xf32>
    %get3A_576 = arith.constant 23 : index
    %get3A_577 = arith.constant 0 : index
    %get3A_578 = arith.constant 0 : index
    %get3A_579 = vector.load %arg4[%get3A_576, %get3A_577, %get3A_578] : memref<64x8x1024xi32, #tpu.memory_space<vmem>>, vector<1x8x1024xi32>
    %get3A_580 = vector.shape_cast %get3A_579 : vector<1x8x1024xi32> to vector<8x1024xi32>
    %shift_left3A_581 = arith.constant 16 : i32
    %shift_left3A_582 = vector.broadcast %shift_left3A_581 : i32 to vector<8x1024xi32>
    %shift_left3A_583 = arith.shli %get3A_580, %shift_left3A_582 : vector<8x1024xi32>
    %bitcast_convert_type3A_584 = tpu.bitcast %shift_left3A_583 : vector<8x1024xi32> -> vector<8x1024xf32>
    %and3A_585 = arith.constant -65536 : i32
    %and3A_586 = vector.broadcast %and3A_585 : i32 to vector<8x1024xi32>
    %and3A_587 = arith.andi %get3A_580, %and3A_586 : vector<8x1024xi32>
    %bitcast_convert_type3A_588 = tpu.bitcast %and3A_587 : vector<8x1024xi32> -> vector<8x1024xf32>
    %mul3A_589 = arith.mulf %sub3A_428, %mul3A_557 : vector<8x1024xf32>
    %mul3A_590 = arith.mulf %mul3A_589, %bitcast_convert_type3A_584 : vector<8x1024xf32>
    %add3A_591 = arith.addf %add3A_573, %mul3A_590 : vector<8x1024xf32>
    %mul3A_592 = arith.mulf %mul3A_589, %bitcast_convert_type3A_588 : vector<8x1024xf32>
    %add3A_593 = arith.addf %add3A_575, %mul3A_592 : vector<8x1024xf32>
    %swap3A_594 = arith.constant 4 : index
    %swap3A_595 = arith.constant 0 : index
    %swap3A_596 = arith.constant 0 : index
    %swap3A_597 = vector.load %arg5[%swap3A_594, %swap3A_595, %swap3A_596] : memref<16x8x1024xf32, #tpu.memory_space<vmem>>, vector<1x8x1024xf32>
    %swap3A_598 = vector.shape_cast %swap3A_597 : vector<1x8x1024xf32> to vector<8x1024xf32>
    %swap3A_599 = vector.shape_cast %add3A_591 : vector<8x1024xf32> to vector<1x8x1024xf32>
    tpu.vector_store %arg5[%swap3A_594, %swap3A_595, %swap3A_596], %swap3A_599 {strides = array<i32>} : memref<16x8x1024xf32, #tpu.memory_space<vmem>>, vector<1x8x1024xf32>,
    %swap3A_600 = arith.constant 5 : index
    %swap3A_601 = arith.constant 0 : index
    %swap3A_602 = arith.constant 0 : index
    %swap3A_603 = vector.load %arg5[%swap3A_600, %swap3A_601, %swap3A_602] : memref<16x8x1024xf32, #tpu.memory_space<vmem>>, vector<1x8x1024xf32>
    %swap3A_604 = vector.shape_cast %swap3A_603 : vector<1x8x1024xf32> to vector<8x1024xf32>
    %swap3A_605 = vector.shape_cast %add3A_593 : vector<8x1024xf32> to vector<1x8x1024xf32>
    tpu.vector_store %arg5[%swap3A_600, %swap3A_601, %swap3A_602], %swap3A_605 {strides = array<i32>} : memref<16x8x1024xf32, #tpu.memory_space<vmem>>, vector<1x8x1024xf32>,
    %mul3A_606 = arith.constant 9.500000e+01 : f32
    %mul3A_607 = vector.broadcast %mul3A_606 : f32 to vector<8x1024xf32>
    %mul3A_608 = arith.mulf %mul3A_45, %mul3A_607 : vector<8x1024xf32>
    %mul3A_609 = arith.constant 9.500000e+01 : f32
    %mul3A_610 = vector.broadcast %mul3A_609 : f32 to vector<8x1024xf32>
    %mul3A_611 = arith.mulf %mul3A_46, %mul3A_610 : vector<8x1024xf32>
    %mul3A_612 = arith.constant 9.500000e+01 : f32
    %mul3A_613 = vector.broadcast %mul3A_612 : f32 to vector<8x1024xf32>
    %mul3A_614 = arith.mulf %mul3A_47, %mul3A_613 : vector<8x1024xf32>
    %floor3A_615 = math.floor %mul3A_608 : vector<8x1024xf32>
    %sub3A_616 = arith.subf %mul3A_608, %floor3A_615 : vector<8x1024xf32>
    %floor3A_617 = math.floor %mul3A_611 : vector<8x1024xf32>
    %sub3A_618 = arith.subf %mul3A_611, %floor3A_617 : vector<8x1024xf32>
    %floor3A_619 = math.floor %mul3A_614 : vector<8x1024xf32>
    %sub3A_620 = arith.subf %mul3A_614, %floor3A_619 : vector<8x1024xf32>
    %sub3A_621 = arith.constant 1.000000e+00 : f32
    %sub3A_622 = vector.broadcast %sub3A_621 : f32 to vector<8x1024xf32>
    %sub3A_623 = arith.subf %sub3A_622, %sub3A_616 : vector<8x1024xf32>
    %sub3A_624 = arith.constant 1.000000e+00 : f32
    %sub3A_625 = vector.broadcast %sub3A_624 : f32 to vector<8x1024xf32>
    %sub3A_626 = arith.subf %sub3A_625, %sub3A_618 : vector<8x1024xf32>
    %sub3A_627 = arith.constant 1.000000e+00 : f32
    %sub3A_628 = vector.broadcast %sub3A_627 : f32 to vector<8x1024xf32>
    %sub3A_629 = arith.subf %sub3A_628, %sub3A_620 : vector<8x1024xf32>
    %broadcast_in_dim3A_630 = arith.constant 0.000000e+00 : f32
    %broadcast_in_dim3A_631 = vector.broadcast %broadcast_in_dim3A_630 : f32 to vector<8x1024xf32>
    %broadcast_in_dim3A_632 = arith.constant 0.000000e+00 : f32
    %broadcast_in_dim3A_633 = vector.broadcast %broadcast_in_dim3A_632 : f32 to vector<8x1024xf32>
    %mul3A_634 = arith.mulf %sub3A_626, %sub3A_629 : vector<8x1024xf32>
    %get3A_635 = arith.constant 24 : index
    %get3A_636 = arith.constant 0 : index
    %get3A_637 = arith.constant 0 : index
    %get3A_638 = vector.load %arg4[%get3A_635, %get3A_636, %get3A_637] : memref<64x8x1024xi32, #tpu.memory_space<vmem>>, vector<1x8x1024xi32>
    %get3A_639 = vector.shape_cast %get3A_638 : vector<1x8x1024xi32> to vector<8x1024xi32>
    %shift_left3A_640 = arith.constant 16 : i32
    %shift_left3A_641 = vector.broadcast %shift_left3A_640 : i32 to vector<8x1024xi32>
    %shift_left3A_642 = arith.shli %get3A_639, %shift_left3A_641 : vector<8x1024xi32>
    %bitcast_convert_type3A_643 = tpu.bitcast %shift_left3A_642 : vector<8x1024xi32> -> vector<8x1024xf32>
    %and3A_644 = arith.constant -65536 : i32
    %and3A_645 = vector.broadcast %and3A_644 : i32 to vector<8x1024xi32>
    %and3A_646 = arith.andi %get3A_639, %and3A_645 : vector<8x1024xi32>
    %bitcast_convert_type3A_647 = tpu.bitcast %and3A_646 : vector<8x1024xi32> -> vector<8x1024xf32>
    %mul3A_648 = arith.mulf %sub3A_623, %mul3A_634 : vector<8x1024xf32>
    %mul3A_649 = arith.mulf %mul3A_648, %bitcast_convert_type3A_643 : vector<8x1024xf32>
    %add3A_650 = arith.addf %broadcast_in_dim3A_631, %mul3A_649 : vector<8x1024xf32>
    %mul3A_651 = arith.mulf %mul3A_648, %bitcast_convert_type3A_647 : vector<8x1024xf32>
    %add3A_652 = arith.addf %broadcast_in_dim3A_633, %mul3A_651 : vector<8x1024xf32>
    %get3A_653 = arith.constant 25 : index
    %get3A_654 = arith.constant 0 : index
    %get3A_655 = arith.constant 0 : index
    %get3A_656 = vector.load %arg4[%get3A_653, %get3A_654, %get3A_655] : memref<64x8x1024xi32, #tpu.memory_space<vmem>>, vector<1x8x1024xi32>
    %get3A_657 = vector.shape_cast %get3A_656 : vector<1x8x1024xi32> to vector<8x1024xi32>
    %shift_left3A_658 = arith.constant 16 : i32
    %shift_left3A_659 = vector.broadcast %shift_left3A_658 : i32 to vector<8x1024xi32>
    %shift_left3A_660 = arith.shli %get3A_657, %shift_left3A_659 : vector<8x1024xi32>
    %bitcast_convert_type3A_661 = tpu.bitcast %shift_left3A_660 : vector<8x1024xi32> -> vector<8x1024xf32>
    %and3A_662 = arith.constant -65536 : i32
    %and3A_663 = vector.broadcast %and3A_662 : i32 to vector<8x1024xi32>
    %and3A_664 = arith.andi %get3A_657, %and3A_663 : vector<8x1024xi32>
    %bitcast_convert_type3A_665 = tpu.bitcast %and3A_664 : vector<8x1024xi32> -> vector<8x1024xf32>
    %mul3A_666 = arith.mulf %sub3A_616, %mul3A_634 : vector<8x1024xf32>
    %mul3A_667 = arith.mulf %mul3A_666, %bitcast_convert_type3A_661 : vector<8x1024xf32>
    %add3A_668 = arith.addf %add3A_650, %mul3A_667 : vector<8x1024xf32>
    %mul3A_669 = arith.mulf %mul3A_666, %bitcast_convert_type3A_665 : vector<8x1024xf32>
    %add3A_670 = arith.addf %add3A_652, %mul3A_669 : vector<8x1024xf32>
    %mul3A_671 = arith.mulf %sub3A_618, %sub3A_629 : vector<8x1024xf32>
    %get3A_672 = arith.constant 26 : index
    %get3A_673 = arith.constant 0 : index
    %get3A_674 = arith.constant 0 : index
    %get3A_675 = vector.load %arg4[%get3A_672, %get3A_673, %get3A_674] : memref<64x8x1024xi32, #tpu.memory_space<vmem>>, vector<1x8x1024xi32>
    %get3A_676 = vector.shape_cast %get3A_675 : vector<1x8x1024xi32> to vector<8x1024xi32>
    %shift_left3A_677 = arith.constant 16 : i32
    %shift_left3A_678 = vector.broadcast %shift_left3A_677 : i32 to vector<8x1024xi32>
    %shift_left3A_679 = arith.shli %get3A_676, %shift_left3A_678 : vector<8x1024xi32>
    %bitcast_convert_type3A_680 = tpu.bitcast %shift_left3A_679 : vector<8x1024xi32> -> vector<8x1024xf32>
    %and3A_681 = arith.constant -65536 : i32
    %and3A_682 = vector.broadcast %and3A_681 : i32 to vector<8x1024xi32>
    %and3A_683 = arith.andi %get3A_676, %and3A_682 : vector<8x1024xi32>
    %bitcast_convert_type3A_684 = tpu.bitcast %and3A_683 : vector<8x1024xi32> -> vector<8x1024xf32>
    %mul3A_685 = arith.mulf %sub3A_623, %mul3A_671 : vector<8x1024xf32>
    %mul3A_686 = arith.mulf %mul3A_685, %bitcast_convert_type3A_680 : vector<8x1024xf32>
    %add3A_687 = arith.addf %add3A_668, %mul3A_686 : vector<8x1024xf32>
    %mul3A_688 = arith.mulf %mul3A_685, %bitcast_convert_type3A_684 : vector<8x1024xf32>
    %add3A_689 = arith.addf %add3A_670, %mul3A_688 : vector<8x1024xf32>
    %get3A_690 = arith.constant 27 : index
    %get3A_691 = arith.constant 0 : index
    %get3A_692 = arith.constant 0 : index
    %get3A_693 = vector.load %arg4[%get3A_690, %get3A_691, %get3A_692] : memref<64x8x1024xi32, #tpu.memory_space<vmem>>, vector<1x8x1024xi32>
    %get3A_694 = vector.shape_cast %get3A_693 : vector<1x8x1024xi32> to vector<8x1024xi32>
    %shift_left3A_695 = arith.constant 16 : i32
    %shift_left3A_696 = vector.broadcast %shift_left3A_695 : i32 to vector<8x1024xi32>
    %shift_left3A_697 = arith.shli %get3A_694, %shift_left3A_696 : vector<8x1024xi32>
    %bitcast_convert_type3A_698 = tpu.bitcast %shift_left3A_697 : vector<8x1024xi32> -> vector<8x1024xf32>
    %and3A_699 = arith.constant -65536 : i32
    %and3A_700 = vector.broadcast %and3A_699 : i32 to vector<8x1024xi32>
    %and3A_701 = arith.andi %get3A_694, %and3A_700 : vector<8x1024xi32>
    %bitcast_convert_type3A_702 = tpu.bitcast %and3A_701 : vector<8x1024xi32> -> vector<8x1024xf32>
    %mul3A_703 = arith.mulf %sub3A_616, %mul3A_671 : vector<8x1024xf32>
    %mul3A_704 = arith.mulf %mul3A_703, %bitcast_convert_type3A_698 : vector<8x1024xf32>
    %add3A_705 = arith.addf %add3A_687, %mul3A_704 : vector<8x1024xf32>
    %mul3A_706 = arith.mulf %mul3A_703, %bitcast_convert_type3A_702 : vector<8x1024xf32>
    %add3A_707 = arith.addf %add3A_689, %mul3A_706 : vector<8x1024xf32>
    %mul3A_708 = arith.mulf %sub3A_626, %sub3A_620 : vector<8x1024xf32>
    %get3A_709 = arith.constant 28 : index
    %get3A_710 = arith.constant 0 : index
    %get3A_711 = arith.constant 0 : index
    %get3A_712 = vector.load %arg4[%get3A_709, %get3A_710, %get3A_711] : memref<64x8x1024xi32, #tpu.memory_space<vmem>>, vector<1x8x1024xi32>
    %get3A_713 = vector.shape_cast %get3A_712 : vector<1x8x1024xi32> to vector<8x1024xi32>
    %shift_left3A_714 = arith.constant 16 : i32
    %shift_left3A_715 = vector.broadcast %shift_left3A_714 : i32 to vector<8x1024xi32>
    %shift_left3A_716 = arith.shli %get3A_713, %shift_left3A_715 : vector<8x1024xi32>
    %bitcast_convert_type3A_717 = tpu.bitcast %shift_left3A_716 : vector<8x1024xi32> -> vector<8x1024xf32>
    %and3A_718 = arith.constant -65536 : i32
    %and3A_719 = vector.broadcast %and3A_718 : i32 to vector<8x1024xi32>
    %and3A_720 = arith.andi %get3A_713, %and3A_719 : vector<8x1024xi32>
    %bitcast_convert_type3A_721 = tpu.bitcast %and3A_720 : vector<8x1024xi32> -> vector<8x1024xf32>
    %mul3A_722 = arith.mulf %sub3A_623, %mul3A_708 : vector<8x1024xf32>
    %mul3A_723 = arith.mulf %mul3A_722, %bitcast_convert_type3A_717 : vector<8x1024xf32>
    %add3A_724 = arith.addf %add3A_705, %mul3A_723 : vector<8x1024xf32>
    %mul3A_725 = arith.mulf %mul3A_722, %bitcast_convert_type3A_721 : vector<8x1024xf32>
    %add3A_726 = arith.addf %add3A_707, %mul3A_725 : vector<8x1024xf32>
    %get3A_727 = arith.constant 29 : index
    %get3A_728 = arith.constant 0 : index
    %get3A_729 = arith.constant 0 : index
    %get3A_730 = vector.load %arg4[%get3A_727, %get3A_728, %get3A_729] : memref<64x8x1024xi32, #tpu.memory_space<vmem>>, vector<1x8x1024xi32>
    %get3A_731 = vector.shape_cast %get3A_730 : vector<1x8x1024xi32> to vector<8x1024xi32>
    %shift_left3A_732 = arith.constant 16 : i32
    %shift_left3A_733 = vector.broadcast %shift_left3A_732 : i32 to vector<8x1024xi32>
    %shift_left3A_734 = arith.shli %get3A_731, %shift_left3A_733 : vector<8x1024xi32>
    %bitcast_convert_type3A_735 = tpu.bitcast %shift_left3A_734 : vector<8x1024xi32> -> vector<8x1024xf32>
    %and3A_736 = arith.constant -65536 : i32
    %and3A_737 = vector.broadcast %and3A_736 : i32 to vector<8x1024xi32>
    %and3A_738 = arith.andi %get3A_731, %and3A_737 : vector<8x1024xi32>
    %bitcast_convert_type3A_739 = tpu.bitcast %and3A_738 : vector<8x1024xi32> -> vector<8x1024xf32>
    %mul3A_740 = arith.mulf %sub3A_616, %mul3A_708 : vector<8x1024xf32>
    %mul3A_741 = arith.mulf %mul3A_740, %bitcast_convert_type3A_735 : vector<8x1024xf32>
    %add3A_742 = arith.addf %add3A_724, %mul3A_741 : vector<8x1024xf32>
    %mul3A_743 = arith.mulf %mul3A_740, %bitcast_convert_type3A_739 : vector<8x1024xf32>
    %add3A_744 = arith.addf %add3A_726, %mul3A_743 : vector<8x1024xf32>
    %mul3A_745 = arith.mulf %sub3A_618, %sub3A_620 : vector<8x1024xf32>
    %get3A_746 = arith.constant 30 : index
    %get3A_747 = arith.constant 0 : index
    %get3A_748 = arith.constant 0 : index
    %get3A_749 = vector.load %arg4[%get3A_746, %get3A_747, %get3A_748] : memref<64x8x1024xi32, #tpu.memory_space<vmem>>, vector<1x8x1024xi32>
    %get3A_750 = vector.shape_cast %get3A_749 : vector<1x8x1024xi32> to vector<8x1024xi32>
    %shift_left3A_751 = arith.constant 16 : i32
    %shift_left3A_752 = vector.broadcast %shift_left3A_751 : i32 to vector<8x1024xi32>
    %shift_left3A_753 = arith.shli %get3A_750, %shift_left3A_752 : vector<8x1024xi32>
    %bitcast_convert_type3A_754 = tpu.bitcast %shift_left3A_753 : vector<8x1024xi32> -> vector<8x1024xf32>
    %and3A_755 = arith.constant -65536 : i32
    %and3A_756 = vector.broadcast %and3A_755 : i32 to vector<8x1024xi32>
    %and3A_757 = arith.andi %get3A_750, %and3A_756 : vector<8x1024xi32>
    %bitcast_convert_type3A_758 = tpu.bitcast %and3A_757 : vector<8x1024xi32> -> vector<8x1024xf32>
    %mul3A_759 = arith.mulf %sub3A_623, %mul3A_745 : vector<8x1024xf32>
    %mul3A_760 = arith.mulf %mul3A_759, %bitcast_convert_type3A_754 : vector<8x1024xf32>
    %add3A_761 = arith.addf %add3A_742, %mul3A_760 : vector<8x1024xf32>
    %mul3A_762 = arith.mulf %mul3A_759, %bitcast_convert_type3A_758 : vector<8x1024xf32>
    %add3A_763 = arith.addf %add3A_744, %mul3A_762 : vector<8x1024xf32>
    %get3A_764 = arith.constant 31 : index
    %get3A_765 = arith.constant 0 : index
    %get3A_766 = arith.constant 0 : index
    %get3A_767 = vector.load %arg4[%get3A_764, %get3A_765, %get3A_766] : memref<64x8x1024xi32, #tpu.memory_space<vmem>>, vector<1x8x1024xi32>
    %get3A_768 = vector.shape_cast %get3A_767 : vector<1x8x1024xi32> to vector<8x1024xi32>
    %shift_left3A_769 = arith.constant 16 : i32
    %shift_left3A_770 = vector.broadcast %shift_left3A_769 : i32 to vector<8x1024xi32>
    %shift_left3A_771 = arith.shli %get3A_768, %shift_left3A_770 : vector<8x1024xi32>
    %bitcast_convert_type3A_772 = tpu.bitcast %shift_left3A_771 : vector<8x1024xi32> -> vector<8x1024xf32>
    %and3A_773 = arith.constant -65536 : i32
    %and3A_774 = vector.broadcast %and3A_773 : i32 to vector<8x1024xi32>
    %and3A_775 = arith.andi %get3A_768, %and3A_774 : vector<8x1024xi32>
    %bitcast_convert_type3A_776 = tpu.bitcast %and3A_775 : vector<8x1024xi32> -> vector<8x1024xf32>
    %mul3A_777 = arith.mulf %sub3A_616, %mul3A_745 : vector<8x1024xf32>
    %mul3A_778 = arith.mulf %mul3A_777, %bitcast_convert_type3A_772 : vector<8x1024xf32>
    %add3A_779 = arith.addf %add3A_761, %mul3A_778 : vector<8x1024xf32>
    %mul3A_780 = arith.mulf %mul3A_777, %bitcast_convert_type3A_776 : vector<8x1024xf32>
    %add3A_781 = arith.addf %add3A_763, %mul3A_780 : vector<8x1024xf32>
    %swap3A_782 = arith.constant 6 : index
    %swap3A_783 = arith.constant 0 : index
    %swap3A_784 = arith.constant 0 : index
    %swap3A_785 = vector.load %arg5[%swap3A_782, %swap3A_783, %swap3A_784] : memref<16x8x1024xf32, #tpu.memory_space<vmem>>, vector<1x8x1024xf32>
    %swap3A_786 = vector.shape_cast %swap3A_785 : vector<1x8x1024xf32> to vector<8x1024xf32>
    %swap3A_787 = vector.shape_cast %add3A_779 : vector<8x1024xf32> to vector<1x8x1024xf32>
    tpu.vector_store %arg5[%swap3A_782, %swap3A_783, %swap3A_784], %swap3A_787 {strides = array<i32>} : memref<16x8x1024xf32, #tpu.memory_space<vmem>>, vector<1x8x1024xf32>,
    %swap3A_788 = arith.constant 7 : index
    %swap3A_789 = arith.constant 0 : index
    %swap3A_790 = arith.constant 0 : index
    %swap3A_791 = vector.load %arg5[%swap3A_788, %swap3A_789, %swap3A_790] : memref<16x8x1024xf32, #tpu.memory_space<vmem>>, vector<1x8x1024xf32>
    %swap3A_792 = vector.shape_cast %swap3A_791 : vector<1x8x1024xf32> to vector<8x1024xf32>
    %swap3A_793 = vector.shape_cast %add3A_781 : vector<8x1024xf32> to vector<1x8x1024xf32>
    tpu.vector_store %arg5[%swap3A_788, %swap3A_789, %swap3A_790], %swap3A_793 {strides = array<i32>} : memref<16x8x1024xf32, #tpu.memory_space<vmem>>, vector<1x8x1024xf32>,
    %mul3A_794 = arith.constant 1.720000e+02 : f32
    %mul3A_795 = vector.broadcast %mul3A_794 : f32 to vector<8x1024xf32>
    %mul3A_796 = arith.mulf %mul3A_45, %mul3A_795 : vector<8x1024xf32>
    %mul3A_797 = arith.constant 1.720000e+02 : f32
    %mul3A_798 = vector.broadcast %mul3A_797 : f32 to vector<8x1024xf32>
    %mul3A_799 = arith.mulf %mul3A_46, %mul3A_798 : vector<8x1024xf32>
    %mul3A_800 = arith.constant 1.720000e+02 : f32
    %mul3A_801 = vector.broadcast %mul3A_800 : f32 to vector<8x1024xf32>
    %mul3A_802 = arith.mulf %mul3A_47, %mul3A_801 : vector<8x1024xf32>
    %floor3A_803 = math.floor %mul3A_796 : vector<8x1024xf32>
    %sub3A_804 = arith.subf %mul3A_796, %floor3A_803 : vector<8x1024xf32>
    %floor3A_805 = math.floor %mul3A_799 : vector<8x1024xf32>
    %sub3A_806 = arith.subf %mul3A_799, %floor3A_805 : vector<8x1024xf32>
    %floor3A_807 = math.floor %mul3A_802 : vector<8x1024xf32>
    %sub3A_808 = arith.subf %mul3A_802, %floor3A_807 : vector<8x1024xf32>
    %sub3A_809 = arith.constant 1.000000e+00 : f32
    %sub3A_810 = vector.broadcast %sub3A_809 : f32 to vector<8x1024xf32>
    %sub3A_811 = arith.subf %sub3A_810, %sub3A_804 : vector<8x1024xf32>
    %sub3A_812 = arith.constant 1.000000e+00 : f32
    %sub3A_813 = vector.broadcast %sub3A_812 : f32 to vector<8x1024xf32>
    %sub3A_814 = arith.subf %sub3A_813, %sub3A_806 : vector<8x1024xf32>
    %sub3A_815 = arith.constant 1.000000e+00 : f32
    %sub3A_816 = vector.broadcast %sub3A_815 : f32 to vector<8x1024xf32>
    %sub3A_817 = arith.subf %sub3A_816, %sub3A_808 : vector<8x1024xf32>
    %broadcast_in_dim3A_818 = arith.constant 0.000000e+00 : f32
    %broadcast_in_dim3A_819 = vector.broadcast %broadcast_in_dim3A_818 : f32 to vector<8x1024xf32>
    %broadcast_in_dim3A_820 = arith.constant 0.000000e+00 : f32
    %broadcast_in_dim3A_821 = vector.broadcast %broadcast_in_dim3A_820 : f32 to vector<8x1024xf32>
    %mul3A_822 = arith.mulf %sub3A_814, %sub3A_817 : vector<8x1024xf32>
    %get3A_823 = arith.constant 32 : index
    %get3A_824 = arith.constant 0 : index
    %get3A_825 = arith.constant 0 : index
    %get3A_826 = vector.load %arg4[%get3A_823, %get3A_824, %get3A_825] : memref<64x8x1024xi32, #tpu.memory_space<vmem>>, vector<1x8x1024xi32>
    %get3A_827 = vector.shape_cast %get3A_826 : vector<1x8x1024xi32> to vector<8x1024xi32>
    %shift_left3A_828 = arith.constant 16 : i32
    %shift_left3A_829 = vector.broadcast %shift_left3A_828 : i32 to vector<8x1024xi32>
    %shift_left3A_830 = arith.shli %get3A_827, %shift_left3A_829 : vector<8x1024xi32>
    %bitcast_convert_type3A_831 = tpu.bitcast %shift_left3A_830 : vector<8x1024xi32> -> vector<8x1024xf32>
    %and3A_832 = arith.constant -65536 : i32
    %and3A_833 = vector.broadcast %and3A_832 : i32 to vector<8x1024xi32>
    %and3A_834 = arith.andi %get3A_827, %and3A_833 : vector<8x1024xi32>
    %bitcast_convert_type3A_835 = tpu.bitcast %and3A_834 : vector<8x1024xi32> -> vector<8x1024xf32>
    %mul3A_836 = arith.mulf %sub3A_811, %mul3A_822 : vector<8x1024xf32>
    %mul3A_837 = arith.mulf %mul3A_836, %bitcast_convert_type3A_831 : vector<8x1024xf32>
    %add3A_838 = arith.addf %broadcast_in_dim3A_819, %mul3A_837 : vector<8x1024xf32>
    %mul3A_839 = arith.mulf %mul3A_836, %bitcast_convert_type3A_835 : vector<8x1024xf32>
    %add3A_840 = arith.addf %broadcast_in_dim3A_821, %mul3A_839 : vector<8x1024xf32>
    %get3A_841 = arith.constant 33 : index
    %get3A_842 = arith.constant 0 : index
    %get3A_843 = arith.constant 0 : index
    %get3A_844 = vector.load %arg4[%get3A_841, %get3A_842, %get3A_843] : memref<64x8x1024xi32, #tpu.memory_space<vmem>>, vector<1x8x1024xi32>
    %get3A_845 = vector.shape_cast %get3A_844 : vector<1x8x1024xi32> to vector<8x1024xi32>
    %shift_left3A_846 = arith.constant 16 : i32
    %shift_left3A_847 = vector.broadcast %shift_left3A_846 : i32 to vector<8x1024xi32>
    %shift_left3A_848 = arith.shli %get3A_845, %shift_left3A_847 : vector<8x1024xi32>
    %bitcast_convert_type3A_849 = tpu.bitcast %shift_left3A_848 : vector<8x1024xi32> -> vector<8x1024xf32>
    %and3A_850 = arith.constant -65536 : i32
    %and3A_851 = vector.broadcast %and3A_850 : i32 to vector<8x1024xi32>
    %and3A_852 = arith.andi %get3A_845, %and3A_851 : vector<8x1024xi32>
    %bitcast_convert_type3A_853 = tpu.bitcast %and3A_852 : vector<8x1024xi32> -> vector<8x1024xf32>
    %mul3A_854 = arith.mulf %sub3A_804, %mul3A_822 : vector<8x1024xf32>
    %mul3A_855 = arith.mulf %mul3A_854, %bitcast_convert_type3A_849 : vector<8x1024xf32>
    %add3A_856 = arith.addf %add3A_838, %mul3A_855 : vector<8x1024xf32>
    %mul3A_857 = arith.mulf %mul3A_854, %bitcast_convert_type3A_853 : vector<8x1024xf32>
    %add3A_858 = arith.addf %add3A_840, %mul3A_857 : vector<8x1024xf32>
    %mul3A_859 = arith.mulf %sub3A_806, %sub3A_817 : vector<8x1024xf32>
    %get3A_860 = arith.constant 34 : index
    %get3A_861 = arith.constant 0 : index
    %get3A_862 = arith.constant 0 : index
    %get3A_863 = vector.load %arg4[%get3A_860, %get3A_861, %get3A_862] : memref<64x8x1024xi32, #tpu.memory_space<vmem>>, vector<1x8x1024xi32>
    %get3A_864 = vector.shape_cast %get3A_863 : vector<1x8x1024xi32> to vector<8x1024xi32>
    %shift_left3A_865 = arith.constant 16 : i32
    %shift_left3A_866 = vector.broadcast %shift_left3A_865 : i32 to vector<8x1024xi32>
    %shift_left3A_867 = arith.shli %get3A_864, %shift_left3A_866 : vector<8x1024xi32>
    %bitcast_convert_type3A_868 = tpu.bitcast %shift_left3A_867 : vector<8x1024xi32> -> vector<8x1024xf32>
    %and3A_869 = arith.constant -65536 : i32
    %and3A_870 = vector.broadcast %and3A_869 : i32 to vector<8x1024xi32>
    %and3A_871 = arith.andi %get3A_864, %and3A_870 : vector<8x1024xi32>
    %bitcast_convert_type3A_872 = tpu.bitcast %and3A_871 : vector<8x1024xi32> -> vector<8x1024xf32>
    %mul3A_873 = arith.mulf %sub3A_811, %mul3A_859 : vector<8x1024xf32>
    %mul3A_874 = arith.mulf %mul3A_873, %bitcast_convert_type3A_868 : vector<8x1024xf32>
    %add3A_875 = arith.addf %add3A_856, %mul3A_874 : vector<8x1024xf32>
    %mul3A_876 = arith.mulf %mul3A_873, %bitcast_convert_type3A_872 : vector<8x1024xf32>
    %add3A_877 = arith.addf %add3A_858, %mul3A_876 : vector<8x1024xf32>
    %get3A_878 = arith.constant 35 : index
    %get3A_879 = arith.constant 0 : index
    %get3A_880 = arith.constant 0 : index
    %get3A_881 = vector.load %arg4[%get3A_878, %get3A_879, %get3A_880] : memref<64x8x1024xi32, #tpu.memory_space<vmem>>, vector<1x8x1024xi32>
    %get3A_882 = vector.shape_cast %get3A_881 : vector<1x8x1024xi32> to vector<8x1024xi32>
    %shift_left3A_883 = arith.constant 16 : i32
    %shift_left3A_884 = vector.broadcast %shift_left3A_883 : i32 to vector<8x1024xi32>
    %shift_left3A_885 = arith.shli %get3A_882, %shift_left3A_884 : vector<8x1024xi32>
    %bitcast_convert_type3A_886 = tpu.bitcast %shift_left3A_885 : vector<8x1024xi32> -> vector<8x1024xf32>
    %and3A_887 = arith.constant -65536 : i32
    %and3A_888 = vector.broadcast %and3A_887 : i32 to vector<8x1024xi32>
    %and3A_889 = arith.andi %get3A_882, %and3A_888 : vector<8x1024xi32>
    %bitcast_convert_type3A_890 = tpu.bitcast %and3A_889 : vector<8x1024xi32> -> vector<8x1024xf32>
    %mul3A_891 = arith.mulf %sub3A_804, %mul3A_859 : vector<8x1024xf32>
    %mul3A_892 = arith.mulf %mul3A_891, %bitcast_convert_type3A_886 : vector<8x1024xf32>
    %add3A_893 = arith.addf %add3A_875, %mul3A_892 : vector<8x1024xf32>
    %mul3A_894 = arith.mulf %mul3A_891, %bitcast_convert_type3A_890 : vector<8x1024xf32>
    %add3A_895 = arith.addf %add3A_877, %mul3A_894 : vector<8x1024xf32>
    %mul3A_896 = arith.mulf %sub3A_814, %sub3A_808 : vector<8x1024xf32>
    %get3A_897 = arith.constant 36 : index
    %get3A_898 = arith.constant 0 : index
    %get3A_899 = arith.constant 0 : index
    %get3A_900 = vector.load %arg4[%get3A_897, %get3A_898, %get3A_899] : memref<64x8x1024xi32, #tpu.memory_space<vmem>>, vector<1x8x1024xi32>
    %get3A_901 = vector.shape_cast %get3A_900 : vector<1x8x1024xi32> to vector<8x1024xi32>
    %shift_left3A_902 = arith.constant 16 : i32
    %shift_left3A_903 = vector.broadcast %shift_left3A_902 : i32 to vector<8x1024xi32>
    %shift_left3A_904 = arith.shli %get3A_901, %shift_left3A_903 : vector<8x1024xi32>
    %bitcast_convert_type3A_905 = tpu.bitcast %shift_left3A_904 : vector<8x1024xi32> -> vector<8x1024xf32>
    %and3A_906 = arith.constant -65536 : i32
    %and3A_907 = vector.broadcast %and3A_906 : i32 to vector<8x1024xi32>
    %and3A_908 = arith.andi %get3A_901, %and3A_907 : vector<8x1024xi32>
    %bitcast_convert_type3A_909 = tpu.bitcast %and3A_908 : vector<8x1024xi32> -> vector<8x1024xf32>
    %mul3A_910 = arith.mulf %sub3A_811, %mul3A_896 : vector<8x1024xf32>
    %mul3A_911 = arith.mulf %mul3A_910, %bitcast_convert_type3A_905 : vector<8x1024xf32>
    %add3A_912 = arith.addf %add3A_893, %mul3A_911 : vector<8x1024xf32>
    %mul3A_913 = arith.mulf %mul3A_910, %bitcast_convert_type3A_909 : vector<8x1024xf32>
    %add3A_914 = arith.addf %add3A_895, %mul3A_913 : vector<8x1024xf32>
    %get3A_915 = arith.constant 37 : index
    %get3A_916 = arith.constant 0 : index
    %get3A_917 = arith.constant 0 : index
    %get3A_918 = vector.load %arg4[%get3A_915, %get3A_916, %get3A_917] : memref<64x8x1024xi32, #tpu.memory_space<vmem>>, vector<1x8x1024xi32>
    %get3A_919 = vector.shape_cast %get3A_918 : vector<1x8x1024xi32> to vector<8x1024xi32>
    %shift_left3A_920 = arith.constant 16 : i32
    %shift_left3A_921 = vector.broadcast %shift_left3A_920 : i32 to vector<8x1024xi32>
    %shift_left3A_922 = arith.shli %get3A_919, %shift_left3A_921 : vector<8x1024xi32>
    %bitcast_convert_type3A_923 = tpu.bitcast %shift_left3A_922 : vector<8x1024xi32> -> vector<8x1024xf32>
    %and3A_924 = arith.constant -65536 : i32
    %and3A_925 = vector.broadcast %and3A_924 : i32 to vector<8x1024xi32>
    %and3A_926 = arith.andi %get3A_919, %and3A_925 : vector<8x1024xi32>
    %bitcast_convert_type3A_927 = tpu.bitcast %and3A_926 : vector<8x1024xi32> -> vector<8x1024xf32>
    %mul3A_928 = arith.mulf %sub3A_804, %mul3A_896 : vector<8x1024xf32>
    %mul3A_929 = arith.mulf %mul3A_928, %bitcast_convert_type3A_923 : vector<8x1024xf32>
    %add3A_930 = arith.addf %add3A_912, %mul3A_929 : vector<8x1024xf32>
    %mul3A_931 = arith.mulf %mul3A_928, %bitcast_convert_type3A_927 : vector<8x1024xf32>
    %add3A_932 = arith.addf %add3A_914, %mul3A_931 : vector<8x1024xf32>
    %mul3A_933 = arith.mulf %sub3A_806, %sub3A_808 : vector<8x1024xf32>
    %get3A_934 = arith.constant 38 : index
    %get3A_935 = arith.constant 0 : index
    %get3A_936 = arith.constant 0 : index
    %get3A_937 = vector.load %arg4[%get3A_934, %get3A_935, %get3A_936] : memref<64x8x1024xi32, #tpu.memory_space<vmem>>, vector<1x8x1024xi32>
    %get3A_938 = vector.shape_cast %get3A_937 : vector<1x8x1024xi32> to vector<8x1024xi32>
    %shift_left3A_939 = arith.constant 16 : i32
    %shift_left3A_940 = vector.broadcast %shift_left3A_939 : i32 to vector<8x1024xi32>
    %shift_left3A_941 = arith.shli %get3A_938, %shift_left3A_940 : vector<8x1024xi32>
    %bitcast_convert_type3A_942 = tpu.bitcast %shift_left3A_941 : vector<8x1024xi32> -> vector<8x1024xf32>
    %and3A_943 = arith.constant -65536 : i32
    %and3A_944 = vector.broadcast %and3A_943 : i32 to vector<8x1024xi32>
    %and3A_945 = arith.andi %get3A_938, %and3A_944 : vector<8x1024xi32>
    %bitcast_convert_type3A_946 = tpu.bitcast %and3A_945 : vector<8x1024xi32> -> vector<8x1024xf32>
    %mul3A_947 = arith.mulf %sub3A_811, %mul3A_933 : vector<8x1024xf32>
    %mul3A_948 = arith.mulf %mul3A_947, %bitcast_convert_type3A_942 : vector<8x1024xf32>
    %add3A_949 = arith.addf %add3A_930, %mul3A_948 : vector<8x1024xf32>
    %mul3A_950 = arith.mulf %mul3A_947, %bitcast_convert_type3A_946 : vector<8x1024xf32>
    %add3A_951 = arith.addf %add3A_932, %mul3A_950 : vector<8x1024xf32>
    %get3A_952 = arith.constant 39 : index
    %get3A_953 = arith.constant 0 : index
    %get3A_954 = arith.constant 0 : index
    %get3A_955 = vector.load %arg4[%get3A_952, %get3A_953, %get3A_954] : memref<64x8x1024xi32, #tpu.memory_space<vmem>>, vector<1x8x1024xi32>
    %get3A_956 = vector.shape_cast %get3A_955 : vector<1x8x1024xi32> to vector<8x1024xi32>
    %shift_left3A_957 = arith.constant 16 : i32
    %shift_left3A_958 = vector.broadcast %shift_left3A_957 : i32 to vector<8x1024xi32>
    %shift_left3A_959 = arith.shli %get3A_956, %shift_left3A_958 : vector<8x1024xi32>
    %bitcast_convert_type3A_960 = tpu.bitcast %shift_left3A_959 : vector<8x1024xi32> -> vector<8x1024xf32>
    %and3A_961 = arith.constant -65536 : i32
    %and3A_962 = vector.broadcast %and3A_961 : i32 to vector<8x1024xi32>
    %and3A_963 = arith.andi %get3A_956, %and3A_962 : vector<8x1024xi32>
    %bitcast_convert_type3A_964 = tpu.bitcast %and3A_963 : vector<8x1024xi32> -> vector<8x1024xf32>
    %mul3A_965 = arith.mulf %sub3A_804, %mul3A_933 : vector<8x1024xf32>
    %mul3A_966 = arith.mulf %mul3A_965, %bitcast_convert_type3A_960 : vector<8x1024xf32>
    %add3A_967 = arith.addf %add3A_949, %mul3A_966 : vector<8x1024xf32>
    %mul3A_968 = arith.mulf %mul3A_965, %bitcast_convert_type3A_964 : vector<8x1024xf32>
    %add3A_969 = arith.addf %add3A_951, %mul3A_968 : vector<8x1024xf32>
    %swap3A_970 = arith.constant 8 : index
    %swap3A_971 = arith.constant 0 : index
    %swap3A_972 = arith.constant 0 : index
    %swap3A_973 = vector.load %arg5[%swap3A_970, %swap3A_971, %swap3A_972] : memref<16x8x1024xf32, #tpu.memory_space<vmem>>, vector<1x8x1024xf32>
    %swap3A_974 = vector.shape_cast %swap3A_973 : vector<1x8x1024xf32> to vector<8x1024xf32>
    %swap3A_975 = vector.shape_cast %add3A_967 : vector<8x1024xf32> to vector<1x8x1024xf32>
    tpu.vector_store %arg5[%swap3A_970, %swap3A_971, %swap3A_972], %swap3A_975 {strides = array<i32>} : memref<16x8x1024xf32, #tpu.memory_space<vmem>>, vector<1x8x1024xf32>,
    %swap3A_976 = arith.constant 9 : index
    %swap3A_977 = arith.constant 0 : index
    %swap3A_978 = arith.constant 0 : index
    %swap3A_979 = vector.load %arg5[%swap3A_976, %swap3A_977, %swap3A_978] : memref<16x8x1024xf32, #tpu.memory_space<vmem>>, vector<1x8x1024xf32>
    %swap3A_980 = vector.shape_cast %swap3A_979 : vector<1x8x1024xf32> to vector<8x1024xf32>
    %swap3A_981 = vector.shape_cast %add3A_969 : vector<8x1024xf32> to vector<1x8x1024xf32>
    tpu.vector_store %arg5[%swap3A_976, %swap3A_977, %swap3A_978], %swap3A_981 {strides = array<i32>} : memref<16x8x1024xf32, #tpu.memory_space<vmem>>, vector<1x8x1024xf32>,
    %mul3A_982 = arith.constant 3.120000e+02 : f32
    %mul3A_983 = vector.broadcast %mul3A_982 : f32 to vector<8x1024xf32>
    %mul3A_984 = arith.mulf %mul3A_45, %mul3A_983 : vector<8x1024xf32>
    %mul3A_985 = arith.constant 3.120000e+02 : f32
    %mul3A_986 = vector.broadcast %mul3A_985 : f32 to vector<8x1024xf32>
    %mul3A_987 = arith.mulf %mul3A_46, %mul3A_986 : vector<8x1024xf32>
    %mul3A_988 = arith.constant 3.120000e+02 : f32
    %mul3A_989 = vector.broadcast %mul3A_988 : f32 to vector<8x1024xf32>
    %mul3A_990 = arith.mulf %mul3A_47, %mul3A_989 : vector<8x1024xf32>
    %floor3A_991 = math.floor %mul3A_984 : vector<8x1024xf32>
    %sub3A_992 = arith.subf %mul3A_984, %floor3A_991 : vector<8x1024xf32>
    %floor3A_993 = math.floor %mul3A_987 : vector<8x1024xf32>
    %sub3A_994 = arith.subf %mul3A_987, %floor3A_993 : vector<8x1024xf32>
    %floor3A_995 = math.floor %mul3A_990 : vector<8x1024xf32>
    %sub3A_996 = arith.subf %mul3A_990, %floor3A_995 : vector<8x1024xf32>
    %sub3A_997 = arith.constant 1.000000e+00 : f32
    %sub3A_998 = vector.broadcast %sub3A_997 : f32 to vector<8x1024xf32>
    %sub3A_999 = arith.subf %sub3A_998, %sub3A_992 : vector<8x1024xf32>
    %sub3A_1000 = arith.constant 1.000000e+00 : f32
    %sub3A_1001 = vector.broadcast %sub3A_1000 : f32 to vector<8x1024xf32>
    %sub3A_1002 = arith.subf %sub3A_1001, %sub3A_994 : vector<8x1024xf32>
    %sub3A_1003 = arith.constant 1.000000e+00 : f32
    %sub3A_1004 = vector.broadcast %sub3A_1003 : f32 to vector<8x1024xf32>
    %sub3A_1005 = arith.subf %sub3A_1004, %sub3A_996 : vector<8x1024xf32>
    %broadcast_in_dim3A_1006 = arith.constant 0.000000e+00 : f32
    %broadcast_in_dim3A_1007 = vector.broadcast %broadcast_in_dim3A_1006 : f32 to vector<8x1024xf32>
    %broadcast_in_dim3A_1008 = arith.constant 0.000000e+00 : f32
    %broadcast_in_dim3A_1009 = vector.broadcast %broadcast_in_dim3A_1008 : f32 to vector<8x1024xf32>
    %mul3A_1010 = arith.mulf %sub3A_1002, %sub3A_1005 : vector<8x1024xf32>
    %get3A_1011 = arith.constant 40 : index
    %get3A_1012 = arith.constant 0 : index
    %get3A_1013 = arith.constant 0 : index
    %get3A_1014 = vector.load %arg4[%get3A_1011, %get3A_1012, %get3A_1013] : memref<64x8x1024xi32, #tpu.memory_space<vmem>>, vector<1x8x1024xi32>
    %get3A_1015 = vector.shape_cast %get3A_1014 : vector<1x8x1024xi32> to vector<8x1024xi32>
    %shift_left3A_1016 = arith.constant 16 : i32
    %shift_left3A_1017 = vector.broadcast %shift_left3A_1016 : i32 to vector<8x1024xi32>
    %shift_left3A_1018 = arith.shli %get3A_1015, %shift_left3A_1017 : vector<8x1024xi32>
    %bitcast_convert_type3A_1019 = tpu.bitcast %shift_left3A_1018 : vector<8x1024xi32> -> vector<8x1024xf32>
    %and3A_1020 = arith.constant -65536 : i32
    %and3A_1021 = vector.broadcast %and3A_1020 : i32 to vector<8x1024xi32>
    %and3A_1022 = arith.andi %get3A_1015, %and3A_1021 : vector<8x1024xi32>
    %bitcast_convert_type3A_1023 = tpu.bitcast %and3A_1022 : vector<8x1024xi32> -> vector<8x1024xf32>
    %mul3A_1024 = arith.mulf %sub3A_999, %mul3A_1010 : vector<8x1024xf32>
    %mul3A_1025 = arith.mulf %mul3A_1024, %bitcast_convert_type3A_1019 : vector<8x1024xf32>
    %add3A_1026 = arith.addf %broadcast_in_dim3A_1007, %mul3A_1025 : vector<8x1024xf32>
    %mul3A_1027 = arith.mulf %mul3A_1024, %bitcast_convert_type3A_1023 : vector<8x1024xf32>
    %add3A_1028 = arith.addf %broadcast_in_dim3A_1009, %mul3A_1027 : vector<8x1024xf32>
    %get3A_1029 = arith.constant 41 : index
    %get3A_1030 = arith.constant 0 : index
    %get3A_1031 = arith.constant 0 : index
    %get3A_1032 = vector.load %arg4[%get3A_1029, %get3A_1030, %get3A_1031] : memref<64x8x1024xi32, #tpu.memory_space<vmem>>, vector<1x8x1024xi32>
    %get3A_1033 = vector.shape_cast %get3A_1032 : vector<1x8x1024xi32> to vector<8x1024xi32>
    %shift_left3A_1034 = arith.constant 16 : i32
    %shift_left3A_1035 = vector.broadcast %shift_left3A_1034 : i32 to vector<8x1024xi32>
    %shift_left3A_1036 = arith.shli %get3A_1033, %shift_left3A_1035 : vector<8x1024xi32>
    %bitcast_convert_type3A_1037 = tpu.bitcast %shift_left3A_1036 : vector<8x1024xi32> -> vector<8x1024xf32>
    %and3A_1038 = arith.constant -65536 : i32
    %and3A_1039 = vector.broadcast %and3A_1038 : i32 to vector<8x1024xi32>
    %and3A_1040 = arith.andi %get3A_1033, %and3A_1039 : vector<8x1024xi32>
    %bitcast_convert_type3A_1041 = tpu.bitcast %and3A_1040 : vector<8x1024xi32> -> vector<8x1024xf32>
    %mul3A_1042 = arith.mulf %sub3A_992, %mul3A_1010 : vector<8x1024xf32>
    %mul3A_1043 = arith.mulf %mul3A_1042, %bitcast_convert_type3A_1037 : vector<8x1024xf32>
    %add3A_1044 = arith.addf %add3A_1026, %mul3A_1043 : vector<8x1024xf32>
    %mul3A_1045 = arith.mulf %mul3A_1042, %bitcast_convert_type3A_1041 : vector<8x1024xf32>
    %add3A_1046 = arith.addf %add3A_1028, %mul3A_1045 : vector<8x1024xf32>
    %mul3A_1047 = arith.mulf %sub3A_994, %sub3A_1005 : vector<8x1024xf32>
    %get3A_1048 = arith.constant 42 : index
    %get3A_1049 = arith.constant 0 : index
    %get3A_1050 = arith.constant 0 : index
    %get3A_1051 = vector.load %arg4[%get3A_1048, %get3A_1049, %get3A_1050] : memref<64x8x1024xi32, #tpu.memory_space<vmem>>, vector<1x8x1024xi32>
    %get3A_1052 = vector.shape_cast %get3A_1051 : vector<1x8x1024xi32> to vector<8x1024xi32>
    %shift_left3A_1053 = arith.constant 16 : i32
    %shift_left3A_1054 = vector.broadcast %shift_left3A_1053 : i32 to vector<8x1024xi32>
    %shift_left3A_1055 = arith.shli %get3A_1052, %shift_left3A_1054 : vector<8x1024xi32>
    %bitcast_convert_type3A_1056 = tpu.bitcast %shift_left3A_1055 : vector<8x1024xi32> -> vector<8x1024xf32>
    %and3A_1057 = arith.constant -65536 : i32
    %and3A_1058 = vector.broadcast %and3A_1057 : i32 to vector<8x1024xi32>
    %and3A_1059 = arith.andi %get3A_1052, %and3A_1058 : vector<8x1024xi32>
    %bitcast_convert_type3A_1060 = tpu.bitcast %and3A_1059 : vector<8x1024xi32> -> vector<8x1024xf32>
    %mul3A_1061 = arith.mulf %sub3A_999, %mul3A_1047 : vector<8x1024xf32>
    %mul3A_1062 = arith.mulf %mul3A_1061, %bitcast_convert_type3A_1056 : vector<8x1024xf32>
    %add3A_1063 = arith.addf %add3A_1044, %mul3A_1062 : vector<8x1024xf32>
    %mul3A_1064 = arith.mulf %mul3A_1061, %bitcast_convert_type3A_1060 : vector<8x1024xf32>
    %add3A_1065 = arith.addf %add3A_1046, %mul3A_1064 : vector<8x1024xf32>
    %get3A_1066 = arith.constant 43 : index
    %get3A_1067 = arith.constant 0 : index
    %get3A_1068 = arith.constant 0 : index
    %get3A_1069 = vector.load %arg4[%get3A_1066, %get3A_1067, %get3A_1068] : memref<64x8x1024xi32, #tpu.memory_space<vmem>>, vector<1x8x1024xi32>
    %get3A_1070 = vector.shape_cast %get3A_1069 : vector<1x8x1024xi32> to vector<8x1024xi32>
    %shift_left3A_1071 = arith.constant 16 : i32
    %shift_left3A_1072 = vector.broadcast %shift_left3A_1071 : i32 to vector<8x1024xi32>
    %shift_left3A_1073 = arith.shli %get3A_1070, %shift_left3A_1072 : vector<8x1024xi32>
    %bitcast_convert_type3A_1074 = tpu.bitcast %shift_left3A_1073 : vector<8x1024xi32> -> vector<8x1024xf32>
    %and3A_1075 = arith.constant -65536 : i32
    %and3A_1076 = vector.broadcast %and3A_1075 : i32 to vector<8x1024xi32>
    %and3A_1077 = arith.andi %get3A_1070, %and3A_1076 : vector<8x1024xi32>
    %bitcast_convert_type3A_1078 = tpu.bitcast %and3A_1077 : vector<8x1024xi32> -> vector<8x1024xf32>
    %mul3A_1079 = arith.mulf %sub3A_992, %mul3A_1047 : vector<8x1024xf32>
    %mul3A_1080 = arith.mulf %mul3A_1079, %bitcast_convert_type3A_1074 : vector<8x1024xf32>
    %add3A_1081 = arith.addf %add3A_1063, %mul3A_1080 : vector<8x1024xf32>
    %mul3A_1082 = arith.mulf %mul3A_1079, %bitcast_convert_type3A_1078 : vector<8x1024xf32>
    %add3A_1083 = arith.addf %add3A_1065, %mul3A_1082 : vector<8x1024xf32>
    %mul3A_1084 = arith.mulf %sub3A_1002, %sub3A_996 : vector<8x1024xf32>
    %get3A_1085 = arith.constant 44 : index
    %get3A_1086 = arith.constant 0 : index
    %get3A_1087 = arith.constant 0 : index
    %get3A_1088 = vector.load %arg4[%get3A_1085, %get3A_1086, %get3A_1087] : memref<64x8x1024xi32, #tpu.memory_space<vmem>>, vector<1x8x1024xi32>
    %get3A_1089 = vector.shape_cast %get3A_1088 : vector<1x8x1024xi32> to vector<8x1024xi32>
    %shift_left3A_1090 = arith.constant 16 : i32
    %shift_left3A_1091 = vector.broadcast %shift_left3A_1090 : i32 to vector<8x1024xi32>
    %shift_left3A_1092 = arith.shli %get3A_1089, %shift_left3A_1091 : vector<8x1024xi32>
    %bitcast_convert_type3A_1093 = tpu.bitcast %shift_left3A_1092 : vector<8x1024xi32> -> vector<8x1024xf32>
    %and3A_1094 = arith.constant -65536 : i32
    %and3A_1095 = vector.broadcast %and3A_1094 : i32 to vector<8x1024xi32>
    %and3A_1096 = arith.andi %get3A_1089, %and3A_1095 : vector<8x1024xi32>
    %bitcast_convert_type3A_1097 = tpu.bitcast %and3A_1096 : vector<8x1024xi32> -> vector<8x1024xf32>
    %mul3A_1098 = arith.mulf %sub3A_999, %mul3A_1084 : vector<8x1024xf32>
    %mul3A_1099 = arith.mulf %mul3A_1098, %bitcast_convert_type3A_1093 : vector<8x1024xf32>
    %add3A_1100 = arith.addf %add3A_1081, %mul3A_1099 : vector<8x1024xf32>
    %mul3A_1101 = arith.mulf %mul3A_1098, %bitcast_convert_type3A_1097 : vector<8x1024xf32>
    %add3A_1102 = arith.addf %add3A_1083, %mul3A_1101 : vector<8x1024xf32>
    %get3A_1103 = arith.constant 45 : index
    %get3A_1104 = arith.constant 0 : index
    %get3A_1105 = arith.constant 0 : index
    %get3A_1106 = vector.load %arg4[%get3A_1103, %get3A_1104, %get3A_1105] : memref<64x8x1024xi32, #tpu.memory_space<vmem>>, vector<1x8x1024xi32>
    %get3A_1107 = vector.shape_cast %get3A_1106 : vector<1x8x1024xi32> to vector<8x1024xi32>
    %shift_left3A_1108 = arith.constant 16 : i32
    %shift_left3A_1109 = vector.broadcast %shift_left3A_1108 : i32 to vector<8x1024xi32>
    %shift_left3A_1110 = arith.shli %get3A_1107, %shift_left3A_1109 : vector<8x1024xi32>
    %bitcast_convert_type3A_1111 = tpu.bitcast %shift_left3A_1110 : vector<8x1024xi32> -> vector<8x1024xf32>
    %and3A_1112 = arith.constant -65536 : i32
    %and3A_1113 = vector.broadcast %and3A_1112 : i32 to vector<8x1024xi32>
    %and3A_1114 = arith.andi %get3A_1107, %and3A_1113 : vector<8x1024xi32>
    %bitcast_convert_type3A_1115 = tpu.bitcast %and3A_1114 : vector<8x1024xi32> -> vector<8x1024xf32>
    %mul3A_1116 = arith.mulf %sub3A_992, %mul3A_1084 : vector<8x1024xf32>
    %mul3A_1117 = arith.mulf %mul3A_1116, %bitcast_convert_type3A_1111 : vector<8x1024xf32>
    %add3A_1118 = arith.addf %add3A_1100, %mul3A_1117 : vector<8x1024xf32>
    %mul3A_1119 = arith.mulf %mul3A_1116, %bitcast_convert_type3A_1115 : vector<8x1024xf32>
    %add3A_1120 = arith.addf %add3A_1102, %mul3A_1119 : vector<8x1024xf32>
    %mul3A_1121 = arith.mulf %sub3A_994, %sub3A_996 : vector<8x1024xf32>
    %get3A_1122 = arith.constant 46 : index
    %get3A_1123 = arith.constant 0 : index
    %get3A_1124 = arith.constant 0 : index
    %get3A_1125 = vector.load %arg4[%get3A_1122, %get3A_1123, %get3A_1124] : memref<64x8x1024xi32, #tpu.memory_space<vmem>>, vector<1x8x1024xi32>
    %get3A_1126 = vector.shape_cast %get3A_1125 : vector<1x8x1024xi32> to vector<8x1024xi32>
    %shift_left3A_1127 = arith.constant 16 : i32
    %shift_left3A_1128 = vector.broadcast %shift_left3A_1127 : i32 to vector<8x1024xi32>
    %shift_left3A_1129 = arith.shli %get3A_1126, %shift_left3A_1128 : vector<8x1024xi32>
    %bitcast_convert_type3A_1130 = tpu.bitcast %shift_left3A_1129 : vector<8x1024xi32> -> vector<8x1024xf32>
    %and3A_1131 = arith.constant -65536 : i32
    %and3A_1132 = vector.broadcast %and3A_1131 : i32 to vector<8x1024xi32>
    %and3A_1133 = arith.andi %get3A_1126, %and3A_1132 : vector<8x1024xi32>
    %bitcast_convert_type3A_1134 = tpu.bitcast %and3A_1133 : vector<8x1024xi32> -> vector<8x1024xf32>
    %mul3A_1135 = arith.mulf %sub3A_999, %mul3A_1121 : vector<8x1024xf32>
    %mul3A_1136 = arith.mulf %mul3A_1135, %bitcast_convert_type3A_1130 : vector<8x1024xf32>
    %add3A_1137 = arith.addf %add3A_1118, %mul3A_1136 : vector<8x1024xf32>
    %mul3A_1138 = arith.mulf %mul3A_1135, %bitcast_convert_type3A_1134 : vector<8x1024xf32>
    %add3A_1139 = arith.addf %add3A_1120, %mul3A_1138 : vector<8x1024xf32>
    %get3A_1140 = arith.constant 47 : index
    %get3A_1141 = arith.constant 0 : index
    %get3A_1142 = arith.constant 0 : index
    %get3A_1143 = vector.load %arg4[%get3A_1140, %get3A_1141, %get3A_1142] : memref<64x8x1024xi32, #tpu.memory_space<vmem>>, vector<1x8x1024xi32>
    %get3A_1144 = vector.shape_cast %get3A_1143 : vector<1x8x1024xi32> to vector<8x1024xi32>
    %shift_left3A_1145 = arith.constant 16 : i32
    %shift_left3A_1146 = vector.broadcast %shift_left3A_1145 : i32 to vector<8x1024xi32>
    %shift_left3A_1147 = arith.shli %get3A_1144, %shift_left3A_1146 : vector<8x1024xi32>
    %bitcast_convert_type3A_1148 = tpu.bitcast %shift_left3A_1147 : vector<8x1024xi32> -> vector<8x1024xf32>
    %and3A_1149 = arith.constant -65536 : i32
    %and3A_1150 = vector.broadcast %and3A_1149 : i32 to vector<8x1024xi32>
    %and3A_1151 = arith.andi %get3A_1144, %and3A_1150 : vector<8x1024xi32>
    %bitcast_convert_type3A_1152 = tpu.bitcast %and3A_1151 : vector<8x1024xi32> -> vector<8x1024xf32>
    %mul3A_1153 = arith.mulf %sub3A_992, %mul3A_1121 : vector<8x1024xf32>
    %mul3A_1154 = arith.mulf %mul3A_1153, %bitcast_convert_type3A_1148 : vector<8x1024xf32>
    %add3A_1155 = arith.addf %add3A_1137, %mul3A_1154 : vector<8x1024xf32>
    %mul3A_1156 = arith.mulf %mul3A_1153, %bitcast_convert_type3A_1152 : vector<8x1024xf32>
    %add3A_1157 = arith.addf %add3A_1139, %mul3A_1156 : vector<8x1024xf32>
    %swap3A_1158 = arith.constant 10 : index
    %swap3A_1159 = arith.constant 0 : index
    %swap3A_1160 = arith.constant 0 : index
    %swap3A_1161 = vector.load %arg5[%swap3A_1158, %swap3A_1159, %swap3A_1160] : memref<16x8x1024xf32, #tpu.memory_space<vmem>>, vector<1x8x1024xf32>
    %swap3A_1162 = vector.shape_cast %swap3A_1161 : vector<1x8x1024xf32> to vector<8x1024xf32>
    %swap3A_1163 = vector.shape_cast %add3A_1155 : vector<8x1024xf32> to vector<1x8x1024xf32>
    tpu.vector_store %arg5[%swap3A_1158, %swap3A_1159, %swap3A_1160], %swap3A_1163 {strides = array<i32>} : memref<16x8x1024xf32, #tpu.memory_space<vmem>>, vector<1x8x1024xf32>,
    %swap3A_1164 = arith.constant 11 : index
    %swap3A_1165 = arith.constant 0 : index
    %swap3A_1166 = arith.constant 0 : index
    %swap3A_1167 = vector.load %arg5[%swap3A_1164, %swap3A_1165, %swap3A_1166] : memref<16x8x1024xf32, #tpu.memory_space<vmem>>, vector<1x8x1024xf32>
    %swap3A_1168 = vector.shape_cast %swap3A_1167 : vector<1x8x1024xf32> to vector<8x1024xf32>
    %swap3A_1169 = vector.shape_cast %add3A_1157 : vector<8x1024xf32> to vector<1x8x1024xf32>
    tpu.vector_store %arg5[%swap3A_1164, %swap3A_1165, %swap3A_1166], %swap3A_1169 {strides = array<i32>} : memref<16x8x1024xf32, #tpu.memory_space<vmem>>, vector<1x8x1024xf32>,
    %mul3A_1170 = arith.constant 5.650000e+02 : f32
    %mul3A_1171 = vector.broadcast %mul3A_1170 : f32 to vector<8x1024xf32>
    %mul3A_1172 = arith.mulf %mul3A_45, %mul3A_1171 : vector<8x1024xf32>
    %mul3A_1173 = arith.constant 5.650000e+02 : f32
    %mul3A_1174 = vector.broadcast %mul3A_1173 : f32 to vector<8x1024xf32>
    %mul3A_1175 = arith.mulf %mul3A_46, %mul3A_1174 : vector<8x1024xf32>
    %mul3A_1176 = arith.constant 5.650000e+02 : f32
    %mul3A_1177 = vector.broadcast %mul3A_1176 : f32 to vector<8x1024xf32>
    %mul3A_1178 = arith.mulf %mul3A_47, %mul3A_1177 : vector<8x1024xf32>
    %floor3A_1179 = math.floor %mul3A_1172 : vector<8x1024xf32>
    %sub3A_1180 = arith.subf %mul3A_1172, %floor3A_1179 : vector<8x1024xf32>
    %floor3A_1181 = math.floor %mul3A_1175 : vector<8x1024xf32>
    %sub3A_1182 = arith.subf %mul3A_1175, %floor3A_1181 : vector<8x1024xf32>
    %floor3A_1183 = math.floor %mul3A_1178 : vector<8x1024xf32>
    %sub3A_1184 = arith.subf %mul3A_1178, %floor3A_1183 : vector<8x1024xf32>
    %sub3A_1185 = arith.constant 1.000000e+00 : f32
    %sub3A_1186 = vector.broadcast %sub3A_1185 : f32 to vector<8x1024xf32>
    %sub3A_1187 = arith.subf %sub3A_1186, %sub3A_1180 : vector<8x1024xf32>
    %sub3A_1188 = arith.constant 1.000000e+00 : f32
    %sub3A_1189 = vector.broadcast %sub3A_1188 : f32 to vector<8x1024xf32>
    %sub3A_1190 = arith.subf %sub3A_1189, %sub3A_1182 : vector<8x1024xf32>
    %sub3A_1191 = arith.constant 1.000000e+00 : f32
    %sub3A_1192 = vector.broadcast %sub3A_1191 : f32 to vector<8x1024xf32>
    %sub3A_1193 = arith.subf %sub3A_1192, %sub3A_1184 : vector<8x1024xf32>
    %broadcast_in_dim3A_1194 = arith.constant 0.000000e+00 : f32
    %broadcast_in_dim3A_1195 = vector.broadcast %broadcast_in_dim3A_1194 : f32 to vector<8x1024xf32>
    %broadcast_in_dim3A_1196 = arith.constant 0.000000e+00 : f32
    %broadcast_in_dim3A_1197 = vector.broadcast %broadcast_in_dim3A_1196 : f32 to vector<8x1024xf32>
    %mul3A_1198 = arith.mulf %sub3A_1190, %sub3A_1193 : vector<8x1024xf32>
    %get3A_1199 = arith.constant 48 : index
    %get3A_1200 = arith.constant 0 : index
    %get3A_1201 = arith.constant 0 : index
    %get3A_1202 = vector.load %arg4[%get3A_1199, %get3A_1200, %get3A_1201] : memref<64x8x1024xi32, #tpu.memory_space<vmem>>, vector<1x8x1024xi32>
    %get3A_1203 = vector.shape_cast %get3A_1202 : vector<1x8x1024xi32> to vector<8x1024xi32>
    %shift_left3A_1204 = arith.constant 16 : i32
    %shift_left3A_1205 = vector.broadcast %shift_left3A_1204 : i32 to vector<8x1024xi32>
    %shift_left3A_1206 = arith.shli %get3A_1203, %shift_left3A_1205 : vector<8x1024xi32>
    %bitcast_convert_type3A_1207 = tpu.bitcast %shift_left3A_1206 : vector<8x1024xi32> -> vector<8x1024xf32>
    %and3A_1208 = arith.constant -65536 : i32
    %and3A_1209 = vector.broadcast %and3A_1208 : i32 to vector<8x1024xi32>
    %and3A_1210 = arith.andi %get3A_1203, %and3A_1209 : vector<8x1024xi32>
    %bitcast_convert_type3A_1211 = tpu.bitcast %and3A_1210 : vector<8x1024xi32> -> vector<8x1024xf32>
    %mul3A_1212 = arith.mulf %sub3A_1187, %mul3A_1198 : vector<8x1024xf32>
    %mul3A_1213 = arith.mulf %mul3A_1212, %bitcast_convert_type3A_1207 : vector<8x1024xf32>
    %add3A_1214 = arith.addf %broadcast_in_dim3A_1195, %mul3A_1213 : vector<8x1024xf32>
    %mul3A_1215 = arith.mulf %mul3A_1212, %bitcast_convert_type3A_1211 : vector<8x1024xf32>
    %add3A_1216 = arith.addf %broadcast_in_dim3A_1197, %mul3A_1215 : vector<8x1024xf32>
    %get3A_1217 = arith.constant 49 : index
    %get3A_1218 = arith.constant 0 : index
    %get3A_1219 = arith.constant 0 : index
    %get3A_1220 = vector.load %arg4[%get3A_1217, %get3A_1218, %get3A_1219] : memref<64x8x1024xi32, #tpu.memory_space<vmem>>, vector<1x8x1024xi32>
    %get3A_1221 = vector.shape_cast %get3A_1220 : vector<1x8x1024xi32> to vector<8x1024xi32>
    %shift_left3A_1222 = arith.constant 16 : i32
    %shift_left3A_1223 = vector.broadcast %shift_left3A_1222 : i32 to vector<8x1024xi32>
    %shift_left3A_1224 = arith.shli %get3A_1221, %shift_left3A_1223 : vector<8x1024xi32>
    %bitcast_convert_type3A_1225 = tpu.bitcast %shift_left3A_1224 : vector<8x1024xi32> -> vector<8x1024xf32>
    %and3A_1226 = arith.constant -65536 : i32
    %and3A_1227 = vector.broadcast %and3A_1226 : i32 to vector<8x1024xi32>
    %and3A_1228 = arith.andi %get3A_1221, %and3A_1227 : vector<8x1024xi32>
    %bitcast_convert_type3A_1229 = tpu.bitcast %and3A_1228 : vector<8x1024xi32> -> vector<8x1024xf32>
    %mul3A_1230 = arith.mulf %sub3A_1180, %mul3A_1198 : vector<8x1024xf32>
    %mul3A_1231 = arith.mulf %mul3A_1230, %bitcast_convert_type3A_1225 : vector<8x1024xf32>
    %add3A_1232 = arith.addf %add3A_1214, %mul3A_1231 : vector<8x1024xf32>
    %mul3A_1233 = arith.mulf %mul3A_1230, %bitcast_convert_type3A_1229 : vector<8x1024xf32>
    %add3A_1234 = arith.addf %add3A_1216, %mul3A_1233 : vector<8x1024xf32>
    %mul3A_1235 = arith.mulf %sub3A_1182, %sub3A_1193 : vector<8x1024xf32>
    %get3A_1236 = arith.constant 50 : index
    %get3A_1237 = arith.constant 0 : index
    %get3A_1238 = arith.constant 0 : index
    %get3A_1239 = vector.load %arg4[%get3A_1236, %get3A_1237, %get3A_1238] : memref<64x8x1024xi32, #tpu.memory_space<vmem>>, vector<1x8x1024xi32>
    %get3A_1240 = vector.shape_cast %get3A_1239 : vector<1x8x1024xi32> to vector<8x1024xi32>
    %shift_left3A_1241 = arith.constant 16 : i32
    %shift_left3A_1242 = vector.broadcast %shift_left3A_1241 : i32 to vector<8x1024xi32>
    %shift_left3A_1243 = arith.shli %get3A_1240, %shift_left3A_1242 : vector<8x1024xi32>
    %bitcast_convert_type3A_1244 = tpu.bitcast %shift_left3A_1243 : vector<8x1024xi32> -> vector<8x1024xf32>
    %and3A_1245 = arith.constant -65536 : i32
    %and3A_1246 = vector.broadcast %and3A_1245 : i32 to vector<8x1024xi32>
    %and3A_1247 = arith.andi %get3A_1240, %and3A_1246 : vector<8x1024xi32>
    %bitcast_convert_type3A_1248 = tpu.bitcast %and3A_1247 : vector<8x1024xi32> -> vector<8x1024xf32>
    %mul3A_1249 = arith.mulf %sub3A_1187, %mul3A_1235 : vector<8x1024xf32>
    %mul3A_1250 = arith.mulf %mul3A_1249, %bitcast_convert_type3A_1244 : vector<8x1024xf32>
    %add3A_1251 = arith.addf %add3A_1232, %mul3A_1250 : vector<8x1024xf32>
    %mul3A_1252 = arith.mulf %mul3A_1249, %bitcast_convert_type3A_1248 : vector<8x1024xf32>
    %add3A_1253 = arith.addf %add3A_1234, %mul3A_1252 : vector<8x1024xf32>
    %get3A_1254 = arith.constant 51 : index
    %get3A_1255 = arith.constant 0 : index
    %get3A_1256 = arith.constant 0 : index
    %get3A_1257 = vector.load %arg4[%get3A_1254, %get3A_1255, %get3A_1256] : memref<64x8x1024xi32, #tpu.memory_space<vmem>>, vector<1x8x1024xi32>
    %get3A_1258 = vector.shape_cast %get3A_1257 : vector<1x8x1024xi32> to vector<8x1024xi32>
    %shift_left3A_1259 = arith.constant 16 : i32
    %shift_left3A_1260 = vector.broadcast %shift_left3A_1259 : i32 to vector<8x1024xi32>
    %shift_left3A_1261 = arith.shli %get3A_1258, %shift_left3A_1260 : vector<8x1024xi32>
    %bitcast_convert_type3A_1262 = tpu.bitcast %shift_left3A_1261 : vector<8x1024xi32> -> vector<8x1024xf32>
    %and3A_1263 = arith.constant -65536 : i32
    %and3A_1264 = vector.broadcast %and3A_1263 : i32 to vector<8x1024xi32>
    %and3A_1265 = arith.andi %get3A_1258, %and3A_1264 : vector<8x1024xi32>
    %bitcast_convert_type3A_1266 = tpu.bitcast %and3A_1265 : vector<8x1024xi32> -> vector<8x1024xf32>
    %mul3A_1267 = arith.mulf %sub3A_1180, %mul3A_1235 : vector<8x1024xf32>
    %mul3A_1268 = arith.mulf %mul3A_1267, %bitcast_convert_type3A_1262 : vector<8x1024xf32>
    %add3A_1269 = arith.addf %add3A_1251, %mul3A_1268 : vector<8x1024xf32>
    %mul3A_1270 = arith.mulf %mul3A_1267, %bitcast_convert_type3A_1266 : vector<8x1024xf32>
    %add3A_1271 = arith.addf %add3A_1253, %mul3A_1270 : vector<8x1024xf32>
    %mul3A_1272 = arith.mulf %sub3A_1190, %sub3A_1184 : vector<8x1024xf32>
    %get3A_1273 = arith.constant 52 : index
    %get3A_1274 = arith.constant 0 : index
    %get3A_1275 = arith.constant 0 : index
    %get3A_1276 = vector.load %arg4[%get3A_1273, %get3A_1274, %get3A_1275] : memref<64x8x1024xi32, #tpu.memory_space<vmem>>, vector<1x8x1024xi32>
    %get3A_1277 = vector.shape_cast %get3A_1276 : vector<1x8x1024xi32> to vector<8x1024xi32>
    %shift_left3A_1278 = arith.constant 16 : i32
    %shift_left3A_1279 = vector.broadcast %shift_left3A_1278 : i32 to vector<8x1024xi32>
    %shift_left3A_1280 = arith.shli %get3A_1277, %shift_left3A_1279 : vector<8x1024xi32>
    %bitcast_convert_type3A_1281 = tpu.bitcast %shift_left3A_1280 : vector<8x1024xi32> -> vector<8x1024xf32>
    %and3A_1282 = arith.constant -65536 : i32
    %and3A_1283 = vector.broadcast %and3A_1282 : i32 to vector<8x1024xi32>
    %and3A_1284 = arith.andi %get3A_1277, %and3A_1283 : vector<8x1024xi32>
    %bitcast_convert_type3A_1285 = tpu.bitcast %and3A_1284 : vector<8x1024xi32> -> vector<8x1024xf32>
    %mul3A_1286 = arith.mulf %sub3A_1187, %mul3A_1272 : vector<8x1024xf32>
    %mul3A_1287 = arith.mulf %mul3A_1286, %bitcast_convert_type3A_1281 : vector<8x1024xf32>
    %add3A_1288 = arith.addf %add3A_1269, %mul3A_1287 : vector<8x1024xf32>
    %mul3A_1289 = arith.mulf %mul3A_1286, %bitcast_convert_type3A_1285 : vector<8x1024xf32>
    %add3A_1290 = arith.addf %add3A_1271, %mul3A_1289 : vector<8x1024xf32>
    %get3A_1291 = arith.constant 53 : index
    %get3A_1292 = arith.constant 0 : index
    %get3A_1293 = arith.constant 0 : index
    %get3A_1294 = vector.load %arg4[%get3A_1291, %get3A_1292, %get3A_1293] : memref<64x8x1024xi32, #tpu.memory_space<vmem>>, vector<1x8x1024xi32>
    %get3A_1295 = vector.shape_cast %get3A_1294 : vector<1x8x1024xi32> to vector<8x1024xi32>
    %shift_left3A_1296 = arith.constant 16 : i32
    %shift_left3A_1297 = vector.broadcast %shift_left3A_1296 : i32 to vector<8x1024xi32>
    %shift_left3A_1298 = arith.shli %get3A_1295, %shift_left3A_1297 : vector<8x1024xi32>
    %bitcast_convert_type3A_1299 = tpu.bitcast %shift_left3A_1298 : vector<8x1024xi32> -> vector<8x1024xf32>
    %and3A_1300 = arith.constant -65536 : i32
    %and3A_1301 = vector.broadcast %and3A_1300 : i32 to vector<8x1024xi32>
    %and3A_1302 = arith.andi %get3A_1295, %and3A_1301 : vector<8x1024xi32>
    %bitcast_convert_type3A_1303 = tpu.bitcast %and3A_1302 : vector<8x1024xi32> -> vector<8x1024xf32>
    %mul3A_1304 = arith.mulf %sub3A_1180, %mul3A_1272 : vector<8x1024xf32>
    %mul3A_1305 = arith.mulf %mul3A_1304, %bitcast_convert_type3A_1299 : vector<8x1024xf32>
    %add3A_1306 = arith.addf %add3A_1288, %mul3A_1305 : vector<8x1024xf32>
    %mul3A_1307 = arith.mulf %mul3A_1304, %bitcast_convert_type3A_1303 : vector<8x1024xf32>
    %add3A_1308 = arith.addf %add3A_1290, %mul3A_1307 : vector<8x1024xf32>
    %mul3A_1309 = arith.mulf %sub3A_1182, %sub3A_1184 : vector<8x1024xf32>
    %get3A_1310 = arith.constant 54 : index
    %get3A_1311 = arith.constant 0 : index
    %get3A_1312 = arith.constant 0 : index
    %get3A_1313 = vector.load %arg4[%get3A_1310, %get3A_1311, %get3A_1312] : memref<64x8x1024xi32, #tpu.memory_space<vmem>>, vector<1x8x1024xi32>
    %get3A_1314 = vector.shape_cast %get3A_1313 : vector<1x8x1024xi32> to vector<8x1024xi32>
    %shift_left3A_1315 = arith.constant 16 : i32
    %shift_left3A_1316 = vector.broadcast %shift_left3A_1315 : i32 to vector<8x1024xi32>
    %shift_left3A_1317 = arith.shli %get3A_1314, %shift_left3A_1316 : vector<8x1024xi32>
    %bitcast_convert_type3A_1318 = tpu.bitcast %shift_left3A_1317 : vector<8x1024xi32> -> vector<8x1024xf32>
    %and3A_1319 = arith.constant -65536 : i32
    %and3A_1320 = vector.broadcast %and3A_1319 : i32 to vector<8x1024xi32>
    %and3A_1321 = arith.andi %get3A_1314, %and3A_1320 : vector<8x1024xi32>
    %bitcast_convert_type3A_1322 = tpu.bitcast %and3A_1321 : vector<8x1024xi32> -> vector<8x1024xf32>
    %mul3A_1323 = arith.mulf %sub3A_1187, %mul3A_1309 : vector<8x1024xf32>
    %mul3A_1324 = arith.mulf %mul3A_1323, %bitcast_convert_type3A_1318 : vector<8x1024xf32>
    %add3A_1325 = arith.addf %add3A_1306, %mul3A_1324 : vector<8x1024xf32>
    %mul3A_1326 = arith.mulf %mul3A_1323, %bitcast_convert_type3A_1322 : vector<8x1024xf32>
    %add3A_1327 = arith.addf %add3A_1308, %mul3A_1326 : vector<8x1024xf32>
    %get3A_1328 = arith.constant 55 : index
    %get3A_1329 = arith.constant 0 : index
    %get3A_1330 = arith.constant 0 : index
    %get3A_1331 = vector.load %arg4[%get3A_1328, %get3A_1329, %get3A_1330] : memref<64x8x1024xi32, #tpu.memory_space<vmem>>, vector<1x8x1024xi32>
    %get3A_1332 = vector.shape_cast %get3A_1331 : vector<1x8x1024xi32> to vector<8x1024xi32>
    %shift_left3A_1333 = arith.constant 16 : i32
    %shift_left3A_1334 = vector.broadcast %shift_left3A_1333 : i32 to vector<8x1024xi32>
    %shift_left3A_1335 = arith.shli %get3A_1332, %shift_left3A_1334 : vector<8x1024xi32>
    %bitcast_convert_type3A_1336 = tpu.bitcast %shift_left3A_1335 : vector<8x1024xi32> -> vector<8x1024xf32>
    %and3A_1337 = arith.constant -65536 : i32
    %and3A_1338 = vector.broadcast %and3A_1337 : i32 to vector<8x1024xi32>
    %and3A_1339 = arith.andi %get3A_1332, %and3A_1338 : vector<8x1024xi32>
    %bitcast_convert_type3A_1340 = tpu.bitcast %and3A_1339 : vector<8x1024xi32> -> vector<8x1024xf32>
    %mul3A_1341 = arith.mulf %sub3A_1180, %mul3A_1309 : vector<8x1024xf32>
    %mul3A_1342 = arith.mulf %mul3A_1341, %bitcast_convert_type3A_1336 : vector<8x1024xf32>
    %add3A_1343 = arith.addf %add3A_1325, %mul3A_1342 : vector<8x1024xf32>
    %mul3A_1344 = arith.mulf %mul3A_1341, %bitcast_convert_type3A_1340 : vector<8x1024xf32>
    %add3A_1345 = arith.addf %add3A_1327, %mul3A_1344 : vector<8x1024xf32>
    %swap3A_1346 = arith.constant 12 : index
    %swap3A_1347 = arith.constant 0 : index
    %swap3A_1348 = arith.constant 0 : index
    %swap3A_1349 = vector.load %arg5[%swap3A_1346, %swap3A_1347, %swap3A_1348] : memref<16x8x1024xf32, #tpu.memory_space<vmem>>, vector<1x8x1024xf32>
    %swap3A_1350 = vector.shape_cast %swap3A_1349 : vector<1x8x1024xf32> to vector<8x1024xf32>
    %swap3A_1351 = vector.shape_cast %add3A_1343 : vector<8x1024xf32> to vector<1x8x1024xf32>
    tpu.vector_store %arg5[%swap3A_1346, %swap3A_1347, %swap3A_1348], %swap3A_1351 {strides = array<i32>} : memref<16x8x1024xf32, #tpu.memory_space<vmem>>, vector<1x8x1024xf32>,
    %swap3A_1352 = arith.constant 13 : index
    %swap3A_1353 = arith.constant 0 : index
    %swap3A_1354 = arith.constant 0 : index
    %swap3A_1355 = vector.load %arg5[%swap3A_1352, %swap3A_1353, %swap3A_1354] : memref<16x8x1024xf32, #tpu.memory_space<vmem>>, vector<1x8x1024xf32>
    %swap3A_1356 = vector.shape_cast %swap3A_1355 : vector<1x8x1024xf32> to vector<8x1024xf32>
    %swap3A_1357 = vector.shape_cast %add3A_1345 : vector<8x1024xf32> to vector<1x8x1024xf32>
    tpu.vector_store %arg5[%swap3A_1352, %swap3A_1353, %swap3A_1354], %swap3A_1357 {strides = array<i32>} : memref<16x8x1024xf32, #tpu.memory_space<vmem>>, vector<1x8x1024xf32>,
    %mul3A_1358 = arith.constant 1.024000e+03 : f32
    %mul3A_1359 = vector.broadcast %mul3A_1358 : f32 to vector<8x1024xf32>
    %mul3A_1360 = arith.mulf %mul3A_45, %mul3A_1359 : vector<8x1024xf32>
    %mul3A_1361 = arith.constant 1.024000e+03 : f32
    %mul3A_1362 = vector.broadcast %mul3A_1361 : f32 to vector<8x1024xf32>
    %mul3A_1363 = arith.mulf %mul3A_46, %mul3A_1362 : vector<8x1024xf32>
    %mul3A_1364 = arith.constant 1.024000e+03 : f32
    %mul3A_1365 = vector.broadcast %mul3A_1364 : f32 to vector<8x1024xf32>
    %mul3A_1366 = arith.mulf %mul3A_47, %mul3A_1365 : vector<8x1024xf32>
    %floor3A_1367 = math.floor %mul3A_1360 : vector<8x1024xf32>
    %sub3A_1368 = arith.subf %mul3A_1360, %floor3A_1367 : vector<8x1024xf32>
    %floor3A_1369 = math.floor %mul3A_1363 : vector<8x1024xf32>
    %sub3A_1370 = arith.subf %mul3A_1363, %floor3A_1369 : vector<8x1024xf32>
    %floor3A_1371 = math.floor %mul3A_1366 : vector<8x1024xf32>
    %sub3A_1372 = arith.subf %mul3A_1366, %floor3A_1371 : vector<8x1024xf32>
    %sub3A_1373 = arith.constant 1.000000e+00 : f32
    %sub3A_1374 = vector.broadcast %sub3A_1373 : f32 to vector<8x1024xf32>
    %sub3A_1375 = arith.subf %sub3A_1374, %sub3A_1368 : vector<8x1024xf32>
    %sub3A_1376 = arith.constant 1.000000e+00 : f32
    %sub3A_1377 = vector.broadcast %sub3A_1376 : f32 to vector<8x1024xf32>
    %sub3A_1378 = arith.subf %sub3A_1377, %sub3A_1370 : vector<8x1024xf32>
    %sub3A_1379 = arith.constant 1.000000e+00 : f32
    %sub3A_1380 = vector.broadcast %sub3A_1379 : f32 to vector<8x1024xf32>
    %sub3A_1381 = arith.subf %sub3A_1380, %sub3A_1372 : vector<8x1024xf32>
    %broadcast_in_dim3A_1382 = arith.constant 0.000000e+00 : f32
    %broadcast_in_dim3A_1383 = vector.broadcast %broadcast_in_dim3A_1382 : f32 to vector<8x1024xf32>
    %broadcast_in_dim3A_1384 = arith.constant 0.000000e+00 : f32
    %broadcast_in_dim3A_1385 = vector.broadcast %broadcast_in_dim3A_1384 : f32 to vector<8x1024xf32>
    %mul3A_1386 = arith.mulf %sub3A_1378, %sub3A_1381 : vector<8x1024xf32>
    %get3A_1387 = arith.constant 56 : index
    %get3A_1388 = arith.constant 0 : index
    %get3A_1389 = arith.constant 0 : index
    %get3A_1390 = vector.load %arg4[%get3A_1387, %get3A_1388, %get3A_1389] : memref<64x8x1024xi32, #tpu.memory_space<vmem>>, vector<1x8x1024xi32>
    %get3A_1391 = vector.shape_cast %get3A_1390 : vector<1x8x1024xi32> to vector<8x1024xi32>
    %shift_left3A_1392 = arith.constant 16 : i32
    %shift_left3A_1393 = vector.broadcast %shift_left3A_1392 : i32 to vector<8x1024xi32>
    %shift_left3A_1394 = arith.shli %get3A_1391, %shift_left3A_1393 : vector<8x1024xi32>
    %bitcast_convert_type3A_1395 = tpu.bitcast %shift_left3A_1394 : vector<8x1024xi32> -> vector<8x1024xf32>
    %and3A_1396 = arith.constant -65536 : i32
    %and3A_1397 = vector.broadcast %and3A_1396 : i32 to vector<8x1024xi32>
    %and3A_1398 = arith.andi %get3A_1391, %and3A_1397 : vector<8x1024xi32>
    %bitcast_convert_type3A_1399 = tpu.bitcast %and3A_1398 : vector<8x1024xi32> -> vector<8x1024xf32>
    %mul3A_1400 = arith.mulf %sub3A_1375, %mul3A_1386 : vector<8x1024xf32>
    %mul3A_1401 = arith.mulf %mul3A_1400, %bitcast_convert_type3A_1395 : vector<8x1024xf32>
    %add3A_1402 = arith.addf %broadcast_in_dim3A_1383, %mul3A_1401 : vector<8x1024xf32>
    %mul3A_1403 = arith.mulf %mul3A_1400, %bitcast_convert_type3A_1399 : vector<8x1024xf32>
    %add3A_1404 = arith.addf %broadcast_in_dim3A_1385, %mul3A_1403 : vector<8x1024xf32>
    %get3A_1405 = arith.constant 57 : index
    %get3A_1406 = arith.constant 0 : index
    %get3A_1407 = arith.constant 0 : index
    %get3A_1408 = vector.load %arg4[%get3A_1405, %get3A_1406, %get3A_1407] : memref<64x8x1024xi32, #tpu.memory_space<vmem>>, vector<1x8x1024xi32>
    %get3A_1409 = vector.shape_cast %get3A_1408 : vector<1x8x1024xi32> to vector<8x1024xi32>
    %shift_left3A_1410 = arith.constant 16 : i32
    %shift_left3A_1411 = vector.broadcast %shift_left3A_1410 : i32 to vector<8x1024xi32>
    %shift_left3A_1412 = arith.shli %get3A_1409, %shift_left3A_1411 : vector<8x1024xi32>
    %bitcast_convert_type3A_1413 = tpu.bitcast %shift_left3A_1412 : vector<8x1024xi32> -> vector<8x1024xf32>
    %and3A_1414 = arith.constant -65536 : i32
    %and3A_1415 = vector.broadcast %and3A_1414 : i32 to vector<8x1024xi32>
    %and3A_1416 = arith.andi %get3A_1409, %and3A_1415 : vector<8x1024xi32>
    %bitcast_convert_type3A_1417 = tpu.bitcast %and3A_1416 : vector<8x1024xi32> -> vector<8x1024xf32>
    %mul3A_1418 = arith.mulf %sub3A_1368, %mul3A_1386 : vector<8x1024xf32>
    %mul3A_1419 = arith.mulf %mul3A_1418, %bitcast_convert_type3A_1413 : vector<8x1024xf32>
    %add3A_1420 = arith.addf %add3A_1402, %mul3A_1419 : vector<8x1024xf32>
    %mul3A_1421 = arith.mulf %mul3A_1418, %bitcast_convert_type3A_1417 : vector<8x1024xf32>
    %add3A_1422 = arith.addf %add3A_1404, %mul3A_1421 : vector<8x1024xf32>
    %mul3A_1423 = arith.mulf %sub3A_1370, %sub3A_1381 : vector<8x1024xf32>
    %get3A_1424 = arith.constant 58 : index
    %get3A_1425 = arith.constant 0 : index
    %get3A_1426 = arith.constant 0 : index
    %get3A_1427 = vector.load %arg4[%get3A_1424, %get3A_1425, %get3A_1426] : memref<64x8x1024xi32, #tpu.memory_space<vmem>>, vector<1x8x1024xi32>
    %get3A_1428 = vector.shape_cast %get3A_1427 : vector<1x8x1024xi32> to vector<8x1024xi32>
    %shift_left3A_1429 = arith.constant 16 : i32
    %shift_left3A_1430 = vector.broadcast %shift_left3A_1429 : i32 to vector<8x1024xi32>
    %shift_left3A_1431 = arith.shli %get3A_1428, %shift_left3A_1430 : vector<8x1024xi32>
    %bitcast_convert_type3A_1432 = tpu.bitcast %shift_left3A_1431 : vector<8x1024xi32> -> vector<8x1024xf32>
    %and3A_1433 = arith.constant -65536 : i32
    %and3A_1434 = vector.broadcast %and3A_1433 : i32 to vector<8x1024xi32>
    %and3A_1435 = arith.andi %get3A_1428, %and3A_1434 : vector<8x1024xi32>
    %bitcast_convert_type3A_1436 = tpu.bitcast %and3A_1435 : vector<8x1024xi32> -> vector<8x1024xf32>
    %mul3A_1437 = arith.mulf %sub3A_1375, %mul3A_1423 : vector<8x1024xf32>
    %mul3A_1438 = arith.mulf %mul3A_1437, %bitcast_convert_type3A_1432 : vector<8x1024xf32>
    %add3A_1439 = arith.addf %add3A_1420, %mul3A_1438 : vector<8x1024xf32>
    %mul3A_1440 = arith.mulf %mul3A_1437, %bitcast_convert_type3A_1436 : vector<8x1024xf32>
    %add3A_1441 = arith.addf %add3A_1422, %mul3A_1440 : vector<8x1024xf32>
    %get3A_1442 = arith.constant 59 : index
    %get3A_1443 = arith.constant 0 : index
    %get3A_1444 = arith.constant 0 : index
    %get3A_1445 = vector.load %arg4[%get3A_1442, %get3A_1443, %get3A_1444] : memref<64x8x1024xi32, #tpu.memory_space<vmem>>, vector<1x8x1024xi32>
    %get3A_1446 = vector.shape_cast %get3A_1445 : vector<1x8x1024xi32> to vector<8x1024xi32>
    %shift_left3A_1447 = arith.constant 16 : i32
    %shift_left3A_1448 = vector.broadcast %shift_left3A_1447 : i32 to vector<8x1024xi32>
    %shift_left3A_1449 = arith.shli %get3A_1446, %shift_left3A_1448 : vector<8x1024xi32>
    %bitcast_convert_type3A_1450 = tpu.bitcast %shift_left3A_1449 : vector<8x1024xi32> -> vector<8x1024xf32>
    %and3A_1451 = arith.constant -65536 : i32
    %and3A_1452 = vector.broadcast %and3A_1451 : i32 to vector<8x1024xi32>
    %and3A_1453 = arith.andi %get3A_1446, %and3A_1452 : vector<8x1024xi32>
    %bitcast_convert_type3A_1454 = tpu.bitcast %and3A_1453 : vector<8x1024xi32> -> vector<8x1024xf32>
    %mul3A_1455 = arith.mulf %sub3A_1368, %mul3A_1423 : vector<8x1024xf32>
    %mul3A_1456 = arith.mulf %mul3A_1455, %bitcast_convert_type3A_1450 : vector<8x1024xf32>
    %add3A_1457 = arith.addf %add3A_1439, %mul3A_1456 : vector<8x1024xf32>
    %mul3A_1458 = arith.mulf %mul3A_1455, %bitcast_convert_type3A_1454 : vector<8x1024xf32>
    %add3A_1459 = arith.addf %add3A_1441, %mul3A_1458 : vector<8x1024xf32>
    %mul3A_1460 = arith.mulf %sub3A_1378, %sub3A_1372 : vector<8x1024xf32>
    %get3A_1461 = arith.constant 60 : index
    %get3A_1462 = arith.constant 0 : index
    %get3A_1463 = arith.constant 0 : index
    %get3A_1464 = vector.load %arg4[%get3A_1461, %get3A_1462, %get3A_1463] : memref<64x8x1024xi32, #tpu.memory_space<vmem>>, vector<1x8x1024xi32>
    %get3A_1465 = vector.shape_cast %get3A_1464 : vector<1x8x1024xi32> to vector<8x1024xi32>
    %shift_left3A_1466 = arith.constant 16 : i32
    %shift_left3A_1467 = vector.broadcast %shift_left3A_1466 : i32 to vector<8x1024xi32>
    %shift_left3A_1468 = arith.shli %get3A_1465, %shift_left3A_1467 : vector<8x1024xi32>
    %bitcast_convert_type3A_1469 = tpu.bitcast %shift_left3A_1468 : vector<8x1024xi32> -> vector<8x1024xf32>
    %and3A_1470 = arith.constant -65536 : i32
    %and3A_1471 = vector.broadcast %and3A_1470 : i32 to vector<8x1024xi32>
    %and3A_1472 = arith.andi %get3A_1465, %and3A_1471 : vector<8x1024xi32>
    %bitcast_convert_type3A_1473 = tpu.bitcast %and3A_1472 : vector<8x1024xi32> -> vector<8x1024xf32>
    %mul3A_1474 = arith.mulf %sub3A_1375, %mul3A_1460 : vector<8x1024xf32>
    %mul3A_1475 = arith.mulf %mul3A_1474, %bitcast_convert_type3A_1469 : vector<8x1024xf32>
    %add3A_1476 = arith.addf %add3A_1457, %mul3A_1475 : vector<8x1024xf32>
    %mul3A_1477 = arith.mulf %mul3A_1474, %bitcast_convert_type3A_1473 : vector<8x1024xf32>
    %add3A_1478 = arith.addf %add3A_1459, %mul3A_1477 : vector<8x1024xf32>
    %get3A_1479 = arith.constant 61 : index
    %get3A_1480 = arith.constant 0 : index
    %get3A_1481 = arith.constant 0 : index
    %get3A_1482 = vector.load %arg4[%get3A_1479, %get3A_1480, %get3A_1481] : memref<64x8x1024xi32, #tpu.memory_space<vmem>>, vector<1x8x1024xi32>
    %get3A_1483 = vector.shape_cast %get3A_1482 : vector<1x8x1024xi32> to vector<8x1024xi32>
    %shift_left3A_1484 = arith.constant 16 : i32
    %shift_left3A_1485 = vector.broadcast %shift_left3A_1484 : i32 to vector<8x1024xi32>
    %shift_left3A_1486 = arith.shli %get3A_1483, %shift_left3A_1485 : vector<8x1024xi32>
    %bitcast_convert_type3A_1487 = tpu.bitcast %shift_left3A_1486 : vector<8x1024xi32> -> vector<8x1024xf32>
    %and3A_1488 = arith.constant -65536 : i32
    %and3A_1489 = vector.broadcast %and3A_1488 : i32 to vector<8x1024xi32>
    %and3A_1490 = arith.andi %get3A_1483, %and3A_1489 : vector<8x1024xi32>
    %bitcast_convert_type3A_1491 = tpu.bitcast %and3A_1490 : vector<8x1024xi32> -> vector<8x1024xf32>
    %mul3A_1492 = arith.mulf %sub3A_1368, %mul3A_1460 : vector<8x1024xf32>
    %mul3A_1493 = arith.mulf %mul3A_1492, %bitcast_convert_type3A_1487 : vector<8x1024xf32>
    %add3A_1494 = arith.addf %add3A_1476, %mul3A_1493 : vector<8x1024xf32>
    %mul3A_1495 = arith.mulf %mul3A_1492, %bitcast_convert_type3A_1491 : vector<8x1024xf32>
    %add3A_1496 = arith.addf %add3A_1478, %mul3A_1495 : vector<8x1024xf32>
    %mul3A_1497 = arith.mulf %sub3A_1370, %sub3A_1372 : vector<8x1024xf32>
    %get3A_1498 = arith.constant 62 : index
    %get3A_1499 = arith.constant 0 : index
    %get3A_1500 = arith.constant 0 : index
    %get3A_1501 = vector.load %arg4[%get3A_1498, %get3A_1499, %get3A_1500] : memref<64x8x1024xi32, #tpu.memory_space<vmem>>, vector<1x8x1024xi32>
    %get3A_1502 = vector.shape_cast %get3A_1501 : vector<1x8x1024xi32> to vector<8x1024xi32>
    %shift_left3A_1503 = arith.constant 16 : i32
    %shift_left3A_1504 = vector.broadcast %shift_left3A_1503 : i32 to vector<8x1024xi32>
    %shift_left3A_1505 = arith.shli %get3A_1502, %shift_left3A_1504 : vector<8x1024xi32>
    %bitcast_convert_type3A_1506 = tpu.bitcast %shift_left3A_1505 : vector<8x1024xi32> -> vector<8x1024xf32>
    %and3A_1507 = arith.constant -65536 : i32
    %and3A_1508 = vector.broadcast %and3A_1507 : i32 to vector<8x1024xi32>
    %and3A_1509 = arith.andi %get3A_1502, %and3A_1508 : vector<8x1024xi32>
    %bitcast_convert_type3A_1510 = tpu.bitcast %and3A_1509 : vector<8x1024xi32> -> vector<8x1024xf32>
    %mul3A_1511 = arith.mulf %sub3A_1375, %mul3A_1497 : vector<8x1024xf32>
    %mul3A_1512 = arith.mulf %mul3A_1511, %bitcast_convert_type3A_1506 : vector<8x1024xf32>
    %add3A_1513 = arith.addf %add3A_1494, %mul3A_1512 : vector<8x1024xf32>
    %mul3A_1514 = arith.mulf %mul3A_1511, %bitcast_convert_type3A_1510 : vector<8x1024xf32>
    %add3A_1515 = arith.addf %add3A_1496, %mul3A_1514 : vector<8x1024xf32>
    %get3A_1516 = arith.constant 63 : index
    %get3A_1517 = arith.constant 0 : index
    %get3A_1518 = arith.constant 0 : index
    %get3A_1519 = vector.load %arg4[%get3A_1516, %get3A_1517, %get3A_1518] : memref<64x8x1024xi32, #tpu.memory_space<vmem>>, vector<1x8x1024xi32>
    %get3A_1520 = vector.shape_cast %get3A_1519 : vector<1x8x1024xi32> to vector<8x1024xi32>
    %shift_left3A_1521 = arith.constant 16 : i32
    %shift_left3A_1522 = vector.broadcast %shift_left3A_1521 : i32 to vector<8x1024xi32>
    %shift_left3A_1523 = arith.shli %get3A_1520, %shift_left3A_1522 : vector<8x1024xi32>
    %bitcast_convert_type3A_1524 = tpu.bitcast %shift_left3A_1523 : vector<8x1024xi32> -> vector<8x1024xf32>
    %and3A_1525 = arith.constant -65536 : i32
    %and3A_1526 = vector.broadcast %and3A_1525 : i32 to vector<8x1024xi32>
    %and3A_1527 = arith.andi %get3A_1520, %and3A_1526 : vector<8x1024xi32>
    %bitcast_convert_type3A_1528 = tpu.bitcast %and3A_1527 : vector<8x1024xi32> -> vector<8x1024xf32>
    %mul3A_1529 = arith.mulf %sub3A_1368, %mul3A_1497 : vector<8x1024xf32>
    %mul3A_1530 = arith.mulf %mul3A_1529, %bitcast_convert_type3A_1524 : vector<8x1024xf32>
    %add3A_1531 = arith.addf %add3A_1513, %mul3A_1530 : vector<8x1024xf32>
    %mul3A_1532 = arith.mulf %mul3A_1529, %bitcast_convert_type3A_1528 : vector<8x1024xf32>
    %add3A_1533 = arith.addf %add3A_1515, %mul3A_1532 : vector<8x1024xf32>
    %swap3A_1534 = arith.constant 14 : index
    %swap3A_1535 = arith.constant 0 : index
    %swap3A_1536 = arith.constant 0 : index
    %swap3A_1537 = vector.load %arg5[%swap3A_1534, %swap3A_1535, %swap3A_1536] : memref<16x8x1024xf32, #tpu.memory_space<vmem>>, vector<1x8x1024xf32>
    %swap3A_1538 = vector.shape_cast %swap3A_1537 : vector<1x8x1024xf32> to vector<8x1024xf32>
    %swap3A_1539 = vector.shape_cast %add3A_1531 : vector<8x1024xf32> to vector<1x8x1024xf32>
    tpu.vector_store %arg5[%swap3A_1534, %swap3A_1535, %swap3A_1536], %swap3A_1539 {strides = array<i32>} : memref<16x8x1024xf32, #tpu.memory_space<vmem>>, vector<1x8x1024xf32>,
    %swap3A_1540 = arith.constant 15 : index
    %swap3A_1541 = arith.constant 0 : index
    %swap3A_1542 = arith.constant 0 : index
    %swap3A_1543 = vector.load %arg5[%swap3A_1540, %swap3A_1541, %swap3A_1542] : memref<16x8x1024xf32, #tpu.memory_space<vmem>>, vector<1x8x1024xf32>
    %swap3A_1544 = vector.shape_cast %swap3A_1543 : vector<1x8x1024xf32> to vector<8x1024xf32>
    %swap3A_1545 = vector.shape_cast %add3A_1533 : vector<8x1024xf32> to vector<1x8x1024xf32>
    tpu.vector_store %arg5[%swap3A_1540, %swap3A_1541, %swap3A_1542], %swap3A_1545 {strides = array<i32>} : memref<16x8x1024xf32, #tpu.memory_space<vmem>>, vector<1x8x1024xf32>,
    return
  }
  func.func @transform_0(%arg0: i32) -> (i32, i32) {
    %c0_i32 = arith.constant 0 : i32
    %c0_i32_0 = arith.constant 0 : i32
    return %arg0, %c0_i32 : i32, i32
  }
  func.func @transform_1(%arg0: i32) -> (i32, i32) {
    %c0_i32 = arith.constant 0 : i32
    %c0_i32_0 = arith.constant 0 : i32
    return %arg0, %c0_i32 : i32, i32
  }
  func.func @transform_2(%arg0: i32) -> (i32, i32) {
    %c0_i32 = arith.constant 0 : i32
    %c0_i32_0 = arith.constant 0 : i32
    return %arg0, %c0_i32 : i32, i32
  }
  func.func @transform_3(%arg0: i32) -> (i32, i32, i32) {
    %c0_i32 = arith.constant 0 : i32
    %c0_i32_0 = arith.constant 0 : i32
    %c0_i32_1 = arith.constant 0 : i32
    return %c0_i32, %arg0, %c0_i32_0 : i32, i32, i32
  }
  func.func @transform_4(%arg0: i32) -> (i32, i32, i32) {
    %c0_i32 = arith.constant 0 : i32
    %c0_i32_0 = arith.constant 0 : i32
    %c0_i32_1 = arith.constant 0 : i32
    return %c0_i32, %arg0, %c0_i32_0 : i32, i32, i32
  }
}

module attributes {stable_mosaic.version = 14 : i64} {
  func.func @_mlp_body(%arg0: i32, %arg1: memref<16x8192xf32, #tpu.memory_space<vmem>>, %arg2: memref<1x1x8192xf32, #tpu.memory_space<vmem>>, %arg3: memref<64x16xbf16, #tpu.memory_space<vmem>>, %arg4: memref<1x64xbf16, #tpu.memory_space<vmem>>, %arg5: memref<1x1x8192xf32, #tpu.memory_space<vmem>>) attributes {dimension_semantics = [#tpu.dimension_semantics<arbitrary>], iteration_bounds = array<i64: 32>, scalar_prefetch = 0 : i64, scratch_operands = 0 : i64, tpu.core_type = #tpu.core_type<tc>, window_params = [{transform_indices = @transform_0, window_bounds = array<i64: 16, 8192>}, {transform_indices = @transform_1, window_bounds = array<i64: 1, 1, 8192>}, {pipeline_mode = #tpu.pipeline_mode<synchronous>, transform_indices = @transform_2, window_bounds = array<i64: 64, 16>}, {pipeline_mode = #tpu.pipeline_mode<synchronous>, transform_indices = @transform_3, window_bounds = array<i64: 1, 64>}, {transform_indices = @transform_4, window_bounds = array<i64: 1, 1, 8192>}]} {
    %get3A = arith.constant 0 : index
    %get3A_0 = arith.constant 0 : index
    %get3A_1 = vector.load %arg1[%get3A, %get3A_0] : memref<16x8192xf32, #tpu.memory_space<vmem>>, vector<16x8192xf32>
    %convert_element_type3A = arith.truncf %get3A_1 : vector<16x8192xf32> to vector<16x8192xbf16>
    %get3A_2 = arith.constant 0 : index
    %get3A_3 = arith.constant 0 : index
    %get3A_4 = vector.load %arg3[%get3A_2, %get3A_3] : memref<64x16xbf16, #tpu.memory_space<vmem>>, vector<64x16xbf16>
    %dot_general3A = arith.constant dense<0.000000e+00> : vector<64x8192xf32>
    %dot_general3A_5 = tpu.matmul %get3A_4, %convert_element_type3A, %dot_general3A {dimension_numbers = #tpu.dot_dimension_numbers<[1], [0], [0], [1], [0, 0, 1, 1], [], []>, transpose_lhs_hint = false} : vector<64x16xbf16>, vector<16x8192xbf16>, vector<64x8192xf32> -> vector<64x8192xf32>
    %max3A = arith.constant 0.000000e+00 : f32
    %max3A_6 = vector.broadcast %max3A : f32 to vector<64x8192xf32>
    %max3A_7 = arith.maximumf %dot_general3A_5, %max3A_6 : vector<64x8192xf32>
    %convert_element_type3A_8 = arith.truncf %max3A_7 : vector<64x8192xf32> to vector<64x8192xbf16>
    %get3A_9 = arith.constant 0 : index
    %get3A_10 = arith.constant 0 : index
    %get3A_11 = vector.load %arg4[%get3A_9, %get3A_10] : memref<1x64xbf16, #tpu.memory_space<vmem>>, vector<1x64xbf16>
    %dot_general3A_12 = arith.constant dense<0.000000e+00> : vector<1x8192xf32>
    %dot_general3A_13 = tpu.matmul %get3A_11, %convert_element_type3A_8, %dot_general3A_12 {dimension_numbers = #tpu.dot_dimension_numbers<[1], [0], [0], [1], [0, 0, 1, 1], [], []>, transpose_lhs_hint = false} : vector<1x64xbf16>, vector<64x8192xbf16>, vector<1x8192xf32> -> vector<1x8192xf32>
    %exp3A = math.exp %dot_general3A_13 : vector<1x8192xf32>
    %get3A_14 = arith.constant 0 : index
    %get3A_15 = arith.constant 0 : index
    %get3A_16 = arith.constant 0 : index
    %get3A_17 = vector.load %arg2[%get3A_14, %get3A_15, %get3A_16] : memref<1x1x8192xf32, #tpu.memory_space<vmem>>, vector<1x1x8192xf32>
    %get3A_18 = vector.shape_cast %get3A_17 : vector<1x1x8192xf32> to vector<1x8192xf32>
    %mul3A = arith.mulf %exp3A, %get3A_18 : vector<1x8192xf32>
    %broadcast_in_dim3A = vector.shape_cast %mul3A : vector<1x8192xf32> to vector<1x1x8192xf32>
    %swap3A = arith.constant 0 : index
    %swap3A_19 = arith.constant 0 : index
    %swap3A_20 = arith.constant 0 : index
    %swap3A_21 = vector.load %arg5[%swap3A, %swap3A_19, %swap3A_20] : memref<1x1x8192xf32, #tpu.memory_space<vmem>>, vector<1x1x8192xf32>
    tpu.vector_store %arg5[%swap3A, %swap3A_19, %swap3A_20], %broadcast_in_dim3A {strides = array<i32>} : memref<1x1x8192xf32, #tpu.memory_space<vmem>>, vector<1x1x8192xf32>,
    return
  }
  func.func @transform_0(%arg0: i32) -> (i32, i32) {
    %c0_i32 = arith.constant 0 : i32
    %c0_i32_0 = arith.constant 0 : i32
    return %c0_i32, %arg0 : i32, i32
  }
  func.func @transform_1(%arg0: i32) -> (i32, i32, i32) {
    %c0_i32 = arith.constant 0 : i32
    %c0_i32_0 = arith.constant 0 : i32
    %c0_i32_1 = arith.constant 0 : i32
    return %arg0, %c0_i32, %c0_i32_0 : i32, i32, i32
  }
  func.func @transform_2(%arg0: i32) -> (i32, i32) {
    %c0_i32 = arith.constant 0 : i32
    %c0_i32_0 = arith.constant 0 : i32
    %c0_i32_1 = arith.constant 0 : i32
    return %c0_i32, %c0_i32_0 : i32, i32
  }
  func.func @transform_3(%arg0: i32) -> (i32, i32) {
    %c0_i32 = arith.constant 0 : i32
    %c0_i32_0 = arith.constant 0 : i32
    %c0_i32_1 = arith.constant 0 : i32
    return %c0_i32, %c0_i32_0 : i32, i32
  }
  func.func @transform_4(%arg0: i32) -> (i32, i32, i32) {
    %c0_i32 = arith.constant 0 : i32
    %c0_i32_0 = arith.constant 0 : i32
    %c0_i32_1 = arith.constant 0 : i32
    return %arg0, %c0_i32, %c0_i32_0 : i32, i32, i32
  }
}

</mosaic_0001>

<sc_bundles>
// kernel: kernel.18.cloned.1.call-start
scs
__scs_entry_jumppad:
0x0: {  	(pc) =	sbr.rel $0x88, $3  }
0x1: {  	(tag) =	ssettag $0x0;
	lr =	simm.s32 $0x1  }
0x2: {  	[smem:$0x3F9D] =	sst lr;
	_ =	strace $0xD0000000  }
0x3: {  	_ = 	snop  }
0x4: {  	_ = 	snop  }
0x5: {  	_ = 	snop  }
0x6: {  	_ = 	snop  }
0x7: {  	_ = 	snop  }
__scs_overlays_trampoline_lowered:
0x8: {  	[smem:$0x3FAC] =	sst s0  }
0x9: {  	[smem:$0x3FAD] =	sst s1  }
0xa: {  	[smem:$0x3FAE] =	sst s2  }
0xb: {  	[smem:$0x3FAF] =	sst s3  }
0xc: {  	[smem:$0x3FB0] =	sst s4  }
0xd: {  	[smem:$0x3FB1] =	sst s5  }
0xe: {  	[smem:$0x3FB2] =	sst s6  }
0xf: {  	[smem:$0x3FB3] =	sst s7  }
0x10: {  	[smem:$0x3FB4] =	sst s8  }
0x11: {  	[smem:$0x3FB5] =	sst s9;
	s0 =	simm.s32 @!p0 $0x0  }
0x12: {  	s1 =	sld [smem:$0x3F9B];
	s0 =	simm.s32 @p0 $0x1  }
0x13: {  	[smem:$0x3FB6] =	sst s0;
	s0 =	simm.s32 @!p1 $0x0  }
0x14: {  	s2 =	sld [smem:$0x3F9A];
	s0 =	simm.s32 @p1 $0x1  }
0x15: {  	[smem:$0x3FB7] =	sst s0;
	s0 =	simm.s32 @!p2 $0x0  }
0x16: {  	s3 =	sld [smem:$0x3FDB];
	s0 =	simm.s32 @p2 $0x1  }
0x17: {  	s4 =	simm.s32 $0x1BF5;
	[smem:$0x3FB9] =	sst s0  }
0x18: {  	s0 =	sld [smem:$0x3F9C];
	_ =	swait.ge [sflag:s4], $0x0  }
0x19: {  	s7 =	sld [smem:$0x3F9D]  }
0x1a: {  	s8 =	sadd.s32 $0xFFFFE003, lr  }
0x1b: {  	s9 =	sadd.s32 $0xFFFFFEF7, lr;
	s5 =	simm.s32 $0xFFFFFFFF;
	p2 =	slt.u32 s8, $0xFFFFF086  }
0x1c: {  	p1 =	slt.u32 s9, $0xF7A;
	s5 =	simm.s32 @!p2 $0x0  }
0x1d: {  	s5 =	simm.s32 @p1 $0x1;
	p0 =	seq.s32 s7, s2  }
0x1e: {  	s7 =	smul.u32 @!p0 $0xF7A, s2;
	p2 =	seq.s32 @!p0 s5, $0x0  }
0x1f: {  	s9 =	smul.u32 $0xF7A, s1;
	s8 =	simm.s32 @!p0 $0x1BF5;
	p2 =	por !p2, p0  }
0x20: {  	[sflag:s8] =	ssyncset.s32 @!p0 $0xFFFFF086;
	s6 =	sadd.s32 @!p0 s3, s7;
	s7 =	simm.s32 @!p0 $0x108  }
0x21: {  	s3 =	sadd.s32 s3, s9;
	s6 =	sadd.s32 @!p0 $0x88, s6;
	s7 =	simm.s32 @p2 $0x1082  }
0x22: {  	[simem:s7], [sflag:s8] =	dma.local @!p0 [hbm:s6], $0xF7A  }
0x23: {  	s9 =	sor.u32 $0xD0000000, s2;
	s6 =	simm.s32 $0x108;
	_ =	swait.ge @!p0 [sflag:s8], $0x0  }
0x24: {  	s3 =	sadd.s32 $0x88, s3;
	s6 =	simm.s32 @!p1 $0x1082;
	[sflag:s4] =	ssyncset.s32 $0xFFFFF086  }
0x25: {  	[simem:s6], [sflag:s4] =	dma.local [hbm:s3], $0xF7A  }
0x26: {  	[smem:$0x3F9D] =	sst s1;
	(tag) =	ssettag s2;
	_ =	strace s9  }
0x27: {  	s1 =	sld [smem:$0x3FAD]  }
0x28: {  	s2 =	sld [smem:$0x3FAE]  }
0x29: {  	s4 =	sld [smem:$0x3FB0]  }
0x2a: {  	p0 =	seq.s32 s5, $0x0;
	s5 =	sld [smem:$0x3FB1]  }
0x2b: {  	s6 =	sld [smem:$0x3FB2]  }
0x2c: {  	s7 =	sld [smem:$0x3FB3]  }
0x2d: {  	s3 =	simm.s32 $0x108;
	s8 =	sld [smem:$0x3FB4]  }
0x2e: {  	s3 =	simm.s32 @!p0 $0x1082;
	s9 =	sld [smem:$0x3FB5]  }
0x2f: {  	lr =	sadd.s32 s0, s3;
	s0 =	sld [smem:$0x3FAC]  }
0x30: {  	s3 =	sld [smem:$0x3FAF]  }
0x31: {  	[smem:$0x3FB8] =	sst s10  }
0x32: {  	s10 =	sld [smem:$0x3FB6];
	_ =	sdelay $0x3  }
0x33: {  	p0 =	seq.s32 s10, $0x1;
	s10 =	sld [smem:$0x3FB8];
	_ =	sdelay $0x3  }
0x34: {  	[smem:$0x3FB8] =	sst s10  }
0x35: {  	s10 =	sld [smem:$0x3FB7];
	_ =	sdelay $0x3  }
0x36: {  	p1 =	seq.s32 s10, $0x1;
	s10 =	sld [smem:$0x3FB8];
	_ =	sdelay $0x3  }
0x37: {  	[smem:$0x3FB8] =	sst s10  }
0x38: {  	s10 =	sld [smem:$0x3FB9]  }
0x39: {  	_ = 	snop;
	(pc) =	sbr.ind lr, $3  }
0x3a: {  	_ = 	snop  }
0x3b: {  	_ = 	snop  }
0x3c: {  	p2 =	seq.s32 s10, $0x1;
	s10 =	sld [smem:$0x3FB8]  }
0x3d: {  	_ =	shalt  }
0x3e: {  	_ =	shalt  }
0x3f: {  	_ =	shalt  }
0x40: {  	_ =	shalt  }
0x41: {  	_ =	shalt  }
0x42: {  	_ =	shalt  }
0x43: {  	_ =	shalt  }
0x44: {  	_ =	shalt  }
0x45: {  	_ =	shalt  }
0x46: {  	_ =	shalt  }
0x47: {  	_ =	shalt  }
0x48: {  	_ =	shalt  }
0x49: {  	_ =	shalt  }
0x4a: {  	_ =	shalt  }
0x4b: {  	_ =	shalt  }
0x4c: {  	_ =	shalt  }
0x4d: {  	_ =	shalt  }
0x4e: {  	_ =	shalt  }
0x4f: {  	_ =	shalt  }
0x50: {  	_ =	shalt  }
0x51: {  	_ =	shalt  }
0x52: {  	_ =	shalt  }
0x53: {  	_ =	shalt  }
0x54: {  	_ =	shalt  }
0x55: {  	_ =	shalt  }
0x56: {  	_ =	shalt  }
0x57: {  	_ =	shalt  }
0x58: {  	_ =	shalt  }
0x59: {  	_ =	shalt  }
0x5a: {  	_ =	shalt  }
0x5b: {  	_ =	shalt  }
0x5c: {  	_ =	shalt  }
0x5d: {  	_ =	shalt  }
0x5e: {  	_ =	shalt  }
0x5f: {  	_ =	shalt  }
0x60: {  	_ =	shalt  }
0x61: {  	_ =	shalt  }
0x62: {  	_ =	shalt  }
0x63: {  	_ =	shalt  }
0x64: {  	_ =	shalt  }
0x65: {  	_ =	shalt  }
0x66: {  	_ =	shalt  }
0x67: {  	_ =	shalt  }
0x68: {  	_ =	shalt  }
0x69: {  	_ =	shalt  }
0x6a: {  	_ =	shalt  }
0x6b: {  	_ =	shalt  }
0x6c: {  	_ =	shalt  }
0x6d: {  	_ =	shalt  }
0x6e: {  	_ =	shalt  }
0x6f: {  	_ =	shalt  }
0x70: {  	_ =	shalt  }
0x71: {  	_ =	shalt  }
0x72: {  	_ =	shalt  }
0x73: {  	_ =	shalt  }
0x74: {  	_ =	shalt  }
0x75: {  	_ =	shalt  }
0x76: {  	_ =	shalt  }
0x77: {  	_ =	shalt  }
0x78: {  	_ =	shalt  }
0x79: {  	_ =	shalt  }
0x7a: {  	_ =	shalt  }
0x7b: {  	_ =	shalt  }
0x7c: {  	_ =	shalt  }
0x7d: {  	_ =	shalt  }
0x7e: {  	_ =	shalt  }
0x7f: {  	_ =	shalt  }
0x80: {  	_ =	shalt  }
0x81: {  	_ =	shalt  }
0x82: {  	_ =	shalt  }
0x83: {  	_ =	shalt  }
0x84: {  	_ =	shalt  }
0x85: {  	_ =	shalt  }
0x86: {  	_ =	shalt  }
0x87: {  	_ =	shalt  }
.Lfunc_end0:
.L_simem_size_0:
called_computation.4_lowered:
.L_overlay_start_0:
0x88: {  	s2 =	sld [smem:$0x3FD9]  }
0x89: {  	s3 =	sld [smem:$0x3FFE];
	_ =	sdelay $0x1  }
0x8a: {  	s1 =	srdreg.scid  }
0x8b: {  	s0 =	sand.u32 $0x1, s1  }
0x8c: {  	s17 =	sshll.u32 s0, $0xA;
	s2 =	sadd.s32 s3, s2  }
0x8d: {  	s2 =	sadd.s32 s2, s17  }
0x8e: {  	[smem:$0x3FC4] =	sst s2  }
0x8f: {  	_ = 	snop  }
0x90: {  	(tm) =	ssettm $0x1  }
0x91: {  	s18 =	sld [smem:$0x3FFB];
	_ =	sdelay $0x3  }
0x92: {  	_ =	strace s18  }
0x93: {  	s2 =	sld [smem:$0x3FFC];
	_ =	sdelay $0x3  }
0x94: {  	_ =	strace s2  }
0x95: {  	s2 =	sld [smem:$0x3FFD];
	_ =	sdelay $0x3  }
0x96: {  	_ =	strace s2  }
0x97: {  	_ =	strace $0x8FFFFFFF  }
0x98: {  	s19 =	sld [smem:$0x3FDB];
	_ =	sdelay $0x1  }
0x99: {  	s20 =	simm.s32 $_scs_section_size  }
0x9a: {  	s4 =	simm.s32 $_size__tile_overlayer_lowered;
	s5 =	simm.s32 $_tile_overlayer_lowered  }
0x9b: {  	s6 =	simm.s32 $0x1BFF;
	s21 =	sshll.u32 s5, $0x1;
	s3 =	sadd.s32 s20, s19  }
0x9c: {  	s22 =	simm.s32 $0x0;
	s4 =	sshll.u32 s4, $0x1;
	s5 =	sadd.s32 s21, s3  }
0x9d: {  	[timem:s22], [sflag:s6] =	dma.local [hbm:s5], s4  }
0x9e: {  	_ =	swait.ge [sflag:s6], s4  }
0x9f: {  	s4 =	ssub.s32 $0x0, s4;
	[sflag:s6] =	ssyncset.done $0x0  }
0xa0: {  	[sflag:s6] =	ssyncadd.s32 s4;
	_ =	sdelay $0x1  }
0xa1: {  	s23 =	simm.s32 $0x1B8B  }
0xa2: {  	_ =	swait.ge [sflag:s23], $0x1  }
0xa3: {  	[sflag:s23] =	ssyncset.done $0x0  }
0xa4: {  	[sflag:s23] =	ssyncadd.s32 $0xFFFFFFFF  }
0xa5: {  	s4 =	sld [smem:$0x0]  }
0xa6: {  	s5 =	sand.u32 $0xFFFFFFFE, s1  }
0xa7: {  	p0 =	sne.s32 s1, s5  }
0xa8: {  	s5 =	sshll.u32 @p0 s5, $0xE  }
0xa9: {  	s5 =	sadd.s32 @p0 $0x11B8D, s5;
	s6 =	sshll.u32 @p0 s4, $0x11  }
0xaa: {  	s5 =	sor.u32 @p0 s6, s5  }
0xab: {  	[sflag:s5] =	ssyncadd.remote.s32 @p0 $0x1;
	_ =	sdelay $0x1  }
0xac: {  	s5 =	simm.s32 @p0 $0x1B8D  }
0xad: {  	_ =	swait.eq @p0 [sflag:s5], $0x1  }
0xae: {  	[sflag:s5] =	ssyncadd.s32 @p0 $0xFFFFFFFF  }
0xaf: {  	s6 =	sshll.u32 @!p0 s1, $0xE  }
0xb0: {  	s6 =	sor.u32 @!p0 $0x4000, s6;
	s5 =	simm.s32 @!p0 $0x1B8D  }
0xb1: {  	s4 =	sshll.u32 @!p0 s4, $0x11;
	s6 =	sadd.s32 @!p0 $0x11B8D, s6;
	_ =	swait.eq @!p0 [sflag:s5], $0x1  }
0xb2: {  	s4 =	sor.u32 @!p0 s4, s6;
	[sflag:s5] =	ssyncadd.s32 @!p0 $0xFFFFFFFF  }
0xb3: {  	s25 =	simm.s32 $0x1B8E;
	s24 =	sld [smem:$0x3FFE];
	[sflag:s4] =	ssyncadd.remote.s32 @!p0 $0x1  }
0xb4: {  	s26 =	simm.s32 $execute0_lowered;
	[smem:$0x3FD2] =	sst s25  }
0xb5: {  	s5 =	sshll.u32 s26, $0x1;
	_ =	strace $0x80000055;
	[dreg:$0x1] =	wrdreg $0xFFFFFFFF  }
0xb6: {  	s28 =	simm.s32 $_size_execute0_lowered;
	s3 =	sadd.s32 s3, s5;
	[dreg:$0x0] =	wrdreg $0x0  }
0xb7: {  	s5 =	sshll.u32 s28, $0x1;
	[dreg:$0x2] =	wrdreg s3  }
0xb8: {  	[dreg:$0x3] =	wrdreg s5  }
0xb9: {  	[dreg:$0x4] =	wrdreg $0xC0  }
0xba: {  	_ =	task [dreg:s22], $0x5FFFF  }
0xbb: {  	[dreg:$0x1] =	wrdreg $0xFFFFFFFF  }
0xbc: {  	[dreg:$0x0] =	wrdreg $0x60  }
0xbd: {  	[dreg:$0x2] =	wrdreg s24  }
0xbe: {  	[dreg:$0x3] =	wrdreg $0x0  }
0xbf: {  	[dreg:$0x4] =	wrdreg $0xC  }
0xc0: {  	_ =	task.clear_ibuf [dreg:s22], $0x5FFFF;
	_ =	strace $0x90000055  }
0xc1: {  	s29 =	simm.s32 $0xC;
	_ =	strace $0x80000057  }
0xc2: {  	_ =	swait.ge [sflag:s29], $0x1  }
0xc3: {  	[sflag:s29] =	ssyncadd.s32 $0xFFFFFFFF  }
0xc4: {  	_ =	strace $0x90000057  }
0xc5: {  	_ =	sfence  }
0xc6: {  	s30 =	sld [smem:$0x0];
	_ =	sdelay $0x2  }
0xc7: {  	s31 =	sshll.u32 s1, $0xD;
	s1 =	sshrl.u32 s1, $0x2  }
0xc8: {  	s4 =	sand.u32 $0x4000, s31;
	s1 =	sadd.s32 s1, s30  }
0xc9: {  	s0 =	sor.u32 s4, s0;
	s1 =	sshll.u32 s1, $0x11  }
0xca: {  	s0 =	sor.u32 s1, s0  }
0xcb: {  	s0 =	sadd.s32 $0x8F2B, s0  }
0xcc: {  	[sflag:s0] =	ssyncadd.remote.s32 $0x1  }
0xcd: {  	_ =	sfence.sel $0xFFFF  }
0xce: {  	[dreg:$0x0] =	wrdreg $0xFFFFFFFF;
	(pc) =	sbr.abs _section_cstart, $3  }
0xcf: {  	[dreg:$0x1] =	wrdreg $0xFFFFFFFF  }
0xd0: {  	_ =	task.clear_ibuf [dreg:s22], $0x2FFFF;
	_ =	strace $0x9FFFFFFF  }
0xd1: {  	(tm) =	ssettm $0x7FFFFFFF  }
tec
execute0_lowered:
.L_overlay_start_1:
0x0: {  	(tag) =	ssettag $0x1  }
0x1: {  	s1 =	srdreg.scid;
	s4 =	rddreg [dreg:$0x0]  }
0x2: {  	s0 =	stileid.u32;
	s2 =	rddreg [dreg:$0x1];
	s3 =	simm.s32 $0x0  }
0x3: {  	s20 =	simm.s32 $0x1;
	s21 =	simm.s32 $0x4000;
	s22 =	simm.s32 $0x18000  }
0x4: {  	s23 =	simm.s32 $0x2;
	s24 =	simm.s32 $0x1C000;
	s28 =	simm.s32 $0x5  }
0x5: {  	s29 =	simm.s32 $0x6;
	s30 =	simm.s32 $0x0;
	s5 =	sand.u32 $0x1, s1  }
0x6: {  	s6 =	sshll.u32 s0, $0x10;
	[smem:$0x7FF] =	sst s3;
	s9 =	sshll.u32 s0, $0x13  }
0x7: {  	s14 =	sadd.s32 $0x670400, s4;
	s15 =	sadd.s32 $0x468400, s4;
	s31 =	sshll.u32 s0, $0x6  }
0x8: {  	s7 =	sshll.u32 s5, $0x14;
	_ =	strace $0x80000056;
	s8 =	ssub.s32 $0x2, s5  }
0x9: {  	s5 =	sshll.u32 s5, $0x17;
	s16 =	sadd.s32 s6, s2;
	s7 =	sor.u32 s6, s7  }
0xa: {  	s10 =	sshrl.u32 s8, $0x1;
	s12 =	sor.u32 s9, s5;
	s6 =	sor.u32 $0x1C07, s31  }
0xb: {  	s16 =	sshrl.u32 s16, $0x3;
	s7 =	sshrl.u32 s7, $0x3;
	s25 =	ssub.s32 s8, s10  }
0xc: {  	s26 =	sshrl.u32 s12, $0x3;
	s13 =	sor.u32 $0xC000, s12;
	s11 =	sor.u32 $0x8000, s12  }
0xd: {  	s18 =	sor.u32 $0x10000, s12;
	s12 =	sor.u32 $0x14000, s12;
	s7 =	sadd.s32 s7, s4  }
0xe: {  	s4 =	sadd.s32 s14, s26;
	s8 =	sadd.s32 s15, s26;
	s9 =	smax.u32 s25, $0x1  }
0xf: {  	s17 =	sshrl.u32 s11, $0x3;
	s13 =	sshrl.u32 s13, $0x3;
	s18 =	sshrl.u32 s18, $0x3  }
.Ltmp0:
0x10: {  	s19 =	sshrl.u32 s12, $0x3;
	s25 =	simm.s32 $0x3;
	(pc) =	sbr.rel .LBB2_1-.Ltmp0, $4  }
0x11: {  	s26 =	simm.s32 $0x4;
	s5 =	sadd.s32 $0x1080400, s7;
	s7 =	sadd.s32 $0x800, s4  }
0x12: {  	s10 =	sadd.s32 $0x800, s8;
	s11 =	sadd.s32 s14, s17;
	s12 =	sadd.s32 s14, s13  }
0x13: {  	s13 =	sadd.s32 s18, s14;
	s14 =	sadd.s32 s19, s14;
	s15 =	sadd.s32 s17, s15  }
0x14: {  	s17 =	simm.s32 $0x7;
	s18 =	simm.s32 $0x10000;
	s19 =	simm.s32 $0x14000  }
.LBB2_4:
0x15: {  	s30 =	sadd.s32 $0x1, s30  }
0x16: {  	_ =	swait.ge [sflag:s28], $0x4000;
	p0 =	sne.s32 s30, s9  }
.Ltmp1:
0x17: {  	[sflag:s28] =	ssyncset.done $0x0;
	(pc) =	sbr.rel @!p0 .LBB2_5-.Ltmp1, $4  }
0x18: {  	[sflag:s28] =	ssyncadd.s32 $0xFFFFC000  }
0x19: {  	_ =	swait.ge [sflag:s29], $0x4000  }
0x1a: {  	[sflag:s29] =	ssyncset.done $0x0  }
0x1b: {  	[sflag:s29] =	ssyncadd.s32 $0xFFFFC000  }
.LBB2_1:
0x1c: {  	[spmem:s16], [sflag:s6] =	dma.local [hbm:s5], $0x2000  }
0x1d: {  	_ =	swait.ge [sflag:s17], $0x2000  }
0x1e: {  	[sflag:s17] =	ssyncset.done $0x0  }
0x1f: {  	[sflag:s17] =	ssyncadd.s32 $0xFFFFE000  }
0x20: {  	[bflag:$0x0] =	sbarrier.arrive $0xFFFF  }
0x21: {  	[tilespmem:s18], [sflag:$0x1] =	stream.linear.gather [hbm4b:s4+s3], $0x4000, $0x38;
	v63 =	vld [tilespmem:$0x0]  }
0x22: {  	_ = 	snop  }
0x23: {  	[tilespmem:s19], [sflag:$0x2] =	stream.linear.gather [hbm4b:s7+s3], $0x4000, $0x38;
	v63 =	vld [tilespmem:$0x0]  }
0x24: {  	_ =	swait.ge [sflag:s20], $0x4000  }
0x25: {  	[sflag:s20] =	ssyncset.done $0x0  }
0x26: {  	[sflag:s20] =	ssyncadd.s32 $0xFFFFC000  }
0x27: {  	[tilespmem:s22], [sflag:$0x3] =	stream.indirect.gather [spmem:s2], $0x1, s18, s21, $0xb8;
	v63 =	vld [tilespmem:$0x0]  }
0x28: {  	_ =	swait.ge [sflag:s23], $0x4000  }
0x29: {  	[sflag:s23] =	ssyncset.done $0x0  }
0x2a: {  	[sflag:s23] =	ssyncadd.s32 $0xFFFFC000  }
0x2b: {  	[tilespmem:s24], [sflag:$0x4] =	stream.indirect.gather [spmem:s2], $0x1, s19, s21, $0xb8;
	v63 =	vld [tilespmem:$0x0]  }
0x2c: {  	_ =	swait.ge [sflag:s25], $0x4000  }
0x2d: {  	[sflag:s25] =	ssyncset.done $0x0  }
0x2e: {  	[sflag:s25] =	ssyncadd.s32 $0xFFFFC000  }
0x2f: {  	[hbm4b:s8+s3] =	stream.linear.scatter [tilespmem:s22], [sflag:$0x5], $0x4000, $0x38;
	v63 =	vld [tilespmem:$0x0]  }
0x30: {  	_ =	swait.ge [sflag:s26], $0x4000  }
0x31: {  	[sflag:s26] =	ssyncset.done $0x0  }
0x32: {  	[sflag:s26] =	ssyncadd.s32 $0xFFFFC000  }
0x33: {  	[hbm4b:s10+s3] =	stream.linear.scatter [tilespmem:s24], [sflag:$0x6], $0x4000, $0x38;
	v63 =	vld [tilespmem:$0x0]  }
0x34: {  	_ = 	snop  }
0x35: {  	[tilespmem:s18], [sflag:$0x1] =	stream.linear.gather [hbm4b:s11+s3], $0x4000, $0x38;
	v63 =	vld [tilespmem:$0x0]  }
0x36: {  	s31 =	simm.s32 $0x0  }
0x37: {  	[tilespmem:s19], [sflag:$0x2] =	stream.linear.gather [hbm4b:s12+s3], $0x4000, $0x38;
	v63 =	vld [tilespmem:$0x0]  }
.LBB2_2:
0x38: {  	_ =	swait.ge [sflag:s28], $0x4000  }
0x39: {  	[sflag:s28] =	ssyncset.done $0x0  }
0x3a: {  	[sflag:s28] =	ssyncadd.s32 $0xFFFFC000  }
0x3b: {  	_ =	swait.ge [sflag:s29], $0x4000  }
0x3c: {  	[sflag:s29] =	ssyncset.done $0x0  }
0x3d: {  	[sflag:s29] =	ssyncadd.s32 $0xFFFFC000  }
0x3e: {  	_ =	swait.ge [sflag:s20], $0x4000  }
0x3f: {  	[sflag:s20] =	ssyncset.done $0x0  }
0x40: {  	[sflag:s20] =	ssyncadd.s32 $0xFFFFC000  }
0x41: {  	[tilespmem:s22], [sflag:$0x3] =	stream.indirect.gather [spmem:s2], $0x1, s18, s21, $0xb8;
	v63 =	vld [tilespmem:$0x0]  }
0x42: {  	_ =	swait.ge [sflag:s23], $0x4000  }
0x43: {  	[sflag:s23] =	ssyncset.done $0x0  }
0x44: {  	[sflag:s23] =	ssyncadd.s32 $0xFFFFC000  }
0x45: {  	[tilespmem:s24], [sflag:$0x4] =	stream.indirect.gather [spmem:s2], $0x1, s19, s21, $0xb8;
	v63 =	vld [tilespmem:$0x0]  }
0x46: {  	_ =	swait.ge [sflag:s25], $0x4000  }
0x47: {  	[sflag:s25] =	ssyncset.done $0x0  }
0x48: {  	s1 =	sadd.s32 s31, s15;
	p0 =	seq.s32 s31, $0xE000;
	[sflag:s25] =	ssyncadd.s32 $0xFFFFC000  }
0x49: {  	[hbm4b:s1+s3] =	stream.linear.scatter [tilespmem:s22], [sflag:$0x5], $0x4000, $0x38;
	v63 =	vld [tilespmem:$0x0]  }
.Ltmp2:
0x4a: {  	_ = 	snop;
	(pc) =	sbr.rel @p0 .LBB2_4-.Ltmp2, $4  }
0x4b: {  	_ =	swait.ge [sflag:s26], $0x4000  }
0x4c: {  	[sflag:s26] =	ssyncset.done $0x0  }
0x4d: {  	s1 =	sadd.s32 $0x800, s1;
	[sflag:s26] =	ssyncadd.s32 $0xFFFFC000  }
0x4e: {  	[hbm4b:s1+s3] =	stream.linear.scatter [tilespmem:s24], [sflag:$0x6], $0x4000, $0x38;
	v63 =	vld [tilespmem:$0x0]  }
.Ltmp3:
0x4f: {  	(pc) =	sbr.rel .LBB2_2-.Ltmp3, $4  }
0x50: {  	s1 =	sadd.s32 s31, s13  }
0x51: {  	[tilespmem:s18], [sflag:$0x1] =	stream.linear.gather [hbm4b:s1+s3], $0x4000, $0x38;
	v63 =	vld [tilespmem:$0x0]  }
0x52: {  	s1 =	sadd.s32 s31, s14;
	s31 =	sadd.s32 $0x1000, s31  }
0x53: {  	[tilespmem:s19], [sflag:$0x2] =	stream.linear.gather [hbm4b:s1+s3], $0x4000, $0x38;
	v63 =	vld [tilespmem:$0x0]  }
.LBB2_5:
0x54: {  	_ =	sfence.sel $0x180000  }
0x55: {  	[bflag:$0x0] =	sbarrier.arrive $0xFFFF  }
0x56: {  	_ =	strace $0x90000056  }
0x57: {  	[bflag:$0x2] =	sbarrier.arrive $0xFFFF  }
0x58: {  	p0 =	sne.s32 s0, $0x0;
	s0 =	rddreg [dreg:$0x2]  }
0x59: {  	s0 =	sadd.s32 @!p0 $0x100000, s0  }
0x5a: {  	[sflag:s0] =	ssyncadd.tile.s32 @!p0 $0x1;
	_ =	shalt  }
.Lfunc_end2:
_tile_overlayer_lowered:
.L_overlay_start_2:
0x5b: {  	(tag) =	ssettag $0x2  }
0x5c: {  	s0 =	rddreg [dreg:$0x0];
	s2 =	stileid.u32  }
0x5d: {  	s1 =	rddreg [dreg:$0x1];
	p0 =	sne.s32 s2, $0x0  }
0x5e: {  	s3 =	rddreg [dreg:$0x2];
	[bflag:$0x3] =	sbarrier.arrive $0xFFFF;
	s2 =	simm.s32 @!p0 $0x1C07  }
0x5f: {  	[timem:s3], [sflag:s2] =	dma.local @!p0 [hbm:s0], s1  }
0x60: {  	s0 =	simm.s32 @!p0 $0x7  }
0x61: {  	_ =	swait.ge @!p0 [sflag:s0], s1  }
0x62: {  	s1 =	ssub.s32 @!p0 $0x0, s1;
	[sflag:s0] =	ssyncset.done @!p0 $0x0  }
0x63: {  	[sflag:s0] =	ssyncadd.s32 @!p0 s1  }
0x64: {  	[bflag:$0x3] =	sbarrier.arrive $0xFFFF  }
0x65: {  	_ =	shalt  }

// kernel: kernel.21.cloned.1.call-start
scs
__scs_entry_jumppad:
0x0: {  	(pc) =	sbr.rel $0x88, $3  }
0x1: {  	(tag) =	ssettag $0x0;
	lr =	simm.s32 $0x1  }
0x2: {  	[smem:$0x3F9D] =	sst lr;
	_ =	strace $0xD0000000  }
0x3: {  	_ = 	snop  }
0x4: {  	_ = 	snop  }
0x5: {  	_ = 	snop  }
0x6: {  	_ = 	snop  }
0x7: {  	_ = 	snop  }
__scs_overlays_trampoline_lowered:
0x8: {  	[smem:$0x3FAC] =	sst s0  }
0x9: {  	[smem:$0x3FAD] =	sst s1  }
0xa: {  	[smem:$0x3FAE] =	sst s2  }
0xb: {  	[smem:$0x3FAF] =	sst s3  }
0xc: {  	[smem:$0x3FB0] =	sst s4  }
0xd: {  	[smem:$0x3FB1] =	sst s5  }
0xe: {  	[smem:$0x3FB2] =	sst s6  }
0xf: {  	[smem:$0x3FB3] =	sst s7  }
0x10: {  	[smem:$0x3FB4] =	sst s8  }
0x11: {  	[smem:$0x3FB5] =	sst s9;
	s0 =	simm.s32 @!p0 $0x0  }
0x12: {  	s1 =	sld [smem:$0x3F9B];
	s0 =	simm.s32 @p0 $0x1  }
0x13: {  	[smem:$0x3FB6] =	sst s0;
	s0 =	simm.s32 @!p1 $0x0  }
0x14: {  	s2 =	sld [smem:$0x3F9A];
	s0 =	simm.s32 @p1 $0x1  }
0x15: {  	[smem:$0x3FB7] =	sst s0;
	s0 =	simm.s32 @!p2 $0x0  }
0x16: {  	s3 =	sld [smem:$0x3FDB];
	s0 =	simm.s32 @p2 $0x1  }
0x17: {  	s4 =	simm.s32 $0x1BF5;
	[smem:$0x3FB9] =	sst s0  }
0x18: {  	s0 =	sld [smem:$0x3F9C];
	_ =	swait.ge [sflag:s4], $0x0  }
0x19: {  	s7 =	sld [smem:$0x3F9D]  }
0x1a: {  	s8 =	sadd.s32 $0xFFFFE003, lr  }
0x1b: {  	s9 =	sadd.s32 $0xFFFFFEF7, lr;
	s5 =	simm.s32 $0xFFFFFFFF;
	p2 =	slt.u32 s8, $0xFFFFF086  }
0x1c: {  	p1 =	slt.u32 s9, $0xF7A;
	s5 =	simm.s32 @!p2 $0x0  }
0x1d: {  	s5 =	simm.s32 @p1 $0x1;
	p0 =	seq.s32 s7, s2  }
0x1e: {  	s7 =	smul.u32 @!p0 $0xF7A, s2;
	p2 =	seq.s32 @!p0 s5, $0x0  }
0x1f: {  	s9 =	smul.u32 $0xF7A, s1;
	s8 =	simm.s32 @!p0 $0x1BF5;
	p2 =	por !p2, p0  }
0x20: {  	[sflag:s8] =	ssyncset.s32 @!p0 $0xFFFFF086;
	s6 =	sadd.s32 @!p0 s3, s7;
	s7 =	simm.s32 @!p0 $0x108  }
0x21: {  	s3 =	sadd.s32 s3, s9;
	s6 =	sadd.s32 @!p0 $0x88, s6;
	s7 =	simm.s32 @p2 $0x1082  }
0x22: {  	[simem:s7], [sflag:s8] =	dma.local @!p0 [hbm:s6], $0xF7A  }
0x23: {  	s9 =	sor.u32 $0xD0000000, s2;
	s6 =	simm.s32 $0x108;
	_ =	swait.ge @!p0 [sflag:s8], $0x0  }
0x24: {  	s3 =	sadd.s32 $0x88, s3;
	s6 =	simm.s32 @!p1 $0x1082;
	[sflag:s4] =	ssyncset.s32 $0xFFFFF086  }
0x25: {  	[simem:s6], [sflag:s4] =	dma.local [hbm:s3], $0xF7A  }
0x26: {  	[smem:$0x3F9D] =	sst s1;
	(tag) =	ssettag s2;
	_ =	strace s9  }
0x27: {  	s1 =	sld [smem:$0x3FAD]  }
0x28: {  	s2 =	sld [smem:$0x3FAE]  }
0x29: {  	s4 =	sld [smem:$0x3FB0]  }
0x2a: {  	p0 =	seq.s32 s5, $0x0;
	s5 =	sld [smem:$0x3FB1]  }
0x2b: {  	s6 =	sld [smem:$0x3FB2]  }
0x2c: {  	s7 =	sld [smem:$0x3FB3]  }
0x2d: {  	s3 =	simm.s32 $0x108;
	s8 =	sld [smem:$0x3FB4]  }
0x2e: {  	s3 =	simm.s32 @!p0 $0x1082;
	s9 =	sld [smem:$0x3FB5]  }
0x2f: {  	lr =	sadd.s32 s0, s3;
	s0 =	sld [smem:$0x3FAC]  }
0x30: {  	s3 =	sld [smem:$0x3FAF]  }
0x31: {  	[smem:$0x3FB8] =	sst s10  }
0x32: {  	s10 =	sld [smem:$0x3FB6];
	_ =	sdelay $0x3  }
0x33: {  	p0 =	seq.s32 s10, $0x1;
	s10 =	sld [smem:$0x3FB8];
	_ =	sdelay $0x3  }
0x34: {  	[smem:$0x3FB8] =	sst s10  }
0x35: {  	s10 =	sld [smem:$0x3FB7];
	_ =	sdelay $0x3  }
0x36: {  	p1 =	seq.s32 s10, $0x1;
	s10 =	sld [smem:$0x3FB8];
	_ =	sdelay $0x3  }
0x37: {  	[smem:$0x3FB8] =	sst s10  }
0x38: {  	s10 =	sld [smem:$0x3FB9]  }
0x39: {  	_ = 	snop;
	(pc) =	sbr.ind lr, $3  }
0x3a: {  	_ = 	snop  }
0x3b: {  	_ = 	snop  }
0x3c: {  	p2 =	seq.s32 s10, $0x1;
	s10 =	sld [smem:$0x3FB8]  }
0x3d: {  	_ =	shalt  }
0x3e: {  	_ =	shalt  }
0x3f: {  	_ =	shalt  }
0x40: {  	_ =	shalt  }
0x41: {  	_ =	shalt  }
0x42: {  	_ =	shalt  }
0x43: {  	_ =	shalt  }
0x44: {  	_ =	shalt  }
0x45: {  	_ =	shalt  }
0x46: {  	_ =	shalt  }
0x47: {  	_ =	shalt  }
0x48: {  	_ =	shalt  }
0x49: {  	_ =	shalt  }
0x4a: {  	_ =	shalt  }
0x4b: {  	_ =	shalt  }
0x4c: {  	_ =	shalt  }
0x4d: {  	_ =	shalt  }
0x4e: {  	_ =	shalt  }
0x4f: {  	_ =	shalt  }
0x50: {  	_ =	shalt  }
0x51: {  	_ =	shalt  }
0x52: {  	_ =	shalt  }
0x53: {  	_ =	shalt  }
0x54: {  	_ =	shalt  }
0x55: {  	_ =	shalt  }
0x56: {  	_ =	shalt  }
0x57: {  	_ =	shalt  }
0x58: {  	_ =	shalt  }
0x59: {  	_ =	shalt  }
0x5a: {  	_ =	shalt  }
0x5b: {  	_ =	shalt  }
0x5c: {  	_ =	shalt  }
0x5d: {  	_ =	shalt  }
0x5e: {  	_ =	shalt  }
0x5f: {  	_ =	shalt  }
0x60: {  	_ =	shalt  }
0x61: {  	_ =	shalt  }
0x62: {  	_ =	shalt  }
0x63: {  	_ =	shalt  }
0x64: {  	_ =	shalt  }
0x65: {  	_ =	shalt  }
0x66: {  	_ =	shalt  }
0x67: {  	_ =	shalt  }
0x68: {  	_ =	shalt  }
0x69: {  	_ =	shalt  }
0x6a: {  	_ =	shalt  }
0x6b: {  	_ =	shalt  }
0x6c: {  	_ =	shalt  }
0x6d: {  	_ =	shalt  }
0x6e: {  	_ =	shalt  }
0x6f: {  	_ =	shalt  }
0x70: {  	_ =	shalt  }
0x71: {  	_ =	shalt  }
0x72: {  	_ =	shalt  }
0x73: {  	_ =	shalt  }
0x74: {  	_ =	shalt  }
0x75: {  	_ =	shalt  }
0x76: {  	_ =	shalt  }
0x77: {  	_ =	shalt  }
0x78: {  	_ =	shalt  }
0x79: {  	_ =	shalt  }
0x7a: {  	_ =	shalt  }
0x7b: {  	_ =	shalt  }
0x7c: {  	_ =	shalt  }
0x7d: {  	_ =	shalt  }
0x7e: {  	_ =	shalt  }
0x7f: {  	_ =	shalt  }
0x80: {  	_ =	shalt  }
0x81: {  	_ =	shalt  }
0x82: {  	_ =	shalt  }
0x83: {  	_ =	shalt  }
0x84: {  	_ =	shalt  }
0x85: {  	_ =	shalt  }
0x86: {  	_ =	shalt  }
0x87: {  	_ =	shalt  }
.Lfunc_end0:
.L_simem_size_0:
called_computation.5_lowered:
.L_overlay_start_0:
0x88: {  	s2 =	sld [smem:$0x3FD9]  }
0x89: {  	s3 =	sld [smem:$0x3FFE];
	_ =	sdelay $0x1  }
0x8a: {  	s1 =	srdreg.scid  }
0x8b: {  	s0 =	sand.u32 $0x1, s1  }
0x8c: {  	s17 =	sshll.u32 s0, $0xA;
	s2 =	sadd.s32 s3, s2  }
0x8d: {  	s2 =	sadd.s32 s2, s17  }
0x8e: {  	[smem:$0x3FC4] =	sst s2  }
0x8f: {  	_ = 	snop  }
0x90: {  	(tm) =	ssettm $0x1  }
0x91: {  	s18 =	sld [smem:$0x3FFB];
	_ =	sdelay $0x3  }
0x92: {  	_ =	strace s18  }
0x93: {  	s2 =	sld [smem:$0x3FFC];
	_ =	sdelay $0x3  }
0x94: {  	_ =	strace s2  }
0x95: {  	s2 =	sld [smem:$0x3FFD];
	_ =	sdelay $0x3  }
0x96: {  	_ =	strace s2  }
0x97: {  	_ =	strace $0x8FFFFFFF  }
0x98: {  	s19 =	sld [smem:$0x3FDB];
	_ =	sdelay $0x1  }
0x99: {  	s20 =	simm.s32 $_scs_section_size  }
0x9a: {  	s4 =	simm.s32 $_size__tile_overlayer_lowered;
	s5 =	simm.s32 $_tile_overlayer_lowered  }
0x9b: {  	s6 =	simm.s32 $0x1BFF;
	s21 =	sshll.u32 s5, $0x1;
	s3 =	sadd.s32 s20, s19  }
0x9c: {  	s22 =	simm.s32 $0x0;
	s4 =	sshll.u32 s4, $0x1;
	s5 =	sadd.s32 s21, s3  }
0x9d: {  	[timem:s22], [sflag:s6] =	dma.local [hbm:s5], s4  }
0x9e: {  	_ =	swait.ge [sflag:s6], s4  }
0x9f: {  	s4 =	ssub.s32 $0x0, s4;
	[sflag:s6] =	ssyncset.done $0x0  }
0xa0: {  	[sflag:s6] =	ssyncadd.s32 s4;
	_ =	sdelay $0x1  }
0xa1: {  	s23 =	simm.s32 $0x1B8B  }
0xa2: {  	_ =	swait.ge [sflag:s23], $0x1  }
0xa3: {  	[sflag:s23] =	ssyncset.done $0x0  }
0xa4: {  	[sflag:s23] =	ssyncadd.s32 $0xFFFFFFFF  }
0xa5: {  	s4 =	sld [smem:$0x0]  }
0xa6: {  	s5 =	sand.u32 $0xFFFFFFFE, s1  }
0xa7: {  	p0 =	sne.s32 s1, s5  }
0xa8: {  	s5 =	sshll.u32 @p0 s5, $0xE  }
0xa9: {  	s5 =	sadd.s32 @p0 $0x11B8D, s5;
	s6 =	sshll.u32 @p0 s4, $0x11  }
0xaa: {  	s5 =	sor.u32 @p0 s6, s5  }
0xab: {  	[sflag:s5] =	ssyncadd.remote.s32 @p0 $0x1;
	_ =	sdelay $0x1  }
0xac: {  	s5 =	simm.s32 @p0 $0x1B8D  }
0xad: {  	_ =	swait.eq @p0 [sflag:s5], $0x1  }
0xae: {  	[sflag:s5] =	ssyncadd.s32 @p0 $0xFFFFFFFF  }
0xaf: {  	s6 =	sshll.u32 @!p0 s1, $0xE  }
0xb0: {  	s6 =	sor.u32 @!p0 $0x4000, s6;
	s5 =	simm.s32 @!p0 $0x1B8D  }
0xb1: {  	s4 =	sshll.u32 @!p0 s4, $0x11;
	s6 =	sadd.s32 @!p0 $0x11B8D, s6;
	_ =	swait.eq @!p0 [sflag:s5], $0x1  }
0xb2: {  	s4 =	sor.u32 @!p0 s4, s6;
	[sflag:s5] =	ssyncadd.s32 @!p0 $0xFFFFFFFF  }
0xb3: {  	s25 =	simm.s32 $0x1B8E;
	s24 =	sld [smem:$0x3FFE];
	[sflag:s4] =	ssyncadd.remote.s32 @!p0 $0x1  }
0xb4: {  	s26 =	simm.s32 $execute0_lowered;
	[smem:$0x3FD2] =	sst s25  }
0xb5: {  	s5 =	sshll.u32 s26, $0x1;
	_ =	strace $0x80000052;
	[dreg:$0x1] =	wrdreg $0xFFFFFFFF  }
0xb6: {  	s28 =	simm.s32 $_size_execute0_lowered;
	s3 =	sadd.s32 s3, s5;
	[dreg:$0x0] =	wrdreg $0x0  }
0xb7: {  	s5 =	sshll.u32 s28, $0x1;
	[dreg:$0x2] =	wrdreg s3  }
0xb8: {  	[dreg:$0x3] =	wrdreg s5  }
0xb9: {  	[dreg:$0x4] =	wrdreg $0xC0  }
0xba: {  	_ =	task [dreg:s22], $0x5FFFF  }
0xbb: {  	[dreg:$0x1] =	wrdreg $0xFFFFFFFF  }
0xbc: {  	[dreg:$0x0] =	wrdreg $0x60  }
0xbd: {  	[dreg:$0x2] =	wrdreg s24  }
0xbe: {  	[dreg:$0x3] =	wrdreg $0x0  }
0xbf: {  	[dreg:$0x4] =	wrdreg $0xA  }
0xc0: {  	_ =	task.clear_ibuf [dreg:s22], $0x5FFFF;
	_ =	strace $0x90000052  }
0xc1: {  	s29 =	simm.s32 $0xA;
	_ =	strace $0x80000054  }
0xc2: {  	_ =	swait.ge [sflag:s29], $0x1  }
0xc3: {  	[sflag:s29] =	ssyncadd.s32 $0xFFFFFFFF  }
0xc4: {  	_ =	strace $0x90000054  }
0xc5: {  	_ =	sfence  }
0xc6: {  	s30 =	sld [smem:$0x0];
	_ =	sdelay $0x2  }
0xc7: {  	s31 =	sshll.u32 s1, $0xD;
	s1 =	sshrl.u32 s1, $0x2  }
0xc8: {  	s4 =	sand.u32 $0x4000, s31;
	s1 =	sadd.s32 s1, s30  }
0xc9: {  	s0 =	sor.u32 s4, s0;
	s1 =	sshll.u32 s1, $0x11  }
0xca: {  	s0 =	sor.u32 s1, s0  }
0xcb: {  	s0 =	sadd.s32 $0x8F2B, s0  }
0xcc: {  	[sflag:s0] =	ssyncadd.remote.s32 $0x1  }
0xcd: {  	_ =	sfence.sel $0xFFFF  }
0xce: {  	[dreg:$0x0] =	wrdreg $0xFFFFFFFF;
	(pc) =	sbr.abs _section_cstart, $3  }
0xcf: {  	[dreg:$0x1] =	wrdreg $0xFFFFFFFF  }
0xd0: {  	_ =	task.clear_ibuf [dreg:s22], $0x2FFFF;
	_ =	strace $0x9FFFFFFF  }
0xd1: {  	(tm) =	ssettm $0x7FFFFFFF  }
tec
execute0_lowered:
.L_overlay_start_1:
0x0: {  	(tag) =	ssettag $0x1  }
0x1: {  	s1 =	srdreg.scid;
	s4 =	rddreg [dreg:$0x0]  }
0x2: {  	s0 =	stileid.u32;
	s2 =	rddreg [dreg:$0x1];
	s3 =	simm.s32 $0x0  }
0x3: {  	s20 =	simm.s32 $0x1;
	s21 =	simm.s32 $0x4000;
	s22 =	simm.s32 $0x18000  }
0x4: {  	s23 =	simm.s32 $0x2;
	s24 =	simm.s32 $0x1C000;
	s28 =	simm.s32 $0x5  }
0x5: {  	s29 =	simm.s32 $0x6;
	s30 =	simm.s32 $0x0;
	s5 =	sand.u32 $0x1, s1  }
0x6: {  	s6 =	sshll.u32 s0, $0x10;
	[smem:$0x7FF] =	sst s3;
	s9 =	sshll.u32 s0, $0x13  }
0x7: {  	s14 =	sadd.s32 $0x268400, s4;
	s15 =	sadd.s32 $0x60400, s4;
	s31 =	sshll.u32 s0, $0x6  }
0x8: {  	s7 =	sshll.u32 s5, $0x14;
	_ =	strace $0x80000053;
	s8 =	ssub.s32 $0x2, s5  }
0x9: {  	s5 =	sshll.u32 s5, $0x17;
	s16 =	sadd.s32 s6, s2;
	s7 =	sor.u32 s6, s7  }
0xa: {  	s10 =	sshrl.u32 s8, $0x1;
	s12 =	sor.u32 s9, s5;
	s6 =	sor.u32 $0x1C07, s31  }
0xb: {  	s16 =	sshrl.u32 s16, $0x3;
	s7 =	sshrl.u32 s7, $0x3;
	s25 =	ssub.s32 s8, s10  }
0xc: {  	s26 =	sshrl.u32 s12, $0x3;
	s13 =	sor.u32 $0xC000, s12;
	s11 =	sor.u32 $0x8000, s12  }
0xd: {  	s18 =	sor.u32 $0x10000, s12;
	s12 =	sor.u32 $0x14000, s12;
	s7 =	sadd.s32 s7, s4  }
0xe: {  	s4 =	sadd.s32 s14, s26;
	s8 =	sadd.s32 s15, s26;
	s9 =	smax.u32 s25, $0x1  }
0xf: {  	s17 =	sshrl.u32 s11, $0x3;
	s13 =	sshrl.u32 s13, $0x3;
	s18 =	sshrl.u32 s18, $0x3  }
.Ltmp0:
0x10: {  	s19 =	sshrl.u32 s12, $0x3;
	s25 =	simm.s32 $0x3;
	(pc) =	sbr.rel .LBB2_1-.Ltmp0, $4  }
0x11: {  	s26 =	simm.s32 $0x4;
	s5 =	sadd.s32 $0x1080400, s7;
	s7 =	sadd.s32 $0x800, s4  }
0x12: {  	s10 =	sadd.s32 $0x800, s8;
	s11 =	sadd.s32 s14, s17;
	s12 =	sadd.s32 s14, s13  }
0x13: {  	s13 =	sadd.s32 s18, s14;
	s14 =	sadd.s32 s19, s14;
	s15 =	sadd.s32 s17, s15  }
0x14: {  	s17 =	simm.s32 $0x7;
	s18 =	simm.s32 $0x10000;
	s19 =	simm.s32 $0x14000  }
.LBB2_4:
0x15: {  	s30 =	sadd.s32 $0x1, s30  }
0x16: {  	_ =	swait.ge [sflag:s28], $0x4000;
	p0 =	sne.s32 s30, s9  }
.Ltmp1:
0x17: {  	[sflag:s28] =	ssyncset.done $0x0;
	(pc) =	sbr.rel @!p0 .LBB2_5-.Ltmp1, $4  }
0x18: {  	[sflag:s28] =	ssyncadd.s32 $0xFFFFC000  }
0x19: {  	_ =	swait.ge [sflag:s29], $0x4000  }
0x1a: {  	[sflag:s29] =	ssyncset.done $0x0  }
0x1b: {  	[sflag:s29] =	ssyncadd.s32 $0xFFFFC000  }
.LBB2_1:
0x1c: {  	[spmem:s16], [sflag:s6] =	dma.local [hbm:s5], $0x2000  }
0x1d: {  	_ =	swait.ge [sflag:s17], $0x2000  }
0x1e: {  	[sflag:s17] =	ssyncset.done $0x0  }
0x1f: {  	[sflag:s17] =	ssyncadd.s32 $0xFFFFE000  }
0x20: {  	[bflag:$0x0] =	sbarrier.arrive $0xFFFF  }
0x21: {  	[tilespmem:s18], [sflag:$0x1] =	stream.linear.gather [hbm4b:s4+s3], $0x4000, $0x38;
	v63 =	vld [tilespmem:$0x0]  }
0x22: {  	_ = 	snop  }
0x23: {  	[tilespmem:s19], [sflag:$0x2] =	stream.linear.gather [hbm4b:s7+s3], $0x4000, $0x38;
	v63 =	vld [tilespmem:$0x0]  }
0x24: {  	_ =	swait.ge [sflag:s20], $0x4000  }
0x25: {  	[sflag:s20] =	ssyncset.done $0x0  }
0x26: {  	[sflag:s20] =	ssyncadd.s32 $0xFFFFC000  }
0x27: {  	[tilespmem:s22], [sflag:$0x3] =	stream.indirect.gather [spmem:s2], $0x1, s18, s21, $0xb8;
	v63 =	vld [tilespmem:$0x0]  }
0x28: {  	_ =	swait.ge [sflag:s23], $0x4000  }
0x29: {  	[sflag:s23] =	ssyncset.done $0x0  }
0x2a: {  	[sflag:s23] =	ssyncadd.s32 $0xFFFFC000  }
0x2b: {  	[tilespmem:s24], [sflag:$0x4] =	stream.indirect.gather [spmem:s2], $0x1, s19, s21, $0xb8;
	v63 =	vld [tilespmem:$0x0]  }
0x2c: {  	_ =	swait.ge [sflag:s25], $0x4000  }
0x2d: {  	[sflag:s25] =	ssyncset.done $0x0  }
0x2e: {  	[sflag:s25] =	ssyncadd.s32 $0xFFFFC000  }
0x2f: {  	[hbm4b:s8+s3] =	stream.linear.scatter [tilespmem:s22], [sflag:$0x5], $0x4000, $0x38;
	v63 =	vld [tilespmem:$0x0]  }
0x30: {  	_ =	swait.ge [sflag:s26], $0x4000  }
0x31: {  	[sflag:s26] =	ssyncset.done $0x0  }
0x32: {  	[sflag:s26] =	ssyncadd.s32 $0xFFFFC000  }
0x33: {  	[hbm4b:s10+s3] =	stream.linear.scatter [tilespmem:s24], [sflag:$0x6], $0x4000, $0x38;
	v63 =	vld [tilespmem:$0x0]  }
0x34: {  	_ = 	snop  }
0x35: {  	[tilespmem:s18], [sflag:$0x1] =	stream.linear.gather [hbm4b:s11+s3], $0x4000, $0x38;
	v63 =	vld [tilespmem:$0x0]  }
0x36: {  	s31 =	simm.s32 $0x0  }
0x37: {  	[tilespmem:s19], [sflag:$0x2] =	stream.linear.gather [hbm4b:s12+s3], $0x4000, $0x38;
	v63 =	vld [tilespmem:$0x0]  }
.LBB2_2:
0x38: {  	_ =	swait.ge [sflag:s28], $0x4000  }
0x39: {  	[sflag:s28] =	ssyncset.done $0x0  }
0x3a: {  	[sflag:s28] =	ssyncadd.s32 $0xFFFFC000  }
0x3b: {  	_ =	swait.ge [sflag:s29], $0x4000  }
0x3c: {  	[sflag:s29] =	ssyncset.done $0x0  }
0x3d: {  	[sflag:s29] =	ssyncadd.s32 $0xFFFFC000  }
0x3e: {  	_ =	swait.ge [sflag:s20], $0x4000  }
0x3f: {  	[sflag:s20] =	ssyncset.done $0x0  }
0x40: {  	[sflag:s20] =	ssyncadd.s32 $0xFFFFC000  }
0x41: {  	[tilespmem:s22], [sflag:$0x3] =	stream.indirect.gather [spmem:s2], $0x1, s18, s21, $0xb8;
	v63 =	vld [tilespmem:$0x0]  }
0x42: {  	_ =	swait.ge [sflag:s23], $0x4000  }
0x43: {  	[sflag:s23] =	ssyncset.done $0x0  }
0x44: {  	[sflag:s23] =	ssyncadd.s32 $0xFFFFC000  }
0x45: {  	[tilespmem:s24], [sflag:$0x4] =	stream.indirect.gather [spmem:s2], $0x1, s19, s21, $0xb8;
	v63 =	vld [tilespmem:$0x0]  }
0x46: {  	_ =	swait.ge [sflag:s25], $0x4000  }
0x47: {  	[sflag:s25] =	ssyncset.done $0x0  }
0x48: {  	s1 =	sadd.s32 s31, s15;
	p0 =	seq.s32 s31, $0xE000;
	[sflag:s25] =	ssyncadd.s32 $0xFFFFC000  }
0x49: {  	[hbm4b:s1+s3] =	stream.linear.scatter [tilespmem:s22], [sflag:$0x5], $0x4000, $0x38;
	v63 =	vld [tilespmem:$0x0]  }
.Ltmp2:
0x4a: {  	_ = 	snop;
	(pc) =	sbr.rel @p0 .LBB2_4-.Ltmp2, $4  }
0x4b: {  	_ =	swait.ge [sflag:s26], $0x4000  }
0x4c: {  	[sflag:s26] =	ssyncset.done $0x0  }
0x4d: {  	s1 =	sadd.s32 $0x800, s1;
	[sflag:s26] =	ssyncadd.s32 $0xFFFFC000  }
0x4e: {  	[hbm4b:s1+s3] =	stream.linear.scatter [tilespmem:s24], [sflag:$0x6], $0x4000, $0x38;
	v63 =	vld [tilespmem:$0x0]  }
.Ltmp3:
0x4f: {  	(pc) =	sbr.rel .LBB2_2-.Ltmp3, $4  }
0x50: {  	s1 =	sadd.s32 s31, s13  }
0x51: {  	[tilespmem:s18], [sflag:$0x1] =	stream.linear.gather [hbm4b:s1+s3], $0x4000, $0x38;
	v63 =	vld [tilespmem:$0x0]  }
0x52: {  	s1 =	sadd.s32 s31, s14;
	s31 =	sadd.s32 $0x1000, s31  }
0x53: {  	[tilespmem:s19], [sflag:$0x2] =	stream.linear.gather [hbm4b:s1+s3], $0x4000, $0x38;
	v63 =	vld [tilespmem:$0x0]  }
.LBB2_5:
0x54: {  	_ =	sfence.sel $0x180000  }
0x55: {  	[bflag:$0x0] =	sbarrier.arrive $0xFFFF  }
0x56: {  	_ =	strace $0x90000053  }
0x57: {  	[bflag:$0x2] =	sbarrier.arrive $0xFFFF  }
0x58: {  	p0 =	sne.s32 s0, $0x0;
	s0 =	rddreg [dreg:$0x2]  }
0x59: {  	s0 =	sadd.s32 @!p0 $0x100000, s0  }
0x5a: {  	[sflag:s0] =	ssyncadd.tile.s32 @!p0 $0x1;
	_ =	shalt  }
.Lfunc_end2:
_tile_overlayer_lowered:
.L_overlay_start_2:
0x5b: {  	(tag) =	ssettag $0x2  }
0x5c: {  	s0 =	rddreg [dreg:$0x0];
	s2 =	stileid.u32  }
0x5d: {  	s1 =	rddreg [dreg:$0x1];
	p0 =	sne.s32 s2, $0x0  }
0x5e: {  	s3 =	rddreg [dreg:$0x2];
	[bflag:$0x3] =	sbarrier.arrive $0xFFFF;
	s2 =	simm.s32 @!p0 $0x1C07  }
0x5f: {  	[timem:s3], [sflag:s2] =	dma.local @!p0 [hbm:s0], s1  }
0x60: {  	s0 =	simm.s32 @!p0 $0x7  }
0x61: {  	_ =	swait.ge @!p0 [sflag:s0], s1  }
0x62: {  	s1 =	ssub.s32 @!p0 $0x0, s1;
	[sflag:s0] =	ssyncset.done @!p0 $0x0  }
0x63: {  	[sflag:s0] =	ssyncadd.s32 @!p0 s1  }
0x64: {  	[bflag:$0x3] =	sbarrier.arrive $0xFFFF  }
0x65: {  	_ =	shalt  }

// kernel: kernel.24.cloned.1.call-start
scs
__scs_entry_jumppad:
0x0: {  	(pc) =	sbr.rel $0x88, $3  }
0x1: {  	(tag) =	ssettag $0x0;
	lr =	simm.s32 $0x1  }
0x2: {  	[smem:$0x3F9D] =	sst lr;
	_ =	strace $0xD0000000  }
0x3: {  	_ = 	snop  }
0x4: {  	_ = 	snop  }
0x5: {  	_ = 	snop  }
0x6: {  	_ = 	snop  }
0x7: {  	_ = 	snop  }
__scs_overlays_trampoline_lowered:
0x8: {  	[smem:$0x3FAC] =	sst s0  }
0x9: {  	[smem:$0x3FAD] =	sst s1  }
0xa: {  	[smem:$0x3FAE] =	sst s2  }
0xb: {  	[smem:$0x3FAF] =	sst s3  }
0xc: {  	[smem:$0x3FB0] =	sst s4  }
0xd: {  	[smem:$0x3FB1] =	sst s5  }
0xe: {  	[smem:$0x3FB2] =	sst s6  }
0xf: {  	[smem:$0x3FB3] =	sst s7  }
0x10: {  	[smem:$0x3FB4] =	sst s8  }
0x11: {  	[smem:$0x3FB5] =	sst s9;
	s0 =	simm.s32 @!p0 $0x0  }
0x12: {  	s1 =	sld [smem:$0x3F9B];
	s0 =	simm.s32 @p0 $0x1  }
0x13: {  	[smem:$0x3FB6] =	sst s0;
	s0 =	simm.s32 @!p1 $0x0  }
0x14: {  	s2 =	sld [smem:$0x3F9A];
	s0 =	simm.s32 @p1 $0x1  }
0x15: {  	[smem:$0x3FB7] =	sst s0;
	s0 =	simm.s32 @!p2 $0x0  }
0x16: {  	s3 =	sld [smem:$0x3FDB];
	s0 =	simm.s32 @p2 $0x1  }
0x17: {  	s4 =	simm.s32 $0x1BF5;
	[smem:$0x3FB9] =	sst s0  }
0x18: {  	s0 =	sld [smem:$0x3F9C];
	_ =	swait.ge [sflag:s4], $0x0  }
0x19: {  	s7 =	sld [smem:$0x3F9D]  }
0x1a: {  	s8 =	sadd.s32 $0xFFFFE003, lr  }
0x1b: {  	s9 =	sadd.s32 $0xFFFFFEF7, lr;
	s5 =	simm.s32 $0xFFFFFFFF;
	p2 =	slt.u32 s8, $0xFFFFF086  }
0x1c: {  	p1 =	slt.u32 s9, $0xF7A;
	s5 =	simm.s32 @!p2 $0x0  }
0x1d: {  	s5 =	simm.s32 @p1 $0x1;
	p0 =	seq.s32 s7, s2  }
0x1e: {  	s7 =	smul.u32 @!p0 $0xF7A, s2;
	p2 =	seq.s32 @!p0 s5, $0x0  }
0x1f: {  	s9 =	smul.u32 $0xF7A, s1;
	s8 =	simm.s32 @!p0 $0x1BF5;
	p2 =	por !p2, p0  }
0x20: {  	[sflag:s8] =	ssyncset.s32 @!p0 $0xFFFFF086;
	s6 =	sadd.s32 @!p0 s3, s7;
	s7 =	simm.s32 @!p0 $0x108  }
0x21: {  	s3 =	sadd.s32 s3, s9;
	s6 =	sadd.s32 @!p0 $0x88, s6;
	s7 =	simm.s32 @p2 $0x1082  }
0x22: {  	[simem:s7], [sflag:s8] =	dma.local @!p0 [hbm:s6], $0xF7A  }
0x23: {  	s9 =	sor.u32 $0xD0000000, s2;
	s6 =	simm.s32 $0x108;
	_ =	swait.ge @!p0 [sflag:s8], $0x0  }
0x24: {  	s3 =	sadd.s32 $0x88, s3;
	s6 =	simm.s32 @!p1 $0x1082;
	[sflag:s4] =	ssyncset.s32 $0xFFFFF086  }
0x25: {  	[simem:s6], [sflag:s4] =	dma.local [hbm:s3], $0xF7A  }
0x26: {  	[smem:$0x3F9D] =	sst s1;
	(tag) =	ssettag s2;
	_ =	strace s9  }
0x27: {  	s1 =	sld [smem:$0x3FAD]  }
0x28: {  	s2 =	sld [smem:$0x3FAE]  }
0x29: {  	s4 =	sld [smem:$0x3FB0]  }
0x2a: {  	p0 =	seq.s32 s5, $0x0;
	s5 =	sld [smem:$0x3FB1]  }
0x2b: {  	s6 =	sld [smem:$0x3FB2]  }
0x2c: {  	s7 =	sld [smem:$0x3FB3]  }
0x2d: {  	s3 =	simm.s32 $0x108;
	s8 =	sld [smem:$0x3FB4]  }
0x2e: {  	s3 =	simm.s32 @!p0 $0x1082;
	s9 =	sld [smem:$0x3FB5]  }
0x2f: {  	lr =	sadd.s32 s0, s3;
	s0 =	sld [smem:$0x3FAC]  }
0x30: {  	s3 =	sld [smem:$0x3FAF]  }
0x31: {  	[smem:$0x3FB8] =	sst s10  }
0x32: {  	s10 =	sld [smem:$0x3FB6];
	_ =	sdelay $0x3  }
0x33: {  	p0 =	seq.s32 s10, $0x1;
	s10 =	sld [smem:$0x3FB8];
	_ =	sdelay $0x3  }
0x34: {  	[smem:$0x3FB8] =	sst s10  }
0x35: {  	s10 =	sld [smem:$0x3FB7];
	_ =	sdelay $0x3  }
0x36: {  	p1 =	seq.s32 s10, $0x1;
	s10 =	sld [smem:$0x3FB8];
	_ =	sdelay $0x3  }
0x37: {  	[smem:$0x3FB8] =	sst s10  }
0x38: {  	s10 =	sld [smem:$0x3FB9]  }
0x39: {  	_ = 	snop;
	(pc) =	sbr.ind lr, $3  }
0x3a: {  	_ = 	snop  }
0x3b: {  	_ = 	snop  }
0x3c: {  	p2 =	seq.s32 s10, $0x1;
	s10 =	sld [smem:$0x3FB8]  }
0x3d: {  	_ =	shalt  }
0x3e: {  	_ =	shalt  }
0x3f: {  	_ =	shalt  }
0x40: {  	_ =	shalt  }
0x41: {  	_ =	shalt  }
0x42: {  	_ =	shalt  }
0x43: {  	_ =	shalt  }
0x44: {  	_ =	shalt  }
0x45: {  	_ =	shalt  }
0x46: {  	_ =	shalt  }
0x47: {  	_ =	shalt  }
0x48: {  	_ =	shalt  }
0x49: {  	_ =	shalt  }
0x4a: {  	_ =	shalt  }
0x4b: {  	_ =	shalt  }
0x4c: {  	_ =	shalt  }
0x4d: {  	_ =	shalt  }
0x4e: {  	_ =	shalt  }
0x4f: {  	_ =	shalt  }
0x50: {  	_ =	shalt  }
0x51: {  	_ =	shalt  }
0x52: {  	_ =	shalt  }
0x53: {  	_ =	shalt  }
0x54: {  	_ =	shalt  }
0x55: {  	_ =	shalt  }
0x56: {  	_ =	shalt  }
0x57: {  	_ =	shalt  }
0x58: {  	_ =	shalt  }
0x59: {  	_ =	shalt  }
0x5a: {  	_ =	shalt  }
0x5b: {  	_ =	shalt  }
0x5c: {  	_ =	shalt  }
0x5d: {  	_ =	shalt  }
0x5e: {  	_ =	shalt  }
0x5f: {  	_ =	shalt  }
0x60: {  	_ =	shalt  }
0x61: {  	_ =	shalt  }
0x62: {  	_ =	shalt  }
0x63: {  	_ =	shalt  }
0x64: {  	_ =	shalt  }
0x65: {  	_ =	shalt  }
0x66: {  	_ =	shalt  }
0x67: {  	_ =	shalt  }
0x68: {  	_ =	shalt  }
0x69: {  	_ =	shalt  }
0x6a: {  	_ =	shalt  }
0x6b: {  	_ =	shalt  }
0x6c: {  	_ =	shalt  }
0x6d: {  	_ =	shalt  }
0x6e: {  	_ =	shalt  }
0x6f: {  	_ =	shalt  }
0x70: {  	_ =	shalt  }
0x71: {  	_ =	shalt  }
0x72: {  	_ =	shalt  }
0x73: {  	_ =	shalt  }
0x74: {  	_ =	shalt  }
0x75: {  	_ =	shalt  }
0x76: {  	_ =	shalt  }
0x77: {  	_ =	shalt  }
0x78: {  	_ =	shalt  }
0x79: {  	_ =	shalt  }
0x7a: {  	_ =	shalt  }
0x7b: {  	_ =	shalt  }
0x7c: {  	_ =	shalt  }
0x7d: {  	_ =	shalt  }
0x7e: {  	_ =	shalt  }
0x7f: {  	_ =	shalt  }
0x80: {  	_ =	shalt  }
0x81: {  	_ =	shalt  }
0x82: {  	_ =	shalt  }
0x83: {  	_ =	shalt  }
0x84: {  	_ =	shalt  }
0x85: {  	_ =	shalt  }
0x86: {  	_ =	shalt  }
0x87: {  	_ =	shalt  }
.Lfunc_end0:
.L_simem_size_0:
called_computation.6_lowered:
.L_overlay_start_0:
0x88: {  	s2 =	sld [smem:$0x3FD9]  }
0x89: {  	s3 =	sld [smem:$0x3FFE];
	_ =	sdelay $0x1  }
0x8a: {  	s1 =	srdreg.scid  }
0x8b: {  	s0 =	sand.u32 $0x1, s1  }
0x8c: {  	s17 =	sshll.u32 s0, $0xA;
	s2 =	sadd.s32 s3, s2  }
0x8d: {  	s2 =	sadd.s32 s2, s17  }
0x8e: {  	[smem:$0x3FC4] =	sst s2  }
0x8f: {  	_ = 	snop  }
0x90: {  	(tm) =	ssettm $0x1  }
0x91: {  	s18 =	sld [smem:$0x3FFB];
	_ =	sdelay $0x3  }
0x92: {  	_ =	strace s18  }
0x93: {  	s2 =	sld [smem:$0x3FFC];
	_ =	sdelay $0x3  }
0x94: {  	_ =	strace s2  }
0x95: {  	s2 =	sld [smem:$0x3FFD];
	_ =	sdelay $0x3  }
0x96: {  	_ =	strace s2  }
0x97: {  	_ =	strace $0x8FFFFFFF  }
0x98: {  	s19 =	sld [smem:$0x3FDB];
	_ =	sdelay $0x1  }
0x99: {  	s20 =	simm.s32 $_scs_section_size  }
0x9a: {  	s4 =	simm.s32 $_size__tile_overlayer_lowered;
	s5 =	simm.s32 $_tile_overlayer_lowered  }
0x9b: {  	s6 =	simm.s32 $0x1BFF;
	s21 =	sshll.u32 s5, $0x1;
	s3 =	sadd.s32 s20, s19  }
0x9c: {  	s22 =	simm.s32 $0x0;
	s4 =	sshll.u32 s4, $0x1;
	s5 =	sadd.s32 s21, s3  }
0x9d: {  	[timem:s22], [sflag:s6] =	dma.local [hbm:s5], s4  }
0x9e: {  	_ =	swait.ge [sflag:s6], s4  }
0x9f: {  	s4 =	ssub.s32 $0x0, s4;
	[sflag:s6] =	ssyncset.done $0x0  }
0xa0: {  	[sflag:s6] =	ssyncadd.s32 s4;
	_ =	sdelay $0x1  }
0xa1: {  	s23 =	simm.s32 $0x1B8B  }
0xa2: {  	_ =	swait.ge [sflag:s23], $0x1  }
0xa3: {  	[sflag:s23] =	ssyncset.done $0x0  }
0xa4: {  	[sflag:s23] =	ssyncadd.s32 $0xFFFFFFFF  }
0xa5: {  	s4 =	sld [smem:$0x0]  }
0xa6: {  	s5 =	sand.u32 $0xFFFFFFFE, s1  }
0xa7: {  	p0 =	sne.s32 s1, s5  }
0xa8: {  	s5 =	sshll.u32 @p0 s5, $0xE  }
0xa9: {  	s5 =	sadd.s32 @p0 $0x11B8D, s5;
	s6 =	sshll.u32 @p0 s4, $0x11  }
0xaa: {  	s5 =	sor.u32 @p0 s6, s5  }
0xab: {  	[sflag:s5] =	ssyncadd.remote.s32 @p0 $0x1;
	_ =	sdelay $0x1  }
0xac: {  	s5 =	simm.s32 @p0 $0x1B8D  }
0xad: {  	_ =	swait.eq @p0 [sflag:s5], $0x1  }
0xae: {  	[sflag:s5] =	ssyncadd.s32 @p0 $0xFFFFFFFF  }
0xaf: {  	s6 =	sshll.u32 @!p0 s1, $0xE  }
0xb0: {  	s6 =	sor.u32 @!p0 $0x4000, s6;
	s5 =	simm.s32 @!p0 $0x1B8D  }
0xb1: {  	s4 =	sshll.u32 @!p0 s4, $0x11;
	s6 =	sadd.s32 @!p0 $0x11B8D, s6;
	_ =	swait.eq @!p0 [sflag:s5], $0x1  }
0xb2: {  	s4 =	sor.u32 @!p0 s4, s6;
	[sflag:s5] =	ssyncadd.s32 @!p0 $0xFFFFFFFF  }
0xb3: {  	s25 =	simm.s32 $0x1B8E;
	s24 =	sld [smem:$0x3FFE];
	[sflag:s4] =	ssyncadd.remote.s32 @!p0 $0x1  }
0xb4: {  	s26 =	simm.s32 $execute0_lowered;
	[smem:$0x3FD2] =	sst s25  }
0xb5: {  	s5 =	sshll.u32 s26, $0x1;
	_ =	strace $0x80000058;
	[dreg:$0x1] =	wrdreg $0xFFFFFFFF  }
0xb6: {  	s28 =	simm.s32 $_size_execute0_lowered;
	s3 =	sadd.s32 s3, s5;
	[dreg:$0x0] =	wrdreg $0x0  }
0xb7: {  	s5 =	sshll.u32 s28, $0x1;
	[dreg:$0x2] =	wrdreg s3  }
0xb8: {  	[dreg:$0x3] =	wrdreg s5  }
0xb9: {  	[dreg:$0x4] =	wrdreg $0xC0  }
0xba: {  	_ =	task [dreg:s22], $0x5FFFF  }
0xbb: {  	[dreg:$0x1] =	wrdreg $0xFFFFFFFF  }
0xbc: {  	[dreg:$0x0] =	wrdreg $0x60  }
0xbd: {  	[dreg:$0x2] =	wrdreg s24  }
0xbe: {  	[dreg:$0x3] =	wrdreg $0x0  }
0xbf: {  	[dreg:$0x4] =	wrdreg $0xB  }
0xc0: {  	_ =	task.clear_ibuf [dreg:s22], $0x5FFFF;
	_ =	strace $0x90000058  }
0xc1: {  	s29 =	simm.s32 $0xB;
	_ =	strace $0x8000005A  }
0xc2: {  	_ =	swait.ge [sflag:s29], $0x1  }
0xc3: {  	[sflag:s29] =	ssyncadd.s32 $0xFFFFFFFF  }
0xc4: {  	_ =	strace $0x9000005A  }
0xc5: {  	_ =	sfence  }
0xc6: {  	s30 =	sld [smem:$0x0];
	_ =	sdelay $0x2  }
0xc7: {  	s31 =	sshll.u32 s1, $0xD;
	s1 =	sshrl.u32 s1, $0x2  }
0xc8: {  	s4 =	sand.u32 $0x4000, s31;
	s1 =	sadd.s32 s1, s30  }
0xc9: {  	s0 =	sor.u32 s4, s0;
	s1 =	sshll.u32 s1, $0x11  }
0xca: {  	s0 =	sor.u32 s1, s0  }
0xcb: {  	s0 =	sadd.s32 $0x8F2B, s0  }
0xcc: {  	[sflag:s0] =	ssyncadd.remote.s32 $0x1  }
0xcd: {  	_ =	sfence.sel $0xFFFF  }
0xce: {  	[dreg:$0x0] =	wrdreg $0xFFFFFFFF;
	(pc) =	sbr.abs _section_cstart, $3  }
0xcf: {  	[dreg:$0x1] =	wrdreg $0xFFFFFFFF  }
0xd0: {  	_ =	task.clear_ibuf [dreg:s22], $0x2FFFF;
	_ =	strace $0x9FFFFFFF  }
0xd1: {  	(tm) =	ssettm $0x7FFFFFFF  }
tec
execute0_lowered:
.L_overlay_start_1:
0x0: {  	(tag) =	ssettag $0x1  }
0x1: {  	s1 =	srdreg.scid;
	s4 =	rddreg [dreg:$0x0]  }
0x2: {  	s0 =	stileid.u32;
	s2 =	rddreg [dreg:$0x1];
	s3 =	simm.s32 $0x0  }
0x3: {  	s20 =	simm.s32 $0x1;
	s21 =	simm.s32 $0x4000;
	s22 =	simm.s32 $0x18000  }
0x4: {  	s23 =	simm.s32 $0x2;
	s24 =	simm.s32 $0x1C000;
	s28 =	simm.s32 $0x5  }
0x5: {  	s29 =	simm.s32 $0x6;
	s30 =	simm.s32 $0x0;
	s5 =	sand.u32 $0x1, s1  }
0x6: {  	s6 =	sshll.u32 s0, $0x10;
	[smem:$0x7FF] =	sst s3;
	s9 =	sshll.u32 s0, $0x13  }
0x7: {  	s14 =	sadd.s32 $0xA78400, s4;
	s15 =	sadd.s32 $0x870400, s4;
	s31 =	sshll.u32 s0, $0x6  }
0x8: {  	s7 =	sshll.u32 s5, $0x14;
	_ =	strace $0x80000059;
	s8 =	ssub.s32 $0x2, s5  }
0x9: {  	s5 =	sshll.u32 s5, $0x17;
	s16 =	sadd.s32 s6, s2;
	s7 =	sor.u32 s6, s7  }
0xa: {  	s10 =	sshrl.u32 s8, $0x1;
	s12 =	sor.u32 s9, s5;
	s6 =	sor.u32 $0x1C07, s31  }
0xb: {  	s16 =	sshrl.u32 s16, $0x3;
	s7 =	sshrl.u32 s7, $0x3;
	s25 =	ssub.s32 s8, s10  }
0xc: {  	s26 =	sshrl.u32 s12, $0x3;
	s13 =	sor.u32 $0xC000, s12;
	s11 =	sor.u32 $0x8000, s12  }
0xd: {  	s18 =	sor.u32 $0x10000, s12;
	s12 =	sor.u32 $0x14000, s12;
	s7 =	sadd.s32 s7, s4  }
0xe: {  	s4 =	sadd.s32 s14, s26;
	s8 =	sadd.s32 s15, s26;
	s9 =	smax.u32 s25, $0x1  }
0xf: {  	s17 =	sshrl.u32 s11, $0x3;
	s13 =	sshrl.u32 s13, $0x3;
	s18 =	sshrl.u32 s18, $0x3  }
.Ltmp0:
0x10: {  	s19 =	sshrl.u32 s12, $0x3;
	s25 =	simm.s32 $0x3;
	(pc) =	sbr.rel .LBB2_1-.Ltmp0, $4  }
0x11: {  	s26 =	simm.s32 $0x4;
	s5 =	sadd.s32 $0x1080400, s7;
	s7 =	sadd.s32 $0x800, s4  }
0x12: {  	s10 =	sadd.s32 $0x800, s8;
	s11 =	sadd.s32 s14, s17;
	s12 =	sadd.s32 s14, s13  }
0x13: {  	s13 =	sadd.s32 s18, s14;
	s14 =	sadd.s32 s19, s14;
	s15 =	sadd.s32 s17, s15  }
0x14: {  	s17 =	simm.s32 $0x7;
	s18 =	simm.s32 $0x10000;
	s19 =	simm.s32 $0x14000  }
.LBB2_4:
0x15: {  	s30 =	sadd.s32 $0x1, s30  }
0x16: {  	_ =	swait.ge [sflag:s28], $0x4000;
	p0 =	sne.s32 s30, s9  }
.Ltmp1:
0x17: {  	[sflag:s28] =	ssyncset.done $0x0;
	(pc) =	sbr.rel @!p0 .LBB2_5-.Ltmp1, $4  }
0x18: {  	[sflag:s28] =	ssyncadd.s32 $0xFFFFC000  }
0x19: {  	_ =	swait.ge [sflag:s29], $0x4000  }
0x1a: {  	[sflag:s29] =	ssyncset.done $0x0  }
0x1b: {  	[sflag:s29] =	ssyncadd.s32 $0xFFFFC000  }
.LBB2_1:
0x1c: {  	[spmem:s16], [sflag:s6] =	dma.local [hbm:s5], $0x2000  }
0x1d: {  	_ =	swait.ge [sflag:s17], $0x2000  }
0x1e: {  	[sflag:s17] =	ssyncset.done $0x0  }
0x1f: {  	[sflag:s17] =	ssyncadd.s32 $0xFFFFE000  }
0x20: {  	[bflag:$0x0] =	sbarrier.arrive $0xFFFF  }
0x21: {  	[tilespmem:s18], [sflag:$0x1] =	stream.linear.gather [hbm4b:s4+s3], $0x4000, $0x38;
	v63 =	vld [tilespmem:$0x0]  }
0x22: {  	_ = 	snop  }
0x23: {  	[tilespmem:s19], [sflag:$0x2] =	stream.linear.gather [hbm4b:s7+s3], $0x4000, $0x38;
	v63 =	vld [tilespmem:$0x0]  }
0x24: {  	_ =	swait.ge [sflag:s20], $0x4000  }
0x25: {  	[sflag:s20] =	ssyncset.done $0x0  }
0x26: {  	[sflag:s20] =	ssyncadd.s32 $0xFFFFC000  }
0x27: {  	[tilespmem:s22], [sflag:$0x3] =	stream.indirect.gather [spmem:s2], $0x1, s18, s21, $0xb8;
	v63 =	vld [tilespmem:$0x0]  }
0x28: {  	_ =	swait.ge [sflag:s23], $0x4000  }
0x29: {  	[sflag:s23] =	ssyncset.done $0x0  }
0x2a: {  	[sflag:s23] =	ssyncadd.s32 $0xFFFFC000  }
0x2b: {  	[tilespmem:s24], [sflag:$0x4] =	stream.indirect.gather [spmem:s2], $0x1, s19, s21, $0xb8;
	v63 =	vld [tilespmem:$0x0]  }
0x2c: {  	_ =	swait.ge [sflag:s25], $0x4000  }
0x2d: {  	[sflag:s25] =	ssyncset.done $0x0  }
0x2e: {  	[sflag:s25] =	ssyncadd.s32 $0xFFFFC000  }
0x2f: {  	[hbm4b:s8+s3] =	stream.linear.scatter [tilespmem:s22], [sflag:$0x5], $0x4000, $0x38;
	v63 =	vld [tilespmem:$0x0]  }
0x30: {  	_ =	swait.ge [sflag:s26], $0x4000  }
0x31: {  	[sflag:s26] =	ssyncset.done $0x0  }
0x32: {  	[sflag:s26] =	ssyncadd.s32 $0xFFFFC000  }
0x33: {  	[hbm4b:s10+s3] =	stream.linear.scatter [tilespmem:s24], [sflag:$0x6], $0x4000, $0x38;
	v63 =	vld [tilespmem:$0x0]  }
0x34: {  	_ = 	snop  }
0x35: {  	[tilespmem:s18], [sflag:$0x1] =	stream.linear.gather [hbm4b:s11+s3], $0x4000, $0x38;
	v63 =	vld [tilespmem:$0x0]  }
0x36: {  	s31 =	simm.s32 $0x0  }
0x37: {  	[tilespmem:s19], [sflag:$0x2] =	stream.linear.gather [hbm4b:s12+s3], $0x4000, $0x38;
	v63 =	vld [tilespmem:$0x0]  }
.LBB2_2:
0x38: {  	_ =	swait.ge [sflag:s28], $0x4000  }
0x39: {  	[sflag:s28] =	ssyncset.done $0x0  }
0x3a: {  	[sflag:s28] =	ssyncadd.s32 $0xFFFFC000  }
0x3b: {  	_ =	swait.ge [sflag:s29], $0x4000  }
0x3c: {  	[sflag:s29] =	ssyncset.done $0x0  }
0x3d: {  	[sflag:s29] =	ssyncadd.s32 $0xFFFFC000  }
0x3e: {  	_ =	swait.ge [sflag:s20], $0x4000  }
0x3f: {  	[sflag:s20] =	ssyncset.done $0x0  }
0x40: {  	[sflag:s20] =	ssyncadd.s32 $0xFFFFC000  }
0x41: {  	[tilespmem:s22], [sflag:$0x3] =	stream.indirect.gather [spmem:s2], $0x1, s18, s21, $0xb8;
	v63 =	vld [tilespmem:$0x0]  }
0x42: {  	_ =	swait.ge [sflag:s23], $0x4000  }
0x43: {  	[sflag:s23] =	ssyncset.done $0x0  }
0x44: {  	[sflag:s23] =	ssyncadd.s32 $0xFFFFC000  }
0x45: {  	[tilespmem:s24], [sflag:$0x4] =	stream.indirect.gather [spmem:s2], $0x1, s19, s21, $0xb8;
	v63 =	vld [tilespmem:$0x0]  }
0x46: {  	_ =	swait.ge [sflag:s25], $0x4000  }
0x47: {  	[sflag:s25] =	ssyncset.done $0x0  }
0x48: {  	s1 =	sadd.s32 s31, s15;
	p0 =	seq.s32 s31, $0xE000;
	[sflag:s25] =	ssyncadd.s32 $0xFFFFC000  }
0x49: {  	[hbm4b:s1+s3] =	stream.linear.scatter [tilespmem:s22], [sflag:$0x5], $0x4000, $0x38;
	v63 =	vld [tilespmem:$0x0]  }
.Ltmp2:
0x4a: {  	_ = 	snop;
	(pc) =	sbr.rel @p0 .LBB2_4-.Ltmp2, $4  }
0x4b: {  	_ =	swait.ge [sflag:s26], $0x4000  }
0x4c: {  	[sflag:s26] =	ssyncset.done $0x0  }
0x4d: {  	s1 =	sadd.s32 $0x800, s1;
	[sflag:s26] =	ssyncadd.s32 $0xFFFFC000  }
0x4e: {  	[hbm4b:s1+s3] =	stream.linear.scatter [tilespmem:s24], [sflag:$0x6], $0x4000, $0x38;
	v63 =	vld [tilespmem:$0x0]  }
.Ltmp3:
0x4f: {  	(pc) =	sbr.rel .LBB2_2-.Ltmp3, $4  }
0x50: {  	s1 =	sadd.s32 s31, s13  }
0x51: {  	[tilespmem:s18], [sflag:$0x1] =	stream.linear.gather [hbm4b:s1+s3], $0x4000, $0x38;
	v63 =	vld [tilespmem:$0x0]  }
0x52: {  	s1 =	sadd.s32 s31, s14;
	s31 =	sadd.s32 $0x1000, s31  }
0x53: {  	[tilespmem:s19], [sflag:$0x2] =	stream.linear.gather [hbm4b:s1+s3], $0x4000, $0x38;
	v63 =	vld [tilespmem:$0x0]  }
.LBB2_5:
0x54: {  	_ =	sfence.sel $0x180000  }
0x55: {  	[bflag:$0x0] =	sbarrier.arrive $0xFFFF  }
0x56: {  	_ =	strace $0x90000059  }
0x57: {  	[bflag:$0x2] =	sbarrier.arrive $0xFFFF  }
0x58: {  	p0 =	sne.s32 s0, $0x0;
	s0 =	rddreg [dreg:$0x2]  }
0x59: {  	s0 =	sadd.s32 @!p0 $0x100000, s0  }
0x5a: {  	[sflag:s0] =	ssyncadd.tile.s32 @!p0 $0x1;
	_ =	shalt  }
.Lfunc_end2:
_tile_overlayer_lowered:
.L_overlay_start_2:
0x5b: {  	(tag) =	ssettag $0x2  }
0x5c: {  	s0 =	rddreg [dreg:$0x0];
	s2 =	stileid.u32  }
0x5d: {  	s1 =	rddreg [dreg:$0x1];
	p0 =	sne.s32 s2, $0x0  }
0x5e: {  	s3 =	rddreg [dreg:$0x2];
	[bflag:$0x3] =	sbarrier.arrive $0xFFFF;
	s2 =	simm.s32 @!p0 $0x1C07  }
0x5f: {  	[timem:s3], [sflag:s2] =	dma.local @!p0 [hbm:s0], s1  }
0x60: {  	s0 =	simm.s32 @!p0 $0x7  }
0x61: {  	_ =	swait.ge @!p0 [sflag:s0], s1  }
0x62: {  	s1 =	ssub.s32 @!p0 $0x0, s1;
	[sflag:s0] =	ssyncset.done @!p0 $0x0  }
0x63: {  	[sflag:s0] =	ssyncadd.s32 @!p0 s1  }
0x64: {  	[bflag:$0x3] =	sbarrier.arrive $0xFFFF  }
0x65: {  	_ =	shalt  }

// kernel: kernel.27.cloned.1.call-start
scs
__scs_entry_jumppad:
0x0: {  	(pc) =	sbr.rel $0x88, $3  }
0x1: {  	(tag) =	ssettag $0x0;
	lr =	simm.s32 $0x1  }
0x2: {  	[smem:$0x3F9D] =	sst lr;
	_ =	strace $0xD0000000  }
0x3: {  	_ = 	snop  }
0x4: {  	_ = 	snop  }
0x5: {  	_ = 	snop  }
0x6: {  	_ = 	snop  }
0x7: {  	_ = 	snop  }
__scs_overlays_trampoline_lowered:
0x8: {  	[smem:$0x3FAC] =	sst s0  }
0x9: {  	[smem:$0x3FAD] =	sst s1  }
0xa: {  	[smem:$0x3FAE] =	sst s2  }
0xb: {  	[smem:$0x3FAF] =	sst s3  }
0xc: {  	[smem:$0x3FB0] =	sst s4  }
0xd: {  	[smem:$0x3FB1] =	sst s5  }
0xe: {  	[smem:$0x3FB2] =	sst s6  }
0xf: {  	[smem:$0x3FB3] =	sst s7  }
0x10: {  	[smem:$0x3FB4] =	sst s8  }
0x11: {  	[smem:$0x3FB5] =	sst s9;
	s0 =	simm.s32 @!p0 $0x0  }
0x12: {  	s1 =	sld [smem:$0x3F9B];
	s0 =	simm.s32 @p0 $0x1  }
0x13: {  	[smem:$0x3FB6] =	sst s0;
	s0 =	simm.s32 @!p1 $0x0  }
0x14: {  	s2 =	sld [smem:$0x3F9A];
	s0 =	simm.s32 @p1 $0x1  }
0x15: {  	[smem:$0x3FB7] =	sst s0;
	s0 =	simm.s32 @!p2 $0x0  }
0x16: {  	s3 =	sld [smem:$0x3FDB];
	s0 =	simm.s32 @p2 $0x1  }
0x17: {  	s4 =	simm.s32 $0x1BF5;
	[smem:$0x3FB9] =	sst s0  }
0x18: {  	s0 =	sld [smem:$0x3F9C];
	_ =	swait.ge [sflag:s4], $0x0  }
0x19: {  	s7 =	sld [smem:$0x3F9D]  }
0x1a: {  	s8 =	sadd.s32 $0xFFFFE003, lr  }
0x1b: {  	s9 =	sadd.s32 $0xFFFFFEF7, lr;
	s5 =	simm.s32 $0xFFFFFFFF;
	p2 =	slt.u32 s8, $0xFFFFF086  }
0x1c: {  	p1 =	slt.u32 s9, $0xF7A;
	s5 =	simm.s32 @!p2 $0x0  }
0x1d: {  	s5 =	simm.s32 @p1 $0x1;
	p0 =	seq.s32 s7, s2  }
0x1e: {  	s7 =	smul.u32 @!p0 $0xF7A, s2;
	p2 =	seq.s32 @!p0 s5, $0x0  }
0x1f: {  	s9 =	smul.u32 $0xF7A, s1;
	s8 =	simm.s32 @!p0 $0x1BF5;
	p2 =	por !p2, p0  }
0x20: {  	[sflag:s8] =	ssyncset.s32 @!p0 $0xFFFFF086;
	s6 =	sadd.s32 @!p0 s3, s7;
	s7 =	simm.s32 @!p0 $0x108  }
0x21: {  	s3 =	sadd.s32 s3, s9;
	s6 =	sadd.s32 @!p0 $0x88, s6;
	s7 =	simm.s32 @p2 $0x1082  }
0x22: {  	[simem:s7], [sflag:s8] =	dma.local @!p0 [hbm:s6], $0xF7A  }
0x23: {  	s9 =	sor.u32 $0xD0000000, s2;
	s6 =	simm.s32 $0x108;
	_ =	swait.ge @!p0 [sflag:s8], $0x0  }
0x24: {  	s3 =	sadd.s32 $0x88, s3;
	s6 =	simm.s32 @!p1 $0x1082;
	[sflag:s4] =	ssyncset.s32 $0xFFFFF086  }
0x25: {  	[simem:s6], [sflag:s4] =	dma.local [hbm:s3], $0xF7A  }
0x26: {  	[smem:$0x3F9D] =	sst s1;
	(tag) =	ssettag s2;
	_ =	strace s9  }
0x27: {  	s1 =	sld [smem:$0x3FAD]  }
0x28: {  	s2 =	sld [smem:$0x3FAE]  }
0x29: {  	s4 =	sld [smem:$0x3FB0]  }
0x2a: {  	p0 =	seq.s32 s5, $0x0;
	s5 =	sld [smem:$0x3FB1]  }
0x2b: {  	s6 =	sld [smem:$0x3FB2]  }
0x2c: {  	s7 =	sld [smem:$0x3FB3]  }
0x2d: {  	s3 =	simm.s32 $0x108;
	s8 =	sld [smem:$0x3FB4]  }
0x2e: {  	s3 =	simm.s32 @!p0 $0x1082;
	s9 =	sld [smem:$0x3FB5]  }
0x2f: {  	lr =	sadd.s32 s0, s3;
	s0 =	sld [smem:$0x3FAC]  }
0x30: {  	s3 =	sld [smem:$0x3FAF]  }
0x31: {  	[smem:$0x3FB8] =	sst s10  }
0x32: {  	s10 =	sld [smem:$0x3FB6];
	_ =	sdelay $0x3  }
0x33: {  	p0 =	seq.s32 s10, $0x1;
	s10 =	sld [smem:$0x3FB8];
	_ =	sdelay $0x3  }
0x34: {  	[smem:$0x3FB8] =	sst s10  }
0x35: {  	s10 =	sld [smem:$0x3FB7];
	_ =	sdelay $0x3  }
0x36: {  	p1 =	seq.s32 s10, $0x1;
	s10 =	sld [smem:$0x3FB8];
	_ =	sdelay $0x3  }
0x37: {  	[smem:$0x3FB8] =	sst s10  }
0x38: {  	s10 =	sld [smem:$0x3FB9]  }
0x39: {  	_ = 	snop;
	(pc) =	sbr.ind lr, $3  }
0x3a: {  	_ = 	snop  }
0x3b: {  	_ = 	snop  }
0x3c: {  	p2 =	seq.s32 s10, $0x1;
	s10 =	sld [smem:$0x3FB8]  }
0x3d: {  	_ =	shalt  }
0x3e: {  	_ =	shalt  }
0x3f: {  	_ =	shalt  }
0x40: {  	_ =	shalt  }
0x41: {  	_ =	shalt  }
0x42: {  	_ =	shalt  }
0x43: {  	_ =	shalt  }
0x44: {  	_ =	shalt  }
0x45: {  	_ =	shalt  }
0x46: {  	_ =	shalt  }
0x47: {  	_ =	shalt  }
0x48: {  	_ =	shalt  }
0x49: {  	_ =	shalt  }
0x4a: {  	_ =	shalt  }
0x4b: {  	_ =	shalt  }
0x4c: {  	_ =	shalt  }
0x4d: {  	_ =	shalt  }
0x4e: {  	_ =	shalt  }
0x4f: {  	_ =	shalt  }
0x50: {  	_ =	shalt  }
0x51: {  	_ =	shalt  }
0x52: {  	_ =	shalt  }
0x53: {  	_ =	shalt  }
0x54: {  	_ =	shalt  }
0x55: {  	_ =	shalt  }
0x56: {  	_ =	shalt  }
0x57: {  	_ =	shalt  }
0x58: {  	_ =	shalt  }
0x59: {  	_ =	shalt  }
0x5a: {  	_ =	shalt  }
0x5b: {  	_ =	shalt  }
0x5c: {  	_ =	shalt  }
0x5d: {  	_ =	shalt  }
0x5e: {  	_ =	shalt  }
0x5f: {  	_ =	shalt  }
0x60: {  	_ =	shalt  }
0x61: {  	_ =	shalt  }
0x62: {  	_ =	shalt  }
0x63: {  	_ =	shalt  }
0x64: {  	_ =	shalt  }
0x65: {  	_ =	shalt  }
0x66: {  	_ =	shalt  }
0x67: {  	_ =	shalt  }
0x68: {  	_ =	shalt  }
0x69: {  	_ =	shalt  }
0x6a: {  	_ =	shalt  }
0x6b: {  	_ =	shalt  }
0x6c: {  	_ =	shalt  }
0x6d: {  	_ =	shalt  }
0x6e: {  	_ =	shalt  }
0x6f: {  	_ =	shalt  }
0x70: {  	_ =	shalt  }
0x71: {  	_ =	shalt  }
0x72: {  	_ =	shalt  }
0x73: {  	_ =	shalt  }
0x74: {  	_ =	shalt  }
0x75: {  	_ =	shalt  }
0x76: {  	_ =	shalt  }
0x77: {  	_ =	shalt  }
0x78: {  	_ =	shalt  }
0x79: {  	_ =	shalt  }
0x7a: {  	_ =	shalt  }
0x7b: {  	_ =	shalt  }
0x7c: {  	_ =	shalt  }
0x7d: {  	_ =	shalt  }
0x7e: {  	_ =	shalt  }
0x7f: {  	_ =	shalt  }
0x80: {  	_ =	shalt  }
0x81: {  	_ =	shalt  }
0x82: {  	_ =	shalt  }
0x83: {  	_ =	shalt  }
0x84: {  	_ =	shalt  }
0x85: {  	_ =	shalt  }
0x86: {  	_ =	shalt  }
0x87: {  	_ =	shalt  }
.Lfunc_end0:
.L_simem_size_0:
called_computation.7_lowered:
.L_overlay_start_0:
0x88: {  	s2 =	sld [smem:$0x3FD9]  }
0x89: {  	s3 =	sld [smem:$0x3FFE];
	_ =	sdelay $0x1  }
0x8a: {  	s1 =	srdreg.scid  }
0x8b: {  	s0 =	sand.u32 $0x1, s1  }
0x8c: {  	s17 =	sshll.u32 s0, $0xA;
	s2 =	sadd.s32 s3, s2  }
0x8d: {  	s2 =	sadd.s32 s2, s17  }
0x8e: {  	[smem:$0x3FC4] =	sst s2  }
0x8f: {  	_ = 	snop  }
0x90: {  	(tm) =	ssettm $0x1  }
0x91: {  	s18 =	sld [smem:$0x3FFB];
	_ =	sdelay $0x3  }
0x92: {  	_ =	strace s18  }
0x93: {  	s2 =	sld [smem:$0x3FFC];
	_ =	sdelay $0x3  }
0x94: {  	_ =	strace s2  }
0x95: {  	s2 =	sld [smem:$0x3FFD];
	_ =	sdelay $0x3  }
0x96: {  	_ =	strace s2  }
0x97: {  	_ =	strace $0x8FFFFFFF  }
0x98: {  	s19 =	sld [smem:$0x3FDB];
	_ =	sdelay $0x1  }
0x99: {  	s20 =	simm.s32 $_scs_section_size  }
0x9a: {  	s4 =	simm.s32 $_size__tile_overlayer_lowered;
	s5 =	simm.s32 $_tile_overlayer_lowered  }
0x9b: {  	s6 =	simm.s32 $0x1BFF;
	s21 =	sshll.u32 s5, $0x1;
	s3 =	sadd.s32 s20, s19  }
0x9c: {  	s22 =	simm.s32 $0x0;
	s4 =	sshll.u32 s4, $0x1;
	s5 =	sadd.s32 s21, s3  }
0x9d: {  	[timem:s22], [sflag:s6] =	dma.local [hbm:s5], s4  }
0x9e: {  	_ =	swait.ge [sflag:s6], s4  }
0x9f: {  	s4 =	ssub.s32 $0x0, s4;
	[sflag:s6] =	ssyncset.done $0x0  }
0xa0: {  	[sflag:s6] =	ssyncadd.s32 s4;
	_ =	sdelay $0x1  }
0xa1: {  	s23 =	simm.s32 $0x1B8B  }
0xa2: {  	_ =	swait.ge [sflag:s23], $0x1  }
0xa3: {  	[sflag:s23] =	ssyncset.done $0x0  }
0xa4: {  	[sflag:s23] =	ssyncadd.s32 $0xFFFFFFFF  }
0xa5: {  	s4 =	sld [smem:$0x0]  }
0xa6: {  	s5 =	sand.u32 $0xFFFFFFFE, s1  }
0xa7: {  	p0 =	sne.s32 s1, s5  }
0xa8: {  	s5 =	sshll.u32 @p0 s5, $0xE  }
0xa9: {  	s5 =	sadd.s32 @p0 $0x11B8D, s5;
	s6 =	sshll.u32 @p0 s4, $0x11  }
0xaa: {  	s5 =	sor.u32 @p0 s6, s5  }
0xab: {  	[sflag:s5] =	ssyncadd.remote.s32 @p0 $0x1;
	_ =	sdelay $0x1  }
0xac: {  	s5 =	simm.s32 @p0 $0x1B8D  }
0xad: {  	_ =	swait.eq @p0 [sflag:s5], $0x1  }
0xae: {  	[sflag:s5] =	ssyncadd.s32 @p0 $0xFFFFFFFF  }
0xaf: {  	s6 =	sshll.u32 @!p0 s1, $0xE  }
0xb0: {  	s6 =	sor.u32 @!p0 $0x4000, s6;
	s5 =	simm.s32 @!p0 $0x1B8D  }
0xb1: {  	s4 =	sshll.u32 @!p0 s4, $0x11;
	s6 =	sadd.s32 @!p0 $0x11B8D, s6;
	_ =	swait.eq @!p0 [sflag:s5], $0x1  }
0xb2: {  	s4 =	sor.u32 @!p0 s4, s6;
	[sflag:s5] =	ssyncadd.s32 @!p0 $0xFFFFFFFF  }
0xb3: {  	s25 =	simm.s32 $0x1B8E;
	s24 =	sld [smem:$0x3FFE];
	[sflag:s4] =	ssyncadd.remote.s32 @!p0 $0x1  }
0xb4: {  	s26 =	simm.s32 $execute0_lowered;
	[smem:$0x3FD2] =	sst s25  }
0xb5: {  	s5 =	sshll.u32 s26, $0x1;
	_ =	strace $0x8000005B;
	[dreg:$0x1] =	wrdreg $0xFFFFFFFF  }
0xb6: {  	s28 =	simm.s32 $_size_execute0_lowered;
	s3 =	sadd.s32 s3, s5;
	[dreg:$0x0] =	wrdreg $0x0  }
0xb7: {  	s5 =	sshll.u32 s28, $0x1;
	[dreg:$0x2] =	wrdreg s3  }
0xb8: {  	[dreg:$0x3] =	wrdreg s5  }
0xb9: {  	[dreg:$0x4] =	wrdreg $0xC0  }
0xba: {  	_ =	task [dreg:s22], $0x5FFFF  }
0xbb: {  	[dreg:$0x1] =	wrdreg $0xFFFFFFFF  }
0xbc: {  	[dreg:$0x0] =	wrdreg $0x60  }
0xbd: {  	[dreg:$0x2] =	wrdreg s24  }
0xbe: {  	[dreg:$0x3] =	wrdreg $0x0  }
0xbf: {  	[dreg:$0x4] =	wrdreg $0x9  }
0xc0: {  	_ =	task.clear_ibuf [dreg:s22], $0x5FFFF;
	_ =	strace $0x9000005B  }
0xc1: {  	s29 =	simm.s32 $0x9;
	_ =	strace $0x8000005D  }
0xc2: {  	_ =	swait.ge [sflag:s29], $0x1  }
0xc3: {  	[sflag:s29] =	ssyncadd.s32 $0xFFFFFFFF  }
0xc4: {  	_ =	strace $0x9000005D  }
0xc5: {  	_ =	sfence  }
0xc6: {  	s30 =	sld [smem:$0x0];
	_ =	sdelay $0x2  }
0xc7: {  	s31 =	sshll.u32 s1, $0xD;
	s1 =	sshrl.u32 s1, $0x2  }
0xc8: {  	s4 =	sand.u32 $0x4000, s31;
	s1 =	sadd.s32 s1, s30  }
0xc9: {  	s0 =	sor.u32 s4, s0;
	s1 =	sshll.u32 s1, $0x11  }
0xca: {  	s0 =	sor.u32 s1, s0  }
0xcb: {  	s0 =	sadd.s32 $0x8F2B, s0  }
0xcc: {  	[sflag:s0] =	ssyncadd.remote.s32 $0x1  }
0xcd: {  	_ =	sfence.sel $0xFFFF  }
0xce: {  	[dreg:$0x0] =	wrdreg $0xFFFFFFFF;
	(pc) =	sbr.abs _section_cstart, $3  }
0xcf: {  	[dreg:$0x1] =	wrdreg $0xFFFFFFFF  }
0xd0: {  	_ =	task.clear_ibuf [dreg:s22], $0x2FFFF;
	_ =	strace $0x9FFFFFFF  }
0xd1: {  	(tm) =	ssettm $0x7FFFFFFF  }
tec
execute0_lowered:
.L_overlay_start_1:
0x0: {  	(tag) =	ssettag $0x1  }
0x1: {  	s1 =	srdreg.scid;
	s4 =	rddreg [dreg:$0x0]  }
0x2: {  	s0 =	stileid.u32;
	s2 =	rddreg [dreg:$0x1];
	s3 =	simm.s32 $0x0  }
0x3: {  	s20 =	simm.s32 $0x1;
	s21 =	simm.s32 $0x4000;
	s22 =	simm.s32 $0x18000  }
0x4: {  	s23 =	simm.s32 $0x2;
	s24 =	simm.s32 $0x1C000;
	s28 =	simm.s32 $0x5  }
0x5: {  	s29 =	simm.s32 $0x6;
	s30 =	simm.s32 $0x0;
	s5 =	sand.u32 $0x1, s1  }
0x6: {  	s6 =	sshll.u32 s0, $0x10;
	[smem:$0x7FF] =	sst s3;
	s9 =	sshll.u32 s0, $0x13  }
0x7: {  	s14 =	sadd.s32 $0xE80400, s4;
	s15 =	sadd.s32 $0xC78400, s4;
	s31 =	sshll.u32 s0, $0x6  }
0x8: {  	s7 =	sshll.u32 s5, $0x14;
	_ =	strace $0x8000005C;
	s8 =	ssub.s32 $0x2, s5  }
0x9: {  	s5 =	sshll.u32 s5, $0x17;
	s16 =	sadd.s32 s6, s2;
	s7 =	sor.u32 s6, s7  }
0xa: {  	s10 =	sshrl.u32 s8, $0x1;
	s12 =	sor.u32 s9, s5;
	s6 =	sor.u32 $0x1C07, s31  }
0xb: {  	s16 =	sshrl.u32 s16, $0x3;
	s7 =	sshrl.u32 s7, $0x3;
	s25 =	ssub.s32 s8, s10  }
0xc: {  	s26 =	sshrl.u32 s12, $0x3;
	s13 =	sor.u32 $0xC000, s12;
	s11 =	sor.u32 $0x8000, s12  }
0xd: {  	s18 =	sor.u32 $0x10000, s12;
	s12 =	sor.u32 $0x14000, s12;
	s7 =	sadd.s32 s7, s4  }
0xe: {  	s4 =	sadd.s32 s14, s26;
	s8 =	sadd.s32 s15, s26;
	s9 =	smax.u32 s25, $0x1  }
0xf: {  	s17 =	sshrl.u32 s11, $0x3;
	s13 =	sshrl.u32 s13, $0x3;
	s18 =	sshrl.u32 s18, $0x3  }
.Ltmp0:
0x10: {  	s19 =	sshrl.u32 s12, $0x3;
	s25 =	simm.s32 $0x3;
	(pc) =	sbr.rel .LBB2_1-.Ltmp0, $4  }
0x11: {  	s26 =	simm.s32 $0x4;
	s5 =	sadd.s32 $0x1080400, s7;
	s7 =	sadd.s32 $0x800, s4  }
0x12: {  	s10 =	sadd.s32 $0x800, s8;
	s11 =	sadd.s32 s14, s17;
	s12 =	sadd.s32 s14, s13  }
0x13: {  	s13 =	sadd.s32 s18, s14;
	s14 =	sadd.s32 s19, s14;
	s15 =	sadd.s32 s17, s15  }
0x14: {  	s17 =	simm.s32 $0x7;
	s18 =	simm.s32 $0x10000;
	s19 =	simm.s32 $0x14000  }
.LBB2_4:
0x15: {  	s30 =	sadd.s32 $0x1, s30  }
0x16: {  	_ =	swait.ge [sflag:s28], $0x4000;
	p0 =	sne.s32 s30, s9  }
.Ltmp1:
0x17: {  	[sflag:s28] =	ssyncset.done $0x0;
	(pc) =	sbr.rel @!p0 .LBB2_5-.Ltmp1, $4  }
0x18: {  	[sflag:s28] =	ssyncadd.s32 $0xFFFFC000  }
0x19: {  	_ =	swait.ge [sflag:s29], $0x4000  }
0x1a: {  	[sflag:s29] =	ssyncset.done $0x0  }
0x1b: {  	[sflag:s29] =	ssyncadd.s32 $0xFFFFC000  }
.LBB2_1:
0x1c: {  	[spmem:s16], [sflag:s6] =	dma.local [hbm:s5], $0x2000  }
0x1d: {  	_ =	swait.ge [sflag:s17], $0x2000  }
0x1e: {  	[sflag:s17] =	ssyncset.done $0x0  }
0x1f: {  	[sflag:s17] =	ssyncadd.s32 $0xFFFFE000  }
0x20: {  	[bflag:$0x0] =	sbarrier.arrive $0xFFFF  }
0x21: {  	[tilespmem:s18], [sflag:$0x1] =	stream.linear.gather [hbm4b:s4+s3], $0x4000, $0x38;
	v63 =	vld [tilespmem:$0x0]  }
0x22: {  	_ = 	snop  }
0x23: {  	[tilespmem:s19], [sflag:$0x2] =	stream.linear.gather [hbm4b:s7+s3], $0x4000, $0x38;
	v63 =	vld [tilespmem:$0x0]  }
0x24: {  	_ =	swait.ge [sflag:s20], $0x4000  }
0x25: {  	[sflag:s20] =	ssyncset.done $0x0  }
0x26: {  	[sflag:s20] =	ssyncadd.s32 $0xFFFFC000  }
0x27: {  	[tilespmem:s22], [sflag:$0x3] =	stream.indirect.gather [spmem:s2], $0x1, s18, s21, $0xb8;
	v63 =	vld [tilespmem:$0x0]  }
0x28: {  	_ =	swait.ge [sflag:s23], $0x4000  }
0x29: {  	[sflag:s23] =	ssyncset.done $0x0  }
0x2a: {  	[sflag:s23] =	ssyncadd.s32 $0xFFFFC000  }
0x2b: {  	[tilespmem:s24], [sflag:$0x4] =	stream.indirect.gather [spmem:s2], $0x1, s19, s21, $0xb8;
	v63 =	vld [tilespmem:$0x0]  }
0x2c: {  	_ =	swait.ge [sflag:s25], $0x4000  }
0x2d: {  	[sflag:s25] =	ssyncset.done $0x0  }
0x2e: {  	[sflag:s25] =	ssyncadd.s32 $0xFFFFC000  }
0x2f: {  	[hbm4b:s8+s3] =	stream.linear.scatter [tilespmem:s22], [sflag:$0x5], $0x4000, $0x38;
	v63 =	vld [tilespmem:$0x0]  }
0x30: {  	_ =	swait.ge [sflag:s26], $0x4000  }
0x31: {  	[sflag:s26] =	ssyncset.done $0x0  }
0x32: {  	[sflag:s26] =	ssyncadd.s32 $0xFFFFC000  }
0x33: {  	[hbm4b:s10+s3] =	stream.linear.scatter [tilespmem:s24], [sflag:$0x6], $0x4000, $0x38;
	v63 =	vld [tilespmem:$0x0]  }
0x34: {  	_ = 	snop  }
0x35: {  	[tilespmem:s18], [sflag:$0x1] =	stream.linear.gather [hbm4b:s11+s3], $0x4000, $0x38;
	v63 =	vld [tilespmem:$0x0]  }
0x36: {  	s31 =	simm.s32 $0x0  }
0x37: {  	[tilespmem:s19], [sflag:$0x2] =	stream.linear.gather [hbm4b:s12+s3], $0x4000, $0x38;
	v63 =	vld [tilespmem:$0x0]  }
.LBB2_2:
0x38: {  	_ =	swait.ge [sflag:s28], $0x4000  }
0x39: {  	[sflag:s28] =	ssyncset.done $0x0  }
0x3a: {  	[sflag:s28] =	ssyncadd.s32 $0xFFFFC000  }
0x3b: {  	_ =	swait.ge [sflag:s29], $0x4000  }
0x3c: {  	[sflag:s29] =	ssyncset.done $0x0  }
0x3d: {  	[sflag:s29] =	ssyncadd.s32 $0xFFFFC000  }
0x3e: {  	_ =	swait.ge [sflag:s20], $0x4000  }
0x3f: {  	[sflag:s20] =	ssyncset.done $0x0  }
0x40: {  	[sflag:s20] =	ssyncadd.s32 $0xFFFFC000  }
0x41: {  	[tilespmem:s22], [sflag:$0x3] =	stream.indirect.gather [spmem:s2], $0x1, s18, s21, $0xb8;
	v63 =	vld [tilespmem:$0x0]  }
0x42: {  	_ =	swait.ge [sflag:s23], $0x4000  }
0x43: {  	[sflag:s23] =	ssyncset.done $0x0  }
0x44: {  	[sflag:s23] =	ssyncadd.s32 $0xFFFFC000  }
0x45: {  	[tilespmem:s24], [sflag:$0x4] =	stream.indirect.gather [spmem:s2], $0x1, s19, s21, $0xb8;
	v63 =	vld [tilespmem:$0x0]  }
0x46: {  	_ =	swait.ge [sflag:s25], $0x4000  }
0x47: {  	[sflag:s25] =	ssyncset.done $0x0  }
0x48: {  	s1 =	sadd.s32 s31, s15;
	p0 =	seq.s32 s31, $0xE000;
	[sflag:s25] =	ssyncadd.s32 $0xFFFFC000  }
0x49: {  	[hbm4b:s1+s3] =	stream.linear.scatter [tilespmem:s22], [sflag:$0x5], $0x4000, $0x38;
	v63 =	vld [tilespmem:$0x0]  }
.Ltmp2:
0x4a: {  	_ = 	snop;
	(pc) =	sbr.rel @p0 .LBB2_4-.Ltmp2, $4  }
0x4b: {  	_ =	swait.ge [sflag:s26], $0x4000  }
0x4c: {  	[sflag:s26] =	ssyncset.done $0x0  }
0x4d: {  	s1 =	sadd.s32 $0x800, s1;
	[sflag:s26] =	ssyncadd.s32 $0xFFFFC000  }
0x4e: {  	[hbm4b:s1+s3] =	stream.linear.scatter [tilespmem:s24], [sflag:$0x6], $0x4000, $0x38;
	v63 =	vld [tilespmem:$0x0]  }
.Ltmp3:
0x4f: {  	(pc) =	sbr.rel .LBB2_2-.Ltmp3, $4  }
0x50: {  	s1 =	sadd.s32 s31, s13  }
0x51: {  	[tilespmem:s18], [sflag:$0x1] =	stream.linear.gather [hbm4b:s1+s3], $0x4000, $0x38;
	v63 =	vld [tilespmem:$0x0]  }
0x52: {  	s1 =	sadd.s32 s31, s14;
	s31 =	sadd.s32 $0x1000, s31  }
0x53: {  	[tilespmem:s19], [sflag:$0x2] =	stream.linear.gather [hbm4b:s1+s3], $0x4000, $0x38;
	v63 =	vld [tilespmem:$0x0]  }
.LBB2_5:
0x54: {  	_ =	sfence.sel $0x180000  }
0x55: {  	[bflag:$0x0] =	sbarrier.arrive $0xFFFF  }
0x56: {  	_ =	strace $0x9000005C  }
0x57: {  	[bflag:$0x2] =	sbarrier.arrive $0xFFFF  }
0x58: {  	p0 =	sne.s32 s0, $0x0;
	s0 =	rddreg [dreg:$0x2]  }
0x59: {  	s0 =	sadd.s32 @!p0 $0x100000, s0  }
0x5a: {  	[sflag:s0] =	ssyncadd.tile.s32 @!p0 $0x1;
	_ =	shalt  }
.Lfunc_end2:
_tile_overlayer_lowered:
.L_overlay_start_2:
0x5b: {  	(tag) =	ssettag $0x2  }
0x5c: {  	s0 =	rddreg [dreg:$0x0];
	s2 =	stileid.u32  }
0x5d: {  	s1 =	rddreg [dreg:$0x1];
	p0 =	sne.s32 s2, $0x0  }
0x5e: {  	s3 =	rddreg [dreg:$0x2];
	[bflag:$0x3] =	sbarrier.arrive $0xFFFF;
	s2 =	simm.s32 @!p0 $0x1C07  }
0x5f: {  	[timem:s3], [sflag:s2] =	dma.local @!p0 [hbm:s0], s1  }
0x60: {  	s0 =	simm.s32 @!p0 $0x7  }
0x61: {  	_ =	swait.ge @!p0 [sflag:s0], s1  }
0x62: {  	s1 =	ssub.s32 @!p0 $0x0, s1;
	[sflag:s0] =	ssyncset.done @!p0 $0x0  }
0x63: {  	[sflag:s0] =	ssyncadd.s32 @!p0 s1  }
0x64: {  	[bflag:$0x3] =	sbarrier.arrive $0xFFFF  }
0x65: {  	_ =	shalt  }

// kernel: sparse-core-data-format-call.1.cloned.1.call-start
scs
called_computation.1_lowered:
.L_overlay_start_0:
0x0: {  	s1 =	sld [smem:$0x3FD9]  }
0x1: {  	s2 =	sld [smem:$0x3FFE];
	_ =	sdelay $0x1  }
0x2: {  	s3 =	srdreg.scid  }
0x3: {  	s0 =	sand.u32 $0x1, s3  }
0x4: {  	s17 =	sshll.u32 s0, $0xA;
	s1 =	sadd.s32 s2, s1  }
0x5: {  	s1 =	sadd.s32 s1, s17  }
0x6: {  	[smem:$0x3FC4] =	sst s1  }
0x7: {  	_ = 	snop  }
0x8: {  	(tm) =	ssettm $0x1  }
0x9: {  	s18 =	sld [smem:$0x3FFB];
	_ =	sdelay $0x3  }
0xa: {  	_ =	strace s18  }
0xb: {  	s1 =	sld [smem:$0x3FFC];
	_ =	sdelay $0x3  }
0xc: {  	_ =	strace s1  }
0xd: {  	s1 =	sld [smem:$0x3FFD];
	_ =	sdelay $0x3  }
0xe: {  	_ =	strace s1  }
0xf: {  	_ =	strace $0x8FFFFFFF  }
0x10: {  	s19 =	sld [smem:$0x3FDB];
	_ =	sdelay $0x1  }
0x11: {  	s20 =	simm.s32 $_scs_section_size  }
0x12: {  	s4 =	simm.s32 $_size__tile_overlayer_lowered;
	s5 =	simm.s32 $_tile_overlayer_lowered  }
0x13: {  	s23 =	simm.s32 $0x1BFF;
	s22 =	sshll.u32 s5, $0x1;
	s1 =	sadd.s32 s20, s19  }
0x14: {  	s6 =	simm.s32 $0x0;
	s21 =	sshll.u32 s4, $0x1;
	s4 =	sadd.s32 s22, s1  }
0x15: {  	[timem:s6], [sflag:s23] =	dma.local [hbm:s4], s21  }
0x16: {  	_ =	swait.ge [sflag:s23], s21  }
0x17: {  	s2 =	ssub.s32 $0x0, s21;
	[sflag:s23] =	ssyncset.done $0x0  }
0x18: {  	[sflag:s23] =	ssyncadd.s32 s2;
	_ =	sdelay $0x1  }
0x19: {  	s24 =	simm.s32 $0x1B8B  }
0x1a: {  	_ =	swait.ge [sflag:s24], $0x1  }
0x1b: {  	[sflag:s24] =	ssyncset.done $0x0  }
0x1c: {  	s26 =	simm.s32 $0x1B8E;
	s25 =	sld [smem:$0x3FFE];
	[sflag:s24] =	ssyncadd.s32 $0xFFFFFFFF  }
0x1d: {  	s27 =	simm.s32 $execute0_lowered;
	[smem:$0x3FD2] =	sst s26  }
0x1e: {  	s4 =	sshll.u32 s27, $0x1;
	_ =	strace $0x80000046;
	[dreg:$0x1] =	wrdreg $0xFFFFFFFF  }
0x1f: {  	s28 =	simm.s32 $_size_execute0_lowered;
	s1 =	sadd.s32 s1, s4;
	[dreg:$0x0] =	wrdreg $0x0  }
0x20: {  	s4 =	sshll.u32 s28, $0x1;
	[dreg:$0x2] =	wrdreg s1  }
0x21: {  	[dreg:$0x3] =	wrdreg s4  }
0x22: {  	[dreg:$0x4] =	wrdreg $0xC0  }
0x23: {  	_ =	task [dreg:s6], $0x5FFFF  }
0x24: {  	[dreg:$0x1] =	wrdreg $0xFFFFFFFF  }
0x25: {  	[dreg:$0x0] =	wrdreg $0x60  }
0x26: {  	[dreg:$0x2] =	wrdreg s25  }
0x27: {  	[dreg:$0x3] =	wrdreg $0xA  }
0x28: {  	_ =	task.clear_ibuf [dreg:s6], $0x4FFFF;
	_ =	strace $0x90000046  }
0x29: {  	s29 =	simm.s32 $0xA;
	_ =	strace $0x80000048  }
0x2a: {  	_ =	swait.ge [sflag:s29], $0x1  }
0x2b: {  	[sflag:s29] =	ssyncadd.s32 $0xFFFFFFFF  }
0x2c: {  	_ =	strace $0x90000048  }
0x2d: {  	_ =	sfence  }
0x2e: {  	s30 =	sld [smem:$0x0];
	_ =	sdelay $0x2  }
0x2f: {  	s31 =	sshll.u32 s3, $0xD;
	s3 =	sshrl.u32 s3, $0x2  }
0x30: {  	s2 =	sand.u32 $0x4000, s31;
	s1 =	sadd.s32 s3, s30  }
0x31: {  	s0 =	sor.u32 s2, s0;
	s1 =	sshll.u32 s1, $0x11  }
0x32: {  	s0 =	sor.u32 s1, s0  }
0x33: {  	s0 =	sadd.s32 $0x8F2B, s0  }
0x34: {  	[sflag:s0] =	ssyncadd.remote.s32 $0x1  }
0x35: {  	_ =	sfence.sel $0xFFFF  }
0x36: {  	[dreg:$0x0] =	wrdreg $0xFFFFFFFF;
	(pc) =	sbr.abs _section_cstart, $3  }
0x37: {  	[dreg:$0x1] =	wrdreg $0xFFFFFFFF  }
0x38: {  	_ =	task.clear_ibuf [dreg:s6], $0x2FFFF;
	_ =	strace $0x9FFFFFFF  }
0x39: {  	(tm) =	ssettm $0x7FFFFFFF  }
tec
execute0_lowered:
.L_overlay_start_1:
0x0: {  	(tag) =	ssettag $0x1  }
0x1: {  	s0 =	srdreg.scid  }
0x2: {  	s1 =	sshll.u32 s0, $0x4  }
0x3: {  	s4 =	rddreg [dreg:$0x0];
	s0 =	stileid.u32;
	s1 =	sand.u32 $0x10, s1  }
0x4: {  	s7 =	simm.s32 $0x1;
	s8 =	simm.s32 $0x2;
	s1 =	sor.u32 s0, s1  }
0x5: {  	s9 =	simm.s32 $0x0;
	s12 =	simm.s32 $0x0;
	s2 =	sshll.u32 s1, $0x1  }
0x6: {  	s11 =	simm.s32 $0x0;
	s3 =	sadd.s32 $0x60400, s4;
	s6 =	ssub.s32 $0x800, s2  }
.Ltmp0:
0x7: {  	s4 =	sadd.s32 $0x268400, s4;
	s5 =	sand.u32 $0x3E, s6;
	(pc) =	sbr.rel .LBB1_1-.Ltmp0, $4  }
0x8: {  	s1 =	rddreg [dreg:$0x1];
	_ =	strace $0x80000047;
	p0 =	sne.s32 s5, $0x0  }
0x9: {  	s6 =	sshrl.u32 s6, $0x6;
	s5 =	simm.s32 $0x1;
	s7 =	simm.s32 @!p0 $0x0  }
0xa: {  	s10 =	smov.u32 s2;
	[sflag:s5] =	ssyncpa.u1 $0x0;
	s6 =	sadd.s32 s7, s6  }
0xb: {  	[sflag:s8] =	ssyncpa.u1 $0x0;
	s8 =	simm.s32 $0x0;
	s7 =	sadd.s32 $0x1, s6  }
.LBB1_9:
0xc: {  	s14 =	sadd.s32 $0x40, s10  }
0xd: {  	p1 =	sgt.s32 s14, $0x7FF  }
0xe: {  	s14 =	smov.u32 @p1 s2;
	p1 =	sne.s32 s11, s7  }
.Ltmp1:
0xf: {  	p0 =	slt.u32 s11, $0x2;
	(pc) =	sbr.rel @!p1 .LBB1_10-.Ltmp1, $4  }
0x10: {  	s13 =	simm.s32 @!p0 $0x2  }
0x11: {  	s15 =	sadd.s32 $0x1, s11;
	_ =	swait.ge @!p0 [sflag:s13], $0x4000  }
0x12: {  	s12 =	smov.u32 s10;
	s9 =	sadd.s32 $0x4000, s9;
	[sflag:s13] =	ssyncset.done @!p0 $0x0  }
0x13: {  	s11 =	smov.u32 s15;
	s10 =	smov.u32 s14;
	[sflag:s13] =	ssyncadd.s32 @!p0 $0xFFFFC000  }
.LBB1_1:
0x14: {  	p0 =	sge.u32 s11, s6  }
0x15: {  	s13 =	sxor.u32 @!p0 $0xFFFFFFFF, s11  }
0x16: {  	s31 =	sadd.s32 $0xFFFFFFFF, s11;
	s14 =	sshll.u32 @!p0 s10, $0xA;
	s13 =	sshll.u32 @!p0 s13, $0xE  }
0x17: {  	s15 =	simm.s32 @!p0 $0x0;
	s14 =	sadd.s32 @!p0 s3, s14;
	s13 =	sand.u32 @!p0 $0x4000, s13  }
0x18: {  	[tilespmem:s13], [sflag:$0x1] =	stream.linear.gather @!p0 [hbm4b:s14+s15], $0x4000, $0x38;
	[tilespmem:$0x10000] =	vst v63  }
0x19: {  	p0 =	sge.u32 s31, s6  }
.Ltmp2:
0x1a: {  	_ = 	snop;
	(pc) =	sbr.rel @p0 .LBB1_9-.Ltmp2, $1  }
0x1b: {  	_ =	sdelay $0x3  }
0x1c: {  	s13 =	sshll.u32 s9, $0x2  }
0x1d: {  	_ =	swait.ge [sflag:s5], $0x4000;
	s14 =	sshll.u32 s11, $0xE;
	s16 =	simm.s32 $0x0  }
0x1e: {  	p1 =	por $0x1, $0x1;
	s13 =	sand.u32 $0x10000, s13;
	[sflag:s5] =	ssyncset.done $0x0  }
0x1f: {  	s14 =	sand.u32 $0x4000, s14;
	s15 =	sshrl.u32 s13, $0x2;
	[sflag:s5] =	ssyncadd.s32 $0xFFFFC000  }
0x20: {  	s13 =	sor.u32 $0x8000, s14;
	s14 =	sadd.s32 $0x8040, s15;
	s15 =	sadd.s32 $0x40, s15  }
.LBB1_3:
0x21: {  	s16 =	sshll.u32 s16, $0x2  }
0x22: {  	p0 =	por p1, p1;
	s17 =	sshra.s32 s16, $0x2  }
0x23: {  	s18 =	simm.s32 $0x0;
	s16 =	sadd.s32 s17, s14;
	s17 =	sadd.s32 s17, s15  }
.LBB1_4:
0x24: {  	v0 =	vmov s17;
	_ =	sdelay $0x3  }
0x25: {  	s20 =	simm.s32 $0x0  }
0x26: {  	v6 =	vld.idx.msk [tilespmem:v0+s20+$0x30 ss:$0x1], $0xffff  }
0x27: {  	v7 =	vld.idx.msk [tilespmem:v0+s20+$0xFFFFFFC0 ss:$0x1], $0xffff  }
0x28: {  	v5 =	vld.idx.msk [tilespmem:v0+s20+$0xFFFFFFD0 ss:$0x1], $0xffff  }
0x29: {  	v4 =	vld.idx.msk [tilespmem:v0+s20+$0xFFFFFFE0 ss:$0x1], $0xffff  }
0x2a: {  	v3 =	vld.idx.msk [tilespmem:v0+s20+$0xFFFFFFF0 ss:$0x1], $0xffff  }
0x2b: {  	v1 =	vld.idx.msk [tilespmem:v0+s20+$0x0 ss:$0x1], $0xffff  }
0x2c: {  	v2 =	vld.idx.msk [tilespmem:v0+s20+$0x10 ss:$0x1], $0xffff;
	[tilespmem:s16+$0x30] =	vst v6  }
0x2d: {  	s19 =	simm.s32 $0x80;
	s21 =	simm.s32 $0x400;
	[tilespmem:s16+$0xFFFFFFC0] =	vst v7;
	v6 =	vld.idx.msk [tilespmem:v0+s20+$0x20 ss:$0x1], $0xffff;
	s20 =	smov.u32 s16  }
.LBB1_5:
0x2e: {  	p1 =	sne.s32 s21, $0xE00;
	v7 =	vld.idx.msk [tilespmem:v0+s19+$0x30 ss:$0x1], $0xffff;
	[tilespmem:s20+$0xFFFFFFD0] =	vst v5  }
0x2f: {  	v8 =	vld.idx.msk [tilespmem:v0+s19+$0xFFFFFFC0 ss:$0x1], $0xffff;
	[tilespmem:s20+$0xFFFFFFE0] =	vst v4  }
0x30: {  	v5 =	vld.idx.msk [tilespmem:v0+s19+$0xFFFFFFD0 ss:$0x1], $0xffff;
	[tilespmem:s20+$0xFFFFFFF0] =	vst v3  }
.Ltmp3:
0x31: {  	v4 =	vld.idx.msk [tilespmem:v0+s19+$0xFFFFFFE0 ss:$0x1], $0xffff;
	[tilespmem:s20+$0x0] =	vst v1;
	(pc) =	sbr.rel @p1 .LBB1_5-.Ltmp3, $4  }
0x32: {  	v3 =	vld.idx.msk [tilespmem:v0+s19+$0xFFFFFFF0 ss:$0x1], $0xffff;
	[tilespmem:s20+$0x10] =	vst v2  }
0x33: {  	v1 =	vld.idx.msk [tilespmem:v0+s19+$0x0 ss:$0x1], $0xffff;
	[tilespmem:s20+$0x20] =	vst v6;
	s20 =	sadd.s32 $0x400, s20  }
0x34: {  	v2 =	vld.idx.msk [tilespmem:v0+s19+$0x10 ss:$0x1], $0xffff;
	[tilespmem:s20+$0x30] =	vst v7  }
0x35: {  	[tilespmem:s20+$0xFFFFFFC0] =	vst v8;
	v6 =	vld.idx.msk [tilespmem:v0+s19+$0x20 ss:$0x1], $0xffff;
	s19 =	sshra.s32 s21, $0x2;
	s21 =	sadd.s32 $0x200, s21  }
0x36: {  	_ =	sdelay $0x2  }
0x37: {  	[tilespmem:s20+$0xFFFFFFD0] =	vst v5  }
0x38: {  	v56 =	vld.idx.msk [tilespmem:v0+s19+$0x30 ss:$0x1], $0xffff;
	[tilespmem:s20+$0xFFFFFFE0] =	vst v4  }
0x39: {  	v57 =	vld.idx.msk [tilespmem:v0+s19+$0xFFFFFFC0 ss:$0x1], $0xffff;
	[tilespmem:s20+$0xFFFFFFF0] =	vst v3  }
0x3a: {  	v58 =	vld.idx.msk [tilespmem:v0+s19+$0xFFFFFFD0 ss:$0x1], $0xffff;
	[tilespmem:s20+$0x0] =	vst v1  }
0x3b: {  	v59 =	vld.idx.msk [tilespmem:v0+s19+$0xFFFFFFE0 ss:$0x1], $0xffff;
	[tilespmem:s20+$0x10] =	vst v2  }
0x3c: {  	v60 =	vld.idx.msk [tilespmem:v0+s19+$0xFFFFFFF0 ss:$0x1], $0xffff;
	s31 =	sadd.s32 $0x400, s20;
	[tilespmem:s20+$0x20] =	vst v6  }
0x3d: {  	v61 =	vld.idx.msk [tilespmem:v0+s19+$0x0 ss:$0x1], $0xffff;
	[tilespmem:s31+$0x30] =	vst v56  }
0x3e: {  	v62 =	vld.idx.msk [tilespmem:v0+s19+$0x10 ss:$0x1], $0xffff;
	s18 =	sadd.s32 $0x1, s18;
	[tilespmem:s31+$0xFFFFFFC0] =	vst v57  }
0x3f: {  	v63 =	vld.idx.msk [tilespmem:v0+s19+$0x20 ss:$0x1], $0xffff;
	p1 =	sne.s32 s18, $0x8;
	[tilespmem:s31+$0xFFFFFFD0] =	vst v58  }
.Ltmp4:
0x40: {  	[tilespmem:s31+$0xFFFFFFE0] =	vst v59;
	(pc) =	sbr.rel @p1 .LBB1_4-.Ltmp4, $4  }
0x41: {  	[tilespmem:s31+$0xFFFFFFF0] =	vst v60  }
0x42: {  	[tilespmem:s31+$0x0] =	vst v61  }
0x43: {  	[tilespmem:s31+$0x10] =	vst v62  }
0x44: {  	s16 =	sadd.s32 $0x80, s16;
	s17 =	sadd.s32 $0x400, s17;
	[tilespmem:s31+$0x20] =	vst v63  }
.Ltmp5:
0x45: {  	(pc) =	sbr.rel @p0 .LBB1_3-.Ltmp5, $2  }
0x46: {  	_ =	sdelay $0x2  }
0x47: {  	s16 =	simm.s32 $0x2000;
	p1 =	por $0x0, $0x0  }
.Ltmp6:
0x48: {  	(pc) =	sbr.rel .LBB1_9-.Ltmp6, $4  }
0x49: {  	_ = 	snop  }
0x4a: {  	s12 =	sshll.u32 s12, $0xA  }
0x4b: {  	s12 =	sadd.s32 s4, s12  }
0x4c: {  	[hbm4b:s12+s8] =	stream.linear.scatter [tilespmem:s13], [sflag:$0x2], $0x4000, $0x38;
	[tilespmem:$0x10000] =	vst v63  }
.LBB1_10:
0x4d: {  	_ =	sfence.sel $0x180000  }
0x4e: {  	s2 =	simm.s32 $0x1;
	[bflag:$0x0] =	sbarrier.arrive $0xFFFF  }
0x4f: {  	s31 =	simm.s32 $0x2;
	[sflag:s2] =	ssyncpa.u1 $0x1  }
0x50: {  	[sflag:s31] =	ssyncpa.u1 $0x1  }
0x51: {  	p0 =	sne.s32 s0, $0x0;
	_ =	strace $0x90000047  }
0x52: {  	s0 =	sadd.s32 @!p0 $0x100000, s1;
	[bflag:$0x2] =	sbarrier.arrive $0xFFFF  }
0x53: {  	[sflag:s0] =	ssyncadd.tile.s32 @!p0 $0x1;
	_ =	shalt  }
.Lfunc_end1:
_tile_overlayer_lowered:
.L_overlay_start_2:
0x54: {  	(tag) =	ssettag $0x2  }
0x55: {  	s0 =	rddreg [dreg:$0x0];
	s2 =	stileid.u32  }
0x56: {  	s1 =	rddreg [dreg:$0x1];
	p0 =	sne.s32 s2, $0x0  }
0x57: {  	s3 =	rddreg [dreg:$0x2];
	[bflag:$0x3] =	sbarrier.arrive $0xFFFF;
	s2 =	simm.s32 @!p0 $0x1C01  }
0x58: {  	[timem:s3], [sflag:s2] =	dma.local @!p0 [hbm:s0], s1  }
0x59: {  	s0 =	simm.s32 @!p0 $0x1  }
0x5a: {  	_ =	swait.ge @!p0 [sflag:s0], s1  }
0x5b: {  	s1 =	ssub.s32 @!p0 $0x0, s1;
	[sflag:s0] =	ssyncset.done @!p0 $0x0  }
0x5c: {  	[sflag:s0] =	ssyncadd.s32 @!p0 s1  }
0x5d: {  	[bflag:$0x3] =	sbarrier.arrive $0xFFFF  }
0x5e: {  	_ =	shalt  }

// kernel: sparse-core-data-format-call.2.cloned.1.call-start
scs
called_computation.2_lowered:
.L_overlay_start_0:
0x0: {  	s2 =	sld [smem:$0x3FD9]  }
0x1: {  	s3 =	sld [smem:$0x3FFE];
	_ =	sdelay $0x1  }
0x2: {  	s1 =	srdreg.scid  }
0x3: {  	s0 =	sand.u32 $0x1, s1  }
0x4: {  	s18 =	sshll.u32 s0, $0xA;
	s2 =	sadd.s32 s3, s2  }
0x5: {  	s2 =	sadd.s32 s2, s18  }
0x6: {  	[smem:$0x3FC4] =	sst s2  }
0x7: {  	_ = 	snop  }
0x8: {  	(tm) =	ssettm $0x1  }
0x9: {  	s19 =	sld [smem:$0x3FFB];
	_ =	sdelay $0x3  }
0xa: {  	_ =	strace s19  }
0xb: {  	s2 =	sld [smem:$0x3FFC];
	_ =	sdelay $0x3  }
0xc: {  	_ =	strace s2  }
0xd: {  	s2 =	sld [smem:$0x3FFD];
	_ =	sdelay $0x3  }
0xe: {  	_ =	strace s2  }
0xf: {  	_ =	strace $0x8FFFFFFF  }
0x10: {  	s20 =	sld [smem:$0x3FDB];
	_ =	sdelay $0x1  }
0x11: {  	s21 =	simm.s32 $_scs_section_size  }
0x12: {  	s4 =	simm.s32 $_size__tile_overlayer_lowered;
	s5 =	simm.s32 $_tile_overlayer_lowered  }
0x13: {  	s6 =	simm.s32 $0x1BFF;
	s22 =	sshll.u32 s5, $0x1;
	s3 =	sadd.s32 s21, s20  }
0x14: {  	s23 =	simm.s32 $0x0;
	s4 =	sshll.u32 s4, $0x1;
	s5 =	sadd.s32 s22, s3  }
0x15: {  	[timem:s23], [sflag:s6] =	dma.local [hbm:s5], s4  }
0x16: {  	_ =	swait.ge [sflag:s6], s4  }
0x17: {  	s4 =	ssub.s32 $0x0, s4;
	[sflag:s6] =	ssyncset.done $0x0  }
0x18: {  	[sflag:s6] =	ssyncadd.s32 s4;
	_ =	sdelay $0x1  }
0x19: {  	s24 =	simm.s32 $0x1B8B  }
0x1a: {  	_ =	swait.ge [sflag:s24], $0x1  }
0x1b: {  	[sflag:s24] =	ssyncset.done $0x0  }
0x1c: {  	[sflag:s24] =	ssyncadd.s32 $0xFFFFFFFF  }
0x1d: {  	s4 =	sld [smem:$0x0]  }
0x1e: {  	s5 =	sand.u32 $0xFFFFFFFE, s1  }
0x1f: {  	p0 =	sne.s32 s1, s5  }
0x20: {  	s5 =	sshll.u32 @p0 s5, $0xE  }
0x21: {  	s5 =	sadd.s32 @p0 $0x11B8D, s5;
	s6 =	sshll.u32 @p0 s4, $0x11  }
0x22: {  	s5 =	sor.u32 @p0 s6, s5  }
0x23: {  	[sflag:s5] =	ssyncadd.remote.s32 @p0 $0x1;
	_ =	sdelay $0x1  }
0x24: {  	s5 =	simm.s32 @p0 $0x1B8D  }
0x25: {  	_ =	swait.eq @p0 [sflag:s5], $0x1  }
0x26: {  	[sflag:s5] =	ssyncadd.s32 @p0 $0xFFFFFFFF  }
0x27: {  	s6 =	sshll.u32 @!p0 s1, $0xE  }
0x28: {  	s6 =	sor.u32 @!p0 $0x4000, s6;
	s5 =	simm.s32 @!p0 $0x1B8D  }
0x29: {  	s4 =	sshll.u32 @!p0 s4, $0x11;
	s6 =	sadd.s32 @!p0 $0x11B8D, s6;
	_ =	swait.eq @!p0 [sflag:s5], $0x1  }
0x2a: {  	s4 =	sor.u32 @!p0 s4, s6;
	[sflag:s5] =	ssyncadd.s32 @!p0 $0xFFFFFFFF  }
0x2b: {  	s26 =	simm.s32 $0x1B8E;
	s25 =	sld [smem:$0x3FFE];
	[sflag:s4] =	ssyncadd.remote.s32 @!p0 $0x1  }
0x2c: {  	s27 =	simm.s32 $execute0_lowered;
	[smem:$0x3FD2] =	sst s26  }
0x2d: {  	s5 =	sshll.u32 s27, $0x1;
	_ =	strace $0x8000004C;
	[dreg:$0x1] =	wrdreg $0xFFFFFFFF  }
0x2e: {  	s28 =	simm.s32 $_size_execute0_lowered;
	s3 =	sadd.s32 s3, s5;
	[dreg:$0x0] =	wrdreg $0x0  }
0x2f: {  	s5 =	sshll.u32 s28, $0x1;
	[dreg:$0x2] =	wrdreg s3  }
0x30: {  	[dreg:$0x3] =	wrdreg s5  }
0x31: {  	[dreg:$0x4] =	wrdreg $0xC0  }
0x32: {  	_ =	task [dreg:s23], $0x5FFFF  }
0x33: {  	[dreg:$0x1] =	wrdreg $0xFFFFFFFF  }
0x34: {  	[dreg:$0x0] =	wrdreg $0x60  }
0x35: {  	[dreg:$0x2] =	wrdreg s25  }
0x36: {  	[dreg:$0x3] =	wrdreg $0xB  }
0x37: {  	_ =	task.clear_ibuf [dreg:s23], $0x4FFFF;
	_ =	strace $0x9000004C  }
0x38: {  	s29 =	simm.s32 $0xB;
	_ =	strace $0x8000004E  }
0x39: {  	_ =	swait.ge [sflag:s29], $0x1  }
0x3a: {  	[sflag:s29] =	ssyncadd.s32 $0xFFFFFFFF  }
0x3b: {  	_ =	strace $0x9000004E  }
0x3c: {  	_ =	sfence  }
0x3d: {  	s30 =	sld [smem:$0x0];
	_ =	sdelay $0x2  }
0x3e: {  	s31 =	sshll.u32 s1, $0xD;
	s1 =	sshrl.u32 s1, $0x2  }
0x3f: {  	s4 =	sand.u32 $0x4000, s31;
	s1 =	sadd.s32 s1, s30  }
0x40: {  	s0 =	sor.u32 s4, s0;
	s1 =	sshll.u32 s1, $0x11  }
0x41: {  	s0 =	sor.u32 s1, s0  }
0x42: {  	s0 =	sadd.s32 $0x8F2B, s0  }
0x43: {  	[sflag:s0] =	ssyncadd.remote.s32 $0x1  }
0x44: {  	_ =	sfence.sel $0xFFFF  }
0x45: {  	[dreg:$0x0] =	wrdreg $0xFFFFFFFF;
	(pc) =	sbr.abs _section_cstart, $3  }
0x46: {  	[dreg:$0x1] =	wrdreg $0xFFFFFFFF  }
0x47: {  	_ =	task.clear_ibuf [dreg:s23], $0x2FFFF;
	_ =	strace $0x9FFFFFFF  }
0x48: {  	(tm) =	ssettm $0x7FFFFFFF  }
0x49: {  	_ =	shalt  }
tec
execute0_lowered:
.L_overlay_start_1:
0x0: {  	(tag) =	ssettag $0x1  }
0x1: {  	s0 =	srdreg.scid  }
0x2: {  	s1 =	sshll.u32 s0, $0x4  }
0x3: {  	s4 =	rddreg [dreg:$0x0];
	s0 =	stileid.u32;
	s1 =	sand.u32 $0x10, s1  }
0x4: {  	s7 =	simm.s32 $0x1;
	s8 =	simm.s32 $0x2;
	s2 =	sor.u32 s0, s1  }
0x5: {  	s9 =	simm.s32 $0x0;
	s12 =	simm.s32 $0x0;
	s2 =	sshll.u32 s2, $0x1  }
0x6: {  	s11 =	simm.s32 $0x0;
	s3 =	sadd.s32 $0x870400, s4;
	s6 =	ssub.s32 $0x800, s2  }
.Ltmp0:
0x7: {  	s4 =	sadd.s32 $0xA78400, s4;
	s5 =	sand.u32 $0x3E, s6;
	(pc) =	sbr.rel .LBB1_1-.Ltmp0, $4  }
0x8: {  	s1 =	rddreg [dreg:$0x1];
	_ =	strace $0x8000004D;
	p0 =	sne.s32 s5, $0x0  }
0x9: {  	s6 =	sshrl.u32 s6, $0x6;
	s5 =	simm.s32 $0x1;
	s7 =	simm.s32 @!p0 $0x0  }
0xa: {  	s10 =	smov.u32 s2;
	[sflag:s5] =	ssyncpa.u1 $0x0;
	s6 =	sadd.s32 s7, s6  }
0xb: {  	[sflag:s8] =	ssyncpa.u1 $0x0;
	s8 =	simm.s32 $0x0;
	s7 =	sadd.s32 $0x1, s6  }
.LBB1_9:
0xc: {  	s14 =	sadd.s32 $0x40, s10  }
0xd: {  	p1 =	sgt.s32 s14, $0x7FF  }
0xe: {  	s14 =	smov.u32 @p1 s2;
	p1 =	sne.s32 s11, s7  }
.Ltmp1:
0xf: {  	p0 =	slt.u32 s11, $0x2;
	(pc) =	sbr.rel @!p1 .LBB1_10-.Ltmp1, $4  }
0x10: {  	s13 =	simm.s32 @!p0 $0x2  }
0x11: {  	s15 =	sadd.s32 $0x1, s11;
	_ =	swait.ge @!p0 [sflag:s13], $0x4000  }
0x12: {  	s12 =	smov.u32 s10;
	s9 =	sadd.s32 $0x4000, s9;
	[sflag:s13] =	ssyncset.done @!p0 $0x0  }
0x13: {  	s11 =	smov.u32 s15;
	s10 =	smov.u32 s14;
	[sflag:s13] =	ssyncadd.s32 @!p0 $0xFFFFC000  }
.LBB1_1:
0x14: {  	p0 =	sge.u32 s11, s6  }
0x15: {  	s13 =	sxor.u32 @!p0 $0xFFFFFFFF, s11  }
0x16: {  	s31 =	sadd.s32 $0xFFFFFFFF, s11;
	s14 =	sshll.u32 @!p0 s10, $0xA;
	s13 =	sshll.u32 @!p0 s13, $0xE  }
0x17: {  	s15 =	simm.s32 @!p0 $0x0;
	s14 =	sadd.s32 @!p0 s3, s14;
	s13 =	sand.u32 @!p0 $0x4000, s13  }
0x18: {  	[tilespmem:s13], [sflag:$0x1] =	stream.linear.gather @!p0 [hbm4b:s14+s15], $0x4000, $0x38;
	[tilespmem:$0x10000] =	vst v63  }
0x19: {  	p0 =	sge.u32 s31, s6  }
.Ltmp2:
0x1a: {  	_ = 	snop;
	(pc) =	sbr.rel @p0 .LBB1_9-.Ltmp2, $1  }
0x1b: {  	_ =	sdelay $0x3  }
0x1c: {  	s13 =	sshll.u32 s9, $0x2  }
0x1d: {  	_ =	swait.ge [sflag:s5], $0x4000;
	s14 =	sshll.u32 s11, $0xE;
	s16 =	simm.s32 $0x0  }
0x1e: {  	p1 =	por $0x1, $0x1;
	s13 =	sand.u32 $0x10000, s13;
	[sflag:s5] =	ssyncset.done $0x0  }
0x1f: {  	s14 =	sand.u32 $0x4000, s14;
	s15 =	sshrl.u32 s13, $0x2;
	[sflag:s5] =	ssyncadd.s32 $0xFFFFC000  }
0x20: {  	s13 =	sor.u32 $0x8000, s14;
	s14 =	sadd.s32 $0x8040, s15;
	s15 =	sadd.s32 $0x40, s15  }
.LBB1_3:
0x21: {  	s16 =	sshll.u32 s16, $0x2  }
0x22: {  	p0 =	por p1, p1;
	s17 =	sshra.s32 s16, $0x2  }
0x23: {  	s18 =	simm.s32 $0x0;
	s16 =	sadd.s32 s17, s14;
	s17 =	sadd.s32 s17, s15  }
.LBB1_4:
0x24: {  	v0 =	vmov s17;
	_ =	sdelay $0x3  }
0x25: {  	s20 =	simm.s32 $0x0  }
0x26: {  	v6 =	vld.idx.msk [tilespmem:v0+s20+$0x30 ss:$0x1], $0xffff  }
0x27: {  	v7 =	vld.idx.msk [tilespmem:v0+s20+$0xFFFFFFC0 ss:$0x1], $0xffff  }
0x28: {  	v5 =	vld.idx.msk [tilespmem:v0+s20+$0xFFFFFFD0 ss:$0x1], $0xffff  }
0x29: {  	v4 =	vld.idx.msk [tilespmem:v0+s20+$0xFFFFFFE0 ss:$0x1], $0xffff  }
0x2a: {  	v3 =	vld.idx.msk [tilespmem:v0+s20+$0xFFFFFFF0 ss:$0x1], $0xffff  }
0x2b: {  	v1 =	vld.idx.msk [tilespmem:v0+s20+$0x0 ss:$0x1], $0xffff  }
0x2c: {  	v2 =	vld.idx.msk [tilespmem:v0+s20+$0x10 ss:$0x1], $0xffff;
	[tilespmem:s16+$0x30] =	vst v6  }
0x2d: {  	s19 =	simm.s32 $0x80;
	s21 =	simm.s32 $0x400;
	[tilespmem:s16+$0xFFFFFFC0] =	vst v7;
	v6 =	vld.idx.msk [tilespmem:v0+s20+$0x20 ss:$0x1], $0xffff;
	s20 =	smov.u32 s16  }
.LBB1_5:
0x2e: {  	p1 =	sne.s32 s21, $0xE00;
	v7 =	vld.idx.msk [tilespmem:v0+s19+$0x30 ss:$0x1], $0xffff;
	[tilespmem:s20+$0xFFFFFFD0] =	vst v5  }
0x2f: {  	v8 =	vld.idx.msk [tilespmem:v0+s19+$0xFFFFFFC0 ss:$0x1], $0xffff;
	[tilespmem:s20+$0xFFFFFFE0] =	vst v4  }
0x30: {  	v5 =	vld.idx.msk [tilespmem:v0+s19+$0xFFFFFFD0 ss:$0x1], $0xffff;
	[tilespmem:s20+$0xFFFFFFF0] =	vst v3  }
.Ltmp3:
0x31: {  	v4 =	vld.idx.msk [tilespmem:v0+s19+$0xFFFFFFE0 ss:$0x1], $0xffff;
	[tilespmem:s20+$0x0] =	vst v1;
	(pc) =	sbr.rel @p1 .LBB1_5-.Ltmp3, $4  }
0x32: {  	v3 =	vld.idx.msk [tilespmem:v0+s19+$0xFFFFFFF0 ss:$0x1], $0xffff;
	[tilespmem:s20+$0x10] =	vst v2  }
0x33: {  	v1 =	vld.idx.msk [tilespmem:v0+s19+$0x0 ss:$0x1], $0xffff;
	[tilespmem:s20+$0x20] =	vst v6;
	s20 =	sadd.s32 $0x400, s20  }
0x34: {  	v2 =	vld.idx.msk [tilespmem:v0+s19+$0x10 ss:$0x1], $0xffff;
	[tilespmem:s20+$0x30] =	vst v7  }
0x35: {  	[tilespmem:s20+$0xFFFFFFC0] =	vst v8;
	v6 =	vld.idx.msk [tilespmem:v0+s19+$0x20 ss:$0x1], $0xffff;
	s19 =	sshra.s32 s21, $0x2;
	s21 =	sadd.s32 $0x200, s21  }
0x36: {  	_ =	sdelay $0x2  }
0x37: {  	[tilespmem:s20+$0xFFFFFFD0] =	vst v5  }
0x38: {  	v56 =	vld.idx.msk [tilespmem:v0+s19+$0x30 ss:$0x1], $0xffff;
	[tilespmem:s20+$0xFFFFFFE0] =	vst v4  }
0x39: {  	v57 =	vld.idx.msk [tilespmem:v0+s19+$0xFFFFFFC0 ss:$0x1], $0xffff;
	[tilespmem:s20+$0xFFFFFFF0] =	vst v3  }
0x3a: {  	v58 =	vld.idx.msk [tilespmem:v0+s19+$0xFFFFFFD0 ss:$0x1], $0xffff;
	[tilespmem:s20+$0x0] =	vst v1  }
0x3b: {  	v59 =	vld.idx.msk [tilespmem:v0+s19+$0xFFFFFFE0 ss:$0x1], $0xffff;
	[tilespmem:s20+$0x10] =	vst v2  }
0x3c: {  	v60 =	vld.idx.msk [tilespmem:v0+s19+$0xFFFFFFF0 ss:$0x1], $0xffff;
	s31 =	sadd.s32 $0x400, s20;
	[tilespmem:s20+$0x20] =	vst v6  }
0x3d: {  	v61 =	vld.idx.msk [tilespmem:v0+s19+$0x0 ss:$0x1], $0xffff;
	[tilespmem:s31+$0x30] =	vst v56  }
0x3e: {  	v62 =	vld.idx.msk [tilespmem:v0+s19+$0x10 ss:$0x1], $0xffff;
	s18 =	sadd.s32 $0x1, s18;
	[tilespmem:s31+$0xFFFFFFC0] =	vst v57  }
0x3f: {  	v63 =	vld.idx.msk [tilespmem:v0+s19+$0x20 ss:$0x1], $0xffff;
	p1 =	sne.s32 s18, $0x8;
	[tilespmem:s31+$0xFFFFFFD0] =	vst v58  }
.Ltmp4:
0x40: {  	[tilespmem:s31+$0xFFFFFFE0] =	vst v59;
	(pc) =	sbr.rel @p1 .LBB1_4-.Ltmp4, $4  }
0x41: {  	[tilespmem:s31+$0xFFFFFFF0] =	vst v60  }
0x42: {  	[tilespmem:s31+$0x0] =	vst v61  }
0x43: {  	[tilespmem:s31+$0x10] =	vst v62  }
0x44: {  	s16 =	sadd.s32 $0x80, s16;
	s17 =	sadd.s32 $0x400, s17;
	[tilespmem:s31+$0x20] =	vst v63  }
.Ltmp5:
0x45: {  	(pc) =	sbr.rel @p0 .LBB1_3-.Ltmp5, $2  }
0x46: {  	_ =	sdelay $0x2  }
0x47: {  	s16 =	simm.s32 $0x2000;
	p1 =	por $0x0, $0x0  }
.Ltmp6:
0x48: {  	(pc) =	sbr.rel .LBB1_9-.Ltmp6, $4  }
0x49: {  	_ = 	snop  }
0x4a: {  	s12 =	sshll.u32 s12, $0xA  }
0x4b: {  	s12 =	sadd.s32 s4, s12  }
0x4c: {  	[hbm4b:s12+s8] =	stream.linear.scatter [tilespmem:s13], [sflag:$0x2], $0x4000, $0x38;
	[tilespmem:$0x10000] =	vst v63  }
.LBB1_10:
0x4d: {  	_ =	sfence.sel $0x180000  }
0x4e: {  	s2 =	simm.s32 $0x1;
	[bflag:$0x0] =	sbarrier.arrive $0xFFFF  }
0x4f: {  	s31 =	simm.s32 $0x2;
	[sflag:s2] =	ssyncpa.u1 $0x1  }
0x50: {  	[sflag:s31] =	ssyncpa.u1 $0x1  }
0x51: {  	p0 =	sne.s32 s0, $0x0;
	_ =	strace $0x9000004D  }
0x52: {  	s0 =	sadd.s32 @!p0 $0x100000, s1;
	[bflag:$0x2] =	sbarrier.arrive $0xFFFF  }
0x53: {  	[sflag:s0] =	ssyncadd.tile.s32 @!p0 $0x1;
	_ =	shalt  }
.Lfunc_end1:
_tile_overlayer_lowered:
.L_overlay_start_2:
0x54: {  	(tag) =	ssettag $0x2  }
0x55: {  	s0 =	rddreg [dreg:$0x0];
	s2 =	stileid.u32  }
0x56: {  	s1 =	rddreg [dreg:$0x1];
	p0 =	sne.s32 s2, $0x0  }
0x57: {  	s3 =	rddreg [dreg:$0x2];
	[bflag:$0x3] =	sbarrier.arrive $0xFFFF;
	s2 =	simm.s32 @!p0 $0x1C01  }
0x58: {  	[timem:s3], [sflag:s2] =	dma.local @!p0 [hbm:s0], s1  }
0x59: {  	s0 =	simm.s32 @!p0 $0x1  }
0x5a: {  	_ =	swait.ge @!p0 [sflag:s0], s1  }
0x5b: {  	s1 =	ssub.s32 @!p0 $0x0, s1;
	[sflag:s0] =	ssyncset.done @!p0 $0x0  }
0x5c: {  	[sflag:s0] =	ssyncadd.s32 @!p0 s1  }
0x5d: {  	[bflag:$0x3] =	sbarrier.arrive $0xFFFF  }
0x5e: {  	_ =	shalt  }

// kernel: sparse-core-data-format-call.3.cloned.1.call-start
scs
called_computation.3_lowered:
.L_overlay_start_0:
0x0: {  	s2 =	sld [smem:$0x3FD9]  }
0x1: {  	s3 =	sld [smem:$0x3FFE];
	_ =	sdelay $0x1  }
0x2: {  	s1 =	srdreg.scid  }
0x3: {  	s0 =	sand.u32 $0x1, s1  }
0x4: {  	s18 =	sshll.u32 s0, $0xA;
	s2 =	sadd.s32 s3, s2  }
0x5: {  	s2 =	sadd.s32 s2, s18  }
0x6: {  	[smem:$0x3FC4] =	sst s2  }
0x7: {  	_ = 	snop  }
0x8: {  	(tm) =	ssettm $0x1  }
0x9: {  	s19 =	sld [smem:$0x3FFB];
	_ =	sdelay $0x3  }
0xa: {  	_ =	strace s19  }
0xb: {  	s2 =	sld [smem:$0x3FFC];
	_ =	sdelay $0x3  }
0xc: {  	_ =	strace s2  }
0xd: {  	s2 =	sld [smem:$0x3FFD];
	_ =	sdelay $0x3  }
0xe: {  	_ =	strace s2  }
0xf: {  	_ =	strace $0x8FFFFFFF  }
0x10: {  	s20 =	sld [smem:$0x3FDB];
	_ =	sdelay $0x1  }
0x11: {  	s21 =	simm.s32 $_scs_section_size  }
0x12: {  	s4 =	simm.s32 $_size__tile_overlayer_lowered;
	s5 =	simm.s32 $_tile_overlayer_lowered  }
0x13: {  	s6 =	simm.s32 $0x1BFF;
	s22 =	sshll.u32 s5, $0x1;
	s3 =	sadd.s32 s21, s20  }
0x14: {  	s23 =	simm.s32 $0x0;
	s4 =	sshll.u32 s4, $0x1;
	s5 =	sadd.s32 s22, s3  }
0x15: {  	[timem:s23], [sflag:s6] =	dma.local [hbm:s5], s4  }
0x16: {  	_ =	swait.ge [sflag:s6], s4  }
0x17: {  	s4 =	ssub.s32 $0x0, s4;
	[sflag:s6] =	ssyncset.done $0x0  }
0x18: {  	[sflag:s6] =	ssyncadd.s32 s4;
	_ =	sdelay $0x1  }
0x19: {  	s24 =	simm.s32 $0x1B8B  }
0x1a: {  	_ =	swait.ge [sflag:s24], $0x1  }
0x1b: {  	[sflag:s24] =	ssyncset.done $0x0  }
0x1c: {  	[sflag:s24] =	ssyncadd.s32 $0xFFFFFFFF  }
0x1d: {  	s4 =	sld [smem:$0x0]  }
0x1e: {  	s5 =	sand.u32 $0xFFFFFFFE, s1  }
0x1f: {  	p0 =	sne.s32 s1, s5  }
0x20: {  	s5 =	sshll.u32 @p0 s5, $0xE  }
0x21: {  	s5 =	sadd.s32 @p0 $0x11B8D, s5;
	s6 =	sshll.u32 @p0 s4, $0x11  }
0x22: {  	s5 =	sor.u32 @p0 s6, s5  }
0x23: {  	[sflag:s5] =	ssyncadd.remote.s32 @p0 $0x1;
	_ =	sdelay $0x1  }
0x24: {  	s5 =	simm.s32 @p0 $0x1B8D  }
0x25: {  	_ =	swait.eq @p0 [sflag:s5], $0x1  }
0x26: {  	[sflag:s5] =	ssyncadd.s32 @p0 $0xFFFFFFFF  }
0x27: {  	s6 =	sshll.u32 @!p0 s1, $0xE  }
0x28: {  	s6 =	sor.u32 @!p0 $0x4000, s6;
	s5 =	simm.s32 @!p0 $0x1B8D  }
0x29: {  	s4 =	sshll.u32 @!p0 s4, $0x11;
	s6 =	sadd.s32 @!p0 $0x11B8D, s6;
	_ =	swait.eq @!p0 [sflag:s5], $0x1  }
0x2a: {  	s4 =	sor.u32 @!p0 s4, s6;
	[sflag:s5] =	ssyncadd.s32 @!p0 $0xFFFFFFFF  }
0x2b: {  	s26 =	simm.s32 $0x1B8E;
	s25 =	sld [smem:$0x3FFE];
	[sflag:s4] =	ssyncadd.remote.s32 @!p0 $0x1  }
0x2c: {  	s27 =	simm.s32 $execute0_lowered;
	[smem:$0x3FD2] =	sst s26  }
0x2d: {  	s5 =	sshll.u32 s27, $0x1;
	_ =	strace $0x8000004F;
	[dreg:$0x1] =	wrdreg $0xFFFFFFFF  }
0x2e: {  	s28 =	simm.s32 $_size_execute0_lowered;
	s3 =	sadd.s32 s3, s5;
	[dreg:$0x0] =	wrdreg $0x0  }
0x2f: {  	s5 =	sshll.u32 s28, $0x1;
	[dreg:$0x2] =	wrdreg s3  }
0x30: {  	[dreg:$0x3] =	wrdreg s5  }
0x31: {  	[dreg:$0x4] =	wrdreg $0xC0  }
0x32: {  	_ =	task [dreg:s23], $0x5FFFF  }
0x33: {  	[dreg:$0x1] =	wrdreg $0xFFFFFFFF  }
0x34: {  	[dreg:$0x0] =	wrdreg $0x60  }
0x35: {  	[dreg:$0x2] =	wrdreg s25  }
0x36: {  	[dreg:$0x3] =	wrdreg $0x9  }
0x37: {  	_ =	task.clear_ibuf [dreg:s23], $0x4FFFF;
	_ =	strace $0x9000004F  }
0x38: {  	s29 =	simm.s32 $0x9;
	_ =	strace $0x80000051  }
0x39: {  	_ =	swait.ge [sflag:s29], $0x1  }
0x3a: {  	[sflag:s29] =	ssyncadd.s32 $0xFFFFFFFF  }
0x3b: {  	_ =	strace $0x90000051  }
0x3c: {  	_ =	sfence  }
0x3d: {  	s30 =	sld [smem:$0x0];
	_ =	sdelay $0x2  }
0x3e: {  	s31 =	sshll.u32 s1, $0xD;
	s1 =	sshrl.u32 s1, $0x2  }
0x3f: {  	s4 =	sand.u32 $0x4000, s31;
	s1 =	sadd.s32 s1, s30  }
0x40: {  	s0 =	sor.u32 s4, s0;
	s1 =	sshll.u32 s1, $0x11  }
0x41: {  	s0 =	sor.u32 s1, s0  }
0x42: {  	s0 =	sadd.s32 $0x8F2B, s0  }
0x43: {  	[sflag:s0] =	ssyncadd.remote.s32 $0x1  }
0x44: {  	_ =	sfence.sel $0xFFFF  }
0x45: {  	[dreg:$0x0] =	wrdreg $0xFFFFFFFF;
	(pc) =	sbr.abs _section_cstart, $3  }
0x46: {  	[dreg:$0x1] =	wrdreg $0xFFFFFFFF  }
0x47: {  	_ =	task.clear_ibuf [dreg:s23], $0x2FFFF;
	_ =	strace $0x9FFFFFFF  }
0x48: {  	(tm) =	ssettm $0x7FFFFFFF  }
0x49: {  	_ =	shalt  }
tec
execute0_lowered:
.L_overlay_start_1:
0x0: {  	(tag) =	ssettag $0x1  }
0x1: {  	s0 =	srdreg.scid  }
0x2: {  	s1 =	sshll.u32 s0, $0x4  }
0x3: {  	s4 =	rddreg [dreg:$0x0];
	s0 =	stileid.u32;
	s1 =	sand.u32 $0x10, s1  }
0x4: {  	s7 =	simm.s32 $0x1;
	s8 =	simm.s32 $0x2;
	s2 =	sor.u32 s0, s1  }
0x5: {  	s9 =	simm.s32 $0x0;
	s12 =	simm.s32 $0x0;
	s2 =	sshll.u32 s2, $0x1  }
0x6: {  	s11 =	simm.s32 $0x0;
	s3 =	sadd.s32 $0xC78400, s4;
	s6 =	ssub.s32 $0x800, s2  }
.Ltmp0:
0x7: {  	s4 =	sadd.s32 $0xE80400, s4;
	s5 =	sand.u32 $0x3E, s6;
	(pc) =	sbr.rel .LBB1_1-.Ltmp0, $4  }
0x8: {  	s1 =	rddreg [dreg:$0x1];
	_ =	strace $0x80000050;
	p0 =	sne.s32 s5, $0x0  }
0x9: {  	s6 =	sshrl.u32 s6, $0x6;
	s5 =	simm.s32 $0x1;
	s7 =	simm.s32 @!p0 $0x0  }
0xa: {  	s10 =	smov.u32 s2;
	[sflag:s5] =	ssyncpa.u1 $0x0;
	s6 =	sadd.s32 s7, s6  }
0xb: {  	[sflag:s8] =	ssyncpa.u1 $0x0;
	s8 =	simm.s32 $0x0;
	s7 =	sadd.s32 $0x1, s6  }
.LBB1_9:
0xc: {  	s14 =	sadd.s32 $0x40, s10  }
0xd: {  	p1 =	sgt.s32 s14, $0x7FF  }
0xe: {  	s14 =	smov.u32 @p1 s2;
	p1 =	sne.s32 s11, s7  }
.Ltmp1:
0xf: {  	p0 =	slt.u32 s11, $0x2;
	(pc) =	sbr.rel @!p1 .LBB1_10-.Ltmp1, $4  }
0x10: {  	s13 =	simm.s32 @!p0 $0x2  }
0x11: {  	s15 =	sadd.s32 $0x1, s11;
	_ =	swait.ge @!p0 [sflag:s13], $0x4000  }
0x12: {  	s12 =	smov.u32 s10;
	s9 =	sadd.s32 $0x4000, s9;
	[sflag:s13] =	ssyncset.done @!p0 $0x0  }
0x13: {  	s11 =	smov.u32 s15;
	s10 =	smov.u32 s14;
	[sflag:s13] =	ssyncadd.s32 @!p0 $0xFFFFC000  }
.LBB1_1:
0x14: {  	p0 =	sge.u32 s11, s6  }
0x15: {  	s13 =	sxor.u32 @!p0 $0xFFFFFFFF, s11  }
0x16: {  	s31 =	sadd.s32 $0xFFFFFFFF, s11;
	s14 =	sshll.u32 @!p0 s10, $0xA;
	s13 =	sshll.u32 @!p0 s13, $0xE  }
0x17: {  	s15 =	simm.s32 @!p0 $0x0;
	s14 =	sadd.s32 @!p0 s3, s14;
	s13 =	sand.u32 @!p0 $0x4000, s13  }
0x18: {  	[tilespmem:s13], [sflag:$0x1] =	stream.linear.gather @!p0 [hbm4b:s14+s15], $0x4000, $0x38;
	[tilespmem:$0x10000] =	vst v63  }
0x19: {  	p0 =	sge.u32 s31, s6  }
.Ltmp2:
0x1a: {  	_ = 	snop;
	(pc) =	sbr.rel @p0 .LBB1_9-.Ltmp2, $1  }
0x1b: {  	_ =	sdelay $0x3  }
0x1c: {  	s13 =	sshll.u32 s9, $0x2  }
0x1d: {  	_ =	swait.ge [sflag:s5], $0x4000;
	s14 =	sshll.u32 s11, $0xE;
	s16 =	simm.s32 $0x0  }
0x1e: {  	p1 =	por $0x1, $0x1;
	s13 =	sand.u32 $0x10000, s13;
	[sflag:s5] =	ssyncset.done $0x0  }
0x1f: {  	s14 =	sand.u32 $0x4000, s14;
	s15 =	sshrl.u32 s13, $0x2;
	[sflag:s5] =	ssyncadd.s32 $0xFFFFC000  }
0x20: {  	s13 =	sor.u32 $0x8000, s14;
	s14 =	sadd.s32 $0x8040, s15;
	s15 =	sadd.s32 $0x40, s15  }
.LBB1_3:
0x21: {  	s16 =	sshll.u32 s16, $0x2  }
0x22: {  	p0 =	por p1, p1;
	s17 =	sshra.s32 s16, $0x2  }
0x23: {  	s18 =	simm.s32 $0x0;
	s16 =	sadd.s32 s17, s14;
	s17 =	sadd.s32 s17, s15  }
.LBB1_4:
0x24: {  	v0 =	vmov s17;
	_ =	sdelay $0x3  }
0x25: {  	s20 =	simm.s32 $0x0  }
0x26: {  	v6 =	vld.idx.msk [tilespmem:v0+s20+$0x30 ss:$0x1], $0xffff  }
0x27: {  	v7 =	vld.idx.msk [tilespmem:v0+s20+$0xFFFFFFC0 ss:$0x1], $0xffff  }
0x28: {  	v5 =	vld.idx.msk [tilespmem:v0+s20+$0xFFFFFFD0 ss:$0x1], $0xffff  }
0x29: {  	v4 =	vld.idx.msk [tilespmem:v0+s20+$0xFFFFFFE0 ss:$0x1], $0xffff  }
0x2a: {  	v3 =	vld.idx.msk [tilespmem:v0+s20+$0xFFFFFFF0 ss:$0x1], $0xffff  }
0x2b: {  	v1 =	vld.idx.msk [tilespmem:v0+s20+$0x0 ss:$0x1], $0xffff  }
0x2c: {  	v2 =	vld.idx.msk [tilespmem:v0+s20+$0x10 ss:$0x1], $0xffff;
	[tilespmem:s16+$0x30] =	vst v6  }
0x2d: {  	s19 =	simm.s32 $0x80;
	s21 =	simm.s32 $0x400;
	[tilespmem:s16+$0xFFFFFFC0] =	vst v7;
	v6 =	vld.idx.msk [tilespmem:v0+s20+$0x20 ss:$0x1], $0xffff;
	s20 =	smov.u32 s16  }
.LBB1_5:
0x2e: {  	p1 =	sne.s32 s21, $0xE00;
	v7 =	vld.idx.msk [tilespmem:v0+s19+$0x30 ss:$0x1], $0xffff;
	[tilespmem:s20+$0xFFFFFFD0] =	vst v5  }
0x2f: {  	v8 =	vld.idx.msk [tilespmem:v0+s19+$0xFFFFFFC0 ss:$0x1], $0xffff;
	[tilespmem:s20+$0xFFFFFFE0] =	vst v4  }
0x30: {  	v5 =	vld.idx.msk [tilespmem:v0+s19+$0xFFFFFFD0 ss:$0x1], $0xffff;
	[tilespmem:s20+$0xFFFFFFF0] =	vst v3  }
.Ltmp3:
0x31: {  	v4 =	vld.idx.msk [tilespmem:v0+s19+$0xFFFFFFE0 ss:$0x1], $0xffff;
	[tilespmem:s20+$0x0] =	vst v1;
	(pc) =	sbr.rel @p1 .LBB1_5-.Ltmp3, $4  }
0x32: {  	v3 =	vld.idx.msk [tilespmem:v0+s19+$0xFFFFFFF0 ss:$0x1], $0xffff;
	[tilespmem:s20+$0x10] =	vst v2  }
0x33: {  	v1 =	vld.idx.msk [tilespmem:v0+s19+$0x0 ss:$0x1], $0xffff;
	[tilespmem:s20+$0x20] =	vst v6;
	s20 =	sadd.s32 $0x400, s20  }
0x34: {  	v2 =	vld.idx.msk [tilespmem:v0+s19+$0x10 ss:$0x1], $0xffff;
	[tilespmem:s20+$0x30] =	vst v7  }
0x35: {  	[tilespmem:s20+$0xFFFFFFC0] =	vst v8;
	v6 =	vld.idx.msk [tilespmem:v0+s19+$0x20 ss:$0x1], $0xffff;
	s19 =	sshra.s32 s21, $0x2;
	s21 =	sadd.s32 $0x200, s21  }
0x36: {  	_ =	sdelay $0x2  }
0x37: {  	[tilespmem:s20+$0xFFFFFFD0] =	vst v5  }
0x38: {  	v56 =	vld.idx.msk [tilespmem:v0+s19+$0x30 ss:$0x1], $0xffff;
	[tilespmem:s20+$0xFFFFFFE0] =	vst v4  }
0x39: {  	v57 =	vld.idx.msk [tilespmem:v0+s19+$0xFFFFFFC0 ss:$0x1], $0xffff;
	[tilespmem:s20+$0xFFFFFFF0] =	vst v3  }
0x3a: {  	v58 =	vld.idx.msk [tilespmem:v0+s19+$0xFFFFFFD0 ss:$0x1], $0xffff;
	[tilespmem:s20+$0x0] =	vst v1  }
0x3b: {  	v59 =	vld.idx.msk [tilespmem:v0+s19+$0xFFFFFFE0 ss:$0x1], $0xffff;
	[tilespmem:s20+$0x10] =	vst v2  }
0x3c: {  	v60 =	vld.idx.msk [tilespmem:v0+s19+$0xFFFFFFF0 ss:$0x1], $0xffff;
	s31 =	sadd.s32 $0x400, s20;
	[tilespmem:s20+$0x20] =	vst v6  }
0x3d: {  	v61 =	vld.idx.msk [tilespmem:v0+s19+$0x0 ss:$0x1], $0xffff;
	[tilespmem:s31+$0x30] =	vst v56  }
0x3e: {  	v62 =	vld.idx.msk [tilespmem:v0+s19+$0x10 ss:$0x1], $0xffff;
	s18 =	sadd.s32 $0x1, s18;
	[tilespmem:s31+$0xFFFFFFC0] =	vst v57  }
0x3f: {  	v63 =	vld.idx.msk [tilespmem:v0+s19+$0x20 ss:$0x1], $0xffff;
	p1 =	sne.s32 s18, $0x8;
	[tilespmem:s31+$0xFFFFFFD0] =	vst v58  }
.Ltmp4:
0x40: {  	[tilespmem:s31+$0xFFFFFFE0] =	vst v59;
	(pc) =	sbr.rel @p1 .LBB1_4-.Ltmp4, $4  }
0x41: {  	[tilespmem:s31+$0xFFFFFFF0] =	vst v60  }
0x42: {  	[tilespmem:s31+$0x0] =	vst v61  }
0x43: {  	[tilespmem:s31+$0x10] =	vst v62  }
0x44: {  	s16 =	sadd.s32 $0x80, s16;
	s17 =	sadd.s32 $0x400, s17;
	[tilespmem:s31+$0x20] =	vst v63  }
.Ltmp5:
0x45: {  	(pc) =	sbr.rel @p0 .LBB1_3-.Ltmp5, $2  }
0x46: {  	_ =	sdelay $0x2  }
0x47: {  	s16 =	simm.s32 $0x2000;
	p1 =	por $0x0, $0x0  }
.Ltmp6:
0x48: {  	(pc) =	sbr.rel .LBB1_9-.Ltmp6, $4  }
0x49: {  	_ = 	snop  }
0x4a: {  	s12 =	sshll.u32 s12, $0xA  }
0x4b: {  	s12 =	sadd.s32 s4, s12  }
0x4c: {  	[hbm4b:s12+s8] =	stream.linear.scatter [tilespmem:s13], [sflag:$0x2], $0x4000, $0x38;
	[tilespmem:$0x10000] =	vst v63  }
.LBB1_10:
0x4d: {  	_ =	sfence.sel $0x180000  }
0x4e: {  	s2 =	simm.s32 $0x1;
	[bflag:$0x0] =	sbarrier.arrive $0xFFFF  }
0x4f: {  	s31 =	simm.s32 $0x2;
	[sflag:s2] =	ssyncpa.u1 $0x1  }
0x50: {  	[sflag:s31] =	ssyncpa.u1 $0x1  }
0x51: {  	p0 =	sne.s32 s0, $0x0;
	_ =	strace $0x90000050  }
0x52: {  	s0 =	sadd.s32 @!p0 $0x100000, s1;
	[bflag:$0x2] =	sbarrier.arrive $0xFFFF  }
0x53: {  	[sflag:s0] =	ssyncadd.tile.s32 @!p0 $0x1;
	_ =	shalt  }
.Lfunc_end1:
_tile_overlayer_lowered:
.L_overlay_start_2:
0x54: {  	(tag) =	ssettag $0x2  }
0x55: {  	s0 =	rddreg [dreg:$0x0];
	s2 =	stileid.u32  }
0x56: {  	s1 =	rddreg [dreg:$0x1];
	p0 =	sne.s32 s2, $0x0  }
0x57: {  	s3 =	rddreg [dreg:$0x2];
	[bflag:$0x3] =	sbarrier.arrive $0xFFFF;
	s2 =	simm.s32 @!p0 $0x1C01  }
0x58: {  	[timem:s3], [sflag:s2] =	dma.local @!p0 [hbm:s0], s1  }
0x59: {  	s0 =	simm.s32 @!p0 $0x1  }
0x5a: {  	_ =	swait.ge @!p0 [sflag:s0], s1  }
0x5b: {  	s1 =	ssub.s32 @!p0 $0x0, s1;
	[sflag:s0] =	ssyncset.done @!p0 $0x0  }
0x5c: {  	[sflag:s0] =	ssyncadd.s32 @!p0 s1  }
0x5d: {  	[bflag:$0x3] =	sbarrier.arrive $0xFFFF  }
0x5e: {  	_ =	shalt  }

// kernel: sparse-core-data-format-call.cloned.1.call-start
scs
called_computation_lowered:
.L_overlay_start_0:
0x0: {  	s2 =	sld [smem:$0x3FD9]  }
0x1: {  	s3 =	sld [smem:$0x3FFE];
	_ =	sdelay $0x1  }
0x2: {  	s1 =	srdreg.scid  }
0x3: {  	s0 =	sand.u32 $0x1, s1  }
0x4: {  	s18 =	sshll.u32 s0, $0xA;
	s2 =	sadd.s32 s3, s2  }
0x5: {  	s2 =	sadd.s32 s2, s18  }
0x6: {  	[smem:$0x3FC4] =	sst s2  }
0x7: {  	_ = 	snop  }
0x8: {  	(tm) =	ssettm $0x1  }
0x9: {  	s19 =	sld [smem:$0x3FFB];
	_ =	sdelay $0x3  }
0xa: {  	_ =	strace s19  }
0xb: {  	s2 =	sld [smem:$0x3FFC];
	_ =	sdelay $0x3  }
0xc: {  	_ =	strace s2  }
0xd: {  	s2 =	sld [smem:$0x3FFD];
	_ =	sdelay $0x3  }
0xe: {  	_ =	strace s2  }
0xf: {  	_ =	strace $0x8FFFFFFF  }
0x10: {  	s20 =	sld [smem:$0x3FDB];
	_ =	sdelay $0x1  }
0x11: {  	s21 =	simm.s32 $_scs_section_size  }
0x12: {  	s4 =	simm.s32 $_size__tile_overlayer_lowered;
	s5 =	simm.s32 $_tile_overlayer_lowered  }
0x13: {  	s6 =	simm.s32 $0x1BFF;
	s22 =	sshll.u32 s5, $0x1;
	s3 =	sadd.s32 s21, s20  }
0x14: {  	s23 =	simm.s32 $0x0;
	s4 =	sshll.u32 s4, $0x1;
	s5 =	sadd.s32 s22, s3  }
0x15: {  	[timem:s23], [sflag:s6] =	dma.local [hbm:s5], s4  }
0x16: {  	_ =	swait.ge [sflag:s6], s4  }
0x17: {  	s4 =	ssub.s32 $0x0, s4;
	[sflag:s6] =	ssyncset.done $0x0  }
0x18: {  	[sflag:s6] =	ssyncadd.s32 s4;
	_ =	sdelay $0x1  }
0x19: {  	s24 =	simm.s32 $0x1B8B  }
0x1a: {  	_ =	swait.ge [sflag:s24], $0x1  }
0x1b: {  	[sflag:s24] =	ssyncset.done $0x0  }
0x1c: {  	[sflag:s24] =	ssyncadd.s32 $0xFFFFFFFF  }
0x1d: {  	s4 =	sld [smem:$0x0]  }
0x1e: {  	s5 =	sand.u32 $0xFFFFFFFE, s1  }
0x1f: {  	p0 =	sne.s32 s1, s5  }
0x20: {  	s5 =	sshll.u32 @p0 s5, $0xE  }
0x21: {  	s5 =	sadd.s32 @p0 $0x11B8D, s5;
	s6 =	sshll.u32 @p0 s4, $0x11  }
0x22: {  	s5 =	sor.u32 @p0 s6, s5  }
0x23: {  	[sflag:s5] =	ssyncadd.remote.s32 @p0 $0x1;
	_ =	sdelay $0x1  }
0x24: {  	s5 =	simm.s32 @p0 $0x1B8D  }
0x25: {  	_ =	swait.eq @p0 [sflag:s5], $0x1  }
0x26: {  	[sflag:s5] =	ssyncadd.s32 @p0 $0xFFFFFFFF  }
0x27: {  	s6 =	sshll.u32 @!p0 s1, $0xE  }
0x28: {  	s6 =	sor.u32 @!p0 $0x4000, s6;
	s5 =	simm.s32 @!p0 $0x1B8D  }
0x29: {  	s4 =	sshll.u32 @!p0 s4, $0x11;
	s6 =	sadd.s32 @!p0 $0x11B8D, s6;
	_ =	swait.eq @!p0 [sflag:s5], $0x1  }
0x2a: {  	s4 =	sor.u32 @!p0 s4, s6;
	[sflag:s5] =	ssyncadd.s32 @!p0 $0xFFFFFFFF  }
0x2b: {  	s26 =	simm.s32 $0x1B8E;
	s25 =	sld [smem:$0x3FFE];
	[sflag:s4] =	ssyncadd.remote.s32 @!p0 $0x1  }
0x2c: {  	s27 =	simm.s32 $execute0_lowered;
	[smem:$0x3FD2] =	sst s26  }
0x2d: {  	s5 =	sshll.u32 s27, $0x1;
	_ =	strace $0x80000049;
	[dreg:$0x1] =	wrdreg $0xFFFFFFFF  }
0x2e: {  	s28 =	simm.s32 $_size_execute0_lowered;
	s3 =	sadd.s32 s3, s5;
	[dreg:$0x0] =	wrdreg $0x0  }
0x2f: {  	s5 =	sshll.u32 s28, $0x1;
	[dreg:$0x2] =	wrdreg s3  }
0x30: {  	[dreg:$0x3] =	wrdreg s5  }
0x31: {  	[dreg:$0x4] =	wrdreg $0xC0  }
0x32: {  	_ =	task [dreg:s23], $0x5FFFF  }
0x33: {  	[dreg:$0x1] =	wrdreg $0xFFFFFFFF  }
0x34: {  	[dreg:$0x0] =	wrdreg $0x60  }
0x35: {  	[dreg:$0x2] =	wrdreg s25  }
0x36: {  	[dreg:$0x3] =	wrdreg $0xC  }
0x37: {  	_ =	task.clear_ibuf [dreg:s23], $0x4FFFF;
	_ =	strace $0x90000049  }
0x38: {  	s29 =	simm.s32 $0xC;
	_ =	strace $0x8000004B  }
0x39: {  	_ =	swait.ge [sflag:s29], $0x1  }
0x3a: {  	[sflag:s29] =	ssyncadd.s32 $0xFFFFFFFF  }
0x3b: {  	_ =	strace $0x9000004B  }
0x3c: {  	_ =	sfence  }
0x3d: {  	s30 =	sld [smem:$0x0];
	_ =	sdelay $0x2  }
0x3e: {  	s31 =	sshll.u32 s1, $0xD;
	s1 =	sshrl.u32 s1, $0x2  }
0x3f: {  	s4 =	sand.u32 $0x4000, s31;
	s1 =	sadd.s32 s1, s30  }
0x40: {  	s0 =	sor.u32 s4, s0;
	s1 =	sshll.u32 s1, $0x11  }
0x41: {  	s0 =	sor.u32 s1, s0  }
0x42: {  	s0 =	sadd.s32 $0x8F2B, s0  }
0x43: {  	[sflag:s0] =	ssyncadd.remote.s32 $0x1  }
0x44: {  	_ =	sfence.sel $0xFFFF  }
0x45: {  	[dreg:$0x0] =	wrdreg $0xFFFFFFFF;
	(pc) =	sbr.abs _section_cstart, $3  }
0x46: {  	[dreg:$0x1] =	wrdreg $0xFFFFFFFF  }
0x47: {  	_ =	task.clear_ibuf [dreg:s23], $0x2FFFF;
	_ =	strace $0x9FFFFFFF  }
0x48: {  	(tm) =	ssettm $0x7FFFFFFF  }
0x49: {  	_ =	shalt  }
tec
execute0_lowered:
.L_overlay_start_1:
0x0: {  	(tag) =	ssettag $0x1  }
0x1: {  	s0 =	srdreg.scid  }
0x2: {  	s1 =	sshll.u32 s0, $0x4  }
0x3: {  	s4 =	rddreg [dreg:$0x0];
	s0 =	stileid.u32;
	s1 =	sand.u32 $0x10, s1  }
0x4: {  	s7 =	simm.s32 $0x1;
	s8 =	simm.s32 $0x2;
	s2 =	sor.u32 s0, s1  }
0x5: {  	s9 =	simm.s32 $0x0;
	s12 =	simm.s32 $0x0;
	s2 =	sshll.u32 s2, $0x1  }
0x6: {  	s11 =	simm.s32 $0x0;
	s3 =	sadd.s32 $0x468400, s4;
	s6 =	ssub.s32 $0x800, s2  }
.Ltmp0:
0x7: {  	s4 =	sadd.s32 $0x670400, s4;
	s5 =	sand.u32 $0x3E, s6;
	(pc) =	sbr.rel .LBB1_1-.Ltmp0, $4  }
0x8: {  	s1 =	rddreg [dreg:$0x1];
	_ =	strace $0x8000004A;
	p0 =	sne.s32 s5, $0x0  }
0x9: {  	s6 =	sshrl.u32 s6, $0x6;
	s5 =	simm.s32 $0x1;
	s7 =	simm.s32 @!p0 $0x0  }
0xa: {  	s10 =	smov.u32 s2;
	[sflag:s5] =	ssyncpa.u1 $0x0;
	s6 =	sadd.s32 s7, s6  }
0xb: {  	[sflag:s8] =	ssyncpa.u1 $0x0;
	s8 =	simm.s32 $0x0;
	s7 =	sadd.s32 $0x1, s6  }
.LBB1_9:
0xc: {  	s14 =	sadd.s32 $0x40, s10  }
0xd: {  	p1 =	sgt.s32 s14, $0x7FF  }
0xe: {  	s14 =	smov.u32 @p1 s2;
	p1 =	sne.s32 s11, s7  }
.Ltmp1:
0xf: {  	p0 =	slt.u32 s11, $0x2;
	(pc) =	sbr.rel @!p1 .LBB1_10-.Ltmp1, $4  }
0x10: {  	s13 =	simm.s32 @!p0 $0x2  }
0x11: {  	s15 =	sadd.s32 $0x1, s11;
	_ =	swait.ge @!p0 [sflag:s13], $0x4000  }
0x12: {  	s12 =	smov.u32 s10;
	s9 =	sadd.s32 $0x4000, s9;
	[sflag:s13] =	ssyncset.done @!p0 $0x0  }
0x13: {  	s11 =	smov.u32 s15;
	s10 =	smov.u32 s14;
	[sflag:s13] =	ssyncadd.s32 @!p0 $0xFFFFC000  }
.LBB1_1:
0x14: {  	p0 =	sge.u32 s11, s6  }
0x15: {  	s13 =	sxor.u32 @!p0 $0xFFFFFFFF, s11  }
0x16: {  	s31 =	sadd.s32 $0xFFFFFFFF, s11;
	s14 =	sshll.u32 @!p0 s10, $0xA;
	s13 =	sshll.u32 @!p0 s13, $0xE  }
0x17: {  	s15 =	simm.s32 @!p0 $0x0;
	s14 =	sadd.s32 @!p0 s3, s14;
	s13 =	sand.u32 @!p0 $0x4000, s13  }
0x18: {  	[tilespmem:s13], [sflag:$0x1] =	stream.linear.gather @!p0 [hbm4b:s14+s15], $0x4000, $0x38;
	[tilespmem:$0x10000] =	vst v63  }
0x19: {  	p0 =	sge.u32 s31, s6  }
.Ltmp2:
0x1a: {  	_ = 	snop;
	(pc) =	sbr.rel @p0 .LBB1_9-.Ltmp2, $1  }
0x1b: {  	_ =	sdelay $0x3  }
0x1c: {  	s13 =	sshll.u32 s9, $0x2  }
0x1d: {  	_ =	swait.ge [sflag:s5], $0x4000;
	s14 =	sshll.u32 s11, $0xE;
	s16 =	simm.s32 $0x0  }
0x1e: {  	p1 =	por $0x1, $0x1;
	s13 =	sand.u32 $0x10000, s13;
	[sflag:s5] =	ssyncset.done $0x0  }
0x1f: {  	s14 =	sand.u32 $0x4000, s14;
	s15 =	sshrl.u32 s13, $0x2;
	[sflag:s5] =	ssyncadd.s32 $0xFFFFC000  }
0x20: {  	s13 =	sor.u32 $0x8000, s14;
	s14 =	sadd.s32 $0x8040, s15;
	s15 =	sadd.s32 $0x40, s15  }
.LBB1_3:
0x21: {  	s16 =	sshll.u32 s16, $0x2  }
0x22: {  	p0 =	por p1, p1;
	s17 =	sshra.s32 s16, $0x2  }
0x23: {  	s18 =	simm.s32 $0x0;
	s16 =	sadd.s32 s17, s14;
	s17 =	sadd.s32 s17, s15  }
.LBB1_4:
0x24: {  	v0 =	vmov s17;
	_ =	sdelay $0x3  }
0x25: {  	s20 =	simm.s32 $0x0  }
0x26: {  	v6 =	vld.idx.msk [tilespmem:v0+s20+$0x30 ss:$0x1], $0xffff  }
0x27: {  	v7 =	vld.idx.msk [tilespmem:v0+s20+$0xFFFFFFC0 ss:$0x1], $0xffff  }
0x28: {  	v5 =	vld.idx.msk [tilespmem:v0+s20+$0xFFFFFFD0 ss:$0x1], $0xffff  }
0x29: {  	v4 =	vld.idx.msk [tilespmem:v0+s20+$0xFFFFFFE0 ss:$0x1], $0xffff  }
0x2a: {  	v3 =	vld.idx.msk [tilespmem:v0+s20+$0xFFFFFFF0 ss:$0x1], $0xffff  }
0x2b: {  	v1 =	vld.idx.msk [tilespmem:v0+s20+$0x0 ss:$0x1], $0xffff  }
0x2c: {  	v2 =	vld.idx.msk [tilespmem:v0+s20+$0x10 ss:$0x1], $0xffff;
	[tilespmem:s16+$0x30] =	vst v6  }
0x2d: {  	s19 =	simm.s32 $0x80;
	s21 =	simm.s32 $0x400;
	[tilespmem:s16+$0xFFFFFFC0] =	vst v7;
	v6 =	vld.idx.msk [tilespmem:v0+s20+$0x20 ss:$0x1], $0xffff;
	s20 =	smov.u32 s16  }
.LBB1_5:
0x2e: {  	p1 =	sne.s32 s21, $0xE00;
	v7 =	vld.idx.msk [tilespmem:v0+s19+$0x30 ss:$0x1], $0xffff;
	[tilespmem:s20+$0xFFFFFFD0] =	vst v5  }
0x2f: {  	v8 =	vld.idx.msk [tilespmem:v0+s19+$0xFFFFFFC0 ss:$0x1], $0xffff;
	[tilespmem:s20+$0xFFFFFFE0] =	vst v4  }
0x30: {  	v5 =	vld.idx.msk [tilespmem:v0+s19+$0xFFFFFFD0 ss:$0x1], $0xffff;
	[tilespmem:s20+$0xFFFFFFF0] =	vst v3  }
.Ltmp3:
0x31: {  	v4 =	vld.idx.msk [tilespmem:v0+s19+$0xFFFFFFE0 ss:$0x1], $0xffff;
	[tilespmem:s20+$0x0] =	vst v1;
	(pc) =	sbr.rel @p1 .LBB1_5-.Ltmp3, $4  }
0x32: {  	v3 =	vld.idx.msk [tilespmem:v0+s19+$0xFFFFFFF0 ss:$0x1], $0xffff;
	[tilespmem:s20+$0x10] =	vst v2  }
0x33: {  	v1 =	vld.idx.msk [tilespmem:v0+s19+$0x0 ss:$0x1], $0xffff;
	[tilespmem:s20+$0x20] =	vst v6;
	s20 =	sadd.s32 $0x400, s20  }
0x34: {  	v2 =	vld.idx.msk [tilespmem:v0+s19+$0x10 ss:$0x1], $0xffff;
	[tilespmem:s20+$0x30] =	vst v7  }
0x35: {  	[tilespmem:s20+$0xFFFFFFC0] =	vst v8;
	v6 =	vld.idx.msk [tilespmem:v0+s19+$0x20 ss:$0x1], $0xffff;
	s19 =	sshra.s32 s21, $0x2;
	s21 =	sadd.s32 $0x200, s21  }
0x36: {  	_ =	sdelay $0x2  }
0x37: {  	[tilespmem:s20+$0xFFFFFFD0] =	vst v5  }
0x38: {  	v56 =	vld.idx.msk [tilespmem:v0+s19+$0x30 ss:$0x1], $0xffff;
	[tilespmem:s20+$0xFFFFFFE0] =	vst v4  }
0x39: {  	v57 =	vld.idx.msk [tilespmem:v0+s19+$0xFFFFFFC0 ss:$0x1], $0xffff;
	[tilespmem:s20+$0xFFFFFFF0] =	vst v3  }
0x3a: {  	v58 =	vld.idx.msk [tilespmem:v0+s19+$0xFFFFFFD0 ss:$0x1], $0xffff;
	[tilespmem:s20+$0x0] =	vst v1  }
0x3b: {  	v59 =	vld.idx.msk [tilespmem:v0+s19+$0xFFFFFFE0 ss:$0x1], $0xffff;
	[tilespmem:s20+$0x10] =	vst v2  }
0x3c: {  	v60 =	vld.idx.msk [tilespmem:v0+s19+$0xFFFFFFF0 ss:$0x1], $0xffff;
	s31 =	sadd.s32 $0x400, s20;
	[tilespmem:s20+$0x20] =	vst v6  }
0x3d: {  	v61 =	vld.idx.msk [tilespmem:v0+s19+$0x0 ss:$0x1], $0xffff;
	[tilespmem:s31+$0x30] =	vst v56  }
0x3e: {  	v62 =	vld.idx.msk [tilespmem:v0+s19+$0x10 ss:$0x1], $0xffff;
	s18 =	sadd.s32 $0x1, s18;
	[tilespmem:s31+$0xFFFFFFC0] =	vst v57  }
0x3f: {  	v63 =	vld.idx.msk [tilespmem:v0+s19+$0x20 ss:$0x1], $0xffff;
	p1 =	sne.s32 s18, $0x8;
	[tilespmem:s31+$0xFFFFFFD0] =	vst v58  }
.Ltmp4:
0x40: {  	[tilespmem:s31+$0xFFFFFFE0] =	vst v59;
	(pc) =	sbr.rel @p1 .LBB1_4-.Ltmp4, $4  }
0x41: {  	[tilespmem:s31+$0xFFFFFFF0] =	vst v60  }
0x42: {  	[tilespmem:s31+$0x0] =	vst v61  }
0x43: {  	[tilespmem:s31+$0x10] =	vst v62  }
0x44: {  	s16 =	sadd.s32 $0x80, s16;
	s17 =	sadd.s32 $0x400, s17;
	[tilespmem:s31+$0x20] =	vst v63  }
.Ltmp5:
0x45: {  	(pc) =	sbr.rel @p0 .LBB1_3-.Ltmp5, $2  }
0x46: {  	_ =	sdelay $0x2  }
0x47: {  	s16 =	simm.s32 $0x2000;
	p1 =	por $0x0, $0x0  }
.Ltmp6:
0x48: {  	(pc) =	sbr.rel .LBB1_9-.Ltmp6, $4  }
0x49: {  	_ = 	snop  }
0x4a: {  	s12 =	sshll.u32 s12, $0xA  }
0x4b: {  	s12 =	sadd.s32 s4, s12  }
0x4c: {  	[hbm4b:s12+s8] =	stream.linear.scatter [tilespmem:s13], [sflag:$0x2], $0x4000, $0x38;
	[tilespmem:$0x10000] =	vst v63  }
.LBB1_10:
0x4d: {  	_ =	sfence.sel $0x180000  }
0x4e: {  	s2 =	simm.s32 $0x1;
	[bflag:$0x0] =	sbarrier.arrive $0xFFFF  }
0x4f: {  	s31 =	simm.s32 $0x2;
	[sflag:s2] =	ssyncpa.u1 $0x1  }
0x50: {  	[sflag:s31] =	ssyncpa.u1 $0x1  }
0x51: {  	p0 =	sne.s32 s0, $0x0;
	_ =	strace $0x9000004A  }
0x52: {  	s0 =	sadd.s32 @!p0 $0x100000, s1;
	[bflag:$0x2] =	sbarrier.arrive $0xFFFF  }
0x53: {  	[sflag:s0] =	ssyncadd.tile.s32 @!p0 $0x1;
	_ =	shalt  }
.Lfunc_end1:
_tile_overlayer_lowered:
.L_overlay_start_2:
0x54: {  	(tag) =	ssettag $0x2  }
0x55: {  	s0 =	rddreg [dreg:$0x0];
	s2 =	stileid.u32  }
0x56: {  	s1 =	rddreg [dreg:$0x1];
	p0 =	sne.s32 s2, $0x0  }
0x57: {  	s3 =	rddreg [dreg:$0x2];
	[bflag:$0x3] =	sbarrier.arrive $0xFFFF;
	s2 =	simm.s32 @!p0 $0x1C01  }
0x58: {  	[timem:s3], [sflag:s2] =	dma.local @!p0 [hbm:s0], s1  }
0x59: {  	s0 =	simm.s32 @!p0 $0x1  }
0x5a: {  	_ =	swait.ge @!p0 [sflag:s0], s1  }
0x5b: {  	s1 =	ssub.s32 @!p0 $0x0, s1;
	[sflag:s0] =	ssyncset.done @!p0 $0x0  }
0x5c: {  	[sflag:s0] =	ssyncadd.s32 @!p0 s1  }
0x5d: {  	[bflag:$0x3] =	sbarrier.arrive $0xFFFF  }
0x5e: {  	_ =	shalt  }

</sc_bundles>
